<compile_context>
chip_gen: v7x
topology: tpu7x:2x2x1
jax: 0.10.2.dev20260603
libtpu: 0.0.44.dev20260713+nightly
codegen_flags: <defaults>
</compile_context>

<pallas_src>
import functools

import jax
import jax.numpy as jnp
from jax import lax
from jax.experimental import pallas as pl
from jax.experimental.pallas import tpu as pltpu
from jax.experimental.pallas import tpu_sc as plsc

_LO1, _HI1 = 1.0, 2.25
_LO2, _HI2 = 2.25, 9.0
_K1, _K2 = 16, 32
_CH1, _CH2 = 64, 128
_CH = _CH1 + _CH2
_NEG = -3.0e38
_MB2 = 512


def _mm_body(p_ref, f_ref, w_ref, b_ref, a1_ref, a2_ref):
    bi = pl.program_id(0)
    last = pl.num_programs(0) - 1

    @pl.when(bi != last)
    def _():
        w = w_ref[...]
        a = (jnp.dot(p_ref[0], w[:3], preferred_element_type=jnp.float32)
             + jnp.dot(f_ref[0], w[3:], preferred_element_type=jnp.float32)
             + b_ref[...])
        a1_ref[0] = jnp.concatenate([a[:, :_CH1], a[:, :_CH1]], axis=1)
        a2_ref[0] = a[:, _CH1:]

    @pl.when(bi == last)
    def _():
        a1_ref[0] = jnp.full(a1_ref.shape[1:], _NEG, jnp.float32)
        a2_ref[0] = jnp.full(a2_ref.shape[1:], _NEG, jnp.float32)


def _fin_body(mx_ref, cen_ref, w3_ref, wagg_ref, bagg_ref, o_ref):
    c = jnp.dot(cen_ref[0], w3_ref[...], preferred_element_type=jnp.float32)
    f = jax.nn.relu(mx_ref[0] - c)
    o_ref[0] = jax.nn.relu(
        jnp.dot(f, wagg_ref[...], preferred_element_type=jnp.float32)
        + bagg_ref[...])


def _sc_select_max(dist2, a1t, a2t, B, M, N):
    NC, NS, L = 2, 16, 16
    NW = NC * NS
    RPW = (B * M) // NW
    PAD = B * N
    NV = N // L
    _CVS = 64
    mesh = plsc.VectorSubcoreMesh(core_axis_name="c", subcore_axis_name="s",
                                  num_cores=NC, num_subcores=NS)

    @functools.partial(
        pl.kernel, mesh=mesh,
        compiler_params=pltpu.CompilerParams(needs_layout_passes=False),
        out_type=jax.ShapeDtypeStruct((B * M, _CH), jnp.float32),
        scratch_types=[
            pltpu.VMEM((N,), jnp.float32),
            pltpu.VMEM((N,), jnp.float32),
            pltpu.VMEM((_K1,), jnp.int32),
            pltpu.VMEM((_K1,), jnp.int32),
            pltpu.VMEM((_K2,), jnp.int32),
            pltpu.VMEM((_K2,), jnp.int32),
            pltpu.VMEM((_K1, 2 * _CH1), jnp.float32),
            pltpu.VMEM((_K1, 2 * _CH1), jnp.float32),
            pltpu.VMEM((_K2, _CH2), jnp.float32),
            pltpu.VMEM((_K2, _CH2), jnp.float32),
            pltpu.VMEM((2, _CH), jnp.float32),
            pltpu.SemaphoreType.DMA,
            pltpu.SemaphoreType.DMA,
            pltpu.SemaphoreType.DMA,
            pltpu.SemaphoreType.DMA,
            pltpu.SemaphoreType.DMA,
            pltpu.SemaphoreType.DMA,
            pltpu.SemaphoreType.DMA,
        ],
    )
    def sck(dist_hbm, a1_hbm, a2_hbm, out_hbm,
            dbufA, dbufB, idx1A, idx1B, idx2A, idx2B,
            rows1A, rows1B, rows2A, rows2B, obuf2,
            sdA, sdB, g1A, g2A, g1B, g2B, so):
        wid = lax.axis_index("s") * NC + lax.axis_index("c")
        base = wid * RPW
        BM = B * M
        iota = lax.broadcasted_iota(jnp.int32, (L,), 0)
        padv = jnp.full((L,), PAD, jnp.int32)
        zero = jnp.zeros((L,), jnp.int32)

        def scan_row(g, dbuf, idx1, idx2):
            b = g // M
            boff = b * N
            idx1[...] = padv
            idx2[pl.ds(0, L)] = padv
            idx2[pl.ds(L, L)] = padv

            lstep = jnp.full((L,), L, jnp.int32)
            cstep = jnp.full((L,), _CVS * L, jnp.int32)

            def _full_chunk(c, tt):
                t1, t2, lb = tt

                @plsc.parallel_loop(0, _CVS, unroll=4, carry=(t1, t2, lb))
                def _scan(jj, c2):
                    t1c, t2c, lidx = c2
                    j = c * _CVS + jj
                    d = dbuf[pl.ds(j * L, L)]
                    ge1 = d >= _LO1
                    ge2 = d >= _HI1
                    lt9 = d < _HI2
                    p1 = ge1 & (~ge2)
                    p2 = ge2 & lt9
                    i1 = p1.astype(jnp.int32)
                    i2 = p2.astype(jnp.int32)
                    r1 = t1c + plsc.cumsum(i1) - i1
                    r2 = t2c + plsc.cumsum(i2) - i2
                    k1 = p1 & (r1 < _K1)
                    k2 = p2 & (r2 < _K2)
                    plsc.store_scatter(idx1, [r1], lidx, mask=k1)
                    plsc.store_scatter(idx2, [r2], lidx, mask=k2)
                    t1c = t1c + plsc.all_reduce_population_count(p1)
                    t2c = t2c + plsc.all_reduce_population_count(p2)
                    return t1c, t2c, lidx + lstep

                return _scan

            def _s2_chunk(c, tt):
                t1, t2, lb = tt

                @plsc.parallel_loop(0, _CVS, unroll=8, carry=(t2, lb))
                def _scan(jj, c2):
                    t2c, lidx = c2
                    j = c * _CVS + jj
                    d = dbuf[pl.ds(j * L, L)]
                    p2 = (d >= _HI1) & (d < _HI2)
                    i2 = p2.astype(jnp.int32)
                    r2 = t2c + plsc.cumsum(i2) - i2
                    k2 = p2 & (r2 < _K2)
                    plsc.store_scatter(idx2, [r2], lidx, mask=k2)
                    return t2c + plsc.all_reduce_population_count(p2), lidx + lstep

                return t1, _scan[0], _scan[1]

            def chunk_body(c, tt):
                s = jnp.max(tt[0] * 65536 + tt[1], axis=0)
                cnt1 = s // 65536
                cnt2 = s - cnt1 * 65536
                return lax.cond(
                    cnt1 >= _K1,
                    lambda tt2: lax.cond(
                        cnt2 >= _K2,
                        lambda tt3: (tt3[0], tt3[1], tt3[2] + cstep),
                        lambda tt3: _s2_chunk(c, tt3),
                        tt2),
                    lambda tt2: _full_chunk(c, tt2),
                    tt)

            lax.fori_loop(0, NV // _CVS, chunk_body,
                          (zero, zero, iota + boff))

        def max_row(rows1, rows2, slot):
            for c in range(_CH1 // L):
                acc = rows1[0, pl.ds(c * L, L)]
                for r in range(1, _K1):
                    acc = jnp.maximum(acc, rows1[r, pl.ds(c * L, L)])
                obuf2[slot, pl.ds(c * L, L)] = acc
            for c in range(_CH2 // L):
                acc = rows2[0, pl.ds(c * L, L)]
                for r in range(1, _K2):
                    acc = jnp.maximum(acc, rows2[r, pl.ds(c * L, L)])
                obuf2[slot, pl.ds(_CH1 + c * L, L)] = acc

        pltpu.async_copy(dist_hbm.at[base], dbufA, sdA)
        pltpu.async_copy(dist_hbm.at[base + 1], dbufB, sdB)

        def pair_body(p, carry):
            ga = base + 2 * p
            gb = ga + 1
            pltpu.make_async_copy(dist_hbm.at[ga], dbufA, sdA).wait()
            scan_row(ga, dbufA, idx1A, idx2A)
            cpA1 = pltpu.async_copy(a1_hbm.at[idx1A], rows1A, g1A)
            cpA2 = pltpu.async_copy(a2_hbm.at[idx2A], rows2A, g2A)
            pltpu.async_copy(dist_hbm.at[jnp.minimum(ga + 2, BM - 1)],
                             dbufA, sdA)
            pltpu.make_async_copy(dist_hbm.at[gb], dbufB, sdB).wait()
            scan_row(gb, dbufB, idx1B, idx2B)
            cpB1 = pltpu.async_copy(a1_hbm.at[idx1B], rows1B, g1B)
            cpB2 = pltpu.async_copy(a2_hbm.at[idx2B], rows2B, g2B)
            pltpu.async_copy(dist_hbm.at[jnp.minimum(gb + 2, BM - 1)],
                             dbufB, sdB)
            cpA1.wait()
            cpA2.wait()

            @pl.when(p > 0)
            def _():
                pltpu.make_async_copy(obuf2, out_hbm.at[pl.ds(ga - 2, 2)],
                                      so).wait()

            max_row(rows1A, rows2A, 0)
            cpB1.wait()
            cpB2.wait()
            max_row(rows1B, rows2B, 1)
            pltpu.async_copy(obuf2, out_hbm.at[pl.ds(ga, 2)], so)
            return carry

        lax.fori_loop(0, RPW // 2, pair_body, 0)
        pltpu.make_async_copy(obuf2, out_hbm.at[pl.ds(base + RPW - 2, 2)],
                              so).wait()
        pltpu.make_async_copy(dist_hbm.at[jnp.minimum(base + RPW, BM - 1)],
                              dbufA, sdA).wait()
        pltpu.make_async_copy(dist_hbm.at[jnp.minimum(base + RPW + 1, BM - 1)],
                              dbufB, sdB).wait()

    return sck(dist2, a1t, a2t)


def kernel(positions, features, centers, distances, W0, b0, W1, b1, Wagg, bagg):
    B, N, D = positions.shape
    M = centers.shape[1]
    W = jnp.concatenate([W0, W1], axis=1)
    bcat = jnp.concatenate([b0, b1])[None]
    C = features.shape[-1]
    F = D + C

    A1, A2 = pl.pallas_call(
        _mm_body,
        grid=(B + 1,),
        in_specs=[
            pl.BlockSpec((1, N, D), lambda b: (jnp.minimum(b, B - 1), 0, 0)),
            pl.BlockSpec((1, N, C), lambda b: (jnp.minimum(b, B - 1), 0, 0)),
            pl.BlockSpec((F, _CH), lambda b: (0, 0)),
            pl.BlockSpec((1, _CH), lambda b: (0, 0)),
        ],
        out_specs=[
            pl.BlockSpec((1, N, 2 * _CH1), lambda b: (b, 0, 0)),
            pl.BlockSpec((1, N, _CH2), lambda b: (b, 0, 0)),
        ],
        out_shape=[
            jax.ShapeDtypeStruct((B + 1, N, 2 * _CH1), jnp.float32),
            jax.ShapeDtypeStruct((B + 1, N, _CH2), jnp.float32),
        ],
    )(positions, features, W, bcat)

    mx = _sc_select_max(
        distances.reshape(B * M, N),
        A1.reshape((B + 1) * N, 2 * _CH1),
        A2.reshape((B + 1) * N, _CH2),
        B, M, N).reshape(B, M, _CH)

    OC = Wagg.shape[1]
    out = pl.pallas_call(
        _fin_body,
        grid=(B, M // _MB2),
        in_specs=[
            pl.BlockSpec((1, _MB2, _CH), lambda b, mi: (b, mi, 0)),
            pl.BlockSpec((1, _MB2, D), lambda b, mi: (b, mi, 0)),
            pl.BlockSpec((D, _CH), lambda b, mi: (0, 0)),
            pl.BlockSpec((_CH, OC), lambda b, mi: (0, 0)),
            pl.BlockSpec((1, OC), lambda b, mi: (0, 0)),
        ],
        out_specs=pl.BlockSpec((1, _MB2, OC), lambda b, mi: (b, mi, 0)),
        out_shape=jax.ShapeDtypeStruct((B, M, OC), jnp.float32),
    )(mx, centers, W[0:3], Wagg, bagg[None])
    return out

# --- scband reference (transcript-rebuilt; emitter-appended) ---
"""Pipeline reference for scband-point-net2-sampler-11433202942131 (READ-ONLY COPY).

The authoritative reference and input builder live on the scoring server;
editing this copy changes nothing except your own understanding.
"""

import jax, jax.numpy as jnp
import numpy as np

B, N, M, D, C = 4, 4096, 1024, 3, 64
RADII = [1.5, 3.0]
KS = [16, 32]
OP_CH = [64, 128]
OUT_CH = 256


def _dilated_ball_query(d, min_r, max_r, k):
    n = d.shape[-1]
    excluded = (d >= max_r ** 2) | (d < min_r ** 2)
    idx = jnp.where(excluded, n, jnp.broadcast_to(jnp.arange(n), d.shape))
    return jnp.sort(idx, axis=-1)[:, :, :k]


def _forward(positions, features, centers, distances, params):
    num_point = positions.shape[1]
    offsets = (jnp.arange(B) * num_point).reshape(B, 1, 1)
    pos_flat = positions.reshape(B * num_point, -1)
    feat_flat = features.reshape(B * num_point, -1)
    min_r = -1.0
    fs = []
    for (max_r, k, (W, b)) in zip(RADII, KS, params[:-1]):
        idx = _dilated_ball_query(distances, min_r, max_r, k)
        min_r = max_r
        mask = idx != num_point
        safe = jnp.where(mask, idx, 0)
        ids = safe + offsets
        pts = pos_flat[ids]
        fts = feat_flat[ids]
        rel = pts - centers[:, :, None, :]
        h = jnp.concatenate([rel, fts], axis=-1)
        f = jax.nn.relu(h @ W + b)
        f = jnp.where(mask[..., None], f, 0.0)
        fs.append(jnp.max(f, axis=2))
    Wagg, bagg = params[-1]
    cat = jnp.concatenate(fs, axis=-1)
    return jax.nn.relu(cat @ Wagg + bagg)


def setup_inputs(seed: int = 0):
    key = jax.random.key(seed)
    ks = jax.random.split(key, 10)
    return {
        "positions": jax.random.normal(ks[0], (B, N, D), jnp.float32),
        "features": jax.random.normal(ks[1], (B, N, C), jnp.float32),
        "centers": jax.random.normal(ks[2], (B, M, D), jnp.float32),
        "distances": jax.random.normal(ks[3], (B, M, N), jnp.float32),
        "W0": jax.random.normal(ks[4], (D + C, OP_CH[0]), jnp.float32) * 0.05,
        "b0": jnp.zeros((OP_CH[0],), jnp.float32),
        "W1": jax.random.normal(ks[5], (D + C, OP_CH[1]), jnp.float32) * 0.05,
        "b1": jnp.zeros((OP_CH[1],), jnp.float32),
        "Wagg": jax.random.normal(ks[6], (sum(OP_CH), OUT_CH), jnp.float32) * 0.05,
        "bagg": jnp.zeros((OUT_CH,), jnp.float32),
    }


def reference(positions, features, centers, distances, W0, b0, W1, b1, Wagg, bagg):
    params = [(W0, b0), (W1, b1), (Wagg, bagg)]
    return _forward(positions, features, centers, distances, params)

if __name__ == "__main__":
    import jax
    _d = setup_inputs()
    print(jax.jit(kernel)(*tuple(_d.values())))

</pallas_src>

<mosaic_0001>
#map = affine_map<(d0, d1) -> (0, 0)>
module attributes {stable_mosaic.version = 14 : i64} {
  func.func @sck(%arg0: i32, %arg1: i32, %arg2: memref<4096x4096xf32, #tpu.memory_space<hbm>>, %arg3: memref<20480x128xf32, #tpu.memory_space<hbm>>, %arg4: memref<20480x128xf32, #tpu.memory_space<hbm>>, %arg5: memref<4096x192xf32, #tpu.memory_space<hbm>>, %arg6: memref<4096xf32, #tpu.memory_space<vmem>>, %arg7: memref<4096xf32, #tpu.memory_space<vmem>>, %arg8: memref<16xi32, #tpu.memory_space<vmem>>, %arg9: memref<16xi32, #tpu.memory_space<vmem>>, %arg10: memref<32xi32, #tpu.memory_space<vmem>>, %arg11: memref<32xi32, #tpu.memory_space<vmem>>, %arg12: memref<16x128xf32, #tpu.memory_space<vmem>>, %arg13: memref<16x128xf32, #tpu.memory_space<vmem>>, %arg14: memref<32x128xf32, #tpu.memory_space<vmem>>, %arg15: memref<32x128xf32, #tpu.memory_space<vmem>>, %arg16: memref<2x192xf32, #tpu.memory_space<vmem>>, %arg17: memref<!tpu.dma_semaphore, #tpu.memory_space<semaphore_mem>>, %arg18: memref<!tpu.dma_semaphore, #tpu.memory_space<semaphore_mem>>, %arg19: memref<!tpu.dma_semaphore, #tpu.memory_space<semaphore_mem>>, %arg20: memref<!tpu.dma_semaphore, #tpu.memory_space<semaphore_mem>>, %arg21: memref<!tpu.dma_semaphore, #tpu.memory_space<semaphore_mem>>, %arg22: memref<!tpu.dma_semaphore, #tpu.memory_space<semaphore_mem>>, %arg23: memref<!tpu.dma_semaphore, #tpu.memory_space<semaphore_mem>>) attributes {dimension_semantics = [#tpu.dimension_semantics<core_parallel>, #tpu.dimension_semantics<subcore_parallel>], iteration_bounds = array<i64: 2, 16>, scalar_prefetch = 0 : i64, scratch_operands = 18 : i64, tpu.core_type = #tpu.core_type<sc_vector_subcore>, window_params = [{transform_indices = #map}, {transform_indices = #map}, {transform_indices = #map}, {transform_indices = #map}]} {
    %mul3A = arith.constant 2 : i32
    %mul3A_0 = arith.muli %arg1, %mul3A : i32
    %add3A = arith.addi %mul3A_0, %arg0 : i32
    %mul3A_1 = arith.constant 128 : i32
    %mul3A_2 = arith.muli %add3A, %mul3A_1 : i32
    %iota3A = tpu.iota {dimensions = array<i32: 0>} : vector<16xi32>
    %broadcast_in_dim3A = arith.constant 16384 : i32
    %broadcast_in_dim3A_3 = vector.broadcast %broadcast_in_dim3A : i32 to vector<16xi32>
    %broadcast_in_dim3A_4 = arith.constant 0 : i32
    %broadcast_in_dim3A_5 = vector.broadcast %broadcast_in_dim3A_4 : i32 to vector<16xi32>
    %dma_start3A = arith.constant 0 : i32
    %dma_start3A_6 = tpu.memref_slice %arg2[%mul3A_2, %dma_start3A] : memref<4096x4096xf32, #tpu.memory_space<hbm>> -> memref<1x4096xf32, #tpu.memory_space<hbm>>
    %dma_start3A_7 = tpu.memref_squeeze %dma_start3A_6 : memref<1x4096xf32, #tpu.memory_space<hbm>> -> memref<4096xf32, #tpu.memory_space<hbm>>
    %dma_start3A_8 = arith.constant 0 : i32
    %dma_start3A_9 = tpu.memref_slice %arg2[%mul3A_2, %dma_start3A_8] : memref<4096x4096xf32, #tpu.memory_space<hbm>> -> memref<1x4096xf32, #tpu.memory_space<hbm>>
    %dma_start3A_10 = tpu.memref_squeeze %dma_start3A_9 : memref<1x4096xf32, #tpu.memory_space<hbm>> -> memref<4096xf32, #tpu.memory_space<hbm>>
    tpu.enqueue_dma source(%dma_start3A_10 : memref<4096xf32, #tpu.memory_space<hbm>>) target(%arg6 : memref<4096xf32, #tpu.memory_space<vmem>>) target_semaphore(%arg17 : memref<!tpu.dma_semaphore, #tpu.memory_space<semaphore_mem>>)
    %add3A_11 = arith.constant 1 : i32
    %add3A_12 = arith.addi %mul3A_2, %add3A_11 : i32
    %dma_start3A_13 = arith.constant 0 : i32
    %dma_start3A_14 = tpu.memref_slice %arg2[%add3A_12, %dma_start3A_13] : memref<4096x4096xf32, #tpu.memory_space<hbm>> -> memref<1x4096xf32, #tpu.memory_space<hbm>>
    %dma_start3A_15 = tpu.memref_squeeze %dma_start3A_14 : memref<1x4096xf32, #tpu.memory_space<hbm>> -> memref<4096xf32, #tpu.memory_space<hbm>>
    %dma_start3A_16 = arith.constant 0 : i32
    %dma_start3A_17 = tpu.memref_slice %arg2[%add3A_12, %dma_start3A_16] : memref<4096x4096xf32, #tpu.memory_space<hbm>> -> memref<1x4096xf32, #tpu.memory_space<hbm>>
    %dma_start3A_18 = tpu.memref_squeeze %dma_start3A_17 : memref<1x4096xf32, #tpu.memory_space<hbm>> -> memref<4096xf32, #tpu.memory_space<hbm>>
    tpu.enqueue_dma source(%dma_start3A_18 : memref<4096xf32, #tpu.memory_space<hbm>>) target(%arg7 : memref<4096xf32, #tpu.memory_space<vmem>>) target_semaphore(%arg18 : memref<!tpu.dma_semaphore, #tpu.memory_space<semaphore_mem>>)
    %scan3A = arith.constant 0 : i32
    %scan3A_19 = arith.constant 0 : i32
    %scan3A_20 = arith.constant 64 : i32
    %scan3A_21 = arith.addi %scan3A_19, %scan3A_20 : i32
    %scan3A_22 = arith.constant 1 : i32
    scf.for %scan3A_51 = %scan3A_19 to %scan3A_21 step %scan3A_22  : i32 {
      %mul3A_52 = arith.constant 2 : i32
      %mul3A_53 = arith.muli %mul3A_52, %scan3A_51 : i32
      %add3A_54 = arith.addi %mul3A_2, %mul3A_53 : i32
      %add3A_55 = arith.constant 1 : i32
      %add3A_56 = arith.addi %add3A_54, %add3A_55 : i32
      %dma_wait3A_57 = arith.constant 0 : i32
      %dma_wait3A_58 = tpu.memref_slice %arg2[%add3A_54, %dma_wait3A_57] : memref<4096x4096xf32, #tpu.memory_space<hbm>> -> memref<1x4096xf32, #tpu.memory_space<hbm>>
      %dma_wait3A_59 = tpu.memref_squeeze %dma_wait3A_58 : memref<1x4096xf32, #tpu.memory_space<hbm>> -> memref<4096xf32, #tpu.memory_space<hbm>>
      %dma_wait3A_60 = arith.constant 0 : i32
      %dma_wait3A_61 = tpu.memref_slice %arg2[%add3A_54, %dma_wait3A_60] : memref<4096x4096xf32, #tpu.memory_space<hbm>> -> memref<1x4096xf32, #tpu.memory_space<hbm>>
      %dma_wait3A_62 = tpu.memref_squeeze %dma_wait3A_61 : memref<1x4096xf32, #tpu.memory_space<hbm>> -> memref<4096xf32, #tpu.memory_space<hbm>>
      tpu.wait_dma2 semaphore(%arg17 : memref<!tpu.dma_semaphore, #tpu.memory_space<semaphore_mem>>) src(%dma_wait3A_62 : memref<4096xf32, #tpu.memory_space<hbm>>) dst(%arg6 : memref<4096xf32, #tpu.memory_space<vmem>>)
      %jit3A = arith.constant 1024 : i32
      %div3A = arith.divsi %add3A_54, %jit3A : i32
      %sign3A = arith.constant 0 : i32
      %sign3A_63 = arith.cmpi sgt, %add3A_54, %sign3A : i32
      %sign3A_64 = arith.extui %sign3A_63 : i1 to i32
      %sign3A_65 = arith.constant 0 : i32
      %sign3A_66 = arith.cmpi slt, %add3A_54, %sign3A_65 : i32
      %sign3A_67 = arith.extui %sign3A_66 : i1 to i32
      %sign3A_68 = arith.subi %sign3A_64, %sign3A_67 : i32
      %sign3A_69 = arith.constant 0 : i32
      %sign3A_70 = arith.cmpi sgt, %jit3A, %sign3A_69 : i32
      %sign3A_71 = arith.extui %sign3A_70 : i1 to i32
      %sign3A_72 = arith.constant 0 : i32
      %sign3A_73 = arith.cmpi slt, %jit3A, %sign3A_72 : i32
      %sign3A_74 = arith.extui %sign3A_73 : i1 to i32
      %sign3A_75 = arith.subi %sign3A_71, %sign3A_74 : i32
      %ne3A = arith.cmpi ne, %sign3A_68, %sign3A_75 : i32
      %rem3A = arith.remsi %add3A_54, %jit3A : i32
      %ne3A_76 = arith.constant 0 : i32
      %ne3A_77 = arith.cmpi ne, %rem3A, %ne3A_76 : i32
      %and3A = arith.andi %ne3A, %ne3A_77 : i1
      %sub3A_78 = arith.constant 1 : i32
      %sub3A_79 = arith.subi %div3A, %sub3A_78 : i32
      %select_n3A = arith.select %and3A, %sub3A_79, %div3A : i32
      %mul3A_80 = arith.constant 4096 : i32
      %mul3A_81 = arith.muli %select_n3A, %mul3A_80 : i32
      %swap3A = arith.constant 0 : index
      %swap3A_82 = tpu.vector_load %arg8[%swap3A] {strides = array<i32>} : memref<16xi32, #tpu.memory_space<vmem>>, vector<16xi32>,
      tpu.vector_store %arg8[%swap3A], %broadcast_in_dim3A_3 {strides = array<i32>} : memref<16xi32, #tpu.memory_space<vmem>>, vector<16xi32>,
      %swap3A_83 = arith.constant 0 : index
      %swap3A_84 = tpu.vector_load %arg10[%swap3A_83] {strides = array<i32>} : memref<32xi32, #tpu.memory_space<vmem>>, vector<16xi32>,
      tpu.vector_store %arg10[%swap3A_83], %broadcast_in_dim3A_3 {strides = array<i32>} : memref<32xi32, #tpu.memory_space<vmem>>, vector<16xi32>,
      %swap3A_85 = arith.constant 16 : index
      %swap3A_86 = tpu.vector_load %arg10[%swap3A_85] {strides = array<i32>} : memref<32xi32, #tpu.memory_space<vmem>>, vector<16xi32>,
      tpu.vector_store %arg10[%swap3A_85], %broadcast_in_dim3A_3 {strides = array<i32>} : memref<32xi32, #tpu.memory_space<vmem>>, vector<16xi32>,
      %broadcast_in_dim3A_87 = arith.constant 16 : i32
      %broadcast_in_dim3A_88 = vector.broadcast %broadcast_in_dim3A_87 : i32 to vector<16xi32>
      %broadcast_in_dim3A_89 = arith.constant 1024 : i32
      %broadcast_in_dim3A_90 = vector.broadcast %broadcast_in_dim3A_89 : i32 to vector<16xi32>
      %add3A_91 = vector.broadcast %mul3A_81 : i32 to vector<16xi32>
      %add3A_92 = arith.addi %iota3A, %add3A_91 : vector<16xi32>
      %scan3A_93 = arith.constant 0 : i32
      %scan3A_94 = arith.constant 4 : i32
      %scan3A_95 = arith.addi %scan3A_93, %scan3A_94 : i32
      %scan3A_96 = arith.constant 1 : i32
      %scan3A_97:3 = scf.for %scan3A_3469 = %scan3A_93 to %scan3A_95 step %scan3A_96 iter_args(%scan3A_3470 = %broadcast_in_dim3A_5, %scan3A_3471 = %broadcast_in_dim3A_5, %scan3A_3472 = %add3A_92) -> (vector<16xi32>, vector<16xi32>, vector<16xi32>)  : i32 {
        %mul3A_3473 = arith.constant 65536 : i32
        %mul3A_3474 = vector.broadcast %mul3A_3473 : i32 to vector<16xi32>
        %mul3A_3475 = arith.muli %scan3A_3470, %mul3A_3474 : vector<16xi32>
        %add3A_3476 = arith.addi %mul3A_3475, %scan3A_3471 : vector<16xi32>
        %reduce_max3A = arith.constant true
        %reduce_max3A_3477 = vector.broadcast %reduce_max3A : i1 to vector<16xi1>
        %reduce_max3A_3478 = arith.constant -2147483648 : i32
        %reduce_max3A_3479 = vector.broadcast %reduce_max3A_3478 : i32 to vector<16xi32>
        %reduce_max3A_3480 = arith.xori %add3A_3476, %reduce_max3A_3479 : vector<16xi32>
        %reduce_max3A_3481 = tpu.scan <max>, %reduce_max3A_3480 masked %reduce_max3A_3477 : vector<16xi32>, vector<16xi1> -> vector<16xi32>
        %reduce_max3A_3482 = arith.xori %reduce_max3A_3481, %reduce_max3A_3479 : vector<16xi32>
        %reduce_max3A_3483 = vector.extract %reduce_max3A_3482[15] : i32 from vector<16xi32>
        %jit3A_3484 = arith.constant 65536 : i32
        %div3A_3485 = arith.divsi %reduce_max3A_3483, %jit3A_3484 : i32
        %sign3A_3486 = arith.constant 0 : i32
        %sign3A_3487 = arith.cmpi sgt, %reduce_max3A_3483, %sign3A_3486 : i32
        %sign3A_3488 = arith.extui %sign3A_3487 : i1 to i32
        %sign3A_3489 = arith.constant 0 : i32
        %sign3A_3490 = arith.cmpi slt, %reduce_max3A_3483, %sign3A_3489 : i32
        %sign3A_3491 = arith.extui %sign3A_3490 : i1 to i32
        %sign3A_3492 = arith.subi %sign3A_3488, %sign3A_3491 : i32
        %sign3A_3493 = arith.constant 0 : i32
        %sign3A_3494 = arith.cmpi sgt, %jit3A_3484, %sign3A_3493 : i32
        %sign3A_3495 = arith.extui %sign3A_3494 : i1 to i32
        %sign3A_3496 = arith.constant 0 : i32
        %sign3A_3497 = arith.cmpi slt, %jit3A_3484, %sign3A_3496 : i32
        %sign3A_3498 = arith.extui %sign3A_3497 : i1 to i32
        %sign3A_3499 = arith.subi %sign3A_3495, %sign3A_3498 : i32
        %ne3A_3500 = arith.cmpi ne, %sign3A_3492, %sign3A_3499 : i32
        %rem3A_3501 = arith.remsi %reduce_max3A_3483, %jit3A_3484 : i32
        %ne3A_3502 = arith.constant 0 : i32
        %ne3A_3503 = arith.cmpi ne, %rem3A_3501, %ne3A_3502 : i32
        %and3A_3504 = arith.andi %ne3A_3500, %ne3A_3503 : i1
        %sub3A_3505 = arith.constant 1 : i32
        %sub3A_3506 = arith.subi %div3A_3485, %sub3A_3505 : i32
        %select_n3A_3507 = arith.select %and3A_3504, %sub3A_3506, %div3A_3485 : i32
        %mul3A_3508 = arith.constant 65536 : i32
        %mul3A_3509 = arith.muli %select_n3A_3507, %mul3A_3508 : i32
        %sub3A_3510 = arith.subi %reduce_max3A_3483, %mul3A_3509 : i32
        %ge3A = arith.constant 16 : i32
        %ge3A_3511 = arith.cmpi sge, %select_n3A_3507, %ge3A : i32
        %convert_element_type3A_3512 = arith.extui %ge3A_3511 : i1 to i32
        %cond3A_3513 = arith.constant 0 : i32
        %cond3A_3514 = arith.cmpi ne, %convert_element_type3A_3512, %cond3A_3513 : i32
        %cond3A_3515:3 = scf.if %cond3A_3514 -> (vector<16xi32>, vector<16xi32>, vector<16xi32>) {
          %ge3A_3516 = arith.constant 32 : i32
          %ge3A_3517 = arith.cmpi sge, %sub3A_3510, %ge3A_3516 : i32
          %convert_element_type3A_3518 = arith.extui %ge3A_3517 : i1 to i32
          %cond3A_3519 = arith.constant 0 : i32
          %cond3A_3520 = arith.cmpi ne, %convert_element_type3A_3518, %cond3A_3519 : i32
          %cond3A_3521:2 = scf.if %cond3A_3520 -> (vector<16xi32>, vector<16xi32>) {
            %add3A_3522 = arith.addi %scan3A_3472, %broadcast_in_dim3A_90 : vector<16xi32>
            scf.yield %scan3A_3471, %add3A_3522 : vector<16xi32>, vector<16xi32>
          } else {
            %parallel_loop3A = arith.constant 0 : i32
            %parallel_loop3A_3522 = arith.constant 64 : i32
            %parallel_loop3A_3523 = arith.constant 1 : i32
            %parallel_loop3A_3524:2 = scf.for %parallel_loop3A_3525 = %parallel_loop3A to %parallel_loop3A_3522 step %parallel_loop3A_3523 iter_args(%parallel_loop3A_3526 = %scan3A_3471, %parallel_loop3A_3527 = %scan3A_3472) -> (vector<16xi32>, vector<16xi32>)  : i32 {
              %parallel_loop3A_3528 = arith.constant 64 : i32
              %parallel_loop3A_3529 = arith.muli %scan3A_3469, %parallel_loop3A_3528 : i32
              %parallel_loop3A_3530 = arith.addi %parallel_loop3A_3529, %parallel_loop3A_3525 : i32
              %parallel_loop3A_3531 = arith.constant 16 : i32
              %parallel_loop3A_3532 = arith.muli %parallel_loop3A_3530, %parallel_loop3A_3531 : i32
              %parallel_loop3A_3533 = arith.index_cast %parallel_loop3A_3532 : i32 to index
              %parallel_loop3A_3534 = tpu.vector_load %arg6[%parallel_loop3A_3533] {strides = array<i32>} : memref<4096xf32, #tpu.memory_space<vmem>>, vector<16xf32>,
              %parallel_loop3A_3535 = arith.constant 2.250000e+00 : f32
              %parallel_loop3A_3536 = vector.broadcast %parallel_loop3A_3535 : f32 to vector<16xf32>
              %parallel_loop3A_3537 = arith.cmpf oge, %parallel_loop3A_3534, %parallel_loop3A_3536 : vector<16xf32>
              %parallel_loop3A_3538 = arith.constant 9.000000e+00 : f32
              %parallel_loop3A_3539 = vector.broadcast %parallel_loop3A_3538 : f32 to vector<16xf32>
              %parallel_loop3A_3540 = arith.cmpf olt, %parallel_loop3A_3534, %parallel_loop3A_3539 : vector<16xf32>
              %parallel_loop3A_3541 = arith.andi %parallel_loop3A_3537, %parallel_loop3A_3540 : vector<16xi1>
              %parallel_loop3A_3542 = arith.extui %parallel_loop3A_3541 : vector<16xi1> to vector<16xi32>
              %parallel_loop3A_3543 = arith.constant true
              %parallel_loop3A_3544 = vector.broadcast %parallel_loop3A_3543 : i1 to vector<16xi1>
              %parallel_loop3A_3545 = tpu.scan <sum>, %parallel_loop3A_3542 masked %parallel_loop3A_3544 : vector<16xi32>, vector<16xi1> -> vector<16xi32>
              %parallel_loop3A_3546 = arith.addi %parallel_loop3A_3526, %parallel_loop3A_3545 : vector<16xi32>
              %parallel_loop3A_3547 = arith.subi %parallel_loop3A_3546, %parallel_loop3A_3542 : vector<16xi32>
              %parallel_loop3A_3548 = arith.constant 32 : i32
              %parallel_loop3A_3549 = vector.broadcast %parallel_loop3A_3548 : i32 to vector<16xi32>
              %parallel_loop3A_3550 = arith.cmpi slt, %parallel_loop3A_3547, %parallel_loop3A_3549 : vector<16xi32>
              %parallel_loop3A_3551 = arith.andi %parallel_loop3A_3541, %parallel_loop3A_3550 : vector<16xi1>
              tpu.vector_store_idx %arg10[%parallel_loop3A_3547], %parallel_loop3A_3527 masked %parallel_loop3A_3551 : memref<32xi32, #tpu.memory_space<vmem>>[vector<16xi32>], vector<16xi32>, vector<16xi1>
              %parallel_loop3A_3552 = tpu.all_reduce %parallel_loop3A_3541 {dim = 0 : i64, kind = #tpu.reduction_kind<sum>} : vector<16xi1> -> vector<16xi32>
              %parallel_loop3A_3553 = arith.addi %parallel_loop3A_3526, %parallel_loop3A_3552 : vector<16xi32>
              %parallel_loop3A_3554 = arith.addi %parallel_loop3A_3527, %broadcast_in_dim3A_88 : vector<16xi32>
              scf.yield %parallel_loop3A_3553, %parallel_loop3A_3554 : vector<16xi32>, vector<16xi32>
            } {sc.loop_unroll_factor = 8 : i64, sc.parallel_access}
            scf.yield %parallel_loop3A_3524#0, %parallel_loop3A_3524#1 : vector<16xi32>, vector<16xi32>
          }
          scf.yield %scan3A_3470, %cond3A_3521#0, %cond3A_3521#1 : vector<16xi32>, vector<16xi32>, vector<16xi32>
        } else {
          %parallel_loop3A = arith.constant 0 : i32
          %parallel_loop3A_3516 = arith.constant 64 : i32
          %parallel_loop3A_3517 = arith.constant 1 : i32
          %parallel_loop3A_3518:3 = scf.for %parallel_loop3A_3519 = %parallel_loop3A to %parallel_loop3A_3516 step %parallel_loop3A_3517 iter_args(%parallel_loop3A_3520 = %scan3A_3470, %parallel_loop3A_3521 = %scan3A_3471, %parallel_loop3A_3522 = %scan3A_3472) -> (vector<16xi32>, vector<16xi32>, vector<16xi32>)  : i32 {
            %parallel_loop3A_3523 = arith.constant 64 : i32
            %parallel_loop3A_3524 = arith.muli %scan3A_3469, %parallel_loop3A_3523 : i32
            %parallel_loop3A_3525 = arith.addi %parallel_loop3A_3524, %parallel_loop3A_3519 : i32
            %parallel_loop3A_3526 = arith.constant 16 : i32
            %parallel_loop3A_3527 = arith.muli %parallel_loop3A_3525, %parallel_loop3A_3526 : i32
            %parallel_loop3A_3528 = arith.index_cast %parallel_loop3A_3527 : i32 to index
            %parallel_loop3A_3529 = tpu.vector_load %arg6[%parallel_loop3A_3528] {strides = array<i32>} : memref<4096xf32, #tpu.memory_space<vmem>>, vector<16xf32>,
            %parallel_loop3A_3530 = arith.constant 1.000000e+00 : f32
            %parallel_loop3A_3531 = vector.broadcast %parallel_loop3A_3530 : f32 to vector<16xf32>
            %parallel_loop3A_3532 = arith.cmpf oge, %parallel_loop3A_3529, %parallel_loop3A_3531 : vector<16xf32>
            %parallel_loop3A_3533 = arith.constant 2.250000e+00 : f32
            %parallel_loop3A_3534 = vector.broadcast %parallel_loop3A_3533 : f32 to vector<16xf32>
            %parallel_loop3A_3535 = arith.cmpf oge, %parallel_loop3A_3529, %parallel_loop3A_3534 : vector<16xf32>
            %parallel_loop3A_3536 = arith.constant 9.000000e+00 : f32
            %parallel_loop3A_3537 = vector.broadcast %parallel_loop3A_3536 : f32 to vector<16xf32>
            %parallel_loop3A_3538 = arith.cmpf olt, %parallel_loop3A_3529, %parallel_loop3A_3537 : vector<16xf32>
            %parallel_loop3A_3539 = arith.constant dense<true> : vector<16xi1>
            %parallel_loop3A_3540 = arith.xori %parallel_loop3A_3535, %parallel_loop3A_3539 : vector<16xi1>
            %parallel_loop3A_3541 = arith.andi %parallel_loop3A_3532, %parallel_loop3A_3540 : vector<16xi1>
            %parallel_loop3A_3542 = arith.andi %parallel_loop3A_3535, %parallel_loop3A_3538 : vector<16xi1>
            %parallel_loop3A_3543 = arith.extui %parallel_loop3A_3541 : vector<16xi1> to vector<16xi32>
            %parallel_loop3A_3544 = arith.extui %parallel_loop3A_3542 : vector<16xi1> to vector<16xi32>
            %parallel_loop3A_3545 = arith.constant true
            %parallel_loop3A_3546 = vector.broadcast %parallel_loop3A_3545 : i1 to vector<16xi1>
            %parallel_loop3A_3547 = tpu.scan <sum>, %parallel_loop3A_3543 masked %parallel_loop3A_3546 : vector<16xi32>, vector<16xi1> -> vector<16xi32>
            %parallel_loop3A_3548 = arith.addi %parallel_loop3A_3520, %parallel_loop3A_3547 : vector<16xi32>
            %parallel_loop3A_3549 = arith.subi %parallel_loop3A_3548, %parallel_loop3A_3543 : vector<16xi32>
            %parallel_loop3A_3550 = arith.constant true
            %parallel_loop3A_3551 = vector.broadcast %parallel_loop3A_3550 : i1 to vector<16xi1>
            %parallel_loop3A_3552 = tpu.scan <sum>, %parallel_loop3A_3544 masked %parallel_loop3A_3551 : vector<16xi32>, vector<16xi1> -> vector<16xi32>
            %parallel_loop3A_3553 = arith.addi %parallel_loop3A_3521, %parallel_loop3A_3552 : vector<16xi32>
            %parallel_loop3A_3554 = arith.subi %parallel_loop3A_3553, %parallel_loop3A_3544 : vector<16xi32>
            %parallel_loop3A_3555 = arith.constant 16 : i32
            %parallel_loop3A_3556 = vector.broadcast %parallel_loop3A_3555 : i32 to vector<16xi32>
            %parallel_loop3A_3557 = arith.cmpi slt, %parallel_loop3A_3549, %parallel_loop3A_3556 : vector<16xi32>
            %parallel_loop3A_3558 = arith.andi %parallel_loop3A_3541, %parallel_loop3A_3557 : vector<16xi1>
            %parallel_loop3A_3559 = arith.constant 32 : i32
            %parallel_loop3A_3560 = vector.broadcast %parallel_loop3A_3559 : i32 to vector<16xi32>
            %parallel_loop3A_3561 = arith.cmpi slt, %parallel_loop3A_3554, %parallel_loop3A_3560 : vector<16xi32>
            %parallel_loop3A_3562 = arith.andi %parallel_loop3A_3542, %parallel_loop3A_3561 : vector<16xi1>
            tpu.vector_store_idx %arg8[%parallel_loop3A_3549], %parallel_loop3A_3522 masked %parallel_loop3A_3558 : memref<16xi32, #tpu.memory_space<vmem>>[vector<16xi32>], vector<16xi32>, vector<16xi1>
            tpu.vector_store_idx %arg10[%parallel_loop3A_3554], %parallel_loop3A_3522 masked %parallel_loop3A_3562 : memref<32xi32, #tpu.memory_space<vmem>>[vector<16xi32>], vector<16xi32>, vector<16xi1>
            %parallel_loop3A_3563 = tpu.all_reduce %parallel_loop3A_3541 {dim = 0 : i64, kind = #tpu.reduction_kind<sum>} : vector<16xi1> -> vector<16xi32>
            %parallel_loop3A_3564 = arith.addi %parallel_loop3A_3520, %parallel_loop3A_3563 : vector<16xi32>
            %parallel_loop3A_3565 = tpu.all_reduce %parallel_loop3A_3542 {dim = 0 : i64, kind = #tpu.reduction_kind<sum>} : vector<16xi1> -> vector<16xi32>
            %parallel_loop3A_3566 = arith.addi %parallel_loop3A_3521, %parallel_loop3A_3565 : vector<16xi32>
            %parallel_loop3A_3567 = arith.addi %parallel_loop3A_3522, %broadcast_in_dim3A_88 : vector<16xi32>
            scf.yield %parallel_loop3A_3564, %parallel_loop3A_3566, %parallel_loop3A_3567 : vector<16xi32>, vector<16xi32>, vector<16xi32>
          } {sc.loop_unroll_factor = 4 : i64, sc.parallel_access}
          scf.yield %parallel_loop3A_3518#0, %parallel_loop3A_3518#1, %parallel_loop3A_3518#2 : vector<16xi32>, vector<16xi32>, vector<16xi32>
        }
        scf.yield %cond3A_3515#0, %cond3A_3515#1, %cond3A_3515#2 : vector<16xi32>, vector<16xi32>, vector<16xi32>
      }
      %scan3A_98 = arith.constant 4 : i32
      %dma_start3A_99 = arith.constant 0 : i32
      %dma_start3A_100 = arith.constant 0 : i32
      %dma_start3A_101 = tpu.memref_slice %arg3[%dma_start3A_99, %dma_start3A_100] : memref<20480x128xf32, #tpu.memory_space<hbm>> -> memref<20480x128xf32, #tpu.memory_space<hbm>>
      tpu.enqueue_indirect_dma source(%dma_start3A_101 : memref<20480x128xf32, #tpu.memory_space<hbm>>) target(%arg12 : memref<16x128xf32, #tpu.memory_space<vmem>>) offsets(%arg8 : memref<16xi32, #tpu.memory_space<vmem>>) semaphore(%arg19 : memref<!tpu.dma_semaphore, #tpu.memory_space<semaphore_mem>>)
      %dma_start3A_102 = arith.constant 0 : i32
      %dma_start3A_103 = arith.constant 0 : i32
      %dma_start3A_104 = tpu.memref_slice %arg4[%dma_start3A_102, %dma_start3A_103] : memref<20480x128xf32, #tpu.memory_space<hbm>> -> memref<20480x128xf32, #tpu.memory_space<hbm>>
      tpu.enqueue_indirect_dma source(%dma_start3A_104 : memref<20480x128xf32, #tpu.memory_space<hbm>>) target(%arg14 : memref<32x128xf32, #tpu.memory_space<vmem>>) offsets(%arg10 : memref<32xi32, #tpu.memory_space<vmem>>) semaphore(%arg20 : memref<!tpu.dma_semaphore, #tpu.memory_space<semaphore_mem>>)
      %add3A_105 = arith.constant 2 : i32
      %add3A_106 = arith.addi %add3A_54, %add3A_105 : i32
      %min3A_107 = arith.constant 4095 : i32
      %min3A_108 = arith.minsi %add3A_106, %min3A_107 : i32
      %dma_start3A_109 = arith.constant 0 : i32
      %dma_start3A_110 = tpu.memref_slice %arg2[%min3A_108, %dma_start3A_109] : memref<4096x4096xf32, #tpu.memory_space<hbm>> -> memref<1x4096xf32, #tpu.memory_space<hbm>>
      %dma_start3A_111 = tpu.memref_squeeze %dma_start3A_110 : memref<1x4096xf32, #tpu.memory_space<hbm>> -> memref<4096xf32, #tpu.memory_space<hbm>>
      %dma_start3A_112 = arith.constant 0 : i32
      %dma_start3A_113 = tpu.memref_slice %arg2[%min3A_108, %dma_start3A_112] : memref<4096x4096xf32, #tpu.memory_space<hbm>> -> memref<1x4096xf32, #tpu.memory_space<hbm>>
      %dma_start3A_114 = tpu.memref_squeeze %dma_start3A_113 : memref<1x4096xf32, #tpu.memory_space<hbm>> -> memref<4096xf32, #tpu.memory_space<hbm>>
      tpu.enqueue_dma source(%dma_start3A_114 : memref<4096xf32, #tpu.memory_space<hbm>>) target(%arg6 : memref<4096xf32, #tpu.memory_space<vmem>>) target_semaphore(%arg17 : memref<!tpu.dma_semaphore, #tpu.memory_space<semaphore_mem>>)
      %dma_wait3A_115 = arith.constant 0 : i32
      %dma_wait3A_116 = tpu.memref_slice %arg2[%add3A_56, %dma_wait3A_115] : memref<4096x4096xf32, #tpu.memory_space<hbm>> -> memref<1x4096xf32, #tpu.memory_space<hbm>>
      %dma_wait3A_117 = tpu.memref_squeeze %dma_wait3A_116 : memref<1x4096xf32, #tpu.memory_space<hbm>> -> memref<4096xf32, #tpu.memory_space<hbm>>
      %dma_wait3A_118 = arith.constant 0 : i32
      %dma_wait3A_119 = tpu.memref_slice %arg2[%add3A_56, %dma_wait3A_118] : memref<4096x4096xf32, #tpu.memory_space<hbm>> -> memref<1x4096xf32, #tpu.memory_space<hbm>>
      %dma_wait3A_120 = tpu.memref_squeeze %dma_wait3A_119 : memref<1x4096xf32, #tpu.memory_space<hbm>> -> memref<4096xf32, #tpu.memory_space<hbm>>
      tpu.wait_dma2 semaphore(%arg18 : memref<!tpu.dma_semaphore, #tpu.memory_space<semaphore_mem>>) src(%dma_wait3A_120 : memref<4096xf32, #tpu.memory_space<hbm>>) dst(%arg7 : memref<4096xf32, #tpu.memory_space<vmem>>)
      %jit3A_121 = arith.constant 1024 : i32
      %div3A_122 = arith.divsi %add3A_56, %jit3A_121 : i32
      %sign3A_123 = arith.constant 0 : i32
      %sign3A_124 = arith.cmpi sgt, %add3A_56, %sign3A_123 : i32
      %sign3A_125 = arith.extui %sign3A_124 : i1 to i32
      %sign3A_126 = arith.constant 0 : i32
      %sign3A_127 = arith.cmpi slt, %add3A_56, %sign3A_126 : i32
      %sign3A_128 = arith.extui %sign3A_127 : i1 to i32
      %sign3A_129 = arith.subi %sign3A_125, %sign3A_128 : i32
      %sign3A_130 = arith.constant 0 : i32
      %sign3A_131 = arith.cmpi sgt, %jit3A_121, %sign3A_130 : i32
      %sign3A_132 = arith.extui %sign3A_131 : i1 to i32
      %sign3A_133 = arith.constant 0 : i32
      %sign3A_134 = arith.cmpi slt, %jit3A_121, %sign3A_133 : i32
      %sign3A_135 = arith.extui %sign3A_134 : i1 to i32
      %sign3A_136 = arith.subi %sign3A_132, %sign3A_135 : i32
      %ne3A_137 = arith.cmpi ne, %sign3A_129, %sign3A_136 : i32
      %rem3A_138 = arith.remsi %add3A_56, %jit3A_121 : i32
      %ne3A_139 = arith.constant 0 : i32
      %ne3A_140 = arith.cmpi ne, %rem3A_138, %ne3A_139 : i32
      %and3A_141 = arith.andi %ne3A_137, %ne3A_140 : i1
      %sub3A_142 = arith.constant 1 : i32
      %sub3A_143 = arith.subi %div3A_122, %sub3A_142 : i32
      %select_n3A_144 = arith.select %and3A_141, %sub3A_143, %div3A_122 : i32
      %mul3A_145 = arith.constant 4096 : i32
      %mul3A_146 = arith.muli %select_n3A_144, %mul3A_145 : i32
      %swap3A_147 = arith.constant 0 : index
      %swap3A_148 = tpu.vector_load %arg9[%swap3A_147] {strides = array<i32>} : memref<16xi32, #tpu.memory_space<vmem>>, vector<16xi32>,
      tpu.vector_store %arg9[%swap3A_147], %broadcast_in_dim3A_3 {strides = array<i32>} : memref<16xi32, #tpu.memory_space<vmem>>, vector<16xi32>,
      %swap3A_149 = arith.constant 0 : index
      %swap3A_150 = tpu.vector_load %arg11[%swap3A_149] {strides = array<i32>} : memref<32xi32, #tpu.memory_space<vmem>>, vector<16xi32>,
      tpu.vector_store %arg11[%swap3A_149], %broadcast_in_dim3A_3 {strides = array<i32>} : memref<32xi32, #tpu.memory_space<vmem>>, vector<16xi32>,
      %swap3A_151 = arith.constant 16 : index
      %swap3A_152 = tpu.vector_load %arg11[%swap3A_151] {strides = array<i32>} : memref<32xi32, #tpu.memory_space<vmem>>, vector<16xi32>,
      tpu.vector_store %arg11[%swap3A_151], %broadcast_in_dim3A_3 {strides = array<i32>} : memref<32xi32, #tpu.memory_space<vmem>>, vector<16xi32>,
      %broadcast_in_dim3A_153 = arith.constant 16 : i32
      %broadcast_in_dim3A_154 = vector.broadcast %broadcast_in_dim3A_153 : i32 to vector<16xi32>
      %broadcast_in_dim3A_155 = arith.constant 1024 : i32
      %broadcast_in_dim3A_156 = vector.broadcast %broadcast_in_dim3A_155 : i32 to vector<16xi32>
      %add3A_157 = vector.broadcast %mul3A_146 : i32 to vector<16xi32>
      %add3A_158 = arith.addi %iota3A, %add3A_157 : vector<16xi32>
      %scan3A_159 = arith.constant 0 : i32
      %scan3A_160 = arith.constant 4 : i32
      %scan3A_161 = arith.addi %scan3A_159, %scan3A_160 : i32
      %scan3A_162 = arith.constant 1 : i32
      %scan3A_163:3 = scf.for %scan3A_3469 = %scan3A_159 to %scan3A_161 step %scan3A_162 iter_args(%scan3A_3470 = %broadcast_in_dim3A_5, %scan3A_3471 = %broadcast_in_dim3A_5, %scan3A_3472 = %add3A_158) -> (vector<16xi32>, vector<16xi32>, vector<16xi32>)  : i32 {
        %mul3A_3473 = arith.constant 65536 : i32
        %mul3A_3474 = vector.broadcast %mul3A_3473 : i32 to vector<16xi32>
        %mul3A_3475 = arith.muli %scan3A_3470, %mul3A_3474 : vector<16xi32>
        %add3A_3476 = arith.addi %mul3A_3475, %scan3A_3471 : vector<16xi32>
        %reduce_max3A = arith.constant true
        %reduce_max3A_3477 = vector.broadcast %reduce_max3A : i1 to vector<16xi1>
        %reduce_max3A_3478 = arith.constant -2147483648 : i32
        %reduce_max3A_3479 = vector.broadcast %reduce_max3A_3478 : i32 to vector<16xi32>
        %reduce_max3A_3480 = arith.xori %add3A_3476, %reduce_max3A_3479 : vector<16xi32>
        %reduce_max3A_3481 = tpu.scan <max>, %reduce_max3A_3480 masked %reduce_max3A_3477 : vector<16xi32>, vector<16xi1> -> vector<16xi32>
        %reduce_max3A_3482 = arith.xori %reduce_max3A_3481, %reduce_max3A_3479 : vector<16xi32>
        %reduce_max3A_3483 = vector.extract %reduce_max3A_3482[15] : i32 from vector<16xi32>
        %jit3A_3484 = arith.constant 65536 : i32
        %div3A_3485 = arith.divsi %reduce_max3A_3483, %jit3A_3484 : i32
        %sign3A_3486 = arith.constant 0 : i32
        %sign3A_3487 = arith.cmpi sgt, %reduce_max3A_3483, %sign3A_3486 : i32
        %sign3A_3488 = arith.extui %sign3A_3487 : i1 to i32
        %sign3A_3489 = arith.constant 0 : i32
        %sign3A_3490 = arith.cmpi slt, %reduce_max3A_3483, %sign3A_3489 : i32
        %sign3A_3491 = arith.extui %sign3A_3490 : i1 to i32
        %sign3A_3492 = arith.subi %sign3A_3488, %sign3A_3491 : i32
        %sign3A_3493 = arith.constant 0 : i32
        %sign3A_3494 = arith.cmpi sgt, %jit3A_3484, %sign3A_3493 : i32
        %sign3A_3495 = arith.extui %sign3A_3494 : i1 to i32
        %sign3A_3496 = arith.constant 0 : i32
        %sign3A_3497 = arith.cmpi slt, %jit3A_3484, %sign3A_3496 : i32
        %sign3A_3498 = arith.extui %sign3A_3497 : i1 to i32
        %sign3A_3499 = arith.subi %sign3A_3495, %sign3A_3498 : i32
        %ne3A_3500 = arith.cmpi ne, %sign3A_3492, %sign3A_3499 : i32
        %rem3A_3501 = arith.remsi %reduce_max3A_3483, %jit3A_3484 : i32
        %ne3A_3502 = arith.constant 0 : i32
        %ne3A_3503 = arith.cmpi ne, %rem3A_3501, %ne3A_3502 : i32
        %and3A_3504 = arith.andi %ne3A_3500, %ne3A_3503 : i1
        %sub3A_3505 = arith.constant 1 : i32
        %sub3A_3506 = arith.subi %div3A_3485, %sub3A_3505 : i32
        %select_n3A_3507 = arith.select %and3A_3504, %sub3A_3506, %div3A_3485 : i32
        %mul3A_3508 = arith.constant 65536 : i32
        %mul3A_3509 = arith.muli %select_n3A_3507, %mul3A_3508 : i32
        %sub3A_3510 = arith.subi %reduce_max3A_3483, %mul3A_3509 : i32
        %ge3A = arith.constant 16 : i32
        %ge3A_3511 = arith.cmpi sge, %select_n3A_3507, %ge3A : i32
        %convert_element_type3A_3512 = arith.extui %ge3A_3511 : i1 to i32
        %cond3A_3513 = arith.constant 0 : i32
        %cond3A_3514 = arith.cmpi ne, %convert_element_type3A_3512, %cond3A_3513 : i32
        %cond3A_3515:3 = scf.if %cond3A_3514 -> (vector<16xi32>, vector<16xi32>, vector<16xi32>) {
          %ge3A_3516 = arith.constant 32 : i32
          %ge3A_3517 = arith.cmpi sge, %sub3A_3510, %ge3A_3516 : i32
          %convert_element_type3A_3518 = arith.extui %ge3A_3517 : i1 to i32
          %cond3A_3519 = arith.constant 0 : i32
          %cond3A_3520 = arith.cmpi ne, %convert_element_type3A_3518, %cond3A_3519 : i32
          %cond3A_3521:2 = scf.if %cond3A_3520 -> (vector<16xi32>, vector<16xi32>) {
            %add3A_3522 = arith.addi %scan3A_3472, %broadcast_in_dim3A_156 : vector<16xi32>
            scf.yield %scan3A_3471, %add3A_3522 : vector<16xi32>, vector<16xi32>
          } else {
            %parallel_loop3A = arith.constant 0 : i32
            %parallel_loop3A_3522 = arith.constant 64 : i32
            %parallel_loop3A_3523 = arith.constant 1 : i32
            %parallel_loop3A_3524:2 = scf.for %parallel_loop3A_3525 = %parallel_loop3A to %parallel_loop3A_3522 step %parallel_loop3A_3523 iter_args(%parallel_loop3A_3526 = %scan3A_3471, %parallel_loop3A_3527 = %scan3A_3472) -> (vector<16xi32>, vector<16xi32>)  : i32 {
              %parallel_loop3A_3528 = arith.constant 64 : i32
              %parallel_loop3A_3529 = arith.muli %scan3A_3469, %parallel_loop3A_3528 : i32
              %parallel_loop3A_3530 = arith.addi %parallel_loop3A_3529, %parallel_loop3A_3525 : i32
              %parallel_loop3A_3531 = arith.constant 16 : i32
              %parallel_loop3A_3532 = arith.muli %parallel_loop3A_3530, %parallel_loop3A_3531 : i32
              %parallel_loop3A_3533 = arith.index_cast %parallel_loop3A_3532 : i32 to index
              %parallel_loop3A_3534 = tpu.vector_load %arg7[%parallel_loop3A_3533] {strides = array<i32>} : memref<4096xf32, #tpu.memory_space<vmem>>, vector<16xf32>,
              %parallel_loop3A_3535 = arith.constant 2.250000e+00 : f32
              %parallel_loop3A_3536 = vector.broadcast %parallel_loop3A_3535 : f32 to vector<16xf32>
              %parallel_loop3A_3537 = arith.cmpf oge, %parallel_loop3A_3534, %parallel_loop3A_3536 : vector<16xf32>
              %parallel_loop3A_3538 = arith.constant 9.000000e+00 : f32
              %parallel_loop3A_3539 = vector.broadcast %parallel_loop3A_3538 : f32 to vector<16xf32>
              %parallel_loop3A_3540 = arith.cmpf olt, %parallel_loop3A_3534, %parallel_loop3A_3539 : vector<16xf32>
              %parallel_loop3A_3541 = arith.andi %parallel_loop3A_3537, %parallel_loop3A_3540 : vector<16xi1>
              %parallel_loop3A_3542 = arith.extui %parallel_loop3A_3541 : vector<16xi1> to vector<16xi32>
              %parallel_loop3A_3543 = arith.constant true
              %parallel_loop3A_3544 = vector.broadcast %parallel_loop3A_3543 : i1 to vector<16xi1>
              %parallel_loop3A_3545 = tpu.scan <sum>, %parallel_loop3A_3542 masked %parallel_loop3A_3544 : vector<16xi32>, vector<16xi1> -> vector<16xi32>
              %parallel_loop3A_3546 = arith.addi %parallel_loop3A_3526, %parallel_loop3A_3545 : vector<16xi32>
              %parallel_loop3A_3547 = arith.subi %parallel_loop3A_3546, %parallel_loop3A_3542 : vector<16xi32>
              %parallel_loop3A_3548 = arith.constant 32 : i32
              %parallel_loop3A_3549 = vector.broadcast %parallel_loop3A_3548 : i32 to vector<16xi32>
              %parallel_loop3A_3550 = arith.cmpi slt, %parallel_loop3A_3547, %parallel_loop3A_3549 : vector<16xi32>
              %parallel_loop3A_3551 = arith.andi %parallel_loop3A_3541, %parallel_loop3A_3550 : vector<16xi1>
              tpu.vector_store_idx %arg11[%parallel_loop3A_3547], %parallel_loop3A_3527 masked %parallel_loop3A_3551 : memref<32xi32, #tpu.memory_space<vmem>>[vector<16xi32>], vector<16xi32>, vector<16xi1>
              %parallel_loop3A_3552 = tpu.all_reduce %parallel_loop3A_3541 {dim = 0 : i64, kind = #tpu.reduction_kind<sum>} : vector<16xi1> -> vector<16xi32>
              %parallel_loop3A_3553 = arith.addi %parallel_loop3A_3526, %parallel_loop3A_3552 : vector<16xi32>
              %parallel_loop3A_3554 = arith.addi %parallel_loop3A_3527, %broadcast_in_dim3A_154 : vector<16xi32>
              scf.yield %parallel_loop3A_3553, %parallel_loop3A_3554 : vector<16xi32>, vector<16xi32>
            } {sc.loop_unroll_factor = 8 : i64, sc.parallel_access}
            scf.yield %parallel_loop3A_3524#0, %parallel_loop3A_3524#1 : vector<16xi32>, vector<16xi32>
          }
          scf.yield %scan3A_3470, %cond3A_3521#0, %cond3A_3521#1 : vector<16xi32>, vector<16xi32>, vector<16xi32>
        } else {
          %parallel_loop3A = arith.constant 0 : i32
          %parallel_loop3A_3516 = arith.constant 64 : i32
          %parallel_loop3A_3517 = arith.constant 1 : i32
          %parallel_loop3A_3518:3 = scf.for %parallel_loop3A_3519 = %parallel_loop3A to %parallel_loop3A_3516 step %parallel_loop3A_3517 iter_args(%parallel_loop3A_3520 = %scan3A_3470, %parallel_loop3A_3521 = %scan3A_3471, %parallel_loop3A_3522 = %scan3A_3472) -> (vector<16xi32>, vector<16xi32>, vector<16xi32>)  : i32 {
            %parallel_loop3A_3523 = arith.constant 64 : i32
            %parallel_loop3A_3524 = arith.muli %scan3A_3469, %parallel_loop3A_3523 : i32
            %parallel_loop3A_3525 = arith.addi %parallel_loop3A_3524, %parallel_loop3A_3519 : i32
            %parallel_loop3A_3526 = arith.constant 16 : i32
            %parallel_loop3A_3527 = arith.muli %parallel_loop3A_3525, %parallel_loop3A_3526 : i32
            %parallel_loop3A_3528 = arith.index_cast %parallel_loop3A_3527 : i32 to index
            %parallel_loop3A_3529 = tpu.vector_load %arg7[%parallel_loop3A_3528] {strides = array<i32>} : memref<4096xf32, #tpu.memory_space<vmem>>, vector<16xf32>,
            %parallel_loop3A_3530 = arith.constant 1.000000e+00 : f32
            %parallel_loop3A_3531 = vector.broadcast %parallel_loop3A_3530 : f32 to vector<16xf32>
            %parallel_loop3A_3532 = arith.cmpf oge, %parallel_loop3A_3529, %parallel_loop3A_3531 : vector<16xf32>
            %parallel_loop3A_3533 = arith.constant 2.250000e+00 : f32
            %parallel_loop3A_3534 = vector.broadcast %parallel_loop3A_3533 : f32 to vector<16xf32>
            %parallel_loop3A_3535 = arith.cmpf oge, %parallel_loop3A_3529, %parallel_loop3A_3534 : vector<16xf32>
            %parallel_loop3A_3536 = arith.constant 9.000000e+00 : f32
            %parallel_loop3A_3537 = vector.broadcast %parallel_loop3A_3536 : f32 to vector<16xf32>
            %parallel_loop3A_3538 = arith.cmpf olt, %parallel_loop3A_3529, %parallel_loop3A_3537 : vector<16xf32>
            %parallel_loop3A_3539 = arith.constant dense<true> : vector<16xi1>
            %parallel_loop3A_3540 = arith.xori %parallel_loop3A_3535, %parallel_loop3A_3539 : vector<16xi1>
            %parallel_loop3A_3541 = arith.andi %parallel_loop3A_3532, %parallel_loop3A_3540 : vector<16xi1>
            %parallel_loop3A_3542 = arith.andi %parallel_loop3A_3535, %parallel_loop3A_3538 : vector<16xi1>
            %parallel_loop3A_3543 = arith.extui %parallel_loop3A_3541 : vector<16xi1> to vector<16xi32>
            %parallel_loop3A_3544 = arith.extui %parallel_loop3A_3542 : vector<16xi1> to vector<16xi32>
            %parallel_loop3A_3545 = arith.constant true
            %parallel_loop3A_3546 = vector.broadcast %parallel_loop3A_3545 : i1 to vector<16xi1>
            %parallel_loop3A_3547 = tpu.scan <sum>, %parallel_loop3A_3543 masked %parallel_loop3A_3546 : vector<16xi32>, vector<16xi1> -> vector<16xi32>
            %parallel_loop3A_3548 = arith.addi %parallel_loop3A_3520, %parallel_loop3A_3547 : vector<16xi32>
            %parallel_loop3A_3549 = arith.subi %parallel_loop3A_3548, %parallel_loop3A_3543 : vector<16xi32>
            %parallel_loop3A_3550 = arith.constant true
            %parallel_loop3A_3551 = vector.broadcast %parallel_loop3A_3550 : i1 to vector<16xi1>
            %parallel_loop3A_3552 = tpu.scan <sum>, %parallel_loop3A_3544 masked %parallel_loop3A_3551 : vector<16xi32>, vector<16xi1> -> vector<16xi32>
            %parallel_loop3A_3553 = arith.addi %parallel_loop3A_3521, %parallel_loop3A_3552 : vector<16xi32>
            %parallel_loop3A_3554 = arith.subi %parallel_loop3A_3553, %parallel_loop3A_3544 : vector<16xi32>
            %parallel_loop3A_3555 = arith.constant 16 : i32
            %parallel_loop3A_3556 = vector.broadcast %parallel_loop3A_3555 : i32 to vector<16xi32>
            %parallel_loop3A_3557 = arith.cmpi slt, %parallel_loop3A_3549, %parallel_loop3A_3556 : vector<16xi32>
            %parallel_loop3A_3558 = arith.andi %parallel_loop3A_3541, %parallel_loop3A_3557 : vector<16xi1>
            %parallel_loop3A_3559 = arith.constant 32 : i32
            %parallel_loop3A_3560 = vector.broadcast %parallel_loop3A_3559 : i32 to vector<16xi32>
            %parallel_loop3A_3561 = arith.cmpi slt, %parallel_loop3A_3554, %parallel_loop3A_3560 : vector<16xi32>
            %parallel_loop3A_3562 = arith.andi %parallel_loop3A_3542, %parallel_loop3A_3561 : vector<16xi1>
            tpu.vector_store_idx %arg9[%parallel_loop3A_3549], %parallel_loop3A_3522 masked %parallel_loop3A_3558 : memref<16xi32, #tpu.memory_space<vmem>>[vector<16xi32>], vector<16xi32>, vector<16xi1>
            tpu.vector_store_idx %arg11[%parallel_loop3A_3554], %parallel_loop3A_3522 masked %parallel_loop3A_3562 : memref<32xi32, #tpu.memory_space<vmem>>[vector<16xi32>], vector<16xi32>, vector<16xi1>
            %parallel_loop3A_3563 = tpu.all_reduce %parallel_loop3A_3541 {dim = 0 : i64, kind = #tpu.reduction_kind<sum>} : vector<16xi1> -> vector<16xi32>
            %parallel_loop3A_3564 = arith.addi %parallel_loop3A_3520, %parallel_loop3A_3563 : vector<16xi32>
            %parallel_loop3A_3565 = tpu.all_reduce %parallel_loop3A_3542 {dim = 0 : i64, kind = #tpu.reduction_kind<sum>} : vector<16xi1> -> vector<16xi32>
            %parallel_loop3A_3566 = arith.addi %parallel_loop3A_3521, %parallel_loop3A_3565 : vector<16xi32>
            %parallel_loop3A_3567 = arith.addi %parallel_loop3A_3522, %broadcast_in_dim3A_154 : vector<16xi32>
            scf.yield %parallel_loop3A_3564, %parallel_loop3A_3566, %parallel_loop3A_3567 : vector<16xi32>, vector<16xi32>, vector<16xi32>
          } {sc.loop_unroll_factor = 4 : i64, sc.parallel_access}
          scf.yield %parallel_loop3A_3518#0, %parallel_loop3A_3518#1, %parallel_loop3A_3518#2 : vector<16xi32>, vector<16xi32>, vector<16xi32>
        }
        scf.yield %cond3A_3515#0, %cond3A_3515#1, %cond3A_3515#2 : vector<16xi32>, vector<16xi32>, vector<16xi32>
      }
      %scan3A_164 = arith.constant 4 : i32
      %dma_start3A_165 = arith.constant 0 : i32
      %dma_start3A_166 = arith.constant 0 : i32
      %dma_start3A_167 = tpu.memref_slice %arg3[%dma_start3A_165, %dma_start3A_166] : memref<20480x128xf32, #tpu.memory_space<hbm>> -> memref<20480x128xf32, #tpu.memory_space<hbm>>
      tpu.enqueue_indirect_dma source(%dma_start3A_167 : memref<20480x128xf32, #tpu.memory_space<hbm>>) target(%arg13 : memref<16x128xf32, #tpu.memory_space<vmem>>) offsets(%arg9 : memref<16xi32, #tpu.memory_space<vmem>>) semaphore(%arg21 : memref<!tpu.dma_semaphore, #tpu.memory_space<semaphore_mem>>)
      %dma_start3A_168 = arith.constant 0 : i32
      %dma_start3A_169 = arith.constant 0 : i32
      %dma_start3A_170 = tpu.memref_slice %arg4[%dma_start3A_168, %dma_start3A_169] : memref<20480x128xf32, #tpu.memory_space<hbm>> -> memref<20480x128xf32, #tpu.memory_space<hbm>>
      tpu.enqueue_indirect_dma source(%dma_start3A_170 : memref<20480x128xf32, #tpu.memory_space<hbm>>) target(%arg15 : memref<32x128xf32, #tpu.memory_space<vmem>>) offsets(%arg11 : memref<32xi32, #tpu.memory_space<vmem>>) semaphore(%arg22 : memref<!tpu.dma_semaphore, #tpu.memory_space<semaphore_mem>>)
      %add3A_171 = arith.constant 2 : i32
      %add3A_172 = arith.addi %add3A_56, %add3A_171 : i32
      %min3A_173 = arith.constant 4095 : i32
      %min3A_174 = arith.minsi %add3A_172, %min3A_173 : i32
      %dma_start3A_175 = arith.constant 0 : i32
      %dma_start3A_176 = tpu.memref_slice %arg2[%min3A_174, %dma_start3A_175] : memref<4096x4096xf32, #tpu.memory_space<hbm>> -> memref<1x4096xf32, #tpu.memory_space<hbm>>
      %dma_start3A_177 = tpu.memref_squeeze %dma_start3A_176 : memref<1x4096xf32, #tpu.memory_space<hbm>> -> memref<4096xf32, #tpu.memory_space<hbm>>
      %dma_start3A_178 = arith.constant 0 : i32
      %dma_start3A_179 = tpu.memref_slice %arg2[%min3A_174, %dma_start3A_178] : memref<4096x4096xf32, #tpu.memory_space<hbm>> -> memref<1x4096xf32, #tpu.memory_space<hbm>>
      %dma_start3A_180 = tpu.memref_squeeze %dma_start3A_179 : memref<1x4096xf32, #tpu.memory_space<hbm>> -> memref<4096xf32, #tpu.memory_space<hbm>>
      tpu.enqueue_dma source(%dma_start3A_180 : memref<4096xf32, #tpu.memory_space<hbm>>) target(%arg7 : memref<4096xf32, #tpu.memory_space<vmem>>) target_semaphore(%arg18 : memref<!tpu.dma_semaphore, #tpu.memory_space<semaphore_mem>>)
      %dma_wait3A_181 = arith.constant 0 : i32
      %dma_wait3A_182 = arith.constant 0 : i32
      %dma_wait3A_183 = tpu.memref_slice %arg3[%dma_wait3A_181, %dma_wait3A_182] : memref<20480x128xf32, #tpu.memory_space<hbm>> -> memref<20480x128xf32, #tpu.memory_space<hbm>>
      tpu.wait_indirect_dma semaphore(%arg19 : memref<!tpu.dma_semaphore, #tpu.memory_space<semaphore_mem>>) src(%dma_wait3A_183 : memref<20480x128xf32, #tpu.memory_space<hbm>>) dst(%arg12 : memref<16x128xf32, #tpu.memory_space<vmem>>)
      %dma_wait3A_184 = arith.constant 0 : i32
      %dma_wait3A_185 = arith.constant 0 : i32
      %dma_wait3A_186 = tpu.memref_slice %arg4[%dma_wait3A_184, %dma_wait3A_185] : memref<20480x128xf32, #tpu.memory_space<hbm>> -> memref<20480x128xf32, #tpu.memory_space<hbm>>
      tpu.wait_indirect_dma semaphore(%arg20 : memref<!tpu.dma_semaphore, #tpu.memory_space<semaphore_mem>>) src(%dma_wait3A_186 : memref<20480x128xf32, #tpu.memory_space<hbm>>) dst(%arg14 : memref<32x128xf32, #tpu.memory_space<vmem>>)
      %gt3A = arith.constant 0 : i32
      %gt3A_187 = arith.cmpi sgt, %scan3A_51, %gt3A : i32
      %convert_element_type3A = arith.extui %gt3A_187 : i1 to i32
      %cond3A = arith.constant 0 : i32
      %cond3A_188 = arith.cmpi ne, %convert_element_type3A, %cond3A : i32
      scf.if %cond3A_188 {
        %sub3A_3469 = arith.constant 2 : i32
        %sub3A_3470 = arith.subi %add3A_54, %sub3A_3469 : i32
        %dma_wait3A_3471 = arith.constant 0 : i32
        %dma_wait3A_3472 = tpu.memref_slice %arg5[%sub3A_3470, %dma_wait3A_3471] : memref<4096x192xf32, #tpu.memory_space<hbm>> -> memref<2x192xf32, #tpu.memory_space<hbm>>
        %dma_wait3A_3473 = arith.constant 0 : i32
        %dma_wait3A_3474 = tpu.memref_slice %arg5[%sub3A_3470, %dma_wait3A_3473] : memref<4096x192xf32, #tpu.memory_space<hbm>> -> memref<2x192xf32, #tpu.memory_space<hbm>>
        tpu.wait_dma2 semaphore(%arg23 : memref<!tpu.dma_semaphore, #tpu.memory_space<semaphore_mem>>) src(%arg16 : memref<2x192xf32, #tpu.memory_space<vmem>>) dst(%dma_wait3A_3474 : memref<2x192xf32, #tpu.memory_space<hbm>>)
      } else {
      }
      %get3A = arith.constant 0 : i32
      %get3A_189 = arith.index_cast %get3A : i32 to index
      %get3A_190 = arith.constant 0 : index
      %get3A_191 = tpu.vector_load %arg12[%get3A_189, %get3A_190] {strides = array<i32>} : memref<16x128xf32, #tpu.memory_space<vmem>>, vector<16xf32>,
      %get3A_192 = arith.constant 1 : i32
      %get3A_193 = arith.index_cast %get3A_192 : i32 to index
      %get3A_194 = arith.constant 0 : index
      %get3A_195 = tpu.vector_load %arg12[%get3A_193, %get3A_194] {strides = array<i32>} : memref<16x128xf32, #tpu.memory_space<vmem>>, vector<16xf32>,
      %max3A = arith.maximumf %get3A_191, %get3A_195 : vector<16xf32>
      %get3A_196 = arith.constant 2 : i32
      %get3A_197 = arith.index_cast %get3A_196 : i32 to index
      %get3A_198 = arith.constant 0 : index
      %get3A_199 = tpu.vector_load %arg12[%get3A_197, %get3A_198] {strides = array<i32>} : memref<16x128xf32, #tpu.memory_space<vmem>>, vector<16xf32>,
      %max3A_200 = arith.maximumf %max3A, %get3A_199 : vector<16xf32>
      %get3A_201 = arith.constant 3 : i32
      %get3A_202 = arith.index_cast %get3A_201 : i32 to index
      %get3A_203 = arith.constant 0 : index
      %get3A_204 = tpu.vector_load %arg12[%get3A_202, %get3A_203] {strides = array<i32>} : memref<16x128xf32, #tpu.memory_space<vmem>>, vector<16xf32>,
      %max3A_205 = arith.maximumf %max3A_200, %get3A_204 : vector<16xf32>
      %get3A_206 = arith.constant 4 : i32
      %get3A_207 = arith.index_cast %get3A_206 : i32 to index
      %get3A_208 = arith.constant 0 : index
      %get3A_209 = tpu.vector_load %arg12[%get3A_207, %get3A_208] {strides = array<i32>} : memref<16x128xf32, #tpu.memory_space<vmem>>, vector<16xf32>,
      %max3A_210 = arith.maximumf %max3A_205, %get3A_209 : vector<16xf32>
      %get3A_211 = arith.constant 5 : i32
      %get3A_212 = arith.index_cast %get3A_211 : i32 to index
      %get3A_213 = arith.constant 0 : index
      %get3A_214 = tpu.vector_load %arg12[%get3A_212, %get3A_213] {strides = array<i32>} : memref<16x128xf32, #tpu.memory_space<vmem>>, vector<16xf32>,
      %max3A_215 = arith.maximumf %max3A_210, %get3A_214 : vector<16xf32>
      %get3A_216 = arith.constant 6 : i32
      %get3A_217 = arith.index_cast %get3A_216 : i32 to index
      %get3A_218 = arith.constant 0 : index
      %get3A_219 = tpu.vector_load %arg12[%get3A_217, %get3A_218] {strides = array<i32>} : memref<16x128xf32, #tpu.memory_space<vmem>>, vector<16xf32>,
      %max3A_220 = arith.maximumf %max3A_215, %get3A_219 : vector<16xf32>
      %get3A_221 = arith.constant 7 : i32
      %get3A_222 = arith.index_cast %get3A_221 : i32 to index
      %get3A_223 = arith.constant 0 : index
      %get3A_224 = tpu.vector_load %arg12[%get3A_222, %get3A_223] {strides = array<i32>} : memref<16x128xf32, #tpu.memory_space<vmem>>, vector<16xf32>,
      %max3A_225 = arith.maximumf %max3A_220, %get3A_224 : vector<16xf32>
      %get3A_226 = arith.constant 8 : i32
      %get3A_227 = arith.index_cast %get3A_226 : i32 to index
      %get3A_228 = arith.constant 0 : index
      %get3A_229 = tpu.vector_load %arg12[%get3A_227, %get3A_228] {strides = array<i32>} : memref<16x128xf32, #tpu.memory_space<vmem>>, vector<16xf32>,
      %max3A_230 = arith.maximumf %max3A_225, %get3A_229 : vector<16xf32>
      %get3A_231 = arith.constant 9 : i32
      %get3A_232 = arith.index_cast %get3A_231 : i32 to index
      %get3A_233 = arith.constant 0 : index
      %get3A_234 = tpu.vector_load %arg12[%get3A_232, %get3A_233] {strides = array<i32>} : memref<16x128xf32, #tpu.memory_space<vmem>>, vector<16xf32>,
      %max3A_235 = arith.maximumf %max3A_230, %get3A_234 : vector<16xf32>
      %get3A_236 = arith.constant 10 : i32
      %get3A_237 = arith.index_cast %get3A_236 : i32 to index
      %get3A_238 = arith.constant 0 : index
      %get3A_239 = tpu.vector_load %arg12[%get3A_237, %get3A_238] {strides = array<i32>} : memref<16x128xf32, #tpu.memory_space<vmem>>, vector<16xf32>,
      %max3A_240 = arith.maximumf %max3A_235, %get3A_239 : vector<16xf32>
      %get3A_241 = arith.constant 11 : i32
      %get3A_242 = arith.index_cast %get3A_241 : i32 to index
      %get3A_243 = arith.constant 0 : index
      %get3A_244 = tpu.vector_load %arg12[%get3A_242, %get3A_243] {strides = array<i32>} : memref<16x128xf32, #tpu.memory_space<vmem>>, vector<16xf32>,
      %max3A_245 = arith.maximumf %max3A_240, %get3A_244 : vector<16xf32>
      %get3A_246 = arith.constant 12 : i32
      %get3A_247 = arith.index_cast %get3A_246 : i32 to index
      %get3A_248 = arith.constant 0 : index
      %get3A_249 = tpu.vector_load %arg12[%get3A_247, %get3A_248] {strides = array<i32>} : memref<16x128xf32, #tpu.memory_space<vmem>>, vector<16xf32>,
      %max3A_250 = arith.maximumf %max3A_245, %get3A_249 : vector<16xf32>
      %get3A_251 = arith.constant 13 : i32
      %get3A_252 = arith.index_cast %get3A_251 : i32 to index
      %get3A_253 = arith.constant 0 : index
      %get3A_254 = tpu.vector_load %arg12[%get3A_252, %get3A_253] {strides = array<i32>} : memref<16x128xf32, #tpu.memory_space<vmem>>, vector<16xf32>,
      %max3A_255 = arith.maximumf %max3A_250, %get3A_254 : vector<16xf32>
      %get3A_256 = arith.constant 14 : i32
      %get3A_257 = arith.index_cast %get3A_256 : i32 to index
      %get3A_258 = arith.constant 0 : index
      %get3A_259 = tpu.vector_load %arg12[%get3A_257, %get3A_258] {strides = array<i32>} : memref<16x128xf32, #tpu.memory_space<vmem>>, vector<16xf32>,
      %max3A_260 = arith.maximumf %max3A_255, %get3A_259 : vector<16xf32>
      %get3A_261 = arith.constant 15 : i32
      %get3A_262 = arith.index_cast %get3A_261 : i32 to index
      %get3A_263 = arith.constant 0 : index
      %get3A_264 = tpu.vector_load %arg12[%get3A_262, %get3A_263] {strides = array<i32>} : memref<16x128xf32, #tpu.memory_space<vmem>>, vector<16xf32>,
      %max3A_265 = arith.maximumf %max3A_260, %get3A_264 : vector<16xf32>
      %swap3A_266 = arith.constant 0 : i32
      %swap3A_267 = arith.index_cast %swap3A_266 : i32 to index
      %swap3A_268 = arith.constant 0 : index
      %swap3A_269 = tpu.vector_load %arg16[%swap3A_267, %swap3A_268] {strides = array<i32>} : memref<2x192xf32, #tpu.memory_space<vmem>>, vector<16xf32>,
      tpu.vector_store %arg16[%swap3A_267, %swap3A_268], %max3A_265 {strides = array<i32>} : memref<2x192xf32, #tpu.memory_space<vmem>>, vector<16xf32>,
      %get3A_270 = arith.constant 0 : i32
      %get3A_271 = arith.index_cast %get3A_270 : i32 to index
      %get3A_272 = arith.constant 16 : index
      %get3A_273 = tpu.vector_load %arg12[%get3A_271, %get3A_272] {strides = array<i32>} : memref<16x128xf32, #tpu.memory_space<vmem>>, vector<16xf32>,
      %get3A_274 = arith.constant 1 : i32
      %get3A_275 = arith.index_cast %get3A_274 : i32 to index
      %get3A_276 = arith.constant 16 : index
      %get3A_277 = tpu.vector_load %arg12[%get3A_275, %get3A_276] {strides = array<i32>} : memref<16x128xf32, #tpu.memory_space<vmem>>, vector<16xf32>,
      %max3A_278 = arith.maximumf %get3A_273, %get3A_277 : vector<16xf32>
      %get3A_279 = arith.constant 2 : i32
      %get3A_280 = arith.index_cast %get3A_279 : i32 to index
      %get3A_281 = arith.constant 16 : index
      %get3A_282 = tpu.vector_load %arg12[%get3A_280, %get3A_281] {strides = array<i32>} : memref<16x128xf32, #tpu.memory_space<vmem>>, vector<16xf32>,
      %max3A_283 = arith.maximumf %max3A_278, %get3A_282 : vector<16xf32>
      %get3A_284 = arith.constant 3 : i32
      %get3A_285 = arith.index_cast %get3A_284 : i32 to index
      %get3A_286 = arith.constant 16 : index
      %get3A_287 = tpu.vector_load %arg12[%get3A_285, %get3A_286] {strides = array<i32>} : memref<16x128xf32, #tpu.memory_space<vmem>>, vector<16xf32>,
      %max3A_288 = arith.maximumf %max3A_283, %get3A_287 : vector<16xf32>
      %get3A_289 = arith.constant 4 : i32
      %get3A_290 = arith.index_cast %get3A_289 : i32 to index
      %get3A_291 = arith.constant 16 : index
      %get3A_292 = tpu.vector_load %arg12[%get3A_290, %get3A_291] {strides = array<i32>} : memref<16x128xf32, #tpu.memory_space<vmem>>, vector<16xf32>,
      %max3A_293 = arith.maximumf %max3A_288, %get3A_292 : vector<16xf32>
      %get3A_294 = arith.constant 5 : i32
      %get3A_295 = arith.index_cast %get3A_294 : i32 to index
      %get3A_296 = arith.constant 16 : index
      %get3A_297 = tpu.vector_load %arg12[%get3A_295, %get3A_296] {strides = array<i32>} : memref<16x128xf32, #tpu.memory_space<vmem>>, vector<16xf32>,
      %max3A_298 = arith.maximumf %max3A_293, %get3A_297 : vector<16xf32>
      %get3A_299 = arith.constant 6 : i32
      %get3A_300 = arith.index_cast %get3A_299 : i32 to index
      %get3A_301 = arith.constant 16 : index
      %get3A_302 = tpu.vector_load %arg12[%get3A_300, %get3A_301] {strides = array<i32>} : memref<16x128xf32, #tpu.memory_space<vmem>>, vector<16xf32>,
      %max3A_303 = arith.maximumf %max3A_298, %get3A_302 : vector<16xf32>
      %get3A_304 = arith.constant 7 : i32
      %get3A_305 = arith.index_cast %get3A_304 : i32 to index
      %get3A_306 = arith.constant 16 : index
      %get3A_307 = tpu.vector_load %arg12[%get3A_305, %get3A_306] {strides = array<i32>} : memref<16x128xf32, #tpu.memory_space<vmem>>, vector<16xf32>,
      %max3A_308 = arith.maximumf %max3A_303, %get3A_307 : vector<16xf32>
      %get3A_309 = arith.constant 8 : i32
      %get3A_310 = arith.index_cast %get3A_309 : i32 to index
      %get3A_311 = arith.constant 16 : index
      %get3A_312 = tpu.vector_load %arg12[%get3A_310, %get3A_311] {strides = array<i32>} : memref<16x128xf32, #tpu.memory_space<vmem>>, vector<16xf32>,
      %max3A_313 = arith.maximumf %max3A_308, %get3A_312 : vector<16xf32>
      %get3A_314 = arith.constant 9 : i32
      %get3A_315 = arith.index_cast %get3A_314 : i32 to index
      %get3A_316 = arith.constant 16 : index
      %get3A_317 = tpu.vector_load %arg12[%get3A_315, %get3A_316] {strides = array<i32>} : memref<16x128xf32, #tpu.memory_space<vmem>>, vector<16xf32>,
      %max3A_318 = arith.maximumf %max3A_313, %get3A_317 : vector<16xf32>
      %get3A_319 = arith.constant 10 : i32
      %get3A_320 = arith.index_cast %get3A_319 : i32 to index
      %get3A_321 = arith.constant 16 : index
      %get3A_322 = tpu.vector_load %arg12[%get3A_320, %get3A_321] {strides = array<i32>} : memref<16x128xf32, #tpu.memory_space<vmem>>, vector<16xf32>,
      %max3A_323 = arith.maximumf %max3A_318, %get3A_322 : vector<16xf32>
      %get3A_324 = arith.constant 11 : i32
      %get3A_325 = arith.index_cast %get3A_324 : i32 to index
      %get3A_326 = arith.constant 16 : index
      %get3A_327 = tpu.vector_load %arg12[%get3A_325, %get3A_326] {strides = array<i32>} : memref<16x128xf32, #tpu.memory_space<vmem>>, vector<16xf32>,
      %max3A_328 = arith.maximumf %max3A_323, %get3A_327 : vector<16xf32>
      %get3A_329 = arith.constant 12 : i32
      %get3A_330 = arith.index_cast %get3A_329 : i32 to index
      %get3A_331 = arith.constant 16 : index
      %get3A_332 = tpu.vector_load %arg12[%get3A_330, %get3A_331] {strides = array<i32>} : memref<16x128xf32, #tpu.memory_space<vmem>>, vector<16xf32>,
      %max3A_333 = arith.maximumf %max3A_328, %get3A_332 : vector<16xf32>
      %get3A_334 = arith.constant 13 : i32
      %get3A_335 = arith.index_cast %get3A_334 : i32 to index
      %get3A_336 = arith.constant 16 : index
      %get3A_337 = tpu.vector_load %arg12[%get3A_335, %get3A_336] {strides = array<i32>} : memref<16x128xf32, #tpu.memory_space<vmem>>, vector<16xf32>,
      %max3A_338 = arith.maximumf %max3A_333, %get3A_337 : vector<16xf32>
      %get3A_339 = arith.constant 14 : i32
      %get3A_340 = arith.index_cast %get3A_339 : i32 to index
      %get3A_341 = arith.constant 16 : index
      %get3A_342 = tpu.vector_load %arg12[%get3A_340, %get3A_341] {strides = array<i32>} : memref<16x128xf32, #tpu.memory_space<vmem>>, vector<16xf32>,
      %max3A_343 = arith.maximumf %max3A_338, %get3A_342 : vector<16xf32>
      %get3A_344 = arith.constant 15 : i32
      %get3A_345 = arith.index_cast %get3A_344 : i32 to index
      %get3A_346 = arith.constant 16 : index
      %get3A_347 = tpu.vector_load %arg12[%get3A_345, %get3A_346] {strides = array<i32>} : memref<16x128xf32, #tpu.memory_space<vmem>>, vector<16xf32>,
      %max3A_348 = arith.maximumf %max3A_343, %get3A_347 : vector<16xf32>
      %swap3A_349 = arith.constant 0 : i32
      %swap3A_350 = arith.index_cast %swap3A_349 : i32 to index
      %swap3A_351 = arith.constant 16 : index
      %swap3A_352 = tpu.vector_load %arg16[%swap3A_350, %swap3A_351] {strides = array<i32>} : memref<2x192xf32, #tpu.memory_space<vmem>>, vector<16xf32>,
      tpu.vector_store %arg16[%swap3A_350, %swap3A_351], %max3A_348 {strides = array<i32>} : memref<2x192xf32, #tpu.memory_space<vmem>>, vector<16xf32>,
      %get3A_353 = arith.constant 0 : i32
      %get3A_354 = arith.index_cast %get3A_353 : i32 to index
      %get3A_355 = arith.constant 32 : index
      %get3A_356 = tpu.vector_load %arg12[%get3A_354, %get3A_355] {strides = array<i32>} : memref<16x128xf32, #tpu.memory_space<vmem>>, vector<16xf32>,
      %get3A_357 = arith.constant 1 : i32
      %get3A_358 = arith.index_cast %get3A_357 : i32 to index
      %get3A_359 = arith.constant 32 : index
      %get3A_360 = tpu.vector_load %arg12[%get3A_358, %get3A_359] {strides = array<i32>} : memref<16x128xf32, #tpu.memory_space<vmem>>, vector<16xf32>,
      %max3A_361 = arith.maximumf %get3A_356, %get3A_360 : vector<16xf32>
      %get3A_362 = arith.constant 2 : i32
      %get3A_363 = arith.index_cast %get3A_362 : i32 to index
      %get3A_364 = arith.constant 32 : index
      %get3A_365 = tpu.vector_load %arg12[%get3A_363, %get3A_364] {strides = array<i32>} : memref<16x128xf32, #tpu.memory_space<vmem>>, vector<16xf32>,
      %max3A_366 = arith.maximumf %max3A_361, %get3A_365 : vector<16xf32>
      %get3A_367 = arith.constant 3 : i32
      %get3A_368 = arith.index_cast %get3A_367 : i32 to index
      %get3A_369 = arith.constant 32 : index
      %get3A_370 = tpu.vector_load %arg12[%get3A_368, %get3A_369] {strides = array<i32>} : memref<16x128xf32, #tpu.memory_space<vmem>>, vector<16xf32>,
      %max3A_371 = arith.maximumf %max3A_366, %get3A_370 : vector<16xf32>
      %get3A_372 = arith.constant 4 : i32
      %get3A_373 = arith.index_cast %get3A_372 : i32 to index
      %get3A_374 = arith.constant 32 : index
      %get3A_375 = tpu.vector_load %arg12[%get3A_373, %get3A_374] {strides = array<i32>} : memref<16x128xf32, #tpu.memory_space<vmem>>, vector<16xf32>,
      %max3A_376 = arith.maximumf %max3A_371, %get3A_375 : vector<16xf32>
      %get3A_377 = arith.constant 5 : i32
      %get3A_378 = arith.index_cast %get3A_377 : i32 to index
      %get3A_379 = arith.constant 32 : index
      %get3A_380 = tpu.vector_load %arg12[%get3A_378, %get3A_379] {strides = array<i32>} : memref<16x128xf32, #tpu.memory_space<vmem>>, vector<16xf32>,
      %max3A_381 = arith.maximumf %max3A_376, %get3A_380 : vector<16xf32>
      %get3A_382 = arith.constant 6 : i32
      %get3A_383 = arith.index_cast %get3A_382 : i32 to index
      %get3A_384 = arith.constant 32 : index
      %get3A_385 = tpu.vector_load %arg12[%get3A_383, %get3A_384] {strides = array<i32>} : memref<16x128xf32, #tpu.memory_space<vmem>>, vector<16xf32>,
      %max3A_386 = arith.maximumf %max3A_381, %get3A_385 : vector<16xf32>
      %get3A_387 = arith.constant 7 : i32
      %get3A_388 = arith.index_cast %get3A_387 : i32 to index
      %get3A_389 = arith.constant 32 : index
      %get3A_390 = tpu.vector_load %arg12[%get3A_388, %get3A_389] {strides = array<i32>} : memref<16x128xf32, #tpu.memory_space<vmem>>, vector<16xf32>,
      %max3A_391 = arith.maximumf %max3A_386, %get3A_390 : vector<16xf32>
      %get3A_392 = arith.constant 8 : i32
      %get3A_393 = arith.index_cast %get3A_392 : i32 to index
      %get3A_394 = arith.constant 32 : index
      %get3A_395 = tpu.vector_load %arg12[%get3A_393, %get3A_394] {strides = array<i32>} : memref<16x128xf32, #tpu.memory_space<vmem>>, vector<16xf32>,
      %max3A_396 = arith.maximumf %max3A_391, %get3A_395 : vector<16xf32>
      %get3A_397 = arith.constant 9 : i32
      %get3A_398 = arith.index_cast %get3A_397 : i32 to index
      %get3A_399 = arith.constant 32 : index
      %get3A_400 = tpu.vector_load %arg12[%get3A_398, %get3A_399] {strides = array<i32>} : memref<16x128xf32, #tpu.memory_space<vmem>>, vector<16xf32>,
      %max3A_401 = arith.maximumf %max3A_396, %get3A_400 : vector<16xf32>
      %get3A_402 = arith.constant 10 : i32
      %get3A_403 = arith.index_cast %get3A_402 : i32 to index
      %get3A_404 = arith.constant 32 : index
      %get3A_405 = tpu.vector_load %arg12[%get3A_403, %get3A_404] {strides = array<i32>} : memref<16x128xf32, #tpu.memory_space<vmem>>, vector<16xf32>,
      %max3A_406 = arith.maximumf %max3A_401, %get3A_405 : vector<16xf32>
      %get3A_407 = arith.constant 11 : i32
      %get3A_408 = arith.index_cast %get3A_407 : i32 to index
      %get3A_409 = arith.constant 32 : index
      %get3A_410 = tpu.vector_load %arg12[%get3A_408, %get3A_409] {strides = array<i32>} : memref<16x128xf32, #tpu.memory_space<vmem>>, vector<16xf32>,
      %max3A_411 = arith.maximumf %max3A_406, %get3A_410 : vector<16xf32>
      %get3A_412 = arith.constant 12 : i32
      %get3A_413 = arith.index_cast %get3A_412 : i32 to index
      %get3A_414 = arith.constant 32 : index
      %get3A_415 = tpu.vector_load %arg12[%get3A_413, %get3A_414] {strides = array<i32>} : memref<16x128xf32, #tpu.memory_space<vmem>>, vector<16xf32>,
      %max3A_416 = arith.maximumf %max3A_411, %get3A_415 : vector<16xf32>
      %get3A_417 = arith.constant 13 : i32
      %get3A_418 = arith.index_cast %get3A_417 : i32 to index
      %get3A_419 = arith.constant 32 : index
      %get3A_420 = tpu.vector_load %arg12[%get3A_418, %get3A_419] {strides = array<i32>} : memref<16x128xf32, #tpu.memory_space<vmem>>, vector<16xf32>,
      %max3A_421 = arith.maximumf %max3A_416, %get3A_420 : vector<16xf32>
      %get3A_422 = arith.constant 14 : i32
      %get3A_423 = arith.index_cast %get3A_422 : i32 to index
      %get3A_424 = arith.constant 32 : index
      %get3A_425 = tpu.vector_load %arg12[%get3A_423, %get3A_424] {strides = array<i32>} : memref<16x128xf32, #tpu.memory_space<vmem>>, vector<16xf32>,
      %max3A_426 = arith.maximumf %max3A_421, %get3A_425 : vector<16xf32>
      %get3A_427 = arith.constant 15 : i32
      %get3A_428 = arith.index_cast %get3A_427 : i32 to index
      %get3A_429 = arith.constant 32 : index
      %get3A_430 = tpu.vector_load %arg12[%get3A_428, %get3A_429] {strides = array<i32>} : memref<16x128xf32, #tpu.memory_space<vmem>>, vector<16xf32>,
      %max3A_431 = arith.maximumf %max3A_426, %get3A_430 : vector<16xf32>
      %swap3A_432 = arith.constant 0 : i32
      %swap3A_433 = arith.index_cast %swap3A_432 : i32 to index
      %swap3A_434 = arith.constant 32 : index
      %swap3A_435 = tpu.vector_load %arg16[%swap3A_433, %swap3A_434] {strides = array<i32>} : memref<2x192xf32, #tpu.memory_space<vmem>>, vector<16xf32>,
      tpu.vector_store %arg16[%swap3A_433, %swap3A_434], %max3A_431 {strides = array<i32>} : memref<2x192xf32, #tpu.memory_space<vmem>>, vector<16xf32>,
      %get3A_436 = arith.constant 0 : i32
      %get3A_437 = arith.index_cast %get3A_436 : i32 to index
      %get3A_438 = arith.constant 48 : index
      %get3A_439 = tpu.vector_load %arg12[%get3A_437, %get3A_438] {strides = array<i32>} : memref<16x128xf32, #tpu.memory_space<vmem>>, vector<16xf32>,
      %get3A_440 = arith.constant 1 : i32
      %get3A_441 = arith.index_cast %get3A_440 : i32 to index
      %get3A_442 = arith.constant 48 : index
      %get3A_443 = tpu.vector_load %arg12[%get3A_441, %get3A_442] {strides = array<i32>} : memref<16x128xf32, #tpu.memory_space<vmem>>, vector<16xf32>,
      %max3A_444 = arith.maximumf %get3A_439, %get3A_443 : vector<16xf32>
      %get3A_445 = arith.constant 2 : i32
      %get3A_446 = arith.index_cast %get3A_445 : i32 to index
      %get3A_447 = arith.constant 48 : index
      %get3A_448 = tpu.vector_load %arg12[%get3A_446, %get3A_447] {strides = array<i32>} : memref<16x128xf32, #tpu.memory_space<vmem>>, vector<16xf32>,
      %max3A_449 = arith.maximumf %max3A_444, %get3A_448 : vector<16xf32>
      %get3A_450 = arith.constant 3 : i32
      %get3A_451 = arith.index_cast %get3A_450 : i32 to index
      %get3A_452 = arith.constant 48 : index
      %get3A_453 = tpu.vector_load %arg12[%get3A_451, %get3A_452] {strides = array<i32>} : memref<16x128xf32, #tpu.memory_space<vmem>>, vector<16xf32>,
      %max3A_454 = arith.maximumf %max3A_449, %get3A_453 : vector<16xf32>
      %get3A_455 = arith.constant 4 : i32
      %get3A_456 = arith.index_cast %get3A_455 : i32 to index
      %get3A_457 = arith.constant 48 : index
      %get3A_458 = tpu.vector_load %arg12[%get3A_456, %get3A_457] {strides = array<i32>} : memref<16x128xf32, #tpu.memory_space<vmem>>, vector<16xf32>,
      %max3A_459 = arith.maximumf %max3A_454, %get3A_458 : vector<16xf32>
      %get3A_460 = arith.constant 5 : i32
      %get3A_461 = arith.index_cast %get3A_460 : i32 to index
      %get3A_462 = arith.constant 48 : index
      %get3A_463 = tpu.vector_load %arg12[%get3A_461, %get3A_462] {strides = array<i32>} : memref<16x128xf32, #tpu.memory_space<vmem>>, vector<16xf32>,
      %max3A_464 = arith.maximumf %max3A_459, %get3A_463 : vector<16xf32>
      %get3A_465 = arith.constant 6 : i32
      %get3A_466 = arith.index_cast %get3A_465 : i32 to index
      %get3A_467 = arith.constant 48 : index
      %get3A_468 = tpu.vector_load %arg12[%get3A_466, %get3A_467] {strides = array<i32>} : memref<16x128xf32, #tpu.memory_space<vmem>>, vector<16xf32>,
      %max3A_469 = arith.maximumf %max3A_464, %get3A_468 : vector<16xf32>
      %get3A_470 = arith.constant 7 : i32
      %get3A_471 = arith.index_cast %get3A_470 : i32 to index
      %get3A_472 = arith.constant 48 : index
      %get3A_473 = tpu.vector_load %arg12[%get3A_471, %get3A_472] {strides = array<i32>} : memref<16x128xf32, #tpu.memory_space<vmem>>, vector<16xf32>,
      %max3A_474 = arith.maximumf %max3A_469, %get3A_473 : vector<16xf32>
      %get3A_475 = arith.constant 8 : i32
      %get3A_476 = arith.index_cast %get3A_475 : i32 to index
      %get3A_477 = arith.constant 48 : index
      %get3A_478 = tpu.vector_load %arg12[%get3A_476, %get3A_477] {strides = array<i32>} : memref<16x128xf32, #tpu.memory_space<vmem>>, vector<16xf32>,
      %max3A_479 = arith.maximumf %max3A_474, %get3A_478 : vector<16xf32>
      %get3A_480 = arith.constant 9 : i32
      %get3A_481 = arith.index_cast %get3A_480 : i32 to index
      %get3A_482 = arith.constant 48 : index
      %get3A_483 = tpu.vector_load %arg12[%get3A_481, %get3A_482] {strides = array<i32>} : memref<16x128xf32, #tpu.memory_space<vmem>>, vector<16xf32>,
      %max3A_484 = arith.maximumf %max3A_479, %get3A_483 : vector<16xf32>
      %get3A_485 = arith.constant 10 : i32
      %get3A_486 = arith.index_cast %get3A_485 : i32 to index
      %get3A_487 = arith.constant 48 : index
      %get3A_488 = tpu.vector_load %arg12[%get3A_486, %get3A_487] {strides = array<i32>} : memref<16x128xf32, #tpu.memory_space<vmem>>, vector<16xf32>,
      %max3A_489 = arith.maximumf %max3A_484, %get3A_488 : vector<16xf32>
      %get3A_490 = arith.constant 11 : i32
      %get3A_491 = arith.index_cast %get3A_490 : i32 to index
      %get3A_492 = arith.constant 48 : index
      %get3A_493 = tpu.vector_load %arg12[%get3A_491, %get3A_492] {strides = array<i32>} : memref<16x128xf32, #tpu.memory_space<vmem>>, vector<16xf32>,
      %max3A_494 = arith.maximumf %max3A_489, %get3A_493 : vector<16xf32>
      %get3A_495 = arith.constant 12 : i32
      %get3A_496 = arith.index_cast %get3A_495 : i32 to index
      %get3A_497 = arith.constant 48 : index
      %get3A_498 = tpu.vector_load %arg12[%get3A_496, %get3A_497] {strides = array<i32>} : memref<16x128xf32, #tpu.memory_space<vmem>>, vector<16xf32>,
      %max3A_499 = arith.maximumf %max3A_494, %get3A_498 : vector<16xf32>
      %get3A_500 = arith.constant 13 : i32
      %get3A_501 = arith.index_cast %get3A_500 : i32 to index
      %get3A_502 = arith.constant 48 : index
      %get3A_503 = tpu.vector_load %arg12[%get3A_501, %get3A_502] {strides = array<i32>} : memref<16x128xf32, #tpu.memory_space<vmem>>, vector<16xf32>,
      %max3A_504 = arith.maximumf %max3A_499, %get3A_503 : vector<16xf32>
      %get3A_505 = arith.constant 14 : i32
      %get3A_506 = arith.index_cast %get3A_505 : i32 to index
      %get3A_507 = arith.constant 48 : index
      %get3A_508 = tpu.vector_load %arg12[%get3A_506, %get3A_507] {strides = array<i32>} : memref<16x128xf32, #tpu.memory_space<vmem>>, vector<16xf32>,
      %max3A_509 = arith.maximumf %max3A_504, %get3A_508 : vector<16xf32>
      %get3A_510 = arith.constant 15 : i32
      %get3A_511 = arith.index_cast %get3A_510 : i32 to index
      %get3A_512 = arith.constant 48 : index
      %get3A_513 = tpu.vector_load %arg12[%get3A_511, %get3A_512] {strides = array<i32>} : memref<16x128xf32, #tpu.memory_space<vmem>>, vector<16xf32>,
      %max3A_514 = arith.maximumf %max3A_509, %get3A_513 : vector<16xf32>
      %swap3A_515 = arith.constant 0 : i32
      %swap3A_516 = arith.index_cast %swap3A_515 : i32 to index
      %swap3A_517 = arith.constant 48 : index
      %swap3A_518 = tpu.vector_load %arg16[%swap3A_516, %swap3A_517] {strides = array<i32>} : memref<2x192xf32, #tpu.memory_space<vmem>>, vector<16xf32>,
      tpu.vector_store %arg16[%swap3A_516, %swap3A_517], %max3A_514 {strides = array<i32>} : memref<2x192xf32, #tpu.memory_space<vmem>>, vector<16xf32>,
      %get3A_519 = arith.constant 0 : i32
      %get3A_520 = arith.index_cast %get3A_519 : i32 to index
      %get3A_521 = arith.constant 0 : index
      %get3A_522 = tpu.vector_load %arg14[%get3A_520, %get3A_521] {strides = array<i32>} : memref<32x128xf32, #tpu.memory_space<vmem>>, vector<16xf32>,
      %get3A_523 = arith.constant 1 : i32
      %get3A_524 = arith.index_cast %get3A_523 : i32 to index
      %get3A_525 = arith.constant 0 : index
      %get3A_526 = tpu.vector_load %arg14[%get3A_524, %get3A_525] {strides = array<i32>} : memref<32x128xf32, #tpu.memory_space<vmem>>, vector<16xf32>,
      %max3A_527 = arith.maximumf %get3A_522, %get3A_526 : vector<16xf32>
      %get3A_528 = arith.constant 2 : i32
      %get3A_529 = arith.index_cast %get3A_528 : i32 to index
      %get3A_530 = arith.constant 0 : index
      %get3A_531 = tpu.vector_load %arg14[%get3A_529, %get3A_530] {strides = array<i32>} : memref<32x128xf32, #tpu.memory_space<vmem>>, vector<16xf32>,
      %max3A_532 = arith.maximumf %max3A_527, %get3A_531 : vector<16xf32>
      %get3A_533 = arith.constant 3 : i32
      %get3A_534 = arith.index_cast %get3A_533 : i32 to index
      %get3A_535 = arith.constant 0 : index
      %get3A_536 = tpu.vector_load %arg14[%get3A_534, %get3A_535] {strides = array<i32>} : memref<32x128xf32, #tpu.memory_space<vmem>>, vector<16xf32>,
      %max3A_537 = arith.maximumf %max3A_532, %get3A_536 : vector<16xf32>
      %get3A_538 = arith.constant 4 : i32
      %get3A_539 = arith.index_cast %get3A_538 : i32 to index
      %get3A_540 = arith.constant 0 : index
      %get3A_541 = tpu.vector_load %arg14[%get3A_539, %get3A_540] {strides = array<i32>} : memref<32x128xf32, #tpu.memory_space<vmem>>, vector<16xf32>,
      %max3A_542 = arith.maximumf %max3A_537, %get3A_541 : vector<16xf32>
      %get3A_543 = arith.constant 5 : i32
      %get3A_544 = arith.index_cast %get3A_543 : i32 to index
      %get3A_545 = arith.constant 0 : index
      %get3A_546 = tpu.vector_load %arg14[%get3A_544, %get3A_545] {strides = array<i32>} : memref<32x128xf32, #tpu.memory_space<vmem>>, vector<16xf32>,
      %max3A_547 = arith.maximumf %max3A_542, %get3A_546 : vector<16xf32>
      %get3A_548 = arith.constant 6 : i32
      %get3A_549 = arith.index_cast %get3A_548 : i32 to index
      %get3A_550 = arith.constant 0 : index
      %get3A_551 = tpu.vector_load %arg14[%get3A_549, %get3A_550] {strides = array<i32>} : memref<32x128xf32, #tpu.memory_space<vmem>>, vector<16xf32>,
      %max3A_552 = arith.maximumf %max3A_547, %get3A_551 : vector<16xf32>
      %get3A_553 = arith.constant 7 : i32
      %get3A_554 = arith.index_cast %get3A_553 : i32 to index
      %get3A_555 = arith.constant 0 : index
      %get3A_556 = tpu.vector_load %arg14[%get3A_554, %get3A_555] {strides = array<i32>} : memref<32x128xf32, #tpu.memory_space<vmem>>, vector<16xf32>,
      %max3A_557 = arith.maximumf %max3A_552, %get3A_556 : vector<16xf32>
      %get3A_558 = arith.constant 8 : i32
      %get3A_559 = arith.index_cast %get3A_558 : i32 to index
      %get3A_560 = arith.constant 0 : index
      %get3A_561 = tpu.vector_load %arg14[%get3A_559, %get3A_560] {strides = array<i32>} : memref<32x128xf32, #tpu.memory_space<vmem>>, vector<16xf32>,
      %max3A_562 = arith.maximumf %max3A_557, %get3A_561 : vector<16xf32>
      %get3A_563 = arith.constant 9 : i32
      %get3A_564 = arith.index_cast %get3A_563 : i32 to index
      %get3A_565 = arith.constant 0 : index
      %get3A_566 = tpu.vector_load %arg14[%get3A_564, %get3A_565] {strides = array<i32>} : memref<32x128xf32, #tpu.memory_space<vmem>>, vector<16xf32>,
      %max3A_567 = arith.maximumf %max3A_562, %get3A_566 : vector<16xf32>
      %get3A_568 = arith.constant 10 : i32
      %get3A_569 = arith.index_cast %get3A_568 : i32 to index
      %get3A_570 = arith.constant 0 : index
      %get3A_571 = tpu.vector_load %arg14[%get3A_569, %get3A_570] {strides = array<i32>} : memref<32x128xf32, #tpu.memory_space<vmem>>, vector<16xf32>,
      %max3A_572 = arith.maximumf %max3A_567, %get3A_571 : vector<16xf32>
      %get3A_573 = arith.constant 11 : i32
      %get3A_574 = arith.index_cast %get3A_573 : i32 to index
      %get3A_575 = arith.constant 0 : index
      %get3A_576 = tpu.vector_load %arg14[%get3A_574, %get3A_575] {strides = array<i32>} : memref<32x128xf32, #tpu.memory_space<vmem>>, vector<16xf32>,
      %max3A_577 = arith.maximumf %max3A_572, %get3A_576 : vector<16xf32>
      %get3A_578 = arith.constant 12 : i32
      %get3A_579 = arith.index_cast %get3A_578 : i32 to index
      %get3A_580 = arith.constant 0 : index
      %get3A_581 = tpu.vector_load %arg14[%get3A_579, %get3A_580] {strides = array<i32>} : memref<32x128xf32, #tpu.memory_space<vmem>>, vector<16xf32>,
      %max3A_582 = arith.maximumf %max3A_577, %get3A_581 : vector<16xf32>
      %get3A_583 = arith.constant 13 : i32
      %get3A_584 = arith.index_cast %get3A_583 : i32 to index
      %get3A_585 = arith.constant 0 : index
      %get3A_586 = tpu.vector_load %arg14[%get3A_584, %get3A_585] {strides = array<i32>} : memref<32x128xf32, #tpu.memory_space<vmem>>, vector<16xf32>,
      %max3A_587 = arith.maximumf %max3A_582, %get3A_586 : vector<16xf32>
      %get3A_588 = arith.constant 14 : i32
      %get3A_589 = arith.index_cast %get3A_588 : i32 to index
      %get3A_590 = arith.constant 0 : index
      %get3A_591 = tpu.vector_load %arg14[%get3A_589, %get3A_590] {strides = array<i32>} : memref<32x128xf32, #tpu.memory_space<vmem>>, vector<16xf32>,
      %max3A_592 = arith.maximumf %max3A_587, %get3A_591 : vector<16xf32>
      %get3A_593 = arith.constant 15 : i32
      %get3A_594 = arith.index_cast %get3A_593 : i32 to index
      %get3A_595 = arith.constant 0 : index
      %get3A_596 = tpu.vector_load %arg14[%get3A_594, %get3A_595] {strides = array<i32>} : memref<32x128xf32, #tpu.memory_space<vmem>>, vector<16xf32>,
      %max3A_597 = arith.maximumf %max3A_592, %get3A_596 : vector<16xf32>
      %get3A_598 = arith.constant 16 : i32
      %get3A_599 = arith.index_cast %get3A_598 : i32 to index
      %get3A_600 = arith.constant 0 : index
      %get3A_601 = tpu.vector_load %arg14[%get3A_599, %get3A_600] {strides = array<i32>} : memref<32x128xf32, #tpu.memory_space<vmem>>, vector<16xf32>,
      %max3A_602 = arith.maximumf %max3A_597, %get3A_601 : vector<16xf32>
      %get3A_603 = arith.constant 17 : i32
      %get3A_604 = arith.index_cast %get3A_603 : i32 to index
      %get3A_605 = arith.constant 0 : index
      %get3A_606 = tpu.vector_load %arg14[%get3A_604, %get3A_605] {strides = array<i32>} : memref<32x128xf32, #tpu.memory_space<vmem>>, vector<16xf32>,
      %max3A_607 = arith.maximumf %max3A_602, %get3A_606 : vector<16xf32>
      %get3A_608 = arith.constant 18 : i32
      %get3A_609 = arith.index_cast %get3A_608 : i32 to index
      %get3A_610 = arith.constant 0 : index
      %get3A_611 = tpu.vector_load %arg14[%get3A_609, %get3A_610] {strides = array<i32>} : memref<32x128xf32, #tpu.memory_space<vmem>>, vector<16xf32>,
      %max3A_612 = arith.maximumf %max3A_607, %get3A_611 : vector<16xf32>
      %get3A_613 = arith.constant 19 : i32
      %get3A_614 = arith.index_cast %get3A_613 : i32 to index
      %get3A_615 = arith.constant 0 : index
      %get3A_616 = tpu.vector_load %arg14[%get3A_614, %get3A_615] {strides = array<i32>} : memref<32x128xf32, #tpu.memory_space<vmem>>, vector<16xf32>,
      %max3A_617 = arith.maximumf %max3A_612, %get3A_616 : vector<16xf32>
      %get3A_618 = arith.constant 20 : i32
      %get3A_619 = arith.index_cast %get3A_618 : i32 to index
      %get3A_620 = arith.constant 0 : index
      %get3A_621 = tpu.vector_load %arg14[%get3A_619, %get3A_620] {strides = array<i32>} : memref<32x128xf32, #tpu.memory_space<vmem>>, vector<16xf32>,
      %max3A_622 = arith.maximumf %max3A_617, %get3A_621 : vector<16xf32>
      %get3A_623 = arith.constant 21 : i32
      %get3A_624 = arith.index_cast %get3A_623 : i32 to index
      %get3A_625 = arith.constant 0 : index
      %get3A_626 = tpu.vector_load %arg14[%get3A_624, %get3A_625] {strides = array<i32>} : memref<32x128xf32, #tpu.memory_space<vmem>>, vector<16xf32>,
      %max3A_627 = arith.maximumf %max3A_622, %get3A_626 : vector<16xf32>
      %get3A_628 = arith.constant 22 : i32
      %get3A_629 = arith.index_cast %get3A_628 : i32 to index
      %get3A_630 = arith.constant 0 : index
      %get3A_631 = tpu.vector_load %arg14[%get3A_629, %get3A_630] {strides = array<i32>} : memref<32x128xf32, #tpu.memory_space<vmem>>, vector<16xf32>,
      %max3A_632 = arith.maximumf %max3A_627, %get3A_631 : vector<16xf32>
      %get3A_633 = arith.constant 23 : i32
      %get3A_634 = arith.index_cast %get3A_633 : i32 to index
      %get3A_635 = arith.constant 0 : index
      %get3A_636 = tpu.vector_load %arg14[%get3A_634, %get3A_635] {strides = array<i32>} : memref<32x128xf32, #tpu.memory_space<vmem>>, vector<16xf32>,
      %max3A_637 = arith.maximumf %max3A_632, %get3A_636 : vector<16xf32>
      %get3A_638 = arith.constant 24 : i32
      %get3A_639 = arith.index_cast %get3A_638 : i32 to index
      %get3A_640 = arith.constant 0 : index
      %get3A_641 = tpu.vector_load %arg14[%get3A_639, %get3A_640] {strides = array<i32>} : memref<32x128xf32, #tpu.memory_space<vmem>>, vector<16xf32>,
      %max3A_642 = arith.maximumf %max3A_637, %get3A_641 : vector<16xf32>
      %get3A_643 = arith.constant 25 : i32
      %get3A_644 = arith.index_cast %get3A_643 : i32 to index
      %get3A_645 = arith.constant 0 : index
      %get3A_646 = tpu.vector_load %arg14[%get3A_644, %get3A_645] {strides = array<i32>} : memref<32x128xf32, #tpu.memory_space<vmem>>, vector<16xf32>,
      %max3A_647 = arith.maximumf %max3A_642, %get3A_646 : vector<16xf32>
      %get3A_648 = arith.constant 26 : i32
      %get3A_649 = arith.index_cast %get3A_648 : i32 to index
      %get3A_650 = arith.constant 0 : index
      %get3A_651 = tpu.vector_load %arg14[%get3A_649, %get3A_650] {strides = array<i32>} : memref<32x128xf32, #tpu.memory_space<vmem>>, vector<16xf32>,
      %max3A_652 = arith.maximumf %max3A_647, %get3A_651 : vector<16xf32>
      %get3A_653 = arith.constant 27 : i32
      %get3A_654 = arith.index_cast %get3A_653 : i32 to index
      %get3A_655 = arith.constant 0 : index
      %get3A_656 = tpu.vector_load %arg14[%get3A_654, %get3A_655] {strides = array<i32>} : memref<32x128xf32, #tpu.memory_space<vmem>>, vector<16xf32>,
      %max3A_657 = arith.maximumf %max3A_652, %get3A_656 : vector<16xf32>
      %get3A_658 = arith.constant 28 : i32
      %get3A_659 = arith.index_cast %get3A_658 : i32 to index
      %get3A_660 = arith.constant 0 : index
      %get3A_661 = tpu.vector_load %arg14[%get3A_659, %get3A_660] {strides = array<i32>} : memref<32x128xf32, #tpu.memory_space<vmem>>, vector<16xf32>,
      %max3A_662 = arith.maximumf %max3A_657, %get3A_661 : vector<16xf32>
      %get3A_663 = arith.constant 29 : i32
      %get3A_664 = arith.index_cast %get3A_663 : i32 to index
      %get3A_665 = arith.constant 0 : index
      %get3A_666 = tpu.vector_load %arg14[%get3A_664, %get3A_665] {strides = array<i32>} : memref<32x128xf32, #tpu.memory_space<vmem>>, vector<16xf32>,
      %max3A_667 = arith.maximumf %max3A_662, %get3A_666 : vector<16xf32>
      %get3A_668 = arith.constant 30 : i32
      %get3A_669 = arith.index_cast %get3A_668 : i32 to index
      %get3A_670 = arith.constant 0 : index
      %get3A_671 = tpu.vector_load %arg14[%get3A_669, %get3A_670] {strides = array<i32>} : memref<32x128xf32, #tpu.memory_space<vmem>>, vector<16xf32>,
      %max3A_672 = arith.maximumf %max3A_667, %get3A_671 : vector<16xf32>
      %get3A_673 = arith.constant 31 : i32
      %get3A_674 = arith.index_cast %get3A_673 : i32 to index
      %get3A_675 = arith.constant 0 : index
      %get3A_676 = tpu.vector_load %arg14[%get3A_674, %get3A_675] {strides = array<i32>} : memref<32x128xf32, #tpu.memory_space<vmem>>, vector<16xf32>,
      %max3A_677 = arith.maximumf %max3A_672, %get3A_676 : vector<16xf32>
      %swap3A_678 = arith.constant 0 : i32
      %swap3A_679 = arith.index_cast %swap3A_678 : i32 to index
      %swap3A_680 = arith.constant 64 : index
      %swap3A_681 = tpu.vector_load %arg16[%swap3A_679, %swap3A_680] {strides = array<i32>} : memref<2x192xf32, #tpu.memory_space<vmem>>, vector<16xf32>,
      tpu.vector_store %arg16[%swap3A_679, %swap3A_680], %max3A_677 {strides = array<i32>} : memref<2x192xf32, #tpu.memory_space<vmem>>, vector<16xf32>,
      %get3A_682 = arith.constant 0 : i32
      %get3A_683 = arith.index_cast %get3A_682 : i32 to index
      %get3A_684 = arith.constant 16 : index
      %get3A_685 = tpu.vector_load %arg14[%get3A_683, %get3A_684] {strides = array<i32>} : memref<32x128xf32, #tpu.memory_space<vmem>>, vector<16xf32>,
      %get3A_686 = arith.constant 1 : i32
      %get3A_687 = arith.index_cast %get3A_686 : i32 to index
      %get3A_688 = arith.constant 16 : index
      %get3A_689 = tpu.vector_load %arg14[%get3A_687, %get3A_688] {strides = array<i32>} : memref<32x128xf32, #tpu.memory_space<vmem>>, vector<16xf32>,
      %max3A_690 = arith.maximumf %get3A_685, %get3A_689 : vector<16xf32>
      %get3A_691 = arith.constant 2 : i32
      %get3A_692 = arith.index_cast %get3A_691 : i32 to index
      %get3A_693 = arith.constant 16 : index
      %get3A_694 = tpu.vector_load %arg14[%get3A_692, %get3A_693] {strides = array<i32>} : memref<32x128xf32, #tpu.memory_space<vmem>>, vector<16xf32>,
      %max3A_695 = arith.maximumf %max3A_690, %get3A_694 : vector<16xf32>
      %get3A_696 = arith.constant 3 : i32
      %get3A_697 = arith.index_cast %get3A_696 : i32 to index
      %get3A_698 = arith.constant 16 : index
      %get3A_699 = tpu.vector_load %arg14[%get3A_697, %get3A_698] {strides = array<i32>} : memref<32x128xf32, #tpu.memory_space<vmem>>, vector<16xf32>,
      %max3A_700 = arith.maximumf %max3A_695, %get3A_699 : vector<16xf32>
      %get3A_701 = arith.constant 4 : i32
      %get3A_702 = arith.index_cast %get3A_701 : i32 to index
      %get3A_703 = arith.constant 16 : index
      %get3A_704 = tpu.vector_load %arg14[%get3A_702, %get3A_703] {strides = array<i32>} : memref<32x128xf32, #tpu.memory_space<vmem>>, vector<16xf32>,
      %max3A_705 = arith.maximumf %max3A_700, %get3A_704 : vector<16xf32>
      %get3A_706 = arith.constant 5 : i32
      %get3A_707 = arith.index_cast %get3A_706 : i32 to index
      %get3A_708 = arith.constant 16 : index
      %get3A_709 = tpu.vector_load %arg14[%get3A_707, %get3A_708] {strides = array<i32>} : memref<32x128xf32, #tpu.memory_space<vmem>>, vector<16xf32>,
      %max3A_710 = arith.maximumf %max3A_705, %get3A_709 : vector<16xf32>
      %get3A_711 = arith.constant 6 : i32
      %get3A_712 = arith.index_cast %get3A_711 : i32 to index
      %get3A_713 = arith.constant 16 : index
      %get3A_714 = tpu.vector_load %arg14[%get3A_712, %get3A_713] {strides = array<i32>} : memref<32x128xf32, #tpu.memory_space<vmem>>, vector<16xf32>,
      %max3A_715 = arith.maximumf %max3A_710, %get3A_714 : vector<16xf32>
      %get3A_716 = arith.constant 7 : i32
      %get3A_717 = arith.index_cast %get3A_716 : i32 to index
      %get3A_718 = arith.constant 16 : index
      %get3A_719 = tpu.vector_load %arg14[%get3A_717, %get3A_718] {strides = array<i32>} : memref<32x128xf32, #tpu.memory_space<vmem>>, vector<16xf32>,
      %max3A_720 = arith.maximumf %max3A_715, %get3A_719 : vector<16xf32>
      %get3A_721 = arith.constant 8 : i32
      %get3A_722 = arith.index_cast %get3A_721 : i32 to index
      %get3A_723 = arith.constant 16 : index
      %get3A_724 = tpu.vector_load %arg14[%get3A_722, %get3A_723] {strides = array<i32>} : memref<32x128xf32, #tpu.memory_space<vmem>>, vector<16xf32>,
      %max3A_725 = arith.maximumf %max3A_720, %get3A_724 : vector<16xf32>
      %get3A_726 = arith.constant 9 : i32
      %get3A_727 = arith.index_cast %get3A_726 : i32 to index
      %get3A_728 = arith.constant 16 : index
      %get3A_729 = tpu.vector_load %arg14[%get3A_727, %get3A_728] {strides = array<i32>} : memref<32x128xf32, #tpu.memory_space<vmem>>, vector<16xf32>,
      %max3A_730 = arith.maximumf %max3A_725, %get3A_729 : vector<16xf32>
      %get3A_731 = arith.constant 10 : i32
      %get3A_732 = arith.index_cast %get3A_731 : i32 to index
      %get3A_733 = arith.constant 16 : index
      %get3A_734 = tpu.vector_load %arg14[%get3A_732, %get3A_733] {strides = array<i32>} : memref<32x128xf32, #tpu.memory_space<vmem>>, vector<16xf32>,
      %max3A_735 = arith.maximumf %max3A_730, %get3A_734 : vector<16xf32>
      %get3A_736 = arith.constant 11 : i32
      %get3A_737 = arith.index_cast %get3A_736 : i32 to index
      %get3A_738 = arith.constant 16 : index
      %get3A_739 = tpu.vector_load %arg14[%get3A_737, %get3A_738] {strides = array<i32>} : memref<32x128xf32, #tpu.memory_space<vmem>>, vector<16xf32>,
      %max3A_740 = arith.maximumf %max3A_735, %get3A_739 : vector<16xf32>
      %get3A_741 = arith.constant 12 : i32
      %get3A_742 = arith.index_cast %get3A_741 : i32 to index
      %get3A_743 = arith.constant 16 : index
      %get3A_744 = tpu.vector_load %arg14[%get3A_742, %get3A_743] {strides = array<i32>} : memref<32x128xf32, #tpu.memory_space<vmem>>, vector<16xf32>,
      %max3A_745 = arith.maximumf %max3A_740, %get3A_744 : vector<16xf32>
      %get3A_746 = arith.constant 13 : i32
      %get3A_747 = arith.index_cast %get3A_746 : i32 to index
      %get3A_748 = arith.constant 16 : index
      %get3A_749 = tpu.vector_load %arg14[%get3A_747, %get3A_748] {strides = array<i32>} : memref<32x128xf32, #tpu.memory_space<vmem>>, vector<16xf32>,
      %max3A_750 = arith.maximumf %max3A_745, %get3A_749 : vector<16xf32>
      %get3A_751 = arith.constant 14 : i32
      %get3A_752 = arith.index_cast %get3A_751 : i32 to index
      %get3A_753 = arith.constant 16 : index
      %get3A_754 = tpu.vector_load %arg14[%get3A_752, %get3A_753] {strides = array<i32>} : memref<32x128xf32, #tpu.memory_space<vmem>>, vector<16xf32>,
      %max3A_755 = arith.maximumf %max3A_750, %get3A_754 : vector<16xf32>
      %get3A_756 = arith.constant 15 : i32
      %get3A_757 = arith.index_cast %get3A_756 : i32 to index
      %get3A_758 = arith.constant 16 : index
      %get3A_759 = tpu.vector_load %arg14[%get3A_757, %get3A_758] {strides = array<i32>} : memref<32x128xf32, #tpu.memory_space<vmem>>, vector<16xf32>,
      %max3A_760 = arith.maximumf %max3A_755, %get3A_759 : vector<16xf32>
      %get3A_761 = arith.constant 16 : i32
      %get3A_762 = arith.index_cast %get3A_761 : i32 to index
      %get3A_763 = arith.constant 16 : index
      %get3A_764 = tpu.vector_load %arg14[%get3A_762, %get3A_763] {strides = array<i32>} : memref<32x128xf32, #tpu.memory_space<vmem>>, vector<16xf32>,
      %max3A_765 = arith.maximumf %max3A_760, %get3A_764 : vector<16xf32>
      %get3A_766 = arith.constant 17 : i32
      %get3A_767 = arith.index_cast %get3A_766 : i32 to index
      %get3A_768 = arith.constant 16 : index
      %get3A_769 = tpu.vector_load %arg14[%get3A_767, %get3A_768] {strides = array<i32>} : memref<32x128xf32, #tpu.memory_space<vmem>>, vector<16xf32>,
      %max3A_770 = arith.maximumf %max3A_765, %get3A_769 : vector<16xf32>
      %get3A_771 = arith.constant 18 : i32
      %get3A_772 = arith.index_cast %get3A_771 : i32 to index
      %get3A_773 = arith.constant 16 : index
      %get3A_774 = tpu.vector_load %arg14[%get3A_772, %get3A_773] {strides = array<i32>} : memref<32x128xf32, #tpu.memory_space<vmem>>, vector<16xf32>,
      %max3A_775 = arith.maximumf %max3A_770, %get3A_774 : vector<16xf32>
      %get3A_776 = arith.constant 19 : i32
      %get3A_777 = arith.index_cast %get3A_776 : i32 to index
      %get3A_778 = arith.constant 16 : index
      %get3A_779 = tpu.vector_load %arg14[%get3A_777, %get3A_778] {strides = array<i32>} : memref<32x128xf32, #tpu.memory_space<vmem>>, vector<16xf32>,
      %max3A_780 = arith.maximumf %max3A_775, %get3A_779 : vector<16xf32>
      %get3A_781 = arith.constant 20 : i32
      %get3A_782 = arith.index_cast %get3A_781 : i32 to index
      %get3A_783 = arith.constant 16 : index
      %get3A_784 = tpu.vector_load %arg14[%get3A_782, %get3A_783] {strides = array<i32>} : memref<32x128xf32, #tpu.memory_space<vmem>>, vector<16xf32>,
      %max3A_785 = arith.maximumf %max3A_780, %get3A_784 : vector<16xf32>
      %get3A_786 = arith.constant 21 : i32
      %get3A_787 = arith.index_cast %get3A_786 : i32 to index
      %get3A_788 = arith.constant 16 : index
      %get3A_789 = tpu.vector_load %arg14[%get3A_787, %get3A_788] {strides = array<i32>} : memref<32x128xf32, #tpu.memory_space<vmem>>, vector<16xf32>,
      %max3A_790 = arith.maximumf %max3A_785, %get3A_789 : vector<16xf32>
      %get3A_791 = arith.constant 22 : i32
      %get3A_792 = arith.index_cast %get3A_791 : i32 to index
      %get3A_793 = arith.constant 16 : index
      %get3A_794 = tpu.vector_load %arg14[%get3A_792, %get3A_793] {strides = array<i32>} : memref<32x128xf32, #tpu.memory_space<vmem>>, vector<16xf32>,
      %max3A_795 = arith.maximumf %max3A_790, %get3A_794 : vector<16xf32>
      %get3A_796 = arith.constant 23 : i32
      %get3A_797 = arith.index_cast %get3A_796 : i32 to index
      %get3A_798 = arith.constant 16 : index
      %get3A_799 = tpu.vector_load %arg14[%get3A_797, %get3A_798] {strides = array<i32>} : memref<32x128xf32, #tpu.memory_space<vmem>>, vector<16xf32>,
      %max3A_800 = arith.maximumf %max3A_795, %get3A_799 : vector<16xf32>
      %get3A_801 = arith.constant 24 : i32
      %get3A_802 = arith.index_cast %get3A_801 : i32 to index
      %get3A_803 = arith.constant 16 : index
      %get3A_804 = tpu.vector_load %arg14[%get3A_802, %get3A_803] {strides = array<i32>} : memref<32x128xf32, #tpu.memory_space<vmem>>, vector<16xf32>,
      %max3A_805 = arith.maximumf %max3A_800, %get3A_804 : vector<16xf32>
      %get3A_806 = arith.constant 25 : i32
      %get3A_807 = arith.index_cast %get3A_806 : i32 to index
      %get3A_808 = arith.constant 16 : index
      %get3A_809 = tpu.vector_load %arg14[%get3A_807, %get3A_808] {strides = array<i32>} : memref<32x128xf32, #tpu.memory_space<vmem>>, vector<16xf32>,
      %max3A_810 = arith.maximumf %max3A_805, %get3A_809 : vector<16xf32>
      %get3A_811 = arith.constant 26 : i32
      %get3A_812 = arith.index_cast %get3A_811 : i32 to index
      %get3A_813 = arith.constant 16 : index
      %get3A_814 = tpu.vector_load %arg14[%get3A_812, %get3A_813] {strides = array<i32>} : memref<32x128xf32, #tpu.memory_space<vmem>>, vector<16xf32>,
      %max3A_815 = arith.maximumf %max3A_810, %get3A_814 : vector<16xf32>
      %get3A_816 = arith.constant 27 : i32
      %get3A_817 = arith.index_cast %get3A_816 : i32 to index
      %get3A_818 = arith.constant 16 : index
      %get3A_819 = tpu.vector_load %arg14[%get3A_817, %get3A_818] {strides = array<i32>} : memref<32x128xf32, #tpu.memory_space<vmem>>, vector<16xf32>,
      %max3A_820 = arith.maximumf %max3A_815, %get3A_819 : vector<16xf32>
      %get3A_821 = arith.constant 28 : i32
      %get3A_822 = arith.index_cast %get3A_821 : i32 to index
      %get3A_823 = arith.constant 16 : index
      %get3A_824 = tpu.vector_load %arg14[%get3A_822, %get3A_823] {strides = array<i32>} : memref<32x128xf32, #tpu.memory_space<vmem>>, vector<16xf32>,
      %max3A_825 = arith.maximumf %max3A_820, %get3A_824 : vector<16xf32>
      %get3A_826 = arith.constant 29 : i32
      %get3A_827 = arith.index_cast %get3A_826 : i32 to index
      %get3A_828 = arith.constant 16 : index
      %get3A_829 = tpu.vector_load %arg14[%get3A_827, %get3A_828] {strides = array<i32>} : memref<32x128xf32, #tpu.memory_space<vmem>>, vector<16xf32>,
      %max3A_830 = arith.maximumf %max3A_825, %get3A_829 : vector<16xf32>
      %get3A_831 = arith.constant 30 : i32
      %get3A_832 = arith.index_cast %get3A_831 : i32 to index
      %get3A_833 = arith.constant 16 : index
      %get3A_834 = tpu.vector_load %arg14[%get3A_832, %get3A_833] {strides = array<i32>} : memref<32x128xf32, #tpu.memory_space<vmem>>, vector<16xf32>,
      %max3A_835 = arith.maximumf %max3A_830, %get3A_834 : vector<16xf32>
      %get3A_836 = arith.constant 31 : i32
      %get3A_837 = arith.index_cast %get3A_836 : i32 to index
      %get3A_838 = arith.constant 16 : index
      %get3A_839 = tpu.vector_load %arg14[%get3A_837, %get3A_838] {strides = array<i32>} : memref<32x128xf32, #tpu.memory_space<vmem>>, vector<16xf32>,
      %max3A_840 = arith.maximumf %max3A_835, %get3A_839 : vector<16xf32>
      %swap3A_841 = arith.constant 0 : i32
      %swap3A_842 = arith.index_cast %swap3A_841 : i32 to index
      %swap3A_843 = arith.constant 80 : index
      %swap3A_844 = tpu.vector_load %arg16[%swap3A_842, %swap3A_843] {strides = array<i32>} : memref<2x192xf32, #tpu.memory_space<vmem>>, vector<16xf32>,
      tpu.vector_store %arg16[%swap3A_842, %swap3A_843], %max3A_840 {strides = array<i32>} : memref<2x192xf32, #tpu.memory_space<vmem>>, vector<16xf32>,
      %get3A_845 = arith.constant 0 : i32
      %get3A_846 = arith.index_cast %get3A_845 : i32 to index
      %get3A_847 = arith.constant 32 : index
      %get3A_848 = tpu.vector_load %arg14[%get3A_846, %get3A_847] {strides = array<i32>} : memref<32x128xf32, #tpu.memory_space<vmem>>, vector<16xf32>,
      %get3A_849 = arith.constant 1 : i32
      %get3A_850 = arith.index_cast %get3A_849 : i32 to index
      %get3A_851 = arith.constant 32 : index
      %get3A_852 = tpu.vector_load %arg14[%get3A_850, %get3A_851] {strides = array<i32>} : memref<32x128xf32, #tpu.memory_space<vmem>>, vector<16xf32>,
      %max3A_853 = arith.maximumf %get3A_848, %get3A_852 : vector<16xf32>
      %get3A_854 = arith.constant 2 : i32
      %get3A_855 = arith.index_cast %get3A_854 : i32 to index
      %get3A_856 = arith.constant 32 : index
      %get3A_857 = tpu.vector_load %arg14[%get3A_855, %get3A_856] {strides = array<i32>} : memref<32x128xf32, #tpu.memory_space<vmem>>, vector<16xf32>,
      %max3A_858 = arith.maximumf %max3A_853, %get3A_857 : vector<16xf32>
      %get3A_859 = arith.constant 3 : i32
      %get3A_860 = arith.index_cast %get3A_859 : i32 to index
      %get3A_861 = arith.constant 32 : index
      %get3A_862 = tpu.vector_load %arg14[%get3A_860, %get3A_861] {strides = array<i32>} : memref<32x128xf32, #tpu.memory_space<vmem>>, vector<16xf32>,
      %max3A_863 = arith.maximumf %max3A_858, %get3A_862 : vector<16xf32>
      %get3A_864 = arith.constant 4 : i32
      %get3A_865 = arith.index_cast %get3A_864 : i32 to index
      %get3A_866 = arith.constant 32 : index
      %get3A_867 = tpu.vector_load %arg14[%get3A_865, %get3A_866] {strides = array<i32>} : memref<32x128xf32, #tpu.memory_space<vmem>>, vector<16xf32>,
      %max3A_868 = arith.maximumf %max3A_863, %get3A_867 : vector<16xf32>
      %get3A_869 = arith.constant 5 : i32
      %get3A_870 = arith.index_cast %get3A_869 : i32 to index
      %get3A_871 = arith.constant 32 : index
      %get3A_872 = tpu.vector_load %arg14[%get3A_870, %get3A_871] {strides = array<i32>} : memref<32x128xf32, #tpu.memory_space<vmem>>, vector<16xf32>,
      %max3A_873 = arith.maximumf %max3A_868, %get3A_872 : vector<16xf32>
      %get3A_874 = arith.constant 6 : i32
      %get3A_875 = arith.index_cast %get3A_874 : i32 to index
      %get3A_876 = arith.constant 32 : index
      %get3A_877 = tpu.vector_load %arg14[%get3A_875, %get3A_876] {strides = array<i32>} : memref<32x128xf32, #tpu.memory_space<vmem>>, vector<16xf32>,
      %max3A_878 = arith.maximumf %max3A_873, %get3A_877 : vector<16xf32>
      %get3A_879 = arith.constant 7 : i32
      %get3A_880 = arith.index_cast %get3A_879 : i32 to index
      %get3A_881 = arith.constant 32 : index
      %get3A_882 = tpu.vector_load %arg14[%get3A_880, %get3A_881] {strides = array<i32>} : memref<32x128xf32, #tpu.memory_space<vmem>>, vector<16xf32>,
      %max3A_883 = arith.maximumf %max3A_878, %get3A_882 : vector<16xf32>
      %get3A_884 = arith.constant 8 : i32
      %get3A_885 = arith.index_cast %get3A_884 : i32 to index
      %get3A_886 = arith.constant 32 : index
      %get3A_887 = tpu.vector_load %arg14[%get3A_885, %get3A_886] {strides = array<i32>} : memref<32x128xf32, #tpu.memory_space<vmem>>, vector<16xf32>,
      %max3A_888 = arith.maximumf %max3A_883, %get3A_887 : vector<16xf32>
      %get3A_889 = arith.constant 9 : i32
      %get3A_890 = arith.index_cast %get3A_889 : i32 to index
      %get3A_891 = arith.constant 32 : index
      %get3A_892 = tpu.vector_load %arg14[%get3A_890, %get3A_891] {strides = array<i32>} : memref<32x128xf32, #tpu.memory_space<vmem>>, vector<16xf32>,
      %max3A_893 = arith.maximumf %max3A_888, %get3A_892 : vector<16xf32>
      %get3A_894 = arith.constant 10 : i32
      %get3A_895 = arith.index_cast %get3A_894 : i32 to index
      %get3A_896 = arith.constant 32 : index
      %get3A_897 = tpu.vector_load %arg14[%get3A_895, %get3A_896] {strides = array<i32>} : memref<32x128xf32, #tpu.memory_space<vmem>>, vector<16xf32>,
      %max3A_898 = arith.maximumf %max3A_893, %get3A_897 : vector<16xf32>
      %get3A_899 = arith.constant 11 : i32
      %get3A_900 = arith.index_cast %get3A_899 : i32 to index
      %get3A_901 = arith.constant 32 : index
      %get3A_902 = tpu.vector_load %arg14[%get3A_900, %get3A_901] {strides = array<i32>} : memref<32x128xf32, #tpu.memory_space<vmem>>, vector<16xf32>,
      %max3A_903 = arith.maximumf %max3A_898, %get3A_902 : vector<16xf32>
      %get3A_904 = arith.constant 12 : i32
      %get3A_905 = arith.index_cast %get3A_904 : i32 to index
      %get3A_906 = arith.constant 32 : index
      %get3A_907 = tpu.vector_load %arg14[%get3A_905, %get3A_906] {strides = array<i32>} : memref<32x128xf32, #tpu.memory_space<vmem>>, vector<16xf32>,
      %max3A_908 = arith.maximumf %max3A_903, %get3A_907 : vector<16xf32>
      %get3A_909 = arith.constant 13 : i32
      %get3A_910 = arith.index_cast %get3A_909 : i32 to index
      %get3A_911 = arith.constant 32 : index
      %get3A_912 = tpu.vector_load %arg14[%get3A_910, %get3A_911] {strides = array<i32>} : memref<32x128xf32, #tpu.memory_space<vmem>>, vector<16xf32>,
      %max3A_913 = arith.maximumf %max3A_908, %get3A_912 : vector<16xf32>
      %get3A_914 = arith.constant 14 : i32
      %get3A_915 = arith.index_cast %get3A_914 : i32 to index
      %get3A_916 = arith.constant 32 : index
      %get3A_917 = tpu.vector_load %arg14[%get3A_915, %get3A_916] {strides = array<i32>} : memref<32x128xf32, #tpu.memory_space<vmem>>, vector<16xf32>,
      %max3A_918 = arith.maximumf %max3A_913, %get3A_917 : vector<16xf32>
      %get3A_919 = arith.constant 15 : i32
      %get3A_920 = arith.index_cast %get3A_919 : i32 to index
      %get3A_921 = arith.constant 32 : index
      %get3A_922 = tpu.vector_load %arg14[%get3A_920, %get3A_921] {strides = array<i32>} : memref<32x128xf32, #tpu.memory_space<vmem>>, vector<16xf32>,
      %max3A_923 = arith.maximumf %max3A_918, %get3A_922 : vector<16xf32>
      %get3A_924 = arith.constant 16 : i32
      %get3A_925 = arith.index_cast %get3A_924 : i32 to index
      %get3A_926 = arith.constant 32 : index
      %get3A_927 = tpu.vector_load %arg14[%get3A_925, %get3A_926] {strides = array<i32>} : memref<32x128xf32, #tpu.memory_space<vmem>>, vector<16xf32>,
      %max3A_928 = arith.maximumf %max3A_923, %get3A_927 : vector<16xf32>
      %get3A_929 = arith.constant 17 : i32
      %get3A_930 = arith.index_cast %get3A_929 : i32 to index
      %get3A_931 = arith.constant 32 : index
      %get3A_932 = tpu.vector_load %arg14[%get3A_930, %get3A_931] {strides = array<i32>} : memref<32x128xf32, #tpu.memory_space<vmem>>, vector<16xf32>,
      %max3A_933 = arith.maximumf %max3A_928, %get3A_932 : vector<16xf32>
      %get3A_934 = arith.constant 18 : i32
      %get3A_935 = arith.index_cast %get3A_934 : i32 to index
      %get3A_936 = arith.constant 32 : index
      %get3A_937 = tpu.vector_load %arg14[%get3A_935, %get3A_936] {strides = array<i32>} : memref<32x128xf32, #tpu.memory_space<vmem>>, vector<16xf32>,
      %max3A_938 = arith.maximumf %max3A_933, %get3A_937 : vector<16xf32>
      %get3A_939 = arith.constant 19 : i32
      %get3A_940 = arith.index_cast %get3A_939 : i32 to index
      %get3A_941 = arith.constant 32 : index
      %get3A_942 = tpu.vector_load %arg14[%get3A_940, %get3A_941] {strides = array<i32>} : memref<32x128xf32, #tpu.memory_space<vmem>>, vector<16xf32>,
      %max3A_943 = arith.maximumf %max3A_938, %get3A_942 : vector<16xf32>
      %get3A_944 = arith.constant 20 : i32
      %get3A_945 = arith.index_cast %get3A_944 : i32 to index
      %get3A_946 = arith.constant 32 : index
      %get3A_947 = tpu.vector_load %arg14[%get3A_945, %get3A_946] {strides = array<i32>} : memref<32x128xf32, #tpu.memory_space<vmem>>, vector<16xf32>,
      %max3A_948 = arith.maximumf %max3A_943, %get3A_947 : vector<16xf32>
      %get3A_949 = arith.constant 21 : i32
      %get3A_950 = arith.index_cast %get3A_949 : i32 to index
      %get3A_951 = arith.constant 32 : index
      %get3A_952 = tpu.vector_load %arg14[%get3A_950, %get3A_951] {strides = array<i32>} : memref<32x128xf32, #tpu.memory_space<vmem>>, vector<16xf32>,
      %max3A_953 = arith.maximumf %max3A_948, %get3A_952 : vector<16xf32>
      %get3A_954 = arith.constant 22 : i32
      %get3A_955 = arith.index_cast %get3A_954 : i32 to index
      %get3A_956 = arith.constant 32 : index
      %get3A_957 = tpu.vector_load %arg14[%get3A_955, %get3A_956] {strides = array<i32>} : memref<32x128xf32, #tpu.memory_space<vmem>>, vector<16xf32>,
      %max3A_958 = arith.maximumf %max3A_953, %get3A_957 : vector<16xf32>
      %get3A_959 = arith.constant 23 : i32
      %get3A_960 = arith.index_cast %get3A_959 : i32 to index
      %get3A_961 = arith.constant 32 : index
      %get3A_962 = tpu.vector_load %arg14[%get3A_960, %get3A_961] {strides = array<i32>} : memref<32x128xf32, #tpu.memory_space<vmem>>, vector<16xf32>,
      %max3A_963 = arith.maximumf %max3A_958, %get3A_962 : vector<16xf32>
      %get3A_964 = arith.constant 24 : i32
      %get3A_965 = arith.index_cast %get3A_964 : i32 to index
      %get3A_966 = arith.constant 32 : index
      %get3A_967 = tpu.vector_load %arg14[%get3A_965, %get3A_966] {strides = array<i32>} : memref<32x128xf32, #tpu.memory_space<vmem>>, vector<16xf32>,
      %max3A_968 = arith.maximumf %max3A_963, %get3A_967 : vector<16xf32>
      %get3A_969 = arith.constant 25 : i32
      %get3A_970 = arith.index_cast %get3A_969 : i32 to index
      %get3A_971 = arith.constant 32 : index
      %get3A_972 = tpu.vector_load %arg14[%get3A_970, %get3A_971] {strides = array<i32>} : memref<32x128xf32, #tpu.memory_space<vmem>>, vector<16xf32>,
      %max3A_973 = arith.maximumf %max3A_968, %get3A_972 : vector<16xf32>
      %get3A_974 = arith.constant 26 : i32
      %get3A_975 = arith.index_cast %get3A_974 : i32 to index
      %get3A_976 = arith.constant 32 : index
      %get3A_977 = tpu.vector_load %arg14[%get3A_975, %get3A_976] {strides = array<i32>} : memref<32x128xf32, #tpu.memory_space<vmem>>, vector<16xf32>,
      %max3A_978 = arith.maximumf %max3A_973, %get3A_977 : vector<16xf32>
      %get3A_979 = arith.constant 27 : i32
      %get3A_980 = arith.index_cast %get3A_979 : i32 to index
      %get3A_981 = arith.constant 32 : index
      %get3A_982 = tpu.vector_load %arg14[%get3A_980, %get3A_981] {strides = array<i32>} : memref<32x128xf32, #tpu.memory_space<vmem>>, vector<16xf32>,
      %max3A_983 = arith.maximumf %max3A_978, %get3A_982 : vector<16xf32>
      %get3A_984 = arith.constant 28 : i32
      %get3A_985 = arith.index_cast %get3A_984 : i32 to index
      %get3A_986 = arith.constant 32 : index
      %get3A_987 = tpu.vector_load %arg14[%get3A_985, %get3A_986] {strides = array<i32>} : memref<32x128xf32, #tpu.memory_space<vmem>>, vector<16xf32>,
      %max3A_988 = arith.maximumf %max3A_983, %get3A_987 : vector<16xf32>
      %get3A_989 = arith.constant 29 : i32
      %get3A_990 = arith.index_cast %get3A_989 : i32 to index
      %get3A_991 = arith.constant 32 : index
      %get3A_992 = tpu.vector_load %arg14[%get3A_990, %get3A_991] {strides = array<i32>} : memref<32x128xf32, #tpu.memory_space<vmem>>, vector<16xf32>,
      %max3A_993 = arith.maximumf %max3A_988, %get3A_992 : vector<16xf32>
      %get3A_994 = arith.constant 30 : i32
      %get3A_995 = arith.index_cast %get3A_994 : i32 to index
      %get3A_996 = arith.constant 32 : index
      %get3A_997 = tpu.vector_load %arg14[%get3A_995, %get3A_996] {strides = array<i32>} : memref<32x128xf32, #tpu.memory_space<vmem>>, vector<16xf32>,
      %max3A_998 = arith.maximumf %max3A_993, %get3A_997 : vector<16xf32>
      %get3A_999 = arith.constant 31 : i32
      %get3A_1000 = arith.index_cast %get3A_999 : i32 to index
      %get3A_1001 = arith.constant 32 : index
      %get3A_1002 = tpu.vector_load %arg14[%get3A_1000, %get3A_1001] {strides = array<i32>} : memref<32x128xf32, #tpu.memory_space<vmem>>, vector<16xf32>,
      %max3A_1003 = arith.maximumf %max3A_998, %get3A_1002 : vector<16xf32>
      %swap3A_1004 = arith.constant 0 : i32
      %swap3A_1005 = arith.index_cast %swap3A_1004 : i32 to index
      %swap3A_1006 = arith.constant 96 : index
      %swap3A_1007 = tpu.vector_load %arg16[%swap3A_1005, %swap3A_1006] {strides = array<i32>} : memref<2x192xf32, #tpu.memory_space<vmem>>, vector<16xf32>,
      tpu.vector_store %arg16[%swap3A_1005, %swap3A_1006], %max3A_1003 {strides = array<i32>} : memref<2x192xf32, #tpu.memory_space<vmem>>, vector<16xf32>,
      %get3A_1008 = arith.constant 0 : i32
      %get3A_1009 = arith.index_cast %get3A_1008 : i32 to index
      %get3A_1010 = arith.constant 48 : index
      %get3A_1011 = tpu.vector_load %arg14[%get3A_1009, %get3A_1010] {strides = array<i32>} : memref<32x128xf32, #tpu.memory_space<vmem>>, vector<16xf32>,
      %get3A_1012 = arith.constant 1 : i32
      %get3A_1013 = arith.index_cast %get3A_1012 : i32 to index
      %get3A_1014 = arith.constant 48 : index
      %get3A_1015 = tpu.vector_load %arg14[%get3A_1013, %get3A_1014] {strides = array<i32>} : memref<32x128xf32, #tpu.memory_space<vmem>>, vector<16xf32>,
      %max3A_1016 = arith.maximumf %get3A_1011, %get3A_1015 : vector<16xf32>
      %get3A_1017 = arith.constant 2 : i32
      %get3A_1018 = arith.index_cast %get3A_1017 : i32 to index
      %get3A_1019 = arith.constant 48 : index
      %get3A_1020 = tpu.vector_load %arg14[%get3A_1018, %get3A_1019] {strides = array<i32>} : memref<32x128xf32, #tpu.memory_space<vmem>>, vector<16xf32>,
      %max3A_1021 = arith.maximumf %max3A_1016, %get3A_1020 : vector<16xf32>
      %get3A_1022 = arith.constant 3 : i32
      %get3A_1023 = arith.index_cast %get3A_1022 : i32 to index
      %get3A_1024 = arith.constant 48 : index
      %get3A_1025 = tpu.vector_load %arg14[%get3A_1023, %get3A_1024] {strides = array<i32>} : memref<32x128xf32, #tpu.memory_space<vmem>>, vector<16xf32>,
      %max3A_1026 = arith.maximumf %max3A_1021, %get3A_1025 : vector<16xf32>
      %get3A_1027 = arith.constant 4 : i32
      %get3A_1028 = arith.index_cast %get3A_1027 : i32 to index
      %get3A_1029 = arith.constant 48 : index
      %get3A_1030 = tpu.vector_load %arg14[%get3A_1028, %get3A_1029] {strides = array<i32>} : memref<32x128xf32, #tpu.memory_space<vmem>>, vector<16xf32>,
      %max3A_1031 = arith.maximumf %max3A_1026, %get3A_1030 : vector<16xf32>
      %get3A_1032 = arith.constant 5 : i32
      %get3A_1033 = arith.index_cast %get3A_1032 : i32 to index
      %get3A_1034 = arith.constant 48 : index
      %get3A_1035 = tpu.vector_load %arg14[%get3A_1033, %get3A_1034] {strides = array<i32>} : memref<32x128xf32, #tpu.memory_space<vmem>>, vector<16xf32>,
      %max3A_1036 = arith.maximumf %max3A_1031, %get3A_1035 : vector<16xf32>
      %get3A_1037 = arith.constant 6 : i32
      %get3A_1038 = arith.index_cast %get3A_1037 : i32 to index
      %get3A_1039 = arith.constant 48 : index
      %get3A_1040 = tpu.vector_load %arg14[%get3A_1038, %get3A_1039] {strides = array<i32>} : memref<32x128xf32, #tpu.memory_space<vmem>>, vector<16xf32>,
      %max3A_1041 = arith.maximumf %max3A_1036, %get3A_1040 : vector<16xf32>
      %get3A_1042 = arith.constant 7 : i32
      %get3A_1043 = arith.index_cast %get3A_1042 : i32 to index
      %get3A_1044 = arith.constant 48 : index
      %get3A_1045 = tpu.vector_load %arg14[%get3A_1043, %get3A_1044] {strides = array<i32>} : memref<32x128xf32, #tpu.memory_space<vmem>>, vector<16xf32>,
      %max3A_1046 = arith.maximumf %max3A_1041, %get3A_1045 : vector<16xf32>
      %get3A_1047 = arith.constant 8 : i32
      %get3A_1048 = arith.index_cast %get3A_1047 : i32 to index
      %get3A_1049 = arith.constant 48 : index
      %get3A_1050 = tpu.vector_load %arg14[%get3A_1048, %get3A_1049] {strides = array<i32>} : memref<32x128xf32, #tpu.memory_space<vmem>>, vector<16xf32>,
      %max3A_1051 = arith.maximumf %max3A_1046, %get3A_1050 : vector<16xf32>
      %get3A_1052 = arith.constant 9 : i32
      %get3A_1053 = arith.index_cast %get3A_1052 : i32 to index
      %get3A_1054 = arith.constant 48 : index
      %get3A_1055 = tpu.vector_load %arg14[%get3A_1053, %get3A_1054] {strides = array<i32>} : memref<32x128xf32, #tpu.memory_space<vmem>>, vector<16xf32>,
      %max3A_1056 = arith.maximumf %max3A_1051, %get3A_1055 : vector<16xf32>
      %get3A_1057 = arith.constant 10 : i32
      %get3A_1058 = arith.index_cast %get3A_1057 : i32 to index
      %get3A_1059 = arith.constant 48 : index
      %get3A_1060 = tpu.vector_load %arg14[%get3A_1058, %get3A_1059] {strides = array<i32>} : memref<32x128xf32, #tpu.memory_space<vmem>>, vector<16xf32>,
      %max3A_1061 = arith.maximumf %max3A_1056, %get3A_1060 : vector<16xf32>
      %get3A_1062 = arith.constant 11 : i32
      %get3A_1063 = arith.index_cast %get3A_1062 : i32 to index
      %get3A_1064 = arith.constant 48 : index
      %get3A_1065 = tpu.vector_load %arg14[%get3A_1063, %get3A_1064] {strides = array<i32>} : memref<32x128xf32, #tpu.memory_space<vmem>>, vector<16xf32>,
      %max3A_1066 = arith.maximumf %max3A_1061, %get3A_1065 : vector<16xf32>
      %get3A_1067 = arith.constant 12 : i32
      %get3A_1068 = arith.index_cast %get3A_1067 : i32 to index
      %get3A_1069 = arith.constant 48 : index
      %get3A_1070 = tpu.vector_load %arg14[%get3A_1068, %get3A_1069] {strides = array<i32>} : memref<32x128xf32, #tpu.memory_space<vmem>>, vector<16xf32>,
      %max3A_1071 = arith.maximumf %max3A_1066, %get3A_1070 : vector<16xf32>
      %get3A_1072 = arith.constant 13 : i32
      %get3A_1073 = arith.index_cast %get3A_1072 : i32 to index
      %get3A_1074 = arith.constant 48 : index
      %get3A_1075 = tpu.vector_load %arg14[%get3A_1073, %get3A_1074] {strides = array<i32>} : memref<32x128xf32, #tpu.memory_space<vmem>>, vector<16xf32>,
      %max3A_1076 = arith.maximumf %max3A_1071, %get3A_1075 : vector<16xf32>
      %get3A_1077 = arith.constant 14 : i32
      %get3A_1078 = arith.index_cast %get3A_1077 : i32 to index
      %get3A_1079 = arith.constant 48 : index
      %get3A_1080 = tpu.vector_load %arg14[%get3A_1078, %get3A_1079] {strides = array<i32>} : memref<32x128xf32, #tpu.memory_space<vmem>>, vector<16xf32>,
      %max3A_1081 = arith.maximumf %max3A_1076, %get3A_1080 : vector<16xf32>
      %get3A_1082 = arith.constant 15 : i32
      %get3A_1083 = arith.index_cast %get3A_1082 : i32 to index
      %get3A_1084 = arith.constant 48 : index
      %get3A_1085 = tpu.vector_load %arg14[%get3A_1083, %get3A_1084] {strides = array<i32>} : memref<32x128xf32, #tpu.memory_space<vmem>>, vector<16xf32>,
      %max3A_1086 = arith.maximumf %max3A_1081, %get3A_1085 : vector<16xf32>
      %get3A_1087 = arith.constant 16 : i32
      %get3A_1088 = arith.index_cast %get3A_1087 : i32 to index
      %get3A_1089 = arith.constant 48 : index
      %get3A_1090 = tpu.vector_load %arg14[%get3A_1088, %get3A_1089] {strides = array<i32>} : memref<32x128xf32, #tpu.memory_space<vmem>>, vector<16xf32>,
      %max3A_1091 = arith.maximumf %max3A_1086, %get3A_1090 : vector<16xf32>
      %get3A_1092 = arith.constant 17 : i32
      %get3A_1093 = arith.index_cast %get3A_1092 : i32 to index
      %get3A_1094 = arith.constant 48 : index
      %get3A_1095 = tpu.vector_load %arg14[%get3A_1093, %get3A_1094] {strides = array<i32>} : memref<32x128xf32, #tpu.memory_space<vmem>>, vector<16xf32>,
      %max3A_1096 = arith.maximumf %max3A_1091, %get3A_1095 : vector<16xf32>
      %get3A_1097 = arith.constant 18 : i32
      %get3A_1098 = arith.index_cast %get3A_1097 : i32 to index
      %get3A_1099 = arith.constant 48 : index
      %get3A_1100 = tpu.vector_load %arg14[%get3A_1098, %get3A_1099] {strides = array<i32>} : memref<32x128xf32, #tpu.memory_space<vmem>>, vector<16xf32>,
      %max3A_1101 = arith.maximumf %max3A_1096, %get3A_1100 : vector<16xf32>
      %get3A_1102 = arith.constant 19 : i32
      %get3A_1103 = arith.index_cast %get3A_1102 : i32 to index
      %get3A_1104 = arith.constant 48 : index
      %get3A_1105 = tpu.vector_load %arg14[%get3A_1103, %get3A_1104] {strides = array<i32>} : memref<32x128xf32, #tpu.memory_space<vmem>>, vector<16xf32>,
      %max3A_1106 = arith.maximumf %max3A_1101, %get3A_1105 : vector<16xf32>
      %get3A_1107 = arith.constant 20 : i32
      %get3A_1108 = arith.index_cast %get3A_1107 : i32 to index
      %get3A_1109 = arith.constant 48 : index
      %get3A_1110 = tpu.vector_load %arg14[%get3A_1108, %get3A_1109] {strides = array<i32>} : memref<32x128xf32, #tpu.memory_space<vmem>>, vector<16xf32>,
      %max3A_1111 = arith.maximumf %max3A_1106, %get3A_1110 : vector<16xf32>
      %get3A_1112 = arith.constant 21 : i32
      %get3A_1113 = arith.index_cast %get3A_1112 : i32 to index
      %get3A_1114 = arith.constant 48 : index
      %get3A_1115 = tpu.vector_load %arg14[%get3A_1113, %get3A_1114] {strides = array<i32>} : memref<32x128xf32, #tpu.memory_space<vmem>>, vector<16xf32>,
      %max3A_1116 = arith.maximumf %max3A_1111, %get3A_1115 : vector<16xf32>
      %get3A_1117 = arith.constant 22 : i32
      %get3A_1118 = arith.index_cast %get3A_1117 : i32 to index
      %get3A_1119 = arith.constant 48 : index
      %get3A_1120 = tpu.vector_load %arg14[%get3A_1118, %get3A_1119] {strides = array<i32>} : memref<32x128xf32, #tpu.memory_space<vmem>>, vector<16xf32>,
      %max3A_1121 = arith.maximumf %max3A_1116, %get3A_1120 : vector<16xf32>
      %get3A_1122 = arith.constant 23 : i32
      %get3A_1123 = arith.index_cast %get3A_1122 : i32 to index
      %get3A_1124 = arith.constant 48 : index
      %get3A_1125 = tpu.vector_load %arg14[%get3A_1123, %get3A_1124] {strides = array<i32>} : memref<32x128xf32, #tpu.memory_space<vmem>>, vector<16xf32>,
      %max3A_1126 = arith.maximumf %max3A_1121, %get3A_1125 : vector<16xf32>
      %get3A_1127 = arith.constant 24 : i32
      %get3A_1128 = arith.index_cast %get3A_1127 : i32 to index
      %get3A_1129 = arith.constant 48 : index
      %get3A_1130 = tpu.vector_load %arg14[%get3A_1128, %get3A_1129] {strides = array<i32>} : memref<32x128xf32, #tpu.memory_space<vmem>>, vector<16xf32>,
      %max3A_1131 = arith.maximumf %max3A_1126, %get3A_1130 : vector<16xf32>
      %get3A_1132 = arith.constant 25 : i32
      %get3A_1133 = arith.index_cast %get3A_1132 : i32 to index
      %get3A_1134 = arith.constant 48 : index
      %get3A_1135 = tpu.vector_load %arg14[%get3A_1133, %get3A_1134] {strides = array<i32>} : memref<32x128xf32, #tpu.memory_space<vmem>>, vector<16xf32>,
      %max3A_1136 = arith.maximumf %max3A_1131, %get3A_1135 : vector<16xf32>
      %get3A_1137 = arith.constant 26 : i32
      %get3A_1138 = arith.index_cast %get3A_1137 : i32 to index
      %get3A_1139 = arith.constant 48 : index
      %get3A_1140 = tpu.vector_load %arg14[%get3A_1138, %get3A_1139] {strides = array<i32>} : memref<32x128xf32, #tpu.memory_space<vmem>>, vector<16xf32>,
      %max3A_1141 = arith.maximumf %max3A_1136, %get3A_1140 : vector<16xf32>
      %get3A_1142 = arith.constant 27 : i32
      %get3A_1143 = arith.index_cast %get3A_1142 : i32 to index
      %get3A_1144 = arith.constant 48 : index
      %get3A_1145 = tpu.vector_load %arg14[%get3A_1143, %get3A_1144] {strides = array<i32>} : memref<32x128xf32, #tpu.memory_space<vmem>>, vector<16xf32>,
      %max3A_1146 = arith.maximumf %max3A_1141, %get3A_1145 : vector<16xf32>
      %get3A_1147 = arith.constant 28 : i32
      %get3A_1148 = arith.index_cast %get3A_1147 : i32 to index
      %get3A_1149 = arith.constant 48 : index
      %get3A_1150 = tpu.vector_load %arg14[%get3A_1148, %get3A_1149] {strides = array<i32>} : memref<32x128xf32, #tpu.memory_space<vmem>>, vector<16xf32>,
      %max3A_1151 = arith.maximumf %max3A_1146, %get3A_1150 : vector<16xf32>
      %get3A_1152 = arith.constant 29 : i32
      %get3A_1153 = arith.index_cast %get3A_1152 : i32 to index
      %get3A_1154 = arith.constant 48 : index
      %get3A_1155 = tpu.vector_load %arg14[%get3A_1153, %get3A_1154] {strides = array<i32>} : memref<32x128xf32, #tpu.memory_space<vmem>>, vector<16xf32>,
      %max3A_1156 = arith.maximumf %max3A_1151, %get3A_1155 : vector<16xf32>
      %get3A_1157 = arith.constant 30 : i32
      %get3A_1158 = arith.index_cast %get3A_1157 : i32 to index
      %get3A_1159 = arith.constant 48 : index
      %get3A_1160 = tpu.vector_load %arg14[%get3A_1158, %get3A_1159] {strides = array<i32>} : memref<32x128xf32, #tpu.memory_space<vmem>>, vector<16xf32>,
      %max3A_1161 = arith.maximumf %max3A_1156, %get3A_1160 : vector<16xf32>
      %get3A_1162 = arith.constant 31 : i32
      %get3A_1163 = arith.index_cast %get3A_1162 : i32 to index
      %get3A_1164 = arith.constant 48 : index
      %get3A_1165 = tpu.vector_load %arg14[%get3A_1163, %get3A_1164] {strides = array<i32>} : memref<32x128xf32, #tpu.memory_space<vmem>>, vector<16xf32>,
      %max3A_1166 = arith.maximumf %max3A_1161, %get3A_1165 : vector<16xf32>
      %swap3A_1167 = arith.constant 0 : i32
      %swap3A_1168 = arith.index_cast %swap3A_1167 : i32 to index
      %swap3A_1169 = arith.constant 112 : index
      %swap3A_1170 = tpu.vector_load %arg16[%swap3A_1168, %swap3A_1169] {strides = array<i32>} : memref<2x192xf32, #tpu.memory_space<vmem>>, vector<16xf32>,
      tpu.vector_store %arg16[%swap3A_1168, %swap3A_1169], %max3A_1166 {strides = array<i32>} : memref<2x192xf32, #tpu.memory_space<vmem>>, vector<16xf32>,
      %get3A_1171 = arith.constant 0 : i32
      %get3A_1172 = arith.index_cast %get3A_1171 : i32 to index
      %get3A_1173 = arith.constant 64 : index
      %get3A_1174 = tpu.vector_load %arg14[%get3A_1172, %get3A_1173] {strides = array<i32>} : memref<32x128xf32, #tpu.memory_space<vmem>>, vector<16xf32>,
      %get3A_1175 = arith.constant 1 : i32
      %get3A_1176 = arith.index_cast %get3A_1175 : i32 to index
      %get3A_1177 = arith.constant 64 : index
      %get3A_1178 = tpu.vector_load %arg14[%get3A_1176, %get3A_1177] {strides = array<i32>} : memref<32x128xf32, #tpu.memory_space<vmem>>, vector<16xf32>,
      %max3A_1179 = arith.maximumf %get3A_1174, %get3A_1178 : vector<16xf32>
      %get3A_1180 = arith.constant 2 : i32
      %get3A_1181 = arith.index_cast %get3A_1180 : i32 to index
      %get3A_1182 = arith.constant 64 : index
      %get3A_1183 = tpu.vector_load %arg14[%get3A_1181, %get3A_1182] {strides = array<i32>} : memref<32x128xf32, #tpu.memory_space<vmem>>, vector<16xf32>,
      %max3A_1184 = arith.maximumf %max3A_1179, %get3A_1183 : vector<16xf32>
      %get3A_1185 = arith.constant 3 : i32
      %get3A_1186 = arith.index_cast %get3A_1185 : i32 to index
      %get3A_1187 = arith.constant 64 : index
      %get3A_1188 = tpu.vector_load %arg14[%get3A_1186, %get3A_1187] {strides = array<i32>} : memref<32x128xf32, #tpu.memory_space<vmem>>, vector<16xf32>,
      %max3A_1189 = arith.maximumf %max3A_1184, %get3A_1188 : vector<16xf32>
      %get3A_1190 = arith.constant 4 : i32
      %get3A_1191 = arith.index_cast %get3A_1190 : i32 to index
      %get3A_1192 = arith.constant 64 : index
      %get3A_1193 = tpu.vector_load %arg14[%get3A_1191, %get3A_1192] {strides = array<i32>} : memref<32x128xf32, #tpu.memory_space<vmem>>, vector<16xf32>,
      %max3A_1194 = arith.maximumf %max3A_1189, %get3A_1193 : vector<16xf32>
      %get3A_1195 = arith.constant 5 : i32
      %get3A_1196 = arith.index_cast %get3A_1195 : i32 to index
      %get3A_1197 = arith.constant 64 : index
      %get3A_1198 = tpu.vector_load %arg14[%get3A_1196, %get3A_1197] {strides = array<i32>} : memref<32x128xf32, #tpu.memory_space<vmem>>, vector<16xf32>,
      %max3A_1199 = arith.maximumf %max3A_1194, %get3A_1198 : vector<16xf32>
      %get3A_1200 = arith.constant 6 : i32
      %get3A_1201 = arith.index_cast %get3A_1200 : i32 to index
      %get3A_1202 = arith.constant 64 : index
      %get3A_1203 = tpu.vector_load %arg14[%get3A_1201, %get3A_1202] {strides = array<i32>} : memref<32x128xf32, #tpu.memory_space<vmem>>, vector<16xf32>,
      %max3A_1204 = arith.maximumf %max3A_1199, %get3A_1203 : vector<16xf32>
      %get3A_1205 = arith.constant 7 : i32
      %get3A_1206 = arith.index_cast %get3A_1205 : i32 to index
      %get3A_1207 = arith.constant 64 : index
      %get3A_1208 = tpu.vector_load %arg14[%get3A_1206, %get3A_1207] {strides = array<i32>} : memref<32x128xf32, #tpu.memory_space<vmem>>, vector<16xf32>,
      %max3A_1209 = arith.maximumf %max3A_1204, %get3A_1208 : vector<16xf32>
      %get3A_1210 = arith.constant 8 : i32
      %get3A_1211 = arith.index_cast %get3A_1210 : i32 to index
      %get3A_1212 = arith.constant 64 : index
      %get3A_1213 = tpu.vector_load %arg14[%get3A_1211, %get3A_1212] {strides = array<i32>} : memref<32x128xf32, #tpu.memory_space<vmem>>, vector<16xf32>,
      %max3A_1214 = arith.maximumf %max3A_1209, %get3A_1213 : vector<16xf32>
      %get3A_1215 = arith.constant 9 : i32
      %get3A_1216 = arith.index_cast %get3A_1215 : i32 to index
      %get3A_1217 = arith.constant 64 : index
      %get3A_1218 = tpu.vector_load %arg14[%get3A_1216, %get3A_1217] {strides = array<i32>} : memref<32x128xf32, #tpu.memory_space<vmem>>, vector<16xf32>,
      %max3A_1219 = arith.maximumf %max3A_1214, %get3A_1218 : vector<16xf32>
      %get3A_1220 = arith.constant 10 : i32
      %get3A_1221 = arith.index_cast %get3A_1220 : i32 to index
      %get3A_1222 = arith.constant 64 : index
      %get3A_1223 = tpu.vector_load %arg14[%get3A_1221, %get3A_1222] {strides = array<i32>} : memref<32x128xf32, #tpu.memory_space<vmem>>, vector<16xf32>,
      %max3A_1224 = arith.maximumf %max3A_1219, %get3A_1223 : vector<16xf32>
      %get3A_1225 = arith.constant 11 : i32
      %get3A_1226 = arith.index_cast %get3A_1225 : i32 to index
      %get3A_1227 = arith.constant 64 : index
      %get3A_1228 = tpu.vector_load %arg14[%get3A_1226, %get3A_1227] {strides = array<i32>} : memref<32x128xf32, #tpu.memory_space<vmem>>, vector<16xf32>,
      %max3A_1229 = arith.maximumf %max3A_1224, %get3A_1228 : vector<16xf32>
      %get3A_1230 = arith.constant 12 : i32
      %get3A_1231 = arith.index_cast %get3A_1230 : i32 to index
      %get3A_1232 = arith.constant 64 : index
      %get3A_1233 = tpu.vector_load %arg14[%get3A_1231, %get3A_1232] {strides = array<i32>} : memref<32x128xf32, #tpu.memory_space<vmem>>, vector<16xf32>,
      %max3A_1234 = arith.maximumf %max3A_1229, %get3A_1233 : vector<16xf32>
      %get3A_1235 = arith.constant 13 : i32
      %get3A_1236 = arith.index_cast %get3A_1235 : i32 to index
      %get3A_1237 = arith.constant 64 : index
      %get3A_1238 = tpu.vector_load %arg14[%get3A_1236, %get3A_1237] {strides = array<i32>} : memref<32x128xf32, #tpu.memory_space<vmem>>, vector<16xf32>,
      %max3A_1239 = arith.maximumf %max3A_1234, %get3A_1238 : vector<16xf32>
      %get3A_1240 = arith.constant 14 : i32
      %get3A_1241 = arith.index_cast %get3A_1240 : i32 to index
      %get3A_1242 = arith.constant 64 : index
      %get3A_1243 = tpu.vector_load %arg14[%get3A_1241, %get3A_1242] {strides = array<i32>} : memref<32x128xf32, #tpu.memory_space<vmem>>, vector<16xf32>,
      %max3A_1244 = arith.maximumf %max3A_1239, %get3A_1243 : vector<16xf32>
      %get3A_1245 = arith.constant 15 : i32
      %get3A_1246 = arith.index_cast %get3A_1245 : i32 to index
      %get3A_1247 = arith.constant 64 : index
      %get3A_1248 = tpu.vector_load %arg14[%get3A_1246, %get3A_1247] {strides = array<i32>} : memref<32x128xf32, #tpu.memory_space<vmem>>, vector<16xf32>,
      %max3A_1249 = arith.maximumf %max3A_1244, %get3A_1248 : vector<16xf32>
      %get3A_1250 = arith.constant 16 : i32
      %get3A_1251 = arith.index_cast %get3A_1250 : i32 to index
      %get3A_1252 = arith.constant 64 : index
      %get3A_1253 = tpu.vector_load %arg14[%get3A_1251, %get3A_1252] {strides = array<i32>} : memref<32x128xf32, #tpu.memory_space<vmem>>, vector<16xf32>,
      %max3A_1254 = arith.maximumf %max3A_1249, %get3A_1253 : vector<16xf32>
      %get3A_1255 = arith.constant 17 : i32
      %get3A_1256 = arith.index_cast %get3A_1255 : i32 to index
      %get3A_1257 = arith.constant 64 : index
      %get3A_1258 = tpu.vector_load %arg14[%get3A_1256, %get3A_1257] {strides = array<i32>} : memref<32x128xf32, #tpu.memory_space<vmem>>, vector<16xf32>,
      %max3A_1259 = arith.maximumf %max3A_1254, %get3A_1258 : vector<16xf32>
      %get3A_1260 = arith.constant 18 : i32
      %get3A_1261 = arith.index_cast %get3A_1260 : i32 to index
      %get3A_1262 = arith.constant 64 : index
      %get3A_1263 = tpu.vector_load %arg14[%get3A_1261, %get3A_1262] {strides = array<i32>} : memref<32x128xf32, #tpu.memory_space<vmem>>, vector<16xf32>,
      %max3A_1264 = arith.maximumf %max3A_1259, %get3A_1263 : vector<16xf32>
      %get3A_1265 = arith.constant 19 : i32
      %get3A_1266 = arith.index_cast %get3A_1265 : i32 to index
      %get3A_1267 = arith.constant 64 : index
      %get3A_1268 = tpu.vector_load %arg14[%get3A_1266, %get3A_1267] {strides = array<i32>} : memref<32x128xf32, #tpu.memory_space<vmem>>, vector<16xf32>,
      %max3A_1269 = arith.maximumf %max3A_1264, %get3A_1268 : vector<16xf32>
      %get3A_1270 = arith.constant 20 : i32
      %get3A_1271 = arith.index_cast %get3A_1270 : i32 to index
      %get3A_1272 = arith.constant 64 : index
      %get3A_1273 = tpu.vector_load %arg14[%get3A_1271, %get3A_1272] {strides = array<i32>} : memref<32x128xf32, #tpu.memory_space<vmem>>, vector<16xf32>,
      %max3A_1274 = arith.maximumf %max3A_1269, %get3A_1273 : vector<16xf32>
      %get3A_1275 = arith.constant 21 : i32
      %get3A_1276 = arith.index_cast %get3A_1275 : i32 to index
      %get3A_1277 = arith.constant 64 : index
      %get3A_1278 = tpu.vector_load %arg14[%get3A_1276, %get3A_1277] {strides = array<i32>} : memref<32x128xf32, #tpu.memory_space<vmem>>, vector<16xf32>,
      %max3A_1279 = arith.maximumf %max3A_1274, %get3A_1278 : vector<16xf32>
      %get3A_1280 = arith.constant 22 : i32
      %get3A_1281 = arith.index_cast %get3A_1280 : i32 to index
      %get3A_1282 = arith.constant 64 : index
      %get3A_1283 = tpu.vector_load %arg14[%get3A_1281, %get3A_1282] {strides = array<i32>} : memref<32x128xf32, #tpu.memory_space<vmem>>, vector<16xf32>,
      %max3A_1284 = arith.maximumf %max3A_1279, %get3A_1283 : vector<16xf32>
      %get3A_1285 = arith.constant 23 : i32
      %get3A_1286 = arith.index_cast %get3A_1285 : i32 to index
      %get3A_1287 = arith.constant 64 : index
      %get3A_1288 = tpu.vector_load %arg14[%get3A_1286, %get3A_1287] {strides = array<i32>} : memref<32x128xf32, #tpu.memory_space<vmem>>, vector<16xf32>,
      %max3A_1289 = arith.maximumf %max3A_1284, %get3A_1288 : vector<16xf32>
      %get3A_1290 = arith.constant 24 : i32
      %get3A_1291 = arith.index_cast %get3A_1290 : i32 to index
      %get3A_1292 = arith.constant 64 : index
      %get3A_1293 = tpu.vector_load %arg14[%get3A_1291, %get3A_1292] {strides = array<i32>} : memref<32x128xf32, #tpu.memory_space<vmem>>, vector<16xf32>,
      %max3A_1294 = arith.maximumf %max3A_1289, %get3A_1293 : vector<16xf32>
      %get3A_1295 = arith.constant 25 : i32
      %get3A_1296 = arith.index_cast %get3A_1295 : i32 to index
      %get3A_1297 = arith.constant 64 : index
      %get3A_1298 = tpu.vector_load %arg14[%get3A_1296, %get3A_1297] {strides = array<i32>} : memref<32x128xf32, #tpu.memory_space<vmem>>, vector<16xf32>,
      %max3A_1299 = arith.maximumf %max3A_1294, %get3A_1298 : vector<16xf32>
      %get3A_1300 = arith.constant 26 : i32
      %get3A_1301 = arith.index_cast %get3A_1300 : i32 to index
      %get3A_1302 = arith.constant 64 : index
      %get3A_1303 = tpu.vector_load %arg14[%get3A_1301, %get3A_1302] {strides = array<i32>} : memref<32x128xf32, #tpu.memory_space<vmem>>, vector<16xf32>,
      %max3A_1304 = arith.maximumf %max3A_1299, %get3A_1303 : vector<16xf32>
      %get3A_1305 = arith.constant 27 : i32
      %get3A_1306 = arith.index_cast %get3A_1305 : i32 to index
      %get3A_1307 = arith.constant 64 : index
      %get3A_1308 = tpu.vector_load %arg14[%get3A_1306, %get3A_1307] {strides = array<i32>} : memref<32x128xf32, #tpu.memory_space<vmem>>, vector<16xf32>,
      %max3A_1309 = arith.maximumf %max3A_1304, %get3A_1308 : vector<16xf32>
      %get3A_1310 = arith.constant 28 : i32
      %get3A_1311 = arith.index_cast %get3A_1310 : i32 to index
      %get3A_1312 = arith.constant 64 : index
      %get3A_1313 = tpu.vector_load %arg14[%get3A_1311, %get3A_1312] {strides = array<i32>} : memref<32x128xf32, #tpu.memory_space<vmem>>, vector<16xf32>,
      %max3A_1314 = arith.maximumf %max3A_1309, %get3A_1313 : vector<16xf32>
      %get3A_1315 = arith.constant 29 : i32
      %get3A_1316 = arith.index_cast %get3A_1315 : i32 to index
      %get3A_1317 = arith.constant 64 : index
      %get3A_1318 = tpu.vector_load %arg14[%get3A_1316, %get3A_1317] {strides = array<i32>} : memref<32x128xf32, #tpu.memory_space<vmem>>, vector<16xf32>,
      %max3A_1319 = arith.maximumf %max3A_1314, %get3A_1318 : vector<16xf32>
      %get3A_1320 = arith.constant 30 : i32
      %get3A_1321 = arith.index_cast %get3A_1320 : i32 to index
      %get3A_1322 = arith.constant 64 : index
      %get3A_1323 = tpu.vector_load %arg14[%get3A_1321, %get3A_1322] {strides = array<i32>} : memref<32x128xf32, #tpu.memory_space<vmem>>, vector<16xf32>,
      %max3A_1324 = arith.maximumf %max3A_1319, %get3A_1323 : vector<16xf32>
      %get3A_1325 = arith.constant 31 : i32
      %get3A_1326 = arith.index_cast %get3A_1325 : i32 to index
      %get3A_1327 = arith.constant 64 : index
      %get3A_1328 = tpu.vector_load %arg14[%get3A_1326, %get3A_1327] {strides = array<i32>} : memref<32x128xf32, #tpu.memory_space<vmem>>, vector<16xf32>,
      %max3A_1329 = arith.maximumf %max3A_1324, %get3A_1328 : vector<16xf32>
      %swap3A_1330 = arith.constant 0 : i32
      %swap3A_1331 = arith.index_cast %swap3A_1330 : i32 to index
      %swap3A_1332 = arith.constant 128 : index
      %swap3A_1333 = tpu.vector_load %arg16[%swap3A_1331, %swap3A_1332] {strides = array<i32>} : memref<2x192xf32, #tpu.memory_space<vmem>>, vector<16xf32>,
      tpu.vector_store %arg16[%swap3A_1331, %swap3A_1332], %max3A_1329 {strides = array<i32>} : memref<2x192xf32, #tpu.memory_space<vmem>>, vector<16xf32>,
      %get3A_1334 = arith.constant 0 : i32
      %get3A_1335 = arith.index_cast %get3A_1334 : i32 to index
      %get3A_1336 = arith.constant 80 : index
      %get3A_1337 = tpu.vector_load %arg14[%get3A_1335, %get3A_1336] {strides = array<i32>} : memref<32x128xf32, #tpu.memory_space<vmem>>, vector<16xf32>,
      %get3A_1338 = arith.constant 1 : i32
      %get3A_1339 = arith.index_cast %get3A_1338 : i32 to index
      %get3A_1340 = arith.constant 80 : index
      %get3A_1341 = tpu.vector_load %arg14[%get3A_1339, %get3A_1340] {strides = array<i32>} : memref<32x128xf32, #tpu.memory_space<vmem>>, vector<16xf32>,
      %max3A_1342 = arith.maximumf %get3A_1337, %get3A_1341 : vector<16xf32>
      %get3A_1343 = arith.constant 2 : i32
      %get3A_1344 = arith.index_cast %get3A_1343 : i32 to index
      %get3A_1345 = arith.constant 80 : index
      %get3A_1346 = tpu.vector_load %arg14[%get3A_1344, %get3A_1345] {strides = array<i32>} : memref<32x128xf32, #tpu.memory_space<vmem>>, vector<16xf32>,
      %max3A_1347 = arith.maximumf %max3A_1342, %get3A_1346 : vector<16xf32>
      %get3A_1348 = arith.constant 3 : i32
      %get3A_1349 = arith.index_cast %get3A_1348 : i32 to index
      %get3A_1350 = arith.constant 80 : index
      %get3A_1351 = tpu.vector_load %arg14[%get3A_1349, %get3A_1350] {strides = array<i32>} : memref<32x128xf32, #tpu.memory_space<vmem>>, vector<16xf32>,
      %max3A_1352 = arith.maximumf %max3A_1347, %get3A_1351 : vector<16xf32>
      %get3A_1353 = arith.constant 4 : i32
      %get3A_1354 = arith.index_cast %get3A_1353 : i32 to index
      %get3A_1355 = arith.constant 80 : index
      %get3A_1356 = tpu.vector_load %arg14[%get3A_1354, %get3A_1355] {strides = array<i32>} : memref<32x128xf32, #tpu.memory_space<vmem>>, vector<16xf32>,
      %max3A_1357 = arith.maximumf %max3A_1352, %get3A_1356 : vector<16xf32>
      %get3A_1358 = arith.constant 5 : i32
      %get3A_1359 = arith.index_cast %get3A_1358 : i32 to index
      %get3A_1360 = arith.constant 80 : index
      %get3A_1361 = tpu.vector_load %arg14[%get3A_1359, %get3A_1360] {strides = array<i32>} : memref<32x128xf32, #tpu.memory_space<vmem>>, vector<16xf32>,
      %max3A_1362 = arith.maximumf %max3A_1357, %get3A_1361 : vector<16xf32>
      %get3A_1363 = arith.constant 6 : i32
      %get3A_1364 = arith.index_cast %get3A_1363 : i32 to index
      %get3A_1365 = arith.constant 80 : index
      %get3A_1366 = tpu.vector_load %arg14[%get3A_1364, %get3A_1365] {strides = array<i32>} : memref<32x128xf32, #tpu.memory_space<vmem>>, vector<16xf32>,
      %max3A_1367 = arith.maximumf %max3A_1362, %get3A_1366 : vector<16xf32>
      %get3A_1368 = arith.constant 7 : i32
      %get3A_1369 = arith.index_cast %get3A_1368 : i32 to index
      %get3A_1370 = arith.constant 80 : index
      %get3A_1371 = tpu.vector_load %arg14[%get3A_1369, %get3A_1370] {strides = array<i32>} : memref<32x128xf32, #tpu.memory_space<vmem>>, vector<16xf32>,
      %max3A_1372 = arith.maximumf %max3A_1367, %get3A_1371 : vector<16xf32>
      %get3A_1373 = arith.constant 8 : i32
      %get3A_1374 = arith.index_cast %get3A_1373 : i32 to index
      %get3A_1375 = arith.constant 80 : index
      %get3A_1376 = tpu.vector_load %arg14[%get3A_1374, %get3A_1375] {strides = array<i32>} : memref<32x128xf32, #tpu.memory_space<vmem>>, vector<16xf32>,
      %max3A_1377 = arith.maximumf %max3A_1372, %get3A_1376 : vector<16xf32>
      %get3A_1378 = arith.constant 9 : i32
      %get3A_1379 = arith.index_cast %get3A_1378 : i32 to index
      %get3A_1380 = arith.constant 80 : index
      %get3A_1381 = tpu.vector_load %arg14[%get3A_1379, %get3A_1380] {strides = array<i32>} : memref<32x128xf32, #tpu.memory_space<vmem>>, vector<16xf32>,
      %max3A_1382 = arith.maximumf %max3A_1377, %get3A_1381 : vector<16xf32>
      %get3A_1383 = arith.constant 10 : i32
      %get3A_1384 = arith.index_cast %get3A_1383 : i32 to index
      %get3A_1385 = arith.constant 80 : index
      %get3A_1386 = tpu.vector_load %arg14[%get3A_1384, %get3A_1385] {strides = array<i32>} : memref<32x128xf32, #tpu.memory_space<vmem>>, vector<16xf32>,
      %max3A_1387 = arith.maximumf %max3A_1382, %get3A_1386 : vector<16xf32>
      %get3A_1388 = arith.constant 11 : i32
      %get3A_1389 = arith.index_cast %get3A_1388 : i32 to index
      %get3A_1390 = arith.constant 80 : index
      %get3A_1391 = tpu.vector_load %arg14[%get3A_1389, %get3A_1390] {strides = array<i32>} : memref<32x128xf32, #tpu.memory_space<vmem>>, vector<16xf32>,
      %max3A_1392 = arith.maximumf %max3A_1387, %get3A_1391 : vector<16xf32>
      %get3A_1393 = arith.constant 12 : i32
      %get3A_1394 = arith.index_cast %get3A_1393 : i32 to index
      %get3A_1395 = arith.constant 80 : index
      %get3A_1396 = tpu.vector_load %arg14[%get3A_1394, %get3A_1395] {strides = array<i32>} : memref<32x128xf32, #tpu.memory_space<vmem>>, vector<16xf32>,
      %max3A_1397 = arith.maximumf %max3A_1392, %get3A_1396 : vector<16xf32>
      %get3A_1398 = arith.constant 13 : i32
      %get3A_1399 = arith.index_cast %get3A_1398 : i32 to index
      %get3A_1400 = arith.constant 80 : index
      %get3A_1401 = tpu.vector_load %arg14[%get3A_1399, %get3A_1400] {strides = array<i32>} : memref<32x128xf32, #tpu.memory_space<vmem>>, vector<16xf32>,
      %max3A_1402 = arith.maximumf %max3A_1397, %get3A_1401 : vector<16xf32>
      %get3A_1403 = arith.constant 14 : i32
      %get3A_1404 = arith.index_cast %get3A_1403 : i32 to index
      %get3A_1405 = arith.constant 80 : index
      %get3A_1406 = tpu.vector_load %arg14[%get3A_1404, %get3A_1405] {strides = array<i32>} : memref<32x128xf32, #tpu.memory_space<vmem>>, vector<16xf32>,
      %max3A_1407 = arith.maximumf %max3A_1402, %get3A_1406 : vector<16xf32>
      %get3A_1408 = arith.constant 15 : i32
      %get3A_1409 = arith.index_cast %get3A_1408 : i32 to index
      %get3A_1410 = arith.constant 80 : index
      %get3A_1411 = tpu.vector_load %arg14[%get3A_1409, %get3A_1410] {strides = array<i32>} : memref<32x128xf32, #tpu.memory_space<vmem>>, vector<16xf32>,
      %max3A_1412 = arith.maximumf %max3A_1407, %get3A_1411 : vector<16xf32>
      %get3A_1413 = arith.constant 16 : i32
      %get3A_1414 = arith.index_cast %get3A_1413 : i32 to index
      %get3A_1415 = arith.constant 80 : index
      %get3A_1416 = tpu.vector_load %arg14[%get3A_1414, %get3A_1415] {strides = array<i32>} : memref<32x128xf32, #tpu.memory_space<vmem>>, vector<16xf32>,
      %max3A_1417 = arith.maximumf %max3A_1412, %get3A_1416 : vector<16xf32>
      %get3A_1418 = arith.constant 17 : i32
      %get3A_1419 = arith.index_cast %get3A_1418 : i32 to index
      %get3A_1420 = arith.constant 80 : index
      %get3A_1421 = tpu.vector_load %arg14[%get3A_1419, %get3A_1420] {strides = array<i32>} : memref<32x128xf32, #tpu.memory_space<vmem>>, vector<16xf32>,
      %max3A_1422 = arith.maximumf %max3A_1417, %get3A_1421 : vector<16xf32>
      %get3A_1423 = arith.constant 18 : i32
      %get3A_1424 = arith.index_cast %get3A_1423 : i32 to index
      %get3A_1425 = arith.constant 80 : index
      %get3A_1426 = tpu.vector_load %arg14[%get3A_1424, %get3A_1425] {strides = array<i32>} : memref<32x128xf32, #tpu.memory_space<vmem>>, vector<16xf32>,
      %max3A_1427 = arith.maximumf %max3A_1422, %get3A_1426 : vector<16xf32>
      %get3A_1428 = arith.constant 19 : i32
      %get3A_1429 = arith.index_cast %get3A_1428 : i32 to index
      %get3A_1430 = arith.constant 80 : index
      %get3A_1431 = tpu.vector_load %arg14[%get3A_1429, %get3A_1430] {strides = array<i32>} : memref<32x128xf32, #tpu.memory_space<vmem>>, vector<16xf32>,
      %max3A_1432 = arith.maximumf %max3A_1427, %get3A_1431 : vector<16xf32>
      %get3A_1433 = arith.constant 20 : i32
      %get3A_1434 = arith.index_cast %get3A_1433 : i32 to index
      %get3A_1435 = arith.constant 80 : index
      %get3A_1436 = tpu.vector_load %arg14[%get3A_1434, %get3A_1435] {strides = array<i32>} : memref<32x128xf32, #tpu.memory_space<vmem>>, vector<16xf32>,
      %max3A_1437 = arith.maximumf %max3A_1432, %get3A_1436 : vector<16xf32>
      %get3A_1438 = arith.constant 21 : i32
      %get3A_1439 = arith.index_cast %get3A_1438 : i32 to index
      %get3A_1440 = arith.constant 80 : index
      %get3A_1441 = tpu.vector_load %arg14[%get3A_1439, %get3A_1440] {strides = array<i32>} : memref<32x128xf32, #tpu.memory_space<vmem>>, vector<16xf32>,
      %max3A_1442 = arith.maximumf %max3A_1437, %get3A_1441 : vector<16xf32>
      %get3A_1443 = arith.constant 22 : i32
      %get3A_1444 = arith.index_cast %get3A_1443 : i32 to index
      %get3A_1445 = arith.constant 80 : index
      %get3A_1446 = tpu.vector_load %arg14[%get3A_1444, %get3A_1445] {strides = array<i32>} : memref<32x128xf32, #tpu.memory_space<vmem>>, vector<16xf32>,
      %max3A_1447 = arith.maximumf %max3A_1442, %get3A_1446 : vector<16xf32>
      %get3A_1448 = arith.constant 23 : i32
      %get3A_1449 = arith.index_cast %get3A_1448 : i32 to index
      %get3A_1450 = arith.constant 80 : index
      %get3A_1451 = tpu.vector_load %arg14[%get3A_1449, %get3A_1450] {strides = array<i32>} : memref<32x128xf32, #tpu.memory_space<vmem>>, vector<16xf32>,
      %max3A_1452 = arith.maximumf %max3A_1447, %get3A_1451 : vector<16xf32>
      %get3A_1453 = arith.constant 24 : i32
      %get3A_1454 = arith.index_cast %get3A_1453 : i32 to index
      %get3A_1455 = arith.constant 80 : index
      %get3A_1456 = tpu.vector_load %arg14[%get3A_1454, %get3A_1455] {strides = array<i32>} : memref<32x128xf32, #tpu.memory_space<vmem>>, vector<16xf32>,
      %max3A_1457 = arith.maximumf %max3A_1452, %get3A_1456 : vector<16xf32>
      %get3A_1458 = arith.constant 25 : i32
      %get3A_1459 = arith.index_cast %get3A_1458 : i32 to index
      %get3A_1460 = arith.constant 80 : index
      %get3A_1461 = tpu.vector_load %arg14[%get3A_1459, %get3A_1460] {strides = array<i32>} : memref<32x128xf32, #tpu.memory_space<vmem>>, vector<16xf32>,
      %max3A_1462 = arith.maximumf %max3A_1457, %get3A_1461 : vector<16xf32>
      %get3A_1463 = arith.constant 26 : i32
      %get3A_1464 = arith.index_cast %get3A_1463 : i32 to index
      %get3A_1465 = arith.constant 80 : index
      %get3A_1466 = tpu.vector_load %arg14[%get3A_1464, %get3A_1465] {strides = array<i32>} : memref<32x128xf32, #tpu.memory_space<vmem>>, vector<16xf32>,
      %max3A_1467 = arith.maximumf %max3A_1462, %get3A_1466 : vector<16xf32>
      %get3A_1468 = arith.constant 27 : i32
      %get3A_1469 = arith.index_cast %get3A_1468 : i32 to index
      %get3A_1470 = arith.constant 80 : index
      %get3A_1471 = tpu.vector_load %arg14[%get3A_1469, %get3A_1470] {strides = array<i32>} : memref<32x128xf32, #tpu.memory_space<vmem>>, vector<16xf32>,
      %max3A_1472 = arith.maximumf %max3A_1467, %get3A_1471 : vector<16xf32>
      %get3A_1473 = arith.constant 28 : i32
      %get3A_1474 = arith.index_cast %get3A_1473 : i32 to index
      %get3A_1475 = arith.constant 80 : index
      %get3A_1476 = tpu.vector_load %arg14[%get3A_1474, %get3A_1475] {strides = array<i32>} : memref<32x128xf32, #tpu.memory_space<vmem>>, vector<16xf32>,
      %max3A_1477 = arith.maximumf %max3A_1472, %get3A_1476 : vector<16xf32>
      %get3A_1478 = arith.constant 29 : i32
      %get3A_1479 = arith.index_cast %get3A_1478 : i32 to index
      %get3A_1480 = arith.constant 80 : index
      %get3A_1481 = tpu.vector_load %arg14[%get3A_1479, %get3A_1480] {strides = array<i32>} : memref<32x128xf32, #tpu.memory_space<vmem>>, vector<16xf32>,
      %max3A_1482 = arith.maximumf %max3A_1477, %get3A_1481 : vector<16xf32>
      %get3A_1483 = arith.constant 30 : i32
      %get3A_1484 = arith.index_cast %get3A_1483 : i32 to index
      %get3A_1485 = arith.constant 80 : index
      %get3A_1486 = tpu.vector_load %arg14[%get3A_1484, %get3A_1485] {strides = array<i32>} : memref<32x128xf32, #tpu.memory_space<vmem>>, vector<16xf32>,
      %max3A_1487 = arith.maximumf %max3A_1482, %get3A_1486 : vector<16xf32>
      %get3A_1488 = arith.constant 31 : i32
      %get3A_1489 = arith.index_cast %get3A_1488 : i32 to index
      %get3A_1490 = arith.constant 80 : index
      %get3A_1491 = tpu.vector_load %arg14[%get3A_1489, %get3A_1490] {strides = array<i32>} : memref<32x128xf32, #tpu.memory_space<vmem>>, vector<16xf32>,
      %max3A_1492 = arith.maximumf %max3A_1487, %get3A_1491 : vector<16xf32>
      %swap3A_1493 = arith.constant 0 : i32
      %swap3A_1494 = arith.index_cast %swap3A_1493 : i32 to index
      %swap3A_1495 = arith.constant 144 : index
      %swap3A_1496 = tpu.vector_load %arg16[%swap3A_1494, %swap3A_1495] {strides = array<i32>} : memref<2x192xf32, #tpu.memory_space<vmem>>, vector<16xf32>,
      tpu.vector_store %arg16[%swap3A_1494, %swap3A_1495], %max3A_1492 {strides = array<i32>} : memref<2x192xf32, #tpu.memory_space<vmem>>, vector<16xf32>,
      %get3A_1497 = arith.constant 0 : i32
      %get3A_1498 = arith.index_cast %get3A_1497 : i32 to index
      %get3A_1499 = arith.constant 96 : index
      %get3A_1500 = tpu.vector_load %arg14[%get3A_1498, %get3A_1499] {strides = array<i32>} : memref<32x128xf32, #tpu.memory_space<vmem>>, vector<16xf32>,
      %get3A_1501 = arith.constant 1 : i32
      %get3A_1502 = arith.index_cast %get3A_1501 : i32 to index
      %get3A_1503 = arith.constant 96 : index
      %get3A_1504 = tpu.vector_load %arg14[%get3A_1502, %get3A_1503] {strides = array<i32>} : memref<32x128xf32, #tpu.memory_space<vmem>>, vector<16xf32>,
      %max3A_1505 = arith.maximumf %get3A_1500, %get3A_1504 : vector<16xf32>
      %get3A_1506 = arith.constant 2 : i32
      %get3A_1507 = arith.index_cast %get3A_1506 : i32 to index
      %get3A_1508 = arith.constant 96 : index
      %get3A_1509 = tpu.vector_load %arg14[%get3A_1507, %get3A_1508] {strides = array<i32>} : memref<32x128xf32, #tpu.memory_space<vmem>>, vector<16xf32>,
      %max3A_1510 = arith.maximumf %max3A_1505, %get3A_1509 : vector<16xf32>
      %get3A_1511 = arith.constant 3 : i32
      %get3A_1512 = arith.index_cast %get3A_1511 : i32 to index
      %get3A_1513 = arith.constant 96 : index
      %get3A_1514 = tpu.vector_load %arg14[%get3A_1512, %get3A_1513] {strides = array<i32>} : memref<32x128xf32, #tpu.memory_space<vmem>>, vector<16xf32>,
      %max3A_1515 = arith.maximumf %max3A_1510, %get3A_1514 : vector<16xf32>
      %get3A_1516 = arith.constant 4 : i32
      %get3A_1517 = arith.index_cast %get3A_1516 : i32 to index
      %get3A_1518 = arith.constant 96 : index
      %get3A_1519 = tpu.vector_load %arg14[%get3A_1517, %get3A_1518] {strides = array<i32>} : memref<32x128xf32, #tpu.memory_space<vmem>>, vector<16xf32>,
      %max3A_1520 = arith.maximumf %max3A_1515, %get3A_1519 : vector<16xf32>
      %get3A_1521 = arith.constant 5 : i32
      %get3A_1522 = arith.index_cast %get3A_1521 : i32 to index
      %get3A_1523 = arith.constant 96 : index
      %get3A_1524 = tpu.vector_load %arg14[%get3A_1522, %get3A_1523] {strides = array<i32>} : memref<32x128xf32, #tpu.memory_space<vmem>>, vector<16xf32>,
      %max3A_1525 = arith.maximumf %max3A_1520, %get3A_1524 : vector<16xf32>
      %get3A_1526 = arith.constant 6 : i32
      %get3A_1527 = arith.index_cast %get3A_1526 : i32 to index
      %get3A_1528 = arith.constant 96 : index
      %get3A_1529 = tpu.vector_load %arg14[%get3A_1527, %get3A_1528] {strides = array<i32>} : memref<32x128xf32, #tpu.memory_space<vmem>>, vector<16xf32>,
      %max3A_1530 = arith.maximumf %max3A_1525, %get3A_1529 : vector<16xf32>
      %get3A_1531 = arith.constant 7 : i32
      %get3A_1532 = arith.index_cast %get3A_1531 : i32 to index
      %get3A_1533 = arith.constant 96 : index
      %get3A_1534 = tpu.vector_load %arg14[%get3A_1532, %get3A_1533] {strides = array<i32>} : memref<32x128xf32, #tpu.memory_space<vmem>>, vector<16xf32>,
      %max3A_1535 = arith.maximumf %max3A_1530, %get3A_1534 : vector<16xf32>
      %get3A_1536 = arith.constant 8 : i32
      %get3A_1537 = arith.index_cast %get3A_1536 : i32 to index
      %get3A_1538 = arith.constant 96 : index
      %get3A_1539 = tpu.vector_load %arg14[%get3A_1537, %get3A_1538] {strides = array<i32>} : memref<32x128xf32, #tpu.memory_space<vmem>>, vector<16xf32>,
      %max3A_1540 = arith.maximumf %max3A_1535, %get3A_1539 : vector<16xf32>
      %get3A_1541 = arith.constant 9 : i32
      %get3A_1542 = arith.index_cast %get3A_1541 : i32 to index
      %get3A_1543 = arith.constant 96 : index
      %get3A_1544 = tpu.vector_load %arg14[%get3A_1542, %get3A_1543] {strides = array<i32>} : memref<32x128xf32, #tpu.memory_space<vmem>>, vector<16xf32>,
      %max3A_1545 = arith.maximumf %max3A_1540, %get3A_1544 : vector<16xf32>
      %get3A_1546 = arith.constant 10 : i32
      %get3A_1547 = arith.index_cast %get3A_1546 : i32 to index
      %get3A_1548 = arith.constant 96 : index
      %get3A_1549 = tpu.vector_load %arg14[%get3A_1547, %get3A_1548] {strides = array<i32>} : memref<32x128xf32, #tpu.memory_space<vmem>>, vector<16xf32>,
      %max3A_1550 = arith.maximumf %max3A_1545, %get3A_1549 : vector<16xf32>
      %get3A_1551 = arith.constant 11 : i32
      %get3A_1552 = arith.index_cast %get3A_1551 : i32 to index
      %get3A_1553 = arith.constant 96 : index
      %get3A_1554 = tpu.vector_load %arg14[%get3A_1552, %get3A_1553] {strides = array<i32>} : memref<32x128xf32, #tpu.memory_space<vmem>>, vector<16xf32>,
      %max3A_1555 = arith.maximumf %max3A_1550, %get3A_1554 : vector<16xf32>
      %get3A_1556 = arith.constant 12 : i32
      %get3A_1557 = arith.index_cast %get3A_1556 : i32 to index
      %get3A_1558 = arith.constant 96 : index
      %get3A_1559 = tpu.vector_load %arg14[%get3A_1557, %get3A_1558] {strides = array<i32>} : memref<32x128xf32, #tpu.memory_space<vmem>>, vector<16xf32>,
      %max3A_1560 = arith.maximumf %max3A_1555, %get3A_1559 : vector<16xf32>
      %get3A_1561 = arith.constant 13 : i32
      %get3A_1562 = arith.index_cast %get3A_1561 : i32 to index
      %get3A_1563 = arith.constant 96 : index
      %get3A_1564 = tpu.vector_load %arg14[%get3A_1562, %get3A_1563] {strides = array<i32>} : memref<32x128xf32, #tpu.memory_space<vmem>>, vector<16xf32>,
      %max3A_1565 = arith.maximumf %max3A_1560, %get3A_1564 : vector<16xf32>
      %get3A_1566 = arith.constant 14 : i32
      %get3A_1567 = arith.index_cast %get3A_1566 : i32 to index
      %get3A_1568 = arith.constant 96 : index
      %get3A_1569 = tpu.vector_load %arg14[%get3A_1567, %get3A_1568] {strides = array<i32>} : memref<32x128xf32, #tpu.memory_space<vmem>>, vector<16xf32>,
      %max3A_1570 = arith.maximumf %max3A_1565, %get3A_1569 : vector<16xf32>
      %get3A_1571 = arith.constant 15 : i32
      %get3A_1572 = arith.index_cast %get3A_1571 : i32 to index
      %get3A_1573 = arith.constant 96 : index
      %get3A_1574 = tpu.vector_load %arg14[%get3A_1572, %get3A_1573] {strides = array<i32>} : memref<32x128xf32, #tpu.memory_space<vmem>>, vector<16xf32>,
      %max3A_1575 = arith.maximumf %max3A_1570, %get3A_1574 : vector<16xf32>
      %get3A_1576 = arith.constant 16 : i32
      %get3A_1577 = arith.index_cast %get3A_1576 : i32 to index
      %get3A_1578 = arith.constant 96 : index
      %get3A_1579 = tpu.vector_load %arg14[%get3A_1577, %get3A_1578] {strides = array<i32>} : memref<32x128xf32, #tpu.memory_space<vmem>>, vector<16xf32>,
      %max3A_1580 = arith.maximumf %max3A_1575, %get3A_1579 : vector<16xf32>
      %get3A_1581 = arith.constant 17 : i32
      %get3A_1582 = arith.index_cast %get3A_1581 : i32 to index
      %get3A_1583 = arith.constant 96 : index
      %get3A_1584 = tpu.vector_load %arg14[%get3A_1582, %get3A_1583] {strides = array<i32>} : memref<32x128xf32, #tpu.memory_space<vmem>>, vector<16xf32>,
      %max3A_1585 = arith.maximumf %max3A_1580, %get3A_1584 : vector<16xf32>
      %get3A_1586 = arith.constant 18 : i32
      %get3A_1587 = arith.index_cast %get3A_1586 : i32 to index
      %get3A_1588 = arith.constant 96 : index
      %get3A_1589 = tpu.vector_load %arg14[%get3A_1587, %get3A_1588] {strides = array<i32>} : memref<32x128xf32, #tpu.memory_space<vmem>>, vector<16xf32>,
      %max3A_1590 = arith.maximumf %max3A_1585, %get3A_1589 : vector<16xf32>
      %get3A_1591 = arith.constant 19 : i32
      %get3A_1592 = arith.index_cast %get3A_1591 : i32 to index
      %get3A_1593 = arith.constant 96 : index
      %get3A_1594 = tpu.vector_load %arg14[%get3A_1592, %get3A_1593] {strides = array<i32>} : memref<32x128xf32, #tpu.memory_space<vmem>>, vector<16xf32>,
      %max3A_1595 = arith.maximumf %max3A_1590, %get3A_1594 : vector<16xf32>
      %get3A_1596 = arith.constant 20 : i32
      %get3A_1597 = arith.index_cast %get3A_1596 : i32 to index
      %get3A_1598 = arith.constant 96 : index
      %get3A_1599 = tpu.vector_load %arg14[%get3A_1597, %get3A_1598] {strides = array<i32>} : memref<32x128xf32, #tpu.memory_space<vmem>>, vector<16xf32>,
      %max3A_1600 = arith.maximumf %max3A_1595, %get3A_1599 : vector<16xf32>
      %get3A_1601 = arith.constant 21 : i32
      %get3A_1602 = arith.index_cast %get3A_1601 : i32 to index
      %get3A_1603 = arith.constant 96 : index
      %get3A_1604 = tpu.vector_load %arg14[%get3A_1602, %get3A_1603] {strides = array<i32>} : memref<32x128xf32, #tpu.memory_space<vmem>>, vector<16xf32>,
      %max3A_1605 = arith.maximumf %max3A_1600, %get3A_1604 : vector<16xf32>
      %get3A_1606 = arith.constant 22 : i32
      %get3A_1607 = arith.index_cast %get3A_1606 : i32 to index
      %get3A_1608 = arith.constant 96 : index
      %get3A_1609 = tpu.vector_load %arg14[%get3A_1607, %get3A_1608] {strides = array<i32>} : memref<32x128xf32, #tpu.memory_space<vmem>>, vector<16xf32>,
      %max3A_1610 = arith.maximumf %max3A_1605, %get3A_1609 : vector<16xf32>
      %get3A_1611 = arith.constant 23 : i32
      %get3A_1612 = arith.index_cast %get3A_1611 : i32 to index
      %get3A_1613 = arith.constant 96 : index
      %get3A_1614 = tpu.vector_load %arg14[%get3A_1612, %get3A_1613] {strides = array<i32>} : memref<32x128xf32, #tpu.memory_space<vmem>>, vector<16xf32>,
      %max3A_1615 = arith.maximumf %max3A_1610, %get3A_1614 : vector<16xf32>
      %get3A_1616 = arith.constant 24 : i32
      %get3A_1617 = arith.index_cast %get3A_1616 : i32 to index
      %get3A_1618 = arith.constant 96 : index
      %get3A_1619 = tpu.vector_load %arg14[%get3A_1617, %get3A_1618] {strides = array<i32>} : memref<32x128xf32, #tpu.memory_space<vmem>>, vector<16xf32>,
      %max3A_1620 = arith.maximumf %max3A_1615, %get3A_1619 : vector<16xf32>
      %get3A_1621 = arith.constant 25 : i32
      %get3A_1622 = arith.index_cast %get3A_1621 : i32 to index
      %get3A_1623 = arith.constant 96 : index
      %get3A_1624 = tpu.vector_load %arg14[%get3A_1622, %get3A_1623] {strides = array<i32>} : memref<32x128xf32, #tpu.memory_space<vmem>>, vector<16xf32>,
      %max3A_1625 = arith.maximumf %max3A_1620, %get3A_1624 : vector<16xf32>
      %get3A_1626 = arith.constant 26 : i32
      %get3A_1627 = arith.index_cast %get3A_1626 : i32 to index
      %get3A_1628 = arith.constant 96 : index
      %get3A_1629 = tpu.vector_load %arg14[%get3A_1627, %get3A_1628] {strides = array<i32>} : memref<32x128xf32, #tpu.memory_space<vmem>>, vector<16xf32>,
      %max3A_1630 = arith.maximumf %max3A_1625, %get3A_1629 : vector<16xf32>
      %get3A_1631 = arith.constant 27 : i32
      %get3A_1632 = arith.index_cast %get3A_1631 : i32 to index
      %get3A_1633 = arith.constant 96 : index
      %get3A_1634 = tpu.vector_load %arg14[%get3A_1632, %get3A_1633] {strides = array<i32>} : memref<32x128xf32, #tpu.memory_space<vmem>>, vector<16xf32>,
      %max3A_1635 = arith.maximumf %max3A_1630, %get3A_1634 : vector<16xf32>
      %get3A_1636 = arith.constant 28 : i32
      %get3A_1637 = arith.index_cast %get3A_1636 : i32 to index
      %get3A_1638 = arith.constant 96 : index
      %get3A_1639 = tpu.vector_load %arg14[%get3A_1637, %get3A_1638] {strides = array<i32>} : memref<32x128xf32, #tpu.memory_space<vmem>>, vector<16xf32>,
      %max3A_1640 = arith.maximumf %max3A_1635, %get3A_1639 : vector<16xf32>
      %get3A_1641 = arith.constant 29 : i32
      %get3A_1642 = arith.index_cast %get3A_1641 : i32 to index
      %get3A_1643 = arith.constant 96 : index
      %get3A_1644 = tpu.vector_load %arg14[%get3A_1642, %get3A_1643] {strides = array<i32>} : memref<32x128xf32, #tpu.memory_space<vmem>>, vector<16xf32>,
      %max3A_1645 = arith.maximumf %max3A_1640, %get3A_1644 : vector<16xf32>
      %get3A_1646 = arith.constant 30 : i32
      %get3A_1647 = arith.index_cast %get3A_1646 : i32 to index
      %get3A_1648 = arith.constant 96 : index
      %get3A_1649 = tpu.vector_load %arg14[%get3A_1647, %get3A_1648] {strides = array<i32>} : memref<32x128xf32, #tpu.memory_space<vmem>>, vector<16xf32>,
      %max3A_1650 = arith.maximumf %max3A_1645, %get3A_1649 : vector<16xf32>
      %get3A_1651 = arith.constant 31 : i32
      %get3A_1652 = arith.index_cast %get3A_1651 : i32 to index
      %get3A_1653 = arith.constant 96 : index
      %get3A_1654 = tpu.vector_load %arg14[%get3A_1652, %get3A_1653] {strides = array<i32>} : memref<32x128xf32, #tpu.memory_space<vmem>>, vector<16xf32>,
      %max3A_1655 = arith.maximumf %max3A_1650, %get3A_1654 : vector<16xf32>
      %swap3A_1656 = arith.constant 0 : i32
      %swap3A_1657 = arith.index_cast %swap3A_1656 : i32 to index
      %swap3A_1658 = arith.constant 160 : index
      %swap3A_1659 = tpu.vector_load %arg16[%swap3A_1657, %swap3A_1658] {strides = array<i32>} : memref<2x192xf32, #tpu.memory_space<vmem>>, vector<16xf32>,
      tpu.vector_store %arg16[%swap3A_1657, %swap3A_1658], %max3A_1655 {strides = array<i32>} : memref<2x192xf32, #tpu.memory_space<vmem>>, vector<16xf32>,
      %get3A_1660 = arith.constant 0 : i32
      %get3A_1661 = arith.index_cast %get3A_1660 : i32 to index
      %get3A_1662 = arith.constant 112 : index
      %get3A_1663 = tpu.vector_load %arg14[%get3A_1661, %get3A_1662] {strides = array<i32>} : memref<32x128xf32, #tpu.memory_space<vmem>>, vector<16xf32>,
      %get3A_1664 = arith.constant 1 : i32
      %get3A_1665 = arith.index_cast %get3A_1664 : i32 to index
      %get3A_1666 = arith.constant 112 : index
      %get3A_1667 = tpu.vector_load %arg14[%get3A_1665, %get3A_1666] {strides = array<i32>} : memref<32x128xf32, #tpu.memory_space<vmem>>, vector<16xf32>,
      %max3A_1668 = arith.maximumf %get3A_1663, %get3A_1667 : vector<16xf32>
      %get3A_1669 = arith.constant 2 : i32
      %get3A_1670 = arith.index_cast %get3A_1669 : i32 to index
      %get3A_1671 = arith.constant 112 : index
      %get3A_1672 = tpu.vector_load %arg14[%get3A_1670, %get3A_1671] {strides = array<i32>} : memref<32x128xf32, #tpu.memory_space<vmem>>, vector<16xf32>,
      %max3A_1673 = arith.maximumf %max3A_1668, %get3A_1672 : vector<16xf32>
      %get3A_1674 = arith.constant 3 : i32
      %get3A_1675 = arith.index_cast %get3A_1674 : i32 to index
      %get3A_1676 = arith.constant 112 : index
      %get3A_1677 = tpu.vector_load %arg14[%get3A_1675, %get3A_1676] {strides = array<i32>} : memref<32x128xf32, #tpu.memory_space<vmem>>, vector<16xf32>,
      %max3A_1678 = arith.maximumf %max3A_1673, %get3A_1677 : vector<16xf32>
      %get3A_1679 = arith.constant 4 : i32
      %get3A_1680 = arith.index_cast %get3A_1679 : i32 to index
      %get3A_1681 = arith.constant 112 : index
      %get3A_1682 = tpu.vector_load %arg14[%get3A_1680, %get3A_1681] {strides = array<i32>} : memref<32x128xf32, #tpu.memory_space<vmem>>, vector<16xf32>,
      %max3A_1683 = arith.maximumf %max3A_1678, %get3A_1682 : vector<16xf32>
      %get3A_1684 = arith.constant 5 : i32
      %get3A_1685 = arith.index_cast %get3A_1684 : i32 to index
      %get3A_1686 = arith.constant 112 : index
      %get3A_1687 = tpu.vector_load %arg14[%get3A_1685, %get3A_1686] {strides = array<i32>} : memref<32x128xf32, #tpu.memory_space<vmem>>, vector<16xf32>,
      %max3A_1688 = arith.maximumf %max3A_1683, %get3A_1687 : vector<16xf32>
      %get3A_1689 = arith.constant 6 : i32
      %get3A_1690 = arith.index_cast %get3A_1689 : i32 to index
      %get3A_1691 = arith.constant 112 : index
      %get3A_1692 = tpu.vector_load %arg14[%get3A_1690, %get3A_1691] {strides = array<i32>} : memref<32x128xf32, #tpu.memory_space<vmem>>, vector<16xf32>,
      %max3A_1693 = arith.maximumf %max3A_1688, %get3A_1692 : vector<16xf32>
      %get3A_1694 = arith.constant 7 : i32
      %get3A_1695 = arith.index_cast %get3A_1694 : i32 to index
      %get3A_1696 = arith.constant 112 : index
      %get3A_1697 = tpu.vector_load %arg14[%get3A_1695, %get3A_1696] {strides = array<i32>} : memref<32x128xf32, #tpu.memory_space<vmem>>, vector<16xf32>,
      %max3A_1698 = arith.maximumf %max3A_1693, %get3A_1697 : vector<16xf32>
      %get3A_1699 = arith.constant 8 : i32
      %get3A_1700 = arith.index_cast %get3A_1699 : i32 to index
      %get3A_1701 = arith.constant 112 : index
      %get3A_1702 = tpu.vector_load %arg14[%get3A_1700, %get3A_1701] {strides = array<i32>} : memref<32x128xf32, #tpu.memory_space<vmem>>, vector<16xf32>,
      %max3A_1703 = arith.maximumf %max3A_1698, %get3A_1702 : vector<16xf32>
      %get3A_1704 = arith.constant 9 : i32
      %get3A_1705 = arith.index_cast %get3A_1704 : i32 to index
      %get3A_1706 = arith.constant 112 : index
      %get3A_1707 = tpu.vector_load %arg14[%get3A_1705, %get3A_1706] {strides = array<i32>} : memref<32x128xf32, #tpu.memory_space<vmem>>, vector<16xf32>,
      %max3A_1708 = arith.maximumf %max3A_1703, %get3A_1707 : vector<16xf32>
      %get3A_1709 = arith.constant 10 : i32
      %get3A_1710 = arith.index_cast %get3A_1709 : i32 to index
      %get3A_1711 = arith.constant 112 : index
      %get3A_1712 = tpu.vector_load %arg14[%get3A_1710, %get3A_1711] {strides = array<i32>} : memref<32x128xf32, #tpu.memory_space<vmem>>, vector<16xf32>,
      %max3A_1713 = arith.maximumf %max3A_1708, %get3A_1712 : vector<16xf32>
      %get3A_1714 = arith.constant 11 : i32
      %get3A_1715 = arith.index_cast %get3A_1714 : i32 to index
      %get3A_1716 = arith.constant 112 : index
      %get3A_1717 = tpu.vector_load %arg14[%get3A_1715, %get3A_1716] {strides = array<i32>} : memref<32x128xf32, #tpu.memory_space<vmem>>, vector<16xf32>,
      %max3A_1718 = arith.maximumf %max3A_1713, %get3A_1717 : vector<16xf32>
      %get3A_1719 = arith.constant 12 : i32
      %get3A_1720 = arith.index_cast %get3A_1719 : i32 to index
      %get3A_1721 = arith.constant 112 : index
      %get3A_1722 = tpu.vector_load %arg14[%get3A_1720, %get3A_1721] {strides = array<i32>} : memref<32x128xf32, #tpu.memory_space<vmem>>, vector<16xf32>,
      %max3A_1723 = arith.maximumf %max3A_1718, %get3A_1722 : vector<16xf32>
      %get3A_1724 = arith.constant 13 : i32
      %get3A_1725 = arith.index_cast %get3A_1724 : i32 to index
      %get3A_1726 = arith.constant 112 : index
      %get3A_1727 = tpu.vector_load %arg14[%get3A_1725, %get3A_1726] {strides = array<i32>} : memref<32x128xf32, #tpu.memory_space<vmem>>, vector<16xf32>,
      %max3A_1728 = arith.maximumf %max3A_1723, %get3A_1727 : vector<16xf32>
      %get3A_1729 = arith.constant 14 : i32
      %get3A_1730 = arith.index_cast %get3A_1729 : i32 to index
      %get3A_1731 = arith.constant 112 : index
      %get3A_1732 = tpu.vector_load %arg14[%get3A_1730, %get3A_1731] {strides = array<i32>} : memref<32x128xf32, #tpu.memory_space<vmem>>, vector<16xf32>,
      %max3A_1733 = arith.maximumf %max3A_1728, %get3A_1732 : vector<16xf32>
      %get3A_1734 = arith.constant 15 : i32
      %get3A_1735 = arith.index_cast %get3A_1734 : i32 to index
      %get3A_1736 = arith.constant 112 : index
      %get3A_1737 = tpu.vector_load %arg14[%get3A_1735, %get3A_1736] {strides = array<i32>} : memref<32x128xf32, #tpu.memory_space<vmem>>, vector<16xf32>,
      %max3A_1738 = arith.maximumf %max3A_1733, %get3A_1737 : vector<16xf32>
      %get3A_1739 = arith.constant 16 : i32
      %get3A_1740 = arith.index_cast %get3A_1739 : i32 to index
      %get3A_1741 = arith.constant 112 : index
      %get3A_1742 = tpu.vector_load %arg14[%get3A_1740, %get3A_1741] {strides = array<i32>} : memref<32x128xf32, #tpu.memory_space<vmem>>, vector<16xf32>,
      %max3A_1743 = arith.maximumf %max3A_1738, %get3A_1742 : vector<16xf32>
      %get3A_1744 = arith.constant 17 : i32
      %get3A_1745 = arith.index_cast %get3A_1744 : i32 to index
      %get3A_1746 = arith.constant 112 : index
      %get3A_1747 = tpu.vector_load %arg14[%get3A_1745, %get3A_1746] {strides = array<i32>} : memref<32x128xf32, #tpu.memory_space<vmem>>, vector<16xf32>,
      %max3A_1748 = arith.maximumf %max3A_1743, %get3A_1747 : vector<16xf32>
      %get3A_1749 = arith.constant 18 : i32
      %get3A_1750 = arith.index_cast %get3A_1749 : i32 to index
      %get3A_1751 = arith.constant 112 : index
      %get3A_1752 = tpu.vector_load %arg14[%get3A_1750, %get3A_1751] {strides = array<i32>} : memref<32x128xf32, #tpu.memory_space<vmem>>, vector<16xf32>,
      %max3A_1753 = arith.maximumf %max3A_1748, %get3A_1752 : vector<16xf32>
      %get3A_1754 = arith.constant 19 : i32
      %get3A_1755 = arith.index_cast %get3A_1754 : i32 to index
      %get3A_1756 = arith.constant 112 : index
      %get3A_1757 = tpu.vector_load %arg14[%get3A_1755, %get3A_1756] {strides = array<i32>} : memref<32x128xf32, #tpu.memory_space<vmem>>, vector<16xf32>,
      %max3A_1758 = arith.maximumf %max3A_1753, %get3A_1757 : vector<16xf32>
      %get3A_1759 = arith.constant 20 : i32
      %get3A_1760 = arith.index_cast %get3A_1759 : i32 to index
      %get3A_1761 = arith.constant 112 : index
      %get3A_1762 = tpu.vector_load %arg14[%get3A_1760, %get3A_1761] {strides = array<i32>} : memref<32x128xf32, #tpu.memory_space<vmem>>, vector<16xf32>,
      %max3A_1763 = arith.maximumf %max3A_1758, %get3A_1762 : vector<16xf32>
      %get3A_1764 = arith.constant 21 : i32
      %get3A_1765 = arith.index_cast %get3A_1764 : i32 to index
      %get3A_1766 = arith.constant 112 : index
      %get3A_1767 = tpu.vector_load %arg14[%get3A_1765, %get3A_1766] {strides = array<i32>} : memref<32x128xf32, #tpu.memory_space<vmem>>, vector<16xf32>,
      %max3A_1768 = arith.maximumf %max3A_1763, %get3A_1767 : vector<16xf32>
      %get3A_1769 = arith.constant 22 : i32
      %get3A_1770 = arith.index_cast %get3A_1769 : i32 to index
      %get3A_1771 = arith.constant 112 : index
      %get3A_1772 = tpu.vector_load %arg14[%get3A_1770, %get3A_1771] {strides = array<i32>} : memref<32x128xf32, #tpu.memory_space<vmem>>, vector<16xf32>,
      %max3A_1773 = arith.maximumf %max3A_1768, %get3A_1772 : vector<16xf32>
      %get3A_1774 = arith.constant 23 : i32
      %get3A_1775 = arith.index_cast %get3A_1774 : i32 to index
      %get3A_1776 = arith.constant 112 : index
      %get3A_1777 = tpu.vector_load %arg14[%get3A_1775, %get3A_1776] {strides = array<i32>} : memref<32x128xf32, #tpu.memory_space<vmem>>, vector<16xf32>,
      %max3A_1778 = arith.maximumf %max3A_1773, %get3A_1777 : vector<16xf32>
      %get3A_1779 = arith.constant 24 : i32
      %get3A_1780 = arith.index_cast %get3A_1779 : i32 to index
      %get3A_1781 = arith.constant 112 : index
      %get3A_1782 = tpu.vector_load %arg14[%get3A_1780, %get3A_1781] {strides = array<i32>} : memref<32x128xf32, #tpu.memory_space<vmem>>, vector<16xf32>,
      %max3A_1783 = arith.maximumf %max3A_1778, %get3A_1782 : vector<16xf32>
      %get3A_1784 = arith.constant 25 : i32
      %get3A_1785 = arith.index_cast %get3A_1784 : i32 to index
      %get3A_1786 = arith.constant 112 : index
      %get3A_1787 = tpu.vector_load %arg14[%get3A_1785, %get3A_1786] {strides = array<i32>} : memref<32x128xf32, #tpu.memory_space<vmem>>, vector<16xf32>,
      %max3A_1788 = arith.maximumf %max3A_1783, %get3A_1787 : vector<16xf32>
      %get3A_1789 = arith.constant 26 : i32
      %get3A_1790 = arith.index_cast %get3A_1789 : i32 to index
      %get3A_1791 = arith.constant 112 : index
      %get3A_1792 = tpu.vector_load %arg14[%get3A_1790, %get3A_1791] {strides = array<i32>} : memref<32x128xf32, #tpu.memory_space<vmem>>, vector<16xf32>,
      %max3A_1793 = arith.maximumf %max3A_1788, %get3A_1792 : vector<16xf32>
      %get3A_1794 = arith.constant 27 : i32
      %get3A_1795 = arith.index_cast %get3A_1794 : i32 to index
      %get3A_1796 = arith.constant 112 : index
      %get3A_1797 = tpu.vector_load %arg14[%get3A_1795, %get3A_1796] {strides = array<i32>} : memref<32x128xf32, #tpu.memory_space<vmem>>, vector<16xf32>,
      %max3A_1798 = arith.maximumf %max3A_1793, %get3A_1797 : vector<16xf32>
      %get3A_1799 = arith.constant 28 : i32
      %get3A_1800 = arith.index_cast %get3A_1799 : i32 to index
      %get3A_1801 = arith.constant 112 : index
      %get3A_1802 = tpu.vector_load %arg14[%get3A_1800, %get3A_1801] {strides = array<i32>} : memref<32x128xf32, #tpu.memory_space<vmem>>, vector<16xf32>,
      %max3A_1803 = arith.maximumf %max3A_1798, %get3A_1802 : vector<16xf32>
      %get3A_1804 = arith.constant 29 : i32
      %get3A_1805 = arith.index_cast %get3A_1804 : i32 to index
      %get3A_1806 = arith.constant 112 : index
      %get3A_1807 = tpu.vector_load %arg14[%get3A_1805, %get3A_1806] {strides = array<i32>} : memref<32x128xf32, #tpu.memory_space<vmem>>, vector<16xf32>,
      %max3A_1808 = arith.maximumf %max3A_1803, %get3A_1807 : vector<16xf32>
      %get3A_1809 = arith.constant 30 : i32
      %get3A_1810 = arith.index_cast %get3A_1809 : i32 to index
      %get3A_1811 = arith.constant 112 : index
      %get3A_1812 = tpu.vector_load %arg14[%get3A_1810, %get3A_1811] {strides = array<i32>} : memref<32x128xf32, #tpu.memory_space<vmem>>, vector<16xf32>,
      %max3A_1813 = arith.maximumf %max3A_1808, %get3A_1812 : vector<16xf32>
      %get3A_1814 = arith.constant 31 : i32
      %get3A_1815 = arith.index_cast %get3A_1814 : i32 to index
      %get3A_1816 = arith.constant 112 : index
      %get3A_1817 = tpu.vector_load %arg14[%get3A_1815, %get3A_1816] {strides = array<i32>} : memref<32x128xf32, #tpu.memory_space<vmem>>, vector<16xf32>,
      %max3A_1818 = arith.maximumf %max3A_1813, %get3A_1817 : vector<16xf32>
      %swap3A_1819 = arith.constant 0 : i32
      %swap3A_1820 = arith.index_cast %swap3A_1819 : i32 to index
      %swap3A_1821 = arith.constant 176 : index
      %swap3A_1822 = tpu.vector_load %arg16[%swap3A_1820, %swap3A_1821] {strides = array<i32>} : memref<2x192xf32, #tpu.memory_space<vmem>>, vector<16xf32>,
      tpu.vector_store %arg16[%swap3A_1820, %swap3A_1821], %max3A_1818 {strides = array<i32>} : memref<2x192xf32, #tpu.memory_space<vmem>>, vector<16xf32>,
      %dma_wait3A_1823 = arith.constant 0 : i32
      %dma_wait3A_1824 = arith.constant 0 : i32
      %dma_wait3A_1825 = tpu.memref_slice %arg3[%dma_wait3A_1823, %dma_wait3A_1824] : memref<20480x128xf32, #tpu.memory_space<hbm>> -> memref<20480x128xf32, #tpu.memory_space<hbm>>
      tpu.wait_indirect_dma semaphore(%arg21 : memref<!tpu.dma_semaphore, #tpu.memory_space<semaphore_mem>>) src(%dma_wait3A_1825 : memref<20480x128xf32, #tpu.memory_space<hbm>>) dst(%arg13 : memref<16x128xf32, #tpu.memory_space<vmem>>)
      %dma_wait3A_1826 = arith.constant 0 : i32
      %dma_wait3A_1827 = arith.constant 0 : i32
      %dma_wait3A_1828 = tpu.memref_slice %arg4[%dma_wait3A_1826, %dma_wait3A_1827] : memref<20480x128xf32, #tpu.memory_space<hbm>> -> memref<20480x128xf32, #tpu.memory_space<hbm>>
      tpu.wait_indirect_dma semaphore(%arg22 : memref<!tpu.dma_semaphore, #tpu.memory_space<semaphore_mem>>) src(%dma_wait3A_1828 : memref<20480x128xf32, #tpu.memory_space<hbm>>) dst(%arg15 : memref<32x128xf32, #tpu.memory_space<vmem>>)
      %get3A_1829 = arith.constant 0 : i32
      %get3A_1830 = arith.index_cast %get3A_1829 : i32 to index
      %get3A_1831 = arith.constant 0 : index
      %get3A_1832 = tpu.vector_load %arg13[%get3A_1830, %get3A_1831] {strides = array<i32>} : memref<16x128xf32, #tpu.memory_space<vmem>>, vector<16xf32>,
      %get3A_1833 = arith.constant 1 : i32
      %get3A_1834 = arith.index_cast %get3A_1833 : i32 to index
      %get3A_1835 = arith.constant 0 : index
      %get3A_1836 = tpu.vector_load %arg13[%get3A_1834, %get3A_1835] {strides = array<i32>} : memref<16x128xf32, #tpu.memory_space<vmem>>, vector<16xf32>,
      %max3A_1837 = arith.maximumf %get3A_1832, %get3A_1836 : vector<16xf32>
      %get3A_1838 = arith.constant 2 : i32
      %get3A_1839 = arith.index_cast %get3A_1838 : i32 to index
      %get3A_1840 = arith.constant 0 : index
      %get3A_1841 = tpu.vector_load %arg13[%get3A_1839, %get3A_1840] {strides = array<i32>} : memref<16x128xf32, #tpu.memory_space<vmem>>, vector<16xf32>,
      %max3A_1842 = arith.maximumf %max3A_1837, %get3A_1841 : vector<16xf32>
      %get3A_1843 = arith.constant 3 : i32
      %get3A_1844 = arith.index_cast %get3A_1843 : i32 to index
      %get3A_1845 = arith.constant 0 : index
      %get3A_1846 = tpu.vector_load %arg13[%get3A_1844, %get3A_1845] {strides = array<i32>} : memref<16x128xf32, #tpu.memory_space<vmem>>, vector<16xf32>,
      %max3A_1847 = arith.maximumf %max3A_1842, %get3A_1846 : vector<16xf32>
      %get3A_1848 = arith.constant 4 : i32
      %get3A_1849 = arith.index_cast %get3A_1848 : i32 to index
      %get3A_1850 = arith.constant 0 : index
      %get3A_1851 = tpu.vector_load %arg13[%get3A_1849, %get3A_1850] {strides = array<i32>} : memref<16x128xf32, #tpu.memory_space<vmem>>, vector<16xf32>,
      %max3A_1852 = arith.maximumf %max3A_1847, %get3A_1851 : vector<16xf32>
      %get3A_1853 = arith.constant 5 : i32
      %get3A_1854 = arith.index_cast %get3A_1853 : i32 to index
      %get3A_1855 = arith.constant 0 : index
      %get3A_1856 = tpu.vector_load %arg13[%get3A_1854, %get3A_1855] {strides = array<i32>} : memref<16x128xf32, #tpu.memory_space<vmem>>, vector<16xf32>,
      %max3A_1857 = arith.maximumf %max3A_1852, %get3A_1856 : vector<16xf32>
      %get3A_1858 = arith.constant 6 : i32
      %get3A_1859 = arith.index_cast %get3A_1858 : i32 to index
      %get3A_1860 = arith.constant 0 : index
      %get3A_1861 = tpu.vector_load %arg13[%get3A_1859, %get3A_1860] {strides = array<i32>} : memref<16x128xf32, #tpu.memory_space<vmem>>, vector<16xf32>,
      %max3A_1862 = arith.maximumf %max3A_1857, %get3A_1861 : vector<16xf32>
      %get3A_1863 = arith.constant 7 : i32
      %get3A_1864 = arith.index_cast %get3A_1863 : i32 to index
      %get3A_1865 = arith.constant 0 : index
      %get3A_1866 = tpu.vector_load %arg13[%get3A_1864, %get3A_1865] {strides = array<i32>} : memref<16x128xf32, #tpu.memory_space<vmem>>, vector<16xf32>,
      %max3A_1867 = arith.maximumf %max3A_1862, %get3A_1866 : vector<16xf32>
      %get3A_1868 = arith.constant 8 : i32
      %get3A_1869 = arith.index_cast %get3A_1868 : i32 to index
      %get3A_1870 = arith.constant 0 : index
      %get3A_1871 = tpu.vector_load %arg13[%get3A_1869, %get3A_1870] {strides = array<i32>} : memref<16x128xf32, #tpu.memory_space<vmem>>, vector<16xf32>,
      %max3A_1872 = arith.maximumf %max3A_1867, %get3A_1871 : vector<16xf32>
      %get3A_1873 = arith.constant 9 : i32
      %get3A_1874 = arith.index_cast %get3A_1873 : i32 to index
      %get3A_1875 = arith.constant 0 : index
      %get3A_1876 = tpu.vector_load %arg13[%get3A_1874, %get3A_1875] {strides = array<i32>} : memref<16x128xf32, #tpu.memory_space<vmem>>, vector<16xf32>,
      %max3A_1877 = arith.maximumf %max3A_1872, %get3A_1876 : vector<16xf32>
      %get3A_1878 = arith.constant 10 : i32
      %get3A_1879 = arith.index_cast %get3A_1878 : i32 to index
      %get3A_1880 = arith.constant 0 : index
      %get3A_1881 = tpu.vector_load %arg13[%get3A_1879, %get3A_1880] {strides = array<i32>} : memref<16x128xf32, #tpu.memory_space<vmem>>, vector<16xf32>,
      %max3A_1882 = arith.maximumf %max3A_1877, %get3A_1881 : vector<16xf32>
      %get3A_1883 = arith.constant 11 : i32
      %get3A_1884 = arith.index_cast %get3A_1883 : i32 to index
      %get3A_1885 = arith.constant 0 : index
      %get3A_1886 = tpu.vector_load %arg13[%get3A_1884, %get3A_1885] {strides = array<i32>} : memref<16x128xf32, #tpu.memory_space<vmem>>, vector<16xf32>,
      %max3A_1887 = arith.maximumf %max3A_1882, %get3A_1886 : vector<16xf32>
      %get3A_1888 = arith.constant 12 : i32
      %get3A_1889 = arith.index_cast %get3A_1888 : i32 to index
      %get3A_1890 = arith.constant 0 : index
      %get3A_1891 = tpu.vector_load %arg13[%get3A_1889, %get3A_1890] {strides = array<i32>} : memref<16x128xf32, #tpu.memory_space<vmem>>, vector<16xf32>,
      %max3A_1892 = arith.maximumf %max3A_1887, %get3A_1891 : vector<16xf32>
      %get3A_1893 = arith.constant 13 : i32
      %get3A_1894 = arith.index_cast %get3A_1893 : i32 to index
      %get3A_1895 = arith.constant 0 : index
      %get3A_1896 = tpu.vector_load %arg13[%get3A_1894, %get3A_1895] {strides = array<i32>} : memref<16x128xf32, #tpu.memory_space<vmem>>, vector<16xf32>,
      %max3A_1897 = arith.maximumf %max3A_1892, %get3A_1896 : vector<16xf32>
      %get3A_1898 = arith.constant 14 : i32
      %get3A_1899 = arith.index_cast %get3A_1898 : i32 to index
      %get3A_1900 = arith.constant 0 : index
      %get3A_1901 = tpu.vector_load %arg13[%get3A_1899, %get3A_1900] {strides = array<i32>} : memref<16x128xf32, #tpu.memory_space<vmem>>, vector<16xf32>,
      %max3A_1902 = arith.maximumf %max3A_1897, %get3A_1901 : vector<16xf32>
      %get3A_1903 = arith.constant 15 : i32
      %get3A_1904 = arith.index_cast %get3A_1903 : i32 to index
      %get3A_1905 = arith.constant 0 : index
      %get3A_1906 = tpu.vector_load %arg13[%get3A_1904, %get3A_1905] {strides = array<i32>} : memref<16x128xf32, #tpu.memory_space<vmem>>, vector<16xf32>,
      %max3A_1907 = arith.maximumf %max3A_1902, %get3A_1906 : vector<16xf32>
      %swap3A_1908 = arith.constant 1 : i32
      %swap3A_1909 = arith.index_cast %swap3A_1908 : i32 to index
      %swap3A_1910 = arith.constant 0 : index
      %swap3A_1911 = tpu.vector_load %arg16[%swap3A_1909, %swap3A_1910] {strides = array<i32>} : memref<2x192xf32, #tpu.memory_space<vmem>>, vector<16xf32>,
      tpu.vector_store %arg16[%swap3A_1909, %swap3A_1910], %max3A_1907 {strides = array<i32>} : memref<2x192xf32, #tpu.memory_space<vmem>>, vector<16xf32>,
      %get3A_1912 = arith.constant 0 : i32
      %get3A_1913 = arith.index_cast %get3A_1912 : i32 to index
      %get3A_1914 = arith.constant 16 : index
      %get3A_1915 = tpu.vector_load %arg13[%get3A_1913, %get3A_1914] {strides = array<i32>} : memref<16x128xf32, #tpu.memory_space<vmem>>, vector<16xf32>,
      %get3A_1916 = arith.constant 1 : i32
      %get3A_1917 = arith.index_cast %get3A_1916 : i32 to index
      %get3A_1918 = arith.constant 16 : index
      %get3A_1919 = tpu.vector_load %arg13[%get3A_1917, %get3A_1918] {strides = array<i32>} : memref<16x128xf32, #tpu.memory_space<vmem>>, vector<16xf32>,
      %max3A_1920 = arith.maximumf %get3A_1915, %get3A_1919 : vector<16xf32>
      %get3A_1921 = arith.constant 2 : i32
      %get3A_1922 = arith.index_cast %get3A_1921 : i32 to index
      %get3A_1923 = arith.constant 16 : index
      %get3A_1924 = tpu.vector_load %arg13[%get3A_1922, %get3A_1923] {strides = array<i32>} : memref<16x128xf32, #tpu.memory_space<vmem>>, vector<16xf32>,
      %max3A_1925 = arith.maximumf %max3A_1920, %get3A_1924 : vector<16xf32>
      %get3A_1926 = arith.constant 3 : i32
      %get3A_1927 = arith.index_cast %get3A_1926 : i32 to index
      %get3A_1928 = arith.constant 16 : index
      %get3A_1929 = tpu.vector_load %arg13[%get3A_1927, %get3A_1928] {strides = array<i32>} : memref<16x128xf32, #tpu.memory_space<vmem>>, vector<16xf32>,
      %max3A_1930 = arith.maximumf %max3A_1925, %get3A_1929 : vector<16xf32>
      %get3A_1931 = arith.constant 4 : i32
      %get3A_1932 = arith.index_cast %get3A_1931 : i32 to index
      %get3A_1933 = arith.constant 16 : index
      %get3A_1934 = tpu.vector_load %arg13[%get3A_1932, %get3A_1933] {strides = array<i32>} : memref<16x128xf32, #tpu.memory_space<vmem>>, vector<16xf32>,
      %max3A_1935 = arith.maximumf %max3A_1930, %get3A_1934 : vector<16xf32>
      %get3A_1936 = arith.constant 5 : i32
      %get3A_1937 = arith.index_cast %get3A_1936 : i32 to index
      %get3A_1938 = arith.constant 16 : index
      %get3A_1939 = tpu.vector_load %arg13[%get3A_1937, %get3A_1938] {strides = array<i32>} : memref<16x128xf32, #tpu.memory_space<vmem>>, vector<16xf32>,
      %max3A_1940 = arith.maximumf %max3A_1935, %get3A_1939 : vector<16xf32>
      %get3A_1941 = arith.constant 6 : i32
      %get3A_1942 = arith.index_cast %get3A_1941 : i32 to index
      %get3A_1943 = arith.constant 16 : index
      %get3A_1944 = tpu.vector_load %arg13[%get3A_1942, %get3A_1943] {strides = array<i32>} : memref<16x128xf32, #tpu.memory_space<vmem>>, vector<16xf32>,
      %max3A_1945 = arith.maximumf %max3A_1940, %get3A_1944 : vector<16xf32>
      %get3A_1946 = arith.constant 7 : i32
      %get3A_1947 = arith.index_cast %get3A_1946 : i32 to index
      %get3A_1948 = arith.constant 16 : index
      %get3A_1949 = tpu.vector_load %arg13[%get3A_1947, %get3A_1948] {strides = array<i32>} : memref<16x128xf32, #tpu.memory_space<vmem>>, vector<16xf32>,
      %max3A_1950 = arith.maximumf %max3A_1945, %get3A_1949 : vector<16xf32>
      %get3A_1951 = arith.constant 8 : i32
      %get3A_1952 = arith.index_cast %get3A_1951 : i32 to index
      %get3A_1953 = arith.constant 16 : index
      %get3A_1954 = tpu.vector_load %arg13[%get3A_1952, %get3A_1953] {strides = array<i32>} : memref<16x128xf32, #tpu.memory_space<vmem>>, vector<16xf32>,
      %max3A_1955 = arith.maximumf %max3A_1950, %get3A_1954 : vector<16xf32>
      %get3A_1956 = arith.constant 9 : i32
      %get3A_1957 = arith.index_cast %get3A_1956 : i32 to index
      %get3A_1958 = arith.constant 16 : index
      %get3A_1959 = tpu.vector_load %arg13[%get3A_1957, %get3A_1958] {strides = array<i32>} : memref<16x128xf32, #tpu.memory_space<vmem>>, vector<16xf32>,
      %max3A_1960 = arith.maximumf %max3A_1955, %get3A_1959 : vector<16xf32>
      %get3A_1961 = arith.constant 10 : i32
      %get3A_1962 = arith.index_cast %get3A_1961 : i32 to index
      %get3A_1963 = arith.constant 16 : index
      %get3A_1964 = tpu.vector_load %arg13[%get3A_1962, %get3A_1963] {strides = array<i32>} : memref<16x128xf32, #tpu.memory_space<vmem>>, vector<16xf32>,
      %max3A_1965 = arith.maximumf %max3A_1960, %get3A_1964 : vector<16xf32>
      %get3A_1966 = arith.constant 11 : i32
      %get3A_1967 = arith.index_cast %get3A_1966 : i32 to index
      %get3A_1968 = arith.constant 16 : index
      %get3A_1969 = tpu.vector_load %arg13[%get3A_1967, %get3A_1968] {strides = array<i32>} : memref<16x128xf32, #tpu.memory_space<vmem>>, vector<16xf32>,
      %max3A_1970 = arith.maximumf %max3A_1965, %get3A_1969 : vector<16xf32>
      %get3A_1971 = arith.constant 12 : i32
      %get3A_1972 = arith.index_cast %get3A_1971 : i32 to index
      %get3A_1973 = arith.constant 16 : index
      %get3A_1974 = tpu.vector_load %arg13[%get3A_1972, %get3A_1973] {strides = array<i32>} : memref<16x128xf32, #tpu.memory_space<vmem>>, vector<16xf32>,
      %max3A_1975 = arith.maximumf %max3A_1970, %get3A_1974 : vector<16xf32>
      %get3A_1976 = arith.constant 13 : i32
      %get3A_1977 = arith.index_cast %get3A_1976 : i32 to index
      %get3A_1978 = arith.constant 16 : index
      %get3A_1979 = tpu.vector_load %arg13[%get3A_1977, %get3A_1978] {strides = array<i32>} : memref<16x128xf32, #tpu.memory_space<vmem>>, vector<16xf32>,
      %max3A_1980 = arith.maximumf %max3A_1975, %get3A_1979 : vector<16xf32>
      %get3A_1981 = arith.constant 14 : i32
      %get3A_1982 = arith.index_cast %get3A_1981 : i32 to index
      %get3A_1983 = arith.constant 16 : index
      %get3A_1984 = tpu.vector_load %arg13[%get3A_1982, %get3A_1983] {strides = array<i32>} : memref<16x128xf32, #tpu.memory_space<vmem>>, vector<16xf32>,
      %max3A_1985 = arith.maximumf %max3A_1980, %get3A_1984 : vector<16xf32>
      %get3A_1986 = arith.constant 15 : i32
      %get3A_1987 = arith.index_cast %get3A_1986 : i32 to index
      %get3A_1988 = arith.constant 16 : index
      %get3A_1989 = tpu.vector_load %arg13[%get3A_1987, %get3A_1988] {strides = array<i32>} : memref<16x128xf32, #tpu.memory_space<vmem>>, vector<16xf32>,
      %max3A_1990 = arith.maximumf %max3A_1985, %get3A_1989 : vector<16xf32>
      %swap3A_1991 = arith.constant 1 : i32
      %swap3A_1992 = arith.index_cast %swap3A_1991 : i32 to index
      %swap3A_1993 = arith.constant 16 : index
      %swap3A_1994 = tpu.vector_load %arg16[%swap3A_1992, %swap3A_1993] {strides = array<i32>} : memref<2x192xf32, #tpu.memory_space<vmem>>, vector<16xf32>,
      tpu.vector_store %arg16[%swap3A_1992, %swap3A_1993], %max3A_1990 {strides = array<i32>} : memref<2x192xf32, #tpu.memory_space<vmem>>, vector<16xf32>,
      %get3A_1995 = arith.constant 0 : i32
      %get3A_1996 = arith.index_cast %get3A_1995 : i32 to index
      %get3A_1997 = arith.constant 32 : index
      %get3A_1998 = tpu.vector_load %arg13[%get3A_1996, %get3A_1997] {strides = array<i32>} : memref<16x128xf32, #tpu.memory_space<vmem>>, vector<16xf32>,
      %get3A_1999 = arith.constant 1 : i32
      %get3A_2000 = arith.index_cast %get3A_1999 : i32 to index
      %get3A_2001 = arith.constant 32 : index
      %get3A_2002 = tpu.vector_load %arg13[%get3A_2000, %get3A_2001] {strides = array<i32>} : memref<16x128xf32, #tpu.memory_space<vmem>>, vector<16xf32>,
      %max3A_2003 = arith.maximumf %get3A_1998, %get3A_2002 : vector<16xf32>
      %get3A_2004 = arith.constant 2 : i32
      %get3A_2005 = arith.index_cast %get3A_2004 : i32 to index
      %get3A_2006 = arith.constant 32 : index
      %get3A_2007 = tpu.vector_load %arg13[%get3A_2005, %get3A_2006] {strides = array<i32>} : memref<16x128xf32, #tpu.memory_space<vmem>>, vector<16xf32>,
      %max3A_2008 = arith.maximumf %max3A_2003, %get3A_2007 : vector<16xf32>
      %get3A_2009 = arith.constant 3 : i32
      %get3A_2010 = arith.index_cast %get3A_2009 : i32 to index
      %get3A_2011 = arith.constant 32 : index
      %get3A_2012 = tpu.vector_load %arg13[%get3A_2010, %get3A_2011] {strides = array<i32>} : memref<16x128xf32, #tpu.memory_space<vmem>>, vector<16xf32>,
      %max3A_2013 = arith.maximumf %max3A_2008, %get3A_2012 : vector<16xf32>
      %get3A_2014 = arith.constant 4 : i32
      %get3A_2015 = arith.index_cast %get3A_2014 : i32 to index
      %get3A_2016 = arith.constant 32 : index
      %get3A_2017 = tpu.vector_load %arg13[%get3A_2015, %get3A_2016] {strides = array<i32>} : memref<16x128xf32, #tpu.memory_space<vmem>>, vector<16xf32>,
      %max3A_2018 = arith.maximumf %max3A_2013, %get3A_2017 : vector<16xf32>
      %get3A_2019 = arith.constant 5 : i32
      %get3A_2020 = arith.index_cast %get3A_2019 : i32 to index
      %get3A_2021 = arith.constant 32 : index
      %get3A_2022 = tpu.vector_load %arg13[%get3A_2020, %get3A_2021] {strides = array<i32>} : memref<16x128xf32, #tpu.memory_space<vmem>>, vector<16xf32>,
      %max3A_2023 = arith.maximumf %max3A_2018, %get3A_2022 : vector<16xf32>
      %get3A_2024 = arith.constant 6 : i32
      %get3A_2025 = arith.index_cast %get3A_2024 : i32 to index
      %get3A_2026 = arith.constant 32 : index
      %get3A_2027 = tpu.vector_load %arg13[%get3A_2025, %get3A_2026] {strides = array<i32>} : memref<16x128xf32, #tpu.memory_space<vmem>>, vector<16xf32>,
      %max3A_2028 = arith.maximumf %max3A_2023, %get3A_2027 : vector<16xf32>
      %get3A_2029 = arith.constant 7 : i32
      %get3A_2030 = arith.index_cast %get3A_2029 : i32 to index
      %get3A_2031 = arith.constant 32 : index
      %get3A_2032 = tpu.vector_load %arg13[%get3A_2030, %get3A_2031] {strides = array<i32>} : memref<16x128xf32, #tpu.memory_space<vmem>>, vector<16xf32>,
      %max3A_2033 = arith.maximumf %max3A_2028, %get3A_2032 : vector<16xf32>
      %get3A_2034 = arith.constant 8 : i32
      %get3A_2035 = arith.index_cast %get3A_2034 : i32 to index
      %get3A_2036 = arith.constant 32 : index
      %get3A_2037 = tpu.vector_load %arg13[%get3A_2035, %get3A_2036] {strides = array<i32>} : memref<16x128xf32, #tpu.memory_space<vmem>>, vector<16xf32>,
      %max3A_2038 = arith.maximumf %max3A_2033, %get3A_2037 : vector<16xf32>
      %get3A_2039 = arith.constant 9 : i32
      %get3A_2040 = arith.index_cast %get3A_2039 : i32 to index
      %get3A_2041 = arith.constant 32 : index
      %get3A_2042 = tpu.vector_load %arg13[%get3A_2040, %get3A_2041] {strides = array<i32>} : memref<16x128xf32, #tpu.memory_space<vmem>>, vector<16xf32>,
      %max3A_2043 = arith.maximumf %max3A_2038, %get3A_2042 : vector<16xf32>
      %get3A_2044 = arith.constant 10 : i32
      %get3A_2045 = arith.index_cast %get3A_2044 : i32 to index
      %get3A_2046 = arith.constant 32 : index
      %get3A_2047 = tpu.vector_load %arg13[%get3A_2045, %get3A_2046] {strides = array<i32>} : memref<16x128xf32, #tpu.memory_space<vmem>>, vector<16xf32>,
      %max3A_2048 = arith.maximumf %max3A_2043, %get3A_2047 : vector<16xf32>
      %get3A_2049 = arith.constant 11 : i32
      %get3A_2050 = arith.index_cast %get3A_2049 : i32 to index
      %get3A_2051 = arith.constant 32 : index
      %get3A_2052 = tpu.vector_load %arg13[%get3A_2050, %get3A_2051] {strides = array<i32>} : memref<16x128xf32, #tpu.memory_space<vmem>>, vector<16xf32>,
      %max3A_2053 = arith.maximumf %max3A_2048, %get3A_2052 : vector<16xf32>
      %get3A_2054 = arith.constant 12 : i32
      %get3A_2055 = arith.index_cast %get3A_2054 : i32 to index
      %get3A_2056 = arith.constant 32 : index
      %get3A_2057 = tpu.vector_load %arg13[%get3A_2055, %get3A_2056] {strides = array<i32>} : memref<16x128xf32, #tpu.memory_space<vmem>>, vector<16xf32>,
      %max3A_2058 = arith.maximumf %max3A_2053, %get3A_2057 : vector<16xf32>
      %get3A_2059 = arith.constant 13 : i32
      %get3A_2060 = arith.index_cast %get3A_2059 : i32 to index
      %get3A_2061 = arith.constant 32 : index
      %get3A_2062 = tpu.vector_load %arg13[%get3A_2060, %get3A_2061] {strides = array<i32>} : memref<16x128xf32, #tpu.memory_space<vmem>>, vector<16xf32>,
      %max3A_2063 = arith.maximumf %max3A_2058, %get3A_2062 : vector<16xf32>
      %get3A_2064 = arith.constant 14 : i32
      %get3A_2065 = arith.index_cast %get3A_2064 : i32 to index
      %get3A_2066 = arith.constant 32 : index
      %get3A_2067 = tpu.vector_load %arg13[%get3A_2065, %get3A_2066] {strides = array<i32>} : memref<16x128xf32, #tpu.memory_space<vmem>>, vector<16xf32>,
      %max3A_2068 = arith.maximumf %max3A_2063, %get3A_2067 : vector<16xf32>
      %get3A_2069 = arith.constant 15 : i32
      %get3A_2070 = arith.index_cast %get3A_2069 : i32 to index
      %get3A_2071 = arith.constant 32 : index
      %get3A_2072 = tpu.vector_load %arg13[%get3A_2070, %get3A_2071] {strides = array<i32>} : memref<16x128xf32, #tpu.memory_space<vmem>>, vector<16xf32>,
      %max3A_2073 = arith.maximumf %max3A_2068, %get3A_2072 : vector<16xf32>
      %swap3A_2074 = arith.constant 1 : i32
      %swap3A_2075 = arith.index_cast %swap3A_2074 : i32 to index
      %swap3A_2076 = arith.constant 32 : index
      %swap3A_2077 = tpu.vector_load %arg16[%swap3A_2075, %swap3A_2076] {strides = array<i32>} : memref<2x192xf32, #tpu.memory_space<vmem>>, vector<16xf32>,
      tpu.vector_store %arg16[%swap3A_2075, %swap3A_2076], %max3A_2073 {strides = array<i32>} : memref<2x192xf32, #tpu.memory_space<vmem>>, vector<16xf32>,
      %get3A_2078 = arith.constant 0 : i32
      %get3A_2079 = arith.index_cast %get3A_2078 : i32 to index
      %get3A_2080 = arith.constant 48 : index
      %get3A_2081 = tpu.vector_load %arg13[%get3A_2079, %get3A_2080] {strides = array<i32>} : memref<16x128xf32, #tpu.memory_space<vmem>>, vector<16xf32>,
      %get3A_2082 = arith.constant 1 : i32
      %get3A_2083 = arith.index_cast %get3A_2082 : i32 to index
      %get3A_2084 = arith.constant 48 : index
      %get3A_2085 = tpu.vector_load %arg13[%get3A_2083, %get3A_2084] {strides = array<i32>} : memref<16x128xf32, #tpu.memory_space<vmem>>, vector<16xf32>,
      %max3A_2086 = arith.maximumf %get3A_2081, %get3A_2085 : vector<16xf32>
      %get3A_2087 = arith.constant 2 : i32
      %get3A_2088 = arith.index_cast %get3A_2087 : i32 to index
      %get3A_2089 = arith.constant 48 : index
      %get3A_2090 = tpu.vector_load %arg13[%get3A_2088, %get3A_2089] {strides = array<i32>} : memref<16x128xf32, #tpu.memory_space<vmem>>, vector<16xf32>,
      %max3A_2091 = arith.maximumf %max3A_2086, %get3A_2090 : vector<16xf32>
      %get3A_2092 = arith.constant 3 : i32
      %get3A_2093 = arith.index_cast %get3A_2092 : i32 to index
      %get3A_2094 = arith.constant 48 : index
      %get3A_2095 = tpu.vector_load %arg13[%get3A_2093, %get3A_2094] {strides = array<i32>} : memref<16x128xf32, #tpu.memory_space<vmem>>, vector<16xf32>,
      %max3A_2096 = arith.maximumf %max3A_2091, %get3A_2095 : vector<16xf32>
      %get3A_2097 = arith.constant 4 : i32
      %get3A_2098 = arith.index_cast %get3A_2097 : i32 to index
      %get3A_2099 = arith.constant 48 : index
      %get3A_2100 = tpu.vector_load %arg13[%get3A_2098, %get3A_2099] {strides = array<i32>} : memref<16x128xf32, #tpu.memory_space<vmem>>, vector<16xf32>,
      %max3A_2101 = arith.maximumf %max3A_2096, %get3A_2100 : vector<16xf32>
      %get3A_2102 = arith.constant 5 : i32
      %get3A_2103 = arith.index_cast %get3A_2102 : i32 to index
      %get3A_2104 = arith.constant 48 : index
      %get3A_2105 = tpu.vector_load %arg13[%get3A_2103, %get3A_2104] {strides = array<i32>} : memref<16x128xf32, #tpu.memory_space<vmem>>, vector<16xf32>,
      %max3A_2106 = arith.maximumf %max3A_2101, %get3A_2105 : vector<16xf32>
      %get3A_2107 = arith.constant 6 : i32
      %get3A_2108 = arith.index_cast %get3A_2107 : i32 to index
      %get3A_2109 = arith.constant 48 : index
      %get3A_2110 = tpu.vector_load %arg13[%get3A_2108, %get3A_2109] {strides = array<i32>} : memref<16x128xf32, #tpu.memory_space<vmem>>, vector<16xf32>,
      %max3A_2111 = arith.maximumf %max3A_2106, %get3A_2110 : vector<16xf32>
      %get3A_2112 = arith.constant 7 : i32
      %get3A_2113 = arith.index_cast %get3A_2112 : i32 to index
      %get3A_2114 = arith.constant 48 : index
      %get3A_2115 = tpu.vector_load %arg13[%get3A_2113, %get3A_2114] {strides = array<i32>} : memref<16x128xf32, #tpu.memory_space<vmem>>, vector<16xf32>,
      %max3A_2116 = arith.maximumf %max3A_2111, %get3A_2115 : vector<16xf32>
      %get3A_2117 = arith.constant 8 : i32
      %get3A_2118 = arith.index_cast %get3A_2117 : i32 to index
      %get3A_2119 = arith.constant 48 : index
      %get3A_2120 = tpu.vector_load %arg13[%get3A_2118, %get3A_2119] {strides = array<i32>} : memref<16x128xf32, #tpu.memory_space<vmem>>, vector<16xf32>,
      %max3A_2121 = arith.maximumf %max3A_2116, %get3A_2120 : vector<16xf32>
      %get3A_2122 = arith.constant 9 : i32
      %get3A_2123 = arith.index_cast %get3A_2122 : i32 to index
      %get3A_2124 = arith.constant 48 : index
      %get3A_2125 = tpu.vector_load %arg13[%get3A_2123, %get3A_2124] {strides = array<i32>} : memref<16x128xf32, #tpu.memory_space<vmem>>, vector<16xf32>,
      %max3A_2126 = arith.maximumf %max3A_2121, %get3A_2125 : vector<16xf32>
      %get3A_2127 = arith.constant 10 : i32
      %get3A_2128 = arith.index_cast %get3A_2127 : i32 to index
      %get3A_2129 = arith.constant 48 : index
      %get3A_2130 = tpu.vector_load %arg13[%get3A_2128, %get3A_2129] {strides = array<i32>} : memref<16x128xf32, #tpu.memory_space<vmem>>, vector<16xf32>,
      %max3A_2131 = arith.maximumf %max3A_2126, %get3A_2130 : vector<16xf32>
      %get3A_2132 = arith.constant 11 : i32
      %get3A_2133 = arith.index_cast %get3A_2132 : i32 to index
      %get3A_2134 = arith.constant 48 : index
      %get3A_2135 = tpu.vector_load %arg13[%get3A_2133, %get3A_2134] {strides = array<i32>} : memref<16x128xf32, #tpu.memory_space<vmem>>, vector<16xf32>,
      %max3A_2136 = arith.maximumf %max3A_2131, %get3A_2135 : vector<16xf32>
      %get3A_2137 = arith.constant 12 : i32
      %get3A_2138 = arith.index_cast %get3A_2137 : i32 to index
      %get3A_2139 = arith.constant 48 : index
      %get3A_2140 = tpu.vector_load %arg13[%get3A_2138, %get3A_2139] {strides = array<i32>} : memref<16x128xf32, #tpu.memory_space<vmem>>, vector<16xf32>,
      %max3A_2141 = arith.maximumf %max3A_2136, %get3A_2140 : vector<16xf32>
      %get3A_2142 = arith.constant 13 : i32
      %get3A_2143 = arith.index_cast %get3A_2142 : i32 to index
      %get3A_2144 = arith.constant 48 : index
      %get3A_2145 = tpu.vector_load %arg13[%get3A_2143, %get3A_2144] {strides = array<i32>} : memref<16x128xf32, #tpu.memory_space<vmem>>, vector<16xf32>,
      %max3A_2146 = arith.maximumf %max3A_2141, %get3A_2145 : vector<16xf32>
      %get3A_2147 = arith.constant 14 : i32
      %get3A_2148 = arith.index_cast %get3A_2147 : i32 to index
      %get3A_2149 = arith.constant 48 : index
      %get3A_2150 = tpu.vector_load %arg13[%get3A_2148, %get3A_2149] {strides = array<i32>} : memref<16x128xf32, #tpu.memory_space<vmem>>, vector<16xf32>,
      %max3A_2151 = arith.maximumf %max3A_2146, %get3A_2150 : vector<16xf32>
      %get3A_2152 = arith.constant 15 : i32
      %get3A_2153 = arith.index_cast %get3A_2152 : i32 to index
      %get3A_2154 = arith.constant 48 : index
      %get3A_2155 = tpu.vector_load %arg13[%get3A_2153, %get3A_2154] {strides = array<i32>} : memref<16x128xf32, #tpu.memory_space<vmem>>, vector<16xf32>,
      %max3A_2156 = arith.maximumf %max3A_2151, %get3A_2155 : vector<16xf32>
      %swap3A_2157 = arith.constant 1 : i32
      %swap3A_2158 = arith.index_cast %swap3A_2157 : i32 to index
      %swap3A_2159 = arith.constant 48 : index
      %swap3A_2160 = tpu.vector_load %arg16[%swap3A_2158, %swap3A_2159] {strides = array<i32>} : memref<2x192xf32, #tpu.memory_space<vmem>>, vector<16xf32>,
      tpu.vector_store %arg16[%swap3A_2158, %swap3A_2159], %max3A_2156 {strides = array<i32>} : memref<2x192xf32, #tpu.memory_space<vmem>>, vector<16xf32>,
      %get3A_2161 = arith.constant 0 : i32
      %get3A_2162 = arith.index_cast %get3A_2161 : i32 to index
      %get3A_2163 = arith.constant 0 : index
      %get3A_2164 = tpu.vector_load %arg15[%get3A_2162, %get3A_2163] {strides = array<i32>} : memref<32x128xf32, #tpu.memory_space<vmem>>, vector<16xf32>,
      %get3A_2165 = arith.constant 1 : i32
      %get3A_2166 = arith.index_cast %get3A_2165 : i32 to index
      %get3A_2167 = arith.constant 0 : index
      %get3A_2168 = tpu.vector_load %arg15[%get3A_2166, %get3A_2167] {strides = array<i32>} : memref<32x128xf32, #tpu.memory_space<vmem>>, vector<16xf32>,
      %max3A_2169 = arith.maximumf %get3A_2164, %get3A_2168 : vector<16xf32>
      %get3A_2170 = arith.constant 2 : i32
      %get3A_2171 = arith.index_cast %get3A_2170 : i32 to index
      %get3A_2172 = arith.constant 0 : index
      %get3A_2173 = tpu.vector_load %arg15[%get3A_2171, %get3A_2172] {strides = array<i32>} : memref<32x128xf32, #tpu.memory_space<vmem>>, vector<16xf32>,
      %max3A_2174 = arith.maximumf %max3A_2169, %get3A_2173 : vector<16xf32>
      %get3A_2175 = arith.constant 3 : i32
      %get3A_2176 = arith.index_cast %get3A_2175 : i32 to index
      %get3A_2177 = arith.constant 0 : index
      %get3A_2178 = tpu.vector_load %arg15[%get3A_2176, %get3A_2177] {strides = array<i32>} : memref<32x128xf32, #tpu.memory_space<vmem>>, vector<16xf32>,
      %max3A_2179 = arith.maximumf %max3A_2174, %get3A_2178 : vector<16xf32>
      %get3A_2180 = arith.constant 4 : i32
      %get3A_2181 = arith.index_cast %get3A_2180 : i32 to index
      %get3A_2182 = arith.constant 0 : index
      %get3A_2183 = tpu.vector_load %arg15[%get3A_2181, %get3A_2182] {strides = array<i32>} : memref<32x128xf32, #tpu.memory_space<vmem>>, vector<16xf32>,
      %max3A_2184 = arith.maximumf %max3A_2179, %get3A_2183 : vector<16xf32>
      %get3A_2185 = arith.constant 5 : i32
      %get3A_2186 = arith.index_cast %get3A_2185 : i32 to index
      %get3A_2187 = arith.constant 0 : index
      %get3A_2188 = tpu.vector_load %arg15[%get3A_2186, %get3A_2187] {strides = array<i32>} : memref<32x128xf32, #tpu.memory_space<vmem>>, vector<16xf32>,
      %max3A_2189 = arith.maximumf %max3A_2184, %get3A_2188 : vector<16xf32>
      %get3A_2190 = arith.constant 6 : i32
      %get3A_2191 = arith.index_cast %get3A_2190 : i32 to index
      %get3A_2192 = arith.constant 0 : index
      %get3A_2193 = tpu.vector_load %arg15[%get3A_2191, %get3A_2192] {strides = array<i32>} : memref<32x128xf32, #tpu.memory_space<vmem>>, vector<16xf32>,
      %max3A_2194 = arith.maximumf %max3A_2189, %get3A_2193 : vector<16xf32>
      %get3A_2195 = arith.constant 7 : i32
      %get3A_2196 = arith.index_cast %get3A_2195 : i32 to index
      %get3A_2197 = arith.constant 0 : index
      %get3A_2198 = tpu.vector_load %arg15[%get3A_2196, %get3A_2197] {strides = array<i32>} : memref<32x128xf32, #tpu.memory_space<vmem>>, vector<16xf32>,
      %max3A_2199 = arith.maximumf %max3A_2194, %get3A_2198 : vector<16xf32>
      %get3A_2200 = arith.constant 8 : i32
      %get3A_2201 = arith.index_cast %get3A_2200 : i32 to index
      %get3A_2202 = arith.constant 0 : index
      %get3A_2203 = tpu.vector_load %arg15[%get3A_2201, %get3A_2202] {strides = array<i32>} : memref<32x128xf32, #tpu.memory_space<vmem>>, vector<16xf32>,
      %max3A_2204 = arith.maximumf %max3A_2199, %get3A_2203 : vector<16xf32>
      %get3A_2205 = arith.constant 9 : i32
      %get3A_2206 = arith.index_cast %get3A_2205 : i32 to index
      %get3A_2207 = arith.constant 0 : index
      %get3A_2208 = tpu.vector_load %arg15[%get3A_2206, %get3A_2207] {strides = array<i32>} : memref<32x128xf32, #tpu.memory_space<vmem>>, vector<16xf32>,
      %max3A_2209 = arith.maximumf %max3A_2204, %get3A_2208 : vector<16xf32>
      %get3A_2210 = arith.constant 10 : i32
      %get3A_2211 = arith.index_cast %get3A_2210 : i32 to index
      %get3A_2212 = arith.constant 0 : index
      %get3A_2213 = tpu.vector_load %arg15[%get3A_2211, %get3A_2212] {strides = array<i32>} : memref<32x128xf32, #tpu.memory_space<vmem>>, vector<16xf32>,
      %max3A_2214 = arith.maximumf %max3A_2209, %get3A_2213 : vector<16xf32>
      %get3A_2215 = arith.constant 11 : i32
      %get3A_2216 = arith.index_cast %get3A_2215 : i32 to index
      %get3A_2217 = arith.constant 0 : index
      %get3A_2218 = tpu.vector_load %arg15[%get3A_2216, %get3A_2217] {strides = array<i32>} : memref<32x128xf32, #tpu.memory_space<vmem>>, vector<16xf32>,
      %max3A_2219 = arith.maximumf %max3A_2214, %get3A_2218 : vector<16xf32>
      %get3A_2220 = arith.constant 12 : i32
      %get3A_2221 = arith.index_cast %get3A_2220 : i32 to index
      %get3A_2222 = arith.constant 0 : index
      %get3A_2223 = tpu.vector_load %arg15[%get3A_2221, %get3A_2222] {strides = array<i32>} : memref<32x128xf32, #tpu.memory_space<vmem>>, vector<16xf32>,
      %max3A_2224 = arith.maximumf %max3A_2219, %get3A_2223 : vector<16xf32>
      %get3A_2225 = arith.constant 13 : i32
      %get3A_2226 = arith.index_cast %get3A_2225 : i32 to index
      %get3A_2227 = arith.constant 0 : index
      %get3A_2228 = tpu.vector_load %arg15[%get3A_2226, %get3A_2227] {strides = array<i32>} : memref<32x128xf32, #tpu.memory_space<vmem>>, vector<16xf32>,
      %max3A_2229 = arith.maximumf %max3A_2224, %get3A_2228 : vector<16xf32>
      %get3A_2230 = arith.constant 14 : i32
      %get3A_2231 = arith.index_cast %get3A_2230 : i32 to index
      %get3A_2232 = arith.constant 0 : index
      %get3A_2233 = tpu.vector_load %arg15[%get3A_2231, %get3A_2232] {strides = array<i32>} : memref<32x128xf32, #tpu.memory_space<vmem>>, vector<16xf32>,
      %max3A_2234 = arith.maximumf %max3A_2229, %get3A_2233 : vector<16xf32>
      %get3A_2235 = arith.constant 15 : i32
      %get3A_2236 = arith.index_cast %get3A_2235 : i32 to index
      %get3A_2237 = arith.constant 0 : index
      %get3A_2238 = tpu.vector_load %arg15[%get3A_2236, %get3A_2237] {strides = array<i32>} : memref<32x128xf32, #tpu.memory_space<vmem>>, vector<16xf32>,
      %max3A_2239 = arith.maximumf %max3A_2234, %get3A_2238 : vector<16xf32>
      %get3A_2240 = arith.constant 16 : i32
      %get3A_2241 = arith.index_cast %get3A_2240 : i32 to index
      %get3A_2242 = arith.constant 0 : index
      %get3A_2243 = tpu.vector_load %arg15[%get3A_2241, %get3A_2242] {strides = array<i32>} : memref<32x128xf32, #tpu.memory_space<vmem>>, vector<16xf32>,
      %max3A_2244 = arith.maximumf %max3A_2239, %get3A_2243 : vector<16xf32>
      %get3A_2245 = arith.constant 17 : i32
      %get3A_2246 = arith.index_cast %get3A_2245 : i32 to index
      %get3A_2247 = arith.constant 0 : index
      %get3A_2248 = tpu.vector_load %arg15[%get3A_2246, %get3A_2247] {strides = array<i32>} : memref<32x128xf32, #tpu.memory_space<vmem>>, vector<16xf32>,
      %max3A_2249 = arith.maximumf %max3A_2244, %get3A_2248 : vector<16xf32>
      %get3A_2250 = arith.constant 18 : i32
      %get3A_2251 = arith.index_cast %get3A_2250 : i32 to index
      %get3A_2252 = arith.constant 0 : index
      %get3A_2253 = tpu.vector_load %arg15[%get3A_2251, %get3A_2252] {strides = array<i32>} : memref<32x128xf32, #tpu.memory_space<vmem>>, vector<16xf32>,
      %max3A_2254 = arith.maximumf %max3A_2249, %get3A_2253 : vector<16xf32>
      %get3A_2255 = arith.constant 19 : i32
      %get3A_2256 = arith.index_cast %get3A_2255 : i32 to index
      %get3A_2257 = arith.constant 0 : index
      %get3A_2258 = tpu.vector_load %arg15[%get3A_2256, %get3A_2257] {strides = array<i32>} : memref<32x128xf32, #tpu.memory_space<vmem>>, vector<16xf32>,
      %max3A_2259 = arith.maximumf %max3A_2254, %get3A_2258 : vector<16xf32>
      %get3A_2260 = arith.constant 20 : i32
      %get3A_2261 = arith.index_cast %get3A_2260 : i32 to index
      %get3A_2262 = arith.constant 0 : index
      %get3A_2263 = tpu.vector_load %arg15[%get3A_2261, %get3A_2262] {strides = array<i32>} : memref<32x128xf32, #tpu.memory_space<vmem>>, vector<16xf32>,
      %max3A_2264 = arith.maximumf %max3A_2259, %get3A_2263 : vector<16xf32>
      %get3A_2265 = arith.constant 21 : i32
      %get3A_2266 = arith.index_cast %get3A_2265 : i32 to index
      %get3A_2267 = arith.constant 0 : index
      %get3A_2268 = tpu.vector_load %arg15[%get3A_2266, %get3A_2267] {strides = array<i32>} : memref<32x128xf32, #tpu.memory_space<vmem>>, vector<16xf32>,
      %max3A_2269 = arith.maximumf %max3A_2264, %get3A_2268 : vector<16xf32>
      %get3A_2270 = arith.constant 22 : i32
      %get3A_2271 = arith.index_cast %get3A_2270 : i32 to index
      %get3A_2272 = arith.constant 0 : index
      %get3A_2273 = tpu.vector_load %arg15[%get3A_2271, %get3A_2272] {strides = array<i32>} : memref<32x128xf32, #tpu.memory_space<vmem>>, vector<16xf32>,
      %max3A_2274 = arith.maximumf %max3A_2269, %get3A_2273 : vector<16xf32>
      %get3A_2275 = arith.constant 23 : i32
      %get3A_2276 = arith.index_cast %get3A_2275 : i32 to index
      %get3A_2277 = arith.constant 0 : index
      %get3A_2278 = tpu.vector_load %arg15[%get3A_2276, %get3A_2277] {strides = array<i32>} : memref<32x128xf32, #tpu.memory_space<vmem>>, vector<16xf32>,
      %max3A_2279 = arith.maximumf %max3A_2274, %get3A_2278 : vector<16xf32>
      %get3A_2280 = arith.constant 24 : i32
      %get3A_2281 = arith.index_cast %get3A_2280 : i32 to index
      %get3A_2282 = arith.constant 0 : index
      %get3A_2283 = tpu.vector_load %arg15[%get3A_2281, %get3A_2282] {strides = array<i32>} : memref<32x128xf32, #tpu.memory_space<vmem>>, vector<16xf32>,
      %max3A_2284 = arith.maximumf %max3A_2279, %get3A_2283 : vector<16xf32>
      %get3A_2285 = arith.constant 25 : i32
      %get3A_2286 = arith.index_cast %get3A_2285 : i32 to index
      %get3A_2287 = arith.constant 0 : index
      %get3A_2288 = tpu.vector_load %arg15[%get3A_2286, %get3A_2287] {strides = array<i32>} : memref<32x128xf32, #tpu.memory_space<vmem>>, vector<16xf32>,
      %max3A_2289 = arith.maximumf %max3A_2284, %get3A_2288 : vector<16xf32>
      %get3A_2290 = arith.constant 26 : i32
      %get3A_2291 = arith.index_cast %get3A_2290 : i32 to index
      %get3A_2292 = arith.constant 0 : index
      %get3A_2293 = tpu.vector_load %arg15[%get3A_2291, %get3A_2292] {strides = array<i32>} : memref<32x128xf32, #tpu.memory_space<vmem>>, vector<16xf32>,
      %max3A_2294 = arith.maximumf %max3A_2289, %get3A_2293 : vector<16xf32>
      %get3A_2295 = arith.constant 27 : i32
      %get3A_2296 = arith.index_cast %get3A_2295 : i32 to index
      %get3A_2297 = arith.constant 0 : index
      %get3A_2298 = tpu.vector_load %arg15[%get3A_2296, %get3A_2297] {strides = array<i32>} : memref<32x128xf32, #tpu.memory_space<vmem>>, vector<16xf32>,
      %max3A_2299 = arith.maximumf %max3A_2294, %get3A_2298 : vector<16xf32>
      %get3A_2300 = arith.constant 28 : i32
      %get3A_2301 = arith.index_cast %get3A_2300 : i32 to index
      %get3A_2302 = arith.constant 0 : index
      %get3A_2303 = tpu.vector_load %arg15[%get3A_2301, %get3A_2302] {strides = array<i32>} : memref<32x128xf32, #tpu.memory_space<vmem>>, vector<16xf32>,
      %max3A_2304 = arith.maximumf %max3A_2299, %get3A_2303 : vector<16xf32>
      %get3A_2305 = arith.constant 29 : i32
      %get3A_2306 = arith.index_cast %get3A_2305 : i32 to index
      %get3A_2307 = arith.constant 0 : index
      %get3A_2308 = tpu.vector_load %arg15[%get3A_2306, %get3A_2307] {strides = array<i32>} : memref<32x128xf32, #tpu.memory_space<vmem>>, vector<16xf32>,
      %max3A_2309 = arith.maximumf %max3A_2304, %get3A_2308 : vector<16xf32>
      %get3A_2310 = arith.constant 30 : i32
      %get3A_2311 = arith.index_cast %get3A_2310 : i32 to index
      %get3A_2312 = arith.constant 0 : index
      %get3A_2313 = tpu.vector_load %arg15[%get3A_2311, %get3A_2312] {strides = array<i32>} : memref<32x128xf32, #tpu.memory_space<vmem>>, vector<16xf32>,
      %max3A_2314 = arith.maximumf %max3A_2309, %get3A_2313 : vector<16xf32>
      %get3A_2315 = arith.constant 31 : i32
      %get3A_2316 = arith.index_cast %get3A_2315 : i32 to index
      %get3A_2317 = arith.constant 0 : index
      %get3A_2318 = tpu.vector_load %arg15[%get3A_2316, %get3A_2317] {strides = array<i32>} : memref<32x128xf32, #tpu.memory_space<vmem>>, vector<16xf32>,
      %max3A_2319 = arith.maximumf %max3A_2314, %get3A_2318 : vector<16xf32>
      %swap3A_2320 = arith.constant 1 : i32
      %swap3A_2321 = arith.index_cast %swap3A_2320 : i32 to index
      %swap3A_2322 = arith.constant 64 : index
      %swap3A_2323 = tpu.vector_load %arg16[%swap3A_2321, %swap3A_2322] {strides = array<i32>} : memref<2x192xf32, #tpu.memory_space<vmem>>, vector<16xf32>,
      tpu.vector_store %arg16[%swap3A_2321, %swap3A_2322], %max3A_2319 {strides = array<i32>} : memref<2x192xf32, #tpu.memory_space<vmem>>, vector<16xf32>,
      %get3A_2324 = arith.constant 0 : i32
      %get3A_2325 = arith.index_cast %get3A_2324 : i32 to index
      %get3A_2326 = arith.constant 16 : index
      %get3A_2327 = tpu.vector_load %arg15[%get3A_2325, %get3A_2326] {strides = array<i32>} : memref<32x128xf32, #tpu.memory_space<vmem>>, vector<16xf32>,
      %get3A_2328 = arith.constant 1 : i32
      %get3A_2329 = arith.index_cast %get3A_2328 : i32 to index
      %get3A_2330 = arith.constant 16 : index
      %get3A_2331 = tpu.vector_load %arg15[%get3A_2329, %get3A_2330] {strides = array<i32>} : memref<32x128xf32, #tpu.memory_space<vmem>>, vector<16xf32>,
      %max3A_2332 = arith.maximumf %get3A_2327, %get3A_2331 : vector<16xf32>
      %get3A_2333 = arith.constant 2 : i32
      %get3A_2334 = arith.index_cast %get3A_2333 : i32 to index
      %get3A_2335 = arith.constant 16 : index
      %get3A_2336 = tpu.vector_load %arg15[%get3A_2334, %get3A_2335] {strides = array<i32>} : memref<32x128xf32, #tpu.memory_space<vmem>>, vector<16xf32>,
      %max3A_2337 = arith.maximumf %max3A_2332, %get3A_2336 : vector<16xf32>
      %get3A_2338 = arith.constant 3 : i32
      %get3A_2339 = arith.index_cast %get3A_2338 : i32 to index
      %get3A_2340 = arith.constant 16 : index
      %get3A_2341 = tpu.vector_load %arg15[%get3A_2339, %get3A_2340] {strides = array<i32>} : memref<32x128xf32, #tpu.memory_space<vmem>>, vector<16xf32>,
      %max3A_2342 = arith.maximumf %max3A_2337, %get3A_2341 : vector<16xf32>
      %get3A_2343 = arith.constant 4 : i32
      %get3A_2344 = arith.index_cast %get3A_2343 : i32 to index
      %get3A_2345 = arith.constant 16 : index
      %get3A_2346 = tpu.vector_load %arg15[%get3A_2344, %get3A_2345] {strides = array<i32>} : memref<32x128xf32, #tpu.memory_space<vmem>>, vector<16xf32>,
      %max3A_2347 = arith.maximumf %max3A_2342, %get3A_2346 : vector<16xf32>
      %get3A_2348 = arith.constant 5 : i32
      %get3A_2349 = arith.index_cast %get3A_2348 : i32 to index
      %get3A_2350 = arith.constant 16 : index
      %get3A_2351 = tpu.vector_load %arg15[%get3A_2349, %get3A_2350] {strides = array<i32>} : memref<32x128xf32, #tpu.memory_space<vmem>>, vector<16xf32>,
      %max3A_2352 = arith.maximumf %max3A_2347, %get3A_2351 : vector<16xf32>
      %get3A_2353 = arith.constant 6 : i32
      %get3A_2354 = arith.index_cast %get3A_2353 : i32 to index
      %get3A_2355 = arith.constant 16 : index
      %get3A_2356 = tpu.vector_load %arg15[%get3A_2354, %get3A_2355] {strides = array<i32>} : memref<32x128xf32, #tpu.memory_space<vmem>>, vector<16xf32>,
      %max3A_2357 = arith.maximumf %max3A_2352, %get3A_2356 : vector<16xf32>
      %get3A_2358 = arith.constant 7 : i32
      %get3A_2359 = arith.index_cast %get3A_2358 : i32 to index
      %get3A_2360 = arith.constant 16 : index
      %get3A_2361 = tpu.vector_load %arg15[%get3A_2359, %get3A_2360] {strides = array<i32>} : memref<32x128xf32, #tpu.memory_space<vmem>>, vector<16xf32>,
      %max3A_2362 = arith.maximumf %max3A_2357, %get3A_2361 : vector<16xf32>
      %get3A_2363 = arith.constant 8 : i32
      %get3A_2364 = arith.index_cast %get3A_2363 : i32 to index
      %get3A_2365 = arith.constant 16 : index
      %get3A_2366 = tpu.vector_load %arg15[%get3A_2364, %get3A_2365] {strides = array<i32>} : memref<32x128xf32, #tpu.memory_space<vmem>>, vector<16xf32>,
      %max3A_2367 = arith.maximumf %max3A_2362, %get3A_2366 : vector<16xf32>
      %get3A_2368 = arith.constant 9 : i32
      %get3A_2369 = arith.index_cast %get3A_2368 : i32 to index
      %get3A_2370 = arith.constant 16 : index
      %get3A_2371 = tpu.vector_load %arg15[%get3A_2369, %get3A_2370] {strides = array<i32>} : memref<32x128xf32, #tpu.memory_space<vmem>>, vector<16xf32>,
      %max3A_2372 = arith.maximumf %max3A_2367, %get3A_2371 : vector<16xf32>
      %get3A_2373 = arith.constant 10 : i32
      %get3A_2374 = arith.index_cast %get3A_2373 : i32 to index
      %get3A_2375 = arith.constant 16 : index
      %get3A_2376 = tpu.vector_load %arg15[%get3A_2374, %get3A_2375] {strides = array<i32>} : memref<32x128xf32, #tpu.memory_space<vmem>>, vector<16xf32>,
      %max3A_2377 = arith.maximumf %max3A_2372, %get3A_2376 : vector<16xf32>
      %get3A_2378 = arith.constant 11 : i32
      %get3A_2379 = arith.index_cast %get3A_2378 : i32 to index
      %get3A_2380 = arith.constant 16 : index
      %get3A_2381 = tpu.vector_load %arg15[%get3A_2379, %get3A_2380] {strides = array<i32>} : memref<32x128xf32, #tpu.memory_space<vmem>>, vector<16xf32>,
      %max3A_2382 = arith.maximumf %max3A_2377, %get3A_2381 : vector<16xf32>
      %get3A_2383 = arith.constant 12 : i32
      %get3A_2384 = arith.index_cast %get3A_2383 : i32 to index
      %get3A_2385 = arith.constant 16 : index
      %get3A_2386 = tpu.vector_load %arg15[%get3A_2384, %get3A_2385] {strides = array<i32>} : memref<32x128xf32, #tpu.memory_space<vmem>>, vector<16xf32>,
      %max3A_2387 = arith.maximumf %max3A_2382, %get3A_2386 : vector<16xf32>
      %get3A_2388 = arith.constant 13 : i32
      %get3A_2389 = arith.index_cast %get3A_2388 : i32 to index
      %get3A_2390 = arith.constant 16 : index
      %get3A_2391 = tpu.vector_load %arg15[%get3A_2389, %get3A_2390] {strides = array<i32>} : memref<32x128xf32, #tpu.memory_space<vmem>>, vector<16xf32>,
      %max3A_2392 = arith.maximumf %max3A_2387, %get3A_2391 : vector<16xf32>
      %get3A_2393 = arith.constant 14 : i32
      %get3A_2394 = arith.index_cast %get3A_2393 : i32 to index
      %get3A_2395 = arith.constant 16 : index
      %get3A_2396 = tpu.vector_load %arg15[%get3A_2394, %get3A_2395] {strides = array<i32>} : memref<32x128xf32, #tpu.memory_space<vmem>>, vector<16xf32>,
      %max3A_2397 = arith.maximumf %max3A_2392, %get3A_2396 : vector<16xf32>
      %get3A_2398 = arith.constant 15 : i32
      %get3A_2399 = arith.index_cast %get3A_2398 : i32 to index
      %get3A_2400 = arith.constant 16 : index
      %get3A_2401 = tpu.vector_load %arg15[%get3A_2399, %get3A_2400] {strides = array<i32>} : memref<32x128xf32, #tpu.memory_space<vmem>>, vector<16xf32>,
      %max3A_2402 = arith.maximumf %max3A_2397, %get3A_2401 : vector<16xf32>
      %get3A_2403 = arith.constant 16 : i32
      %get3A_2404 = arith.index_cast %get3A_2403 : i32 to index
      %get3A_2405 = arith.constant 16 : index
      %get3A_2406 = tpu.vector_load %arg15[%get3A_2404, %get3A_2405] {strides = array<i32>} : memref<32x128xf32, #tpu.memory_space<vmem>>, vector<16xf32>,
      %max3A_2407 = arith.maximumf %max3A_2402, %get3A_2406 : vector<16xf32>
      %get3A_2408 = arith.constant 17 : i32
      %get3A_2409 = arith.index_cast %get3A_2408 : i32 to index
      %get3A_2410 = arith.constant 16 : index
      %get3A_2411 = tpu.vector_load %arg15[%get3A_2409, %get3A_2410] {strides = array<i32>} : memref<32x128xf32, #tpu.memory_space<vmem>>, vector<16xf32>,
      %max3A_2412 = arith.maximumf %max3A_2407, %get3A_2411 : vector<16xf32>
      %get3A_2413 = arith.constant 18 : i32
      %get3A_2414 = arith.index_cast %get3A_2413 : i32 to index
      %get3A_2415 = arith.constant 16 : index
      %get3A_2416 = tpu.vector_load %arg15[%get3A_2414, %get3A_2415] {strides = array<i32>} : memref<32x128xf32, #tpu.memory_space<vmem>>, vector<16xf32>,
      %max3A_2417 = arith.maximumf %max3A_2412, %get3A_2416 : vector<16xf32>
      %get3A_2418 = arith.constant 19 : i32
      %get3A_2419 = arith.index_cast %get3A_2418 : i32 to index
      %get3A_2420 = arith.constant 16 : index
      %get3A_2421 = tpu.vector_load %arg15[%get3A_2419, %get3A_2420] {strides = array<i32>} : memref<32x128xf32, #tpu.memory_space<vmem>>, vector<16xf32>,
      %max3A_2422 = arith.maximumf %max3A_2417, %get3A_2421 : vector<16xf32>
      %get3A_2423 = arith.constant 20 : i32
      %get3A_2424 = arith.index_cast %get3A_2423 : i32 to index
      %get3A_2425 = arith.constant 16 : index
      %get3A_2426 = tpu.vector_load %arg15[%get3A_2424, %get3A_2425] {strides = array<i32>} : memref<32x128xf32, #tpu.memory_space<vmem>>, vector<16xf32>,
      %max3A_2427 = arith.maximumf %max3A_2422, %get3A_2426 : vector<16xf32>
      %get3A_2428 = arith.constant 21 : i32
      %get3A_2429 = arith.index_cast %get3A_2428 : i32 to index
      %get3A_2430 = arith.constant 16 : index
      %get3A_2431 = tpu.vector_load %arg15[%get3A_2429, %get3A_2430] {strides = array<i32>} : memref<32x128xf32, #tpu.memory_space<vmem>>, vector<16xf32>,
      %max3A_2432 = arith.maximumf %max3A_2427, %get3A_2431 : vector<16xf32>
      %get3A_2433 = arith.constant 22 : i32
      %get3A_2434 = arith.index_cast %get3A_2433 : i32 to index
      %get3A_2435 = arith.constant 16 : index
      %get3A_2436 = tpu.vector_load %arg15[%get3A_2434, %get3A_2435] {strides = array<i32>} : memref<32x128xf32, #tpu.memory_space<vmem>>, vector<16xf32>,
      %max3A_2437 = arith.maximumf %max3A_2432, %get3A_2436 : vector<16xf32>
      %get3A_2438 = arith.constant 23 : i32
      %get3A_2439 = arith.index_cast %get3A_2438 : i32 to index
      %get3A_2440 = arith.constant 16 : index
      %get3A_2441 = tpu.vector_load %arg15[%get3A_2439, %get3A_2440] {strides = array<i32>} : memref<32x128xf32, #tpu.memory_space<vmem>>, vector<16xf32>,
      %max3A_2442 = arith.maximumf %max3A_2437, %get3A_2441 : vector<16xf32>
      %get3A_2443 = arith.constant 24 : i32
      %get3A_2444 = arith.index_cast %get3A_2443 : i32 to index
      %get3A_2445 = arith.constant 16 : index
      %get3A_2446 = tpu.vector_load %arg15[%get3A_2444, %get3A_2445] {strides = array<i32>} : memref<32x128xf32, #tpu.memory_space<vmem>>, vector<16xf32>,
      %max3A_2447 = arith.maximumf %max3A_2442, %get3A_2446 : vector<16xf32>
      %get3A_2448 = arith.constant 25 : i32
      %get3A_2449 = arith.index_cast %get3A_2448 : i32 to index
      %get3A_2450 = arith.constant 16 : index
      %get3A_2451 = tpu.vector_load %arg15[%get3A_2449, %get3A_2450] {strides = array<i32>} : memref<32x128xf32, #tpu.memory_space<vmem>>, vector<16xf32>,
      %max3A_2452 = arith.maximumf %max3A_2447, %get3A_2451 : vector<16xf32>
      %get3A_2453 = arith.constant 26 : i32
      %get3A_2454 = arith.index_cast %get3A_2453 : i32 to index
      %get3A_2455 = arith.constant 16 : index
      %get3A_2456 = tpu.vector_load %arg15[%get3A_2454, %get3A_2455] {strides = array<i32>} : memref<32x128xf32, #tpu.memory_space<vmem>>, vector<16xf32>,
      %max3A_2457 = arith.maximumf %max3A_2452, %get3A_2456 : vector<16xf32>
      %get3A_2458 = arith.constant 27 : i32
      %get3A_2459 = arith.index_cast %get3A_2458 : i32 to index
      %get3A_2460 = arith.constant 16 : index
      %get3A_2461 = tpu.vector_load %arg15[%get3A_2459, %get3A_2460] {strides = array<i32>} : memref<32x128xf32, #tpu.memory_space<vmem>>, vector<16xf32>,
      %max3A_2462 = arith.maximumf %max3A_2457, %get3A_2461 : vector<16xf32>
      %get3A_2463 = arith.constant 28 : i32
      %get3A_2464 = arith.index_cast %get3A_2463 : i32 to index
      %get3A_2465 = arith.constant 16 : index
      %get3A_2466 = tpu.vector_load %arg15[%get3A_2464, %get3A_2465] {strides = array<i32>} : memref<32x128xf32, #tpu.memory_space<vmem>>, vector<16xf32>,
      %max3A_2467 = arith.maximumf %max3A_2462, %get3A_2466 : vector<16xf32>
      %get3A_2468 = arith.constant 29 : i32
      %get3A_2469 = arith.index_cast %get3A_2468 : i32 to index
      %get3A_2470 = arith.constant 16 : index
      %get3A_2471 = tpu.vector_load %arg15[%get3A_2469, %get3A_2470] {strides = array<i32>} : memref<32x128xf32, #tpu.memory_space<vmem>>, vector<16xf32>,
      %max3A_2472 = arith.maximumf %max3A_2467, %get3A_2471 : vector<16xf32>
      %get3A_2473 = arith.constant 30 : i32
      %get3A_2474 = arith.index_cast %get3A_2473 : i32 to index
      %get3A_2475 = arith.constant 16 : index
      %get3A_2476 = tpu.vector_load %arg15[%get3A_2474, %get3A_2475] {strides = array<i32>} : memref<32x128xf32, #tpu.memory_space<vmem>>, vector<16xf32>,
      %max3A_2477 = arith.maximumf %max3A_2472, %get3A_2476 : vector<16xf32>
      %get3A_2478 = arith.constant 31 : i32
      %get3A_2479 = arith.index_cast %get3A_2478 : i32 to index
      %get3A_2480 = arith.constant 16 : index
      %get3A_2481 = tpu.vector_load %arg15[%get3A_2479, %get3A_2480] {strides = array<i32>} : memref<32x128xf32, #tpu.memory_space<vmem>>, vector<16xf32>,
      %max3A_2482 = arith.maximumf %max3A_2477, %get3A_2481 : vector<16xf32>
      %swap3A_2483 = arith.constant 1 : i32
      %swap3A_2484 = arith.index_cast %swap3A_2483 : i32 to index
      %swap3A_2485 = arith.constant 80 : index
      %swap3A_2486 = tpu.vector_load %arg16[%swap3A_2484, %swap3A_2485] {strides = array<i32>} : memref<2x192xf32, #tpu.memory_space<vmem>>, vector<16xf32>,
      tpu.vector_store %arg16[%swap3A_2484, %swap3A_2485], %max3A_2482 {strides = array<i32>} : memref<2x192xf32, #tpu.memory_space<vmem>>, vector<16xf32>,
      %get3A_2487 = arith.constant 0 : i32
      %get3A_2488 = arith.index_cast %get3A_2487 : i32 to index
      %get3A_2489 = arith.constant 32 : index
      %get3A_2490 = tpu.vector_load %arg15[%get3A_2488, %get3A_2489] {strides = array<i32>} : memref<32x128xf32, #tpu.memory_space<vmem>>, vector<16xf32>,
      %get3A_2491 = arith.constant 1 : i32
      %get3A_2492 = arith.index_cast %get3A_2491 : i32 to index
      %get3A_2493 = arith.constant 32 : index
      %get3A_2494 = tpu.vector_load %arg15[%get3A_2492, %get3A_2493] {strides = array<i32>} : memref<32x128xf32, #tpu.memory_space<vmem>>, vector<16xf32>,
      %max3A_2495 = arith.maximumf %get3A_2490, %get3A_2494 : vector<16xf32>
      %get3A_2496 = arith.constant 2 : i32
      %get3A_2497 = arith.index_cast %get3A_2496 : i32 to index
      %get3A_2498 = arith.constant 32 : index
      %get3A_2499 = tpu.vector_load %arg15[%get3A_2497, %get3A_2498] {strides = array<i32>} : memref<32x128xf32, #tpu.memory_space<vmem>>, vector<16xf32>,
      %max3A_2500 = arith.maximumf %max3A_2495, %get3A_2499 : vector<16xf32>
      %get3A_2501 = arith.constant 3 : i32
      %get3A_2502 = arith.index_cast %get3A_2501 : i32 to index
      %get3A_2503 = arith.constant 32 : index
      %get3A_2504 = tpu.vector_load %arg15[%get3A_2502, %get3A_2503] {strides = array<i32>} : memref<32x128xf32, #tpu.memory_space<vmem>>, vector<16xf32>,
      %max3A_2505 = arith.maximumf %max3A_2500, %get3A_2504 : vector<16xf32>
      %get3A_2506 = arith.constant 4 : i32
      %get3A_2507 = arith.index_cast %get3A_2506 : i32 to index
      %get3A_2508 = arith.constant 32 : index
      %get3A_2509 = tpu.vector_load %arg15[%get3A_2507, %get3A_2508] {strides = array<i32>} : memref<32x128xf32, #tpu.memory_space<vmem>>, vector<16xf32>,
      %max3A_2510 = arith.maximumf %max3A_2505, %get3A_2509 : vector<16xf32>
      %get3A_2511 = arith.constant 5 : i32
      %get3A_2512 = arith.index_cast %get3A_2511 : i32 to index
      %get3A_2513 = arith.constant 32 : index
      %get3A_2514 = tpu.vector_load %arg15[%get3A_2512, %get3A_2513] {strides = array<i32>} : memref<32x128xf32, #tpu.memory_space<vmem>>, vector<16xf32>,
      %max3A_2515 = arith.maximumf %max3A_2510, %get3A_2514 : vector<16xf32>
      %get3A_2516 = arith.constant 6 : i32
      %get3A_2517 = arith.index_cast %get3A_2516 : i32 to index
      %get3A_2518 = arith.constant 32 : index
      %get3A_2519 = tpu.vector_load %arg15[%get3A_2517, %get3A_2518] {strides = array<i32>} : memref<32x128xf32, #tpu.memory_space<vmem>>, vector<16xf32>,
      %max3A_2520 = arith.maximumf %max3A_2515, %get3A_2519 : vector<16xf32>
      %get3A_2521 = arith.constant 7 : i32
      %get3A_2522 = arith.index_cast %get3A_2521 : i32 to index
      %get3A_2523 = arith.constant 32 : index
      %get3A_2524 = tpu.vector_load %arg15[%get3A_2522, %get3A_2523] {strides = array<i32>} : memref<32x128xf32, #tpu.memory_space<vmem>>, vector<16xf32>,
      %max3A_2525 = arith.maximumf %max3A_2520, %get3A_2524 : vector<16xf32>
      %get3A_2526 = arith.constant 8 : i32
      %get3A_2527 = arith.index_cast %get3A_2526 : i32 to index
      %get3A_2528 = arith.constant 32 : index
      %get3A_2529 = tpu.vector_load %arg15[%get3A_2527, %get3A_2528] {strides = array<i32>} : memref<32x128xf32, #tpu.memory_space<vmem>>, vector<16xf32>,
      %max3A_2530 = arith.maximumf %max3A_2525, %get3A_2529 : vector<16xf32>
      %get3A_2531 = arith.constant 9 : i32
      %get3A_2532 = arith.index_cast %get3A_2531 : i32 to index
      %get3A_2533 = arith.constant 32 : index
      %get3A_2534 = tpu.vector_load %arg15[%get3A_2532, %get3A_2533] {strides = array<i32>} : memref<32x128xf32, #tpu.memory_space<vmem>>, vector<16xf32>,
      %max3A_2535 = arith.maximumf %max3A_2530, %get3A_2534 : vector<16xf32>
      %get3A_2536 = arith.constant 10 : i32
      %get3A_2537 = arith.index_cast %get3A_2536 : i32 to index
      %get3A_2538 = arith.constant 32 : index
      %get3A_2539 = tpu.vector_load %arg15[%get3A_2537, %get3A_2538] {strides = array<i32>} : memref<32x128xf32, #tpu.memory_space<vmem>>, vector<16xf32>,
      %max3A_2540 = arith.maximumf %max3A_2535, %get3A_2539 : vector<16xf32>
      %get3A_2541 = arith.constant 11 : i32
      %get3A_2542 = arith.index_cast %get3A_2541 : i32 to index
      %get3A_2543 = arith.constant 32 : index
      %get3A_2544 = tpu.vector_load %arg15[%get3A_2542, %get3A_2543] {strides = array<i32>} : memref<32x128xf32, #tpu.memory_space<vmem>>, vector<16xf32>,
      %max3A_2545 = arith.maximumf %max3A_2540, %get3A_2544 : vector<16xf32>
      %get3A_2546 = arith.constant 12 : i32
      %get3A_2547 = arith.index_cast %get3A_2546 : i32 to index
      %get3A_2548 = arith.constant 32 : index
      %get3A_2549 = tpu.vector_load %arg15[%get3A_2547, %get3A_2548] {strides = array<i32>} : memref<32x128xf32, #tpu.memory_space<vmem>>, vector<16xf32>,
      %max3A_2550 = arith.maximumf %max3A_2545, %get3A_2549 : vector<16xf32>
      %get3A_2551 = arith.constant 13 : i32
      %get3A_2552 = arith.index_cast %get3A_2551 : i32 to index
      %get3A_2553 = arith.constant 32 : index
      %get3A_2554 = tpu.vector_load %arg15[%get3A_2552, %get3A_2553] {strides = array<i32>} : memref<32x128xf32, #tpu.memory_space<vmem>>, vector<16xf32>,
      %max3A_2555 = arith.maximumf %max3A_2550, %get3A_2554 : vector<16xf32>
      %get3A_2556 = arith.constant 14 : i32
      %get3A_2557 = arith.index_cast %get3A_2556 : i32 to index
      %get3A_2558 = arith.constant 32 : index
      %get3A_2559 = tpu.vector_load %arg15[%get3A_2557, %get3A_2558] {strides = array<i32>} : memref<32x128xf32, #tpu.memory_space<vmem>>, vector<16xf32>,
      %max3A_2560 = arith.maximumf %max3A_2555, %get3A_2559 : vector<16xf32>
      %get3A_2561 = arith.constant 15 : i32
      %get3A_2562 = arith.index_cast %get3A_2561 : i32 to index
      %get3A_2563 = arith.constant 32 : index
      %get3A_2564 = tpu.vector_load %arg15[%get3A_2562, %get3A_2563] {strides = array<i32>} : memref<32x128xf32, #tpu.memory_space<vmem>>, vector<16xf32>,
      %max3A_2565 = arith.maximumf %max3A_2560, %get3A_2564 : vector<16xf32>
      %get3A_2566 = arith.constant 16 : i32
      %get3A_2567 = arith.index_cast %get3A_2566 : i32 to index
      %get3A_2568 = arith.constant 32 : index
      %get3A_2569 = tpu.vector_load %arg15[%get3A_2567, %get3A_2568] {strides = array<i32>} : memref<32x128xf32, #tpu.memory_space<vmem>>, vector<16xf32>,
      %max3A_2570 = arith.maximumf %max3A_2565, %get3A_2569 : vector<16xf32>
      %get3A_2571 = arith.constant 17 : i32
      %get3A_2572 = arith.index_cast %get3A_2571 : i32 to index
      %get3A_2573 = arith.constant 32 : index
      %get3A_2574 = tpu.vector_load %arg15[%get3A_2572, %get3A_2573] {strides = array<i32>} : memref<32x128xf32, #tpu.memory_space<vmem>>, vector<16xf32>,
      %max3A_2575 = arith.maximumf %max3A_2570, %get3A_2574 : vector<16xf32>
      %get3A_2576 = arith.constant 18 : i32
      %get3A_2577 = arith.index_cast %get3A_2576 : i32 to index
      %get3A_2578 = arith.constant 32 : index
      %get3A_2579 = tpu.vector_load %arg15[%get3A_2577, %get3A_2578] {strides = array<i32>} : memref<32x128xf32, #tpu.memory_space<vmem>>, vector<16xf32>,
      %max3A_2580 = arith.maximumf %max3A_2575, %get3A_2579 : vector<16xf32>
      %get3A_2581 = arith.constant 19 : i32
      %get3A_2582 = arith.index_cast %get3A_2581 : i32 to index
      %get3A_2583 = arith.constant 32 : index
      %get3A_2584 = tpu.vector_load %arg15[%get3A_2582, %get3A_2583] {strides = array<i32>} : memref<32x128xf32, #tpu.memory_space<vmem>>, vector<16xf32>,
      %max3A_2585 = arith.maximumf %max3A_2580, %get3A_2584 : vector<16xf32>
      %get3A_2586 = arith.constant 20 : i32
      %get3A_2587 = arith.index_cast %get3A_2586 : i32 to index
      %get3A_2588 = arith.constant 32 : index
      %get3A_2589 = tpu.vector_load %arg15[%get3A_2587, %get3A_2588] {strides = array<i32>} : memref<32x128xf32, #tpu.memory_space<vmem>>, vector<16xf32>,
      %max3A_2590 = arith.maximumf %max3A_2585, %get3A_2589 : vector<16xf32>
      %get3A_2591 = arith.constant 21 : i32
      %get3A_2592 = arith.index_cast %get3A_2591 : i32 to index
      %get3A_2593 = arith.constant 32 : index
      %get3A_2594 = tpu.vector_load %arg15[%get3A_2592, %get3A_2593] {strides = array<i32>} : memref<32x128xf32, #tpu.memory_space<vmem>>, vector<16xf32>,
      %max3A_2595 = arith.maximumf %max3A_2590, %get3A_2594 : vector<16xf32>
      %get3A_2596 = arith.constant 22 : i32
      %get3A_2597 = arith.index_cast %get3A_2596 : i32 to index
      %get3A_2598 = arith.constant 32 : index
      %get3A_2599 = tpu.vector_load %arg15[%get3A_2597, %get3A_2598] {strides = array<i32>} : memref<32x128xf32, #tpu.memory_space<vmem>>, vector<16xf32>,
      %max3A_2600 = arith.maximumf %max3A_2595, %get3A_2599 : vector<16xf32>
      %get3A_2601 = arith.constant 23 : i32
      %get3A_2602 = arith.index_cast %get3A_2601 : i32 to index
      %get3A_2603 = arith.constant 32 : index
      %get3A_2604 = tpu.vector_load %arg15[%get3A_2602, %get3A_2603] {strides = array<i32>} : memref<32x128xf32, #tpu.memory_space<vmem>>, vector<16xf32>,
      %max3A_2605 = arith.maximumf %max3A_2600, %get3A_2604 : vector<16xf32>
      %get3A_2606 = arith.constant 24 : i32
      %get3A_2607 = arith.index_cast %get3A_2606 : i32 to index
      %get3A_2608 = arith.constant 32 : index
      %get3A_2609 = tpu.vector_load %arg15[%get3A_2607, %get3A_2608] {strides = array<i32>} : memref<32x128xf32, #tpu.memory_space<vmem>>, vector<16xf32>,
      %max3A_2610 = arith.maximumf %max3A_2605, %get3A_2609 : vector<16xf32>
      %get3A_2611 = arith.constant 25 : i32
      %get3A_2612 = arith.index_cast %get3A_2611 : i32 to index
      %get3A_2613 = arith.constant 32 : index
      %get3A_2614 = tpu.vector_load %arg15[%get3A_2612, %get3A_2613] {strides = array<i32>} : memref<32x128xf32, #tpu.memory_space<vmem>>, vector<16xf32>,
      %max3A_2615 = arith.maximumf %max3A_2610, %get3A_2614 : vector<16xf32>
      %get3A_2616 = arith.constant 26 : i32
      %get3A_2617 = arith.index_cast %get3A_2616 : i32 to index
      %get3A_2618 = arith.constant 32 : index
      %get3A_2619 = tpu.vector_load %arg15[%get3A_2617, %get3A_2618] {strides = array<i32>} : memref<32x128xf32, #tpu.memory_space<vmem>>, vector<16xf32>,
      %max3A_2620 = arith.maximumf %max3A_2615, %get3A_2619 : vector<16xf32>
      %get3A_2621 = arith.constant 27 : i32
      %get3A_2622 = arith.index_cast %get3A_2621 : i32 to index
      %get3A_2623 = arith.constant 32 : index
      %get3A_2624 = tpu.vector_load %arg15[%get3A_2622, %get3A_2623] {strides = array<i32>} : memref<32x128xf32, #tpu.memory_space<vmem>>, vector<16xf32>,
      %max3A_2625 = arith.maximumf %max3A_2620, %get3A_2624 : vector<16xf32>
      %get3A_2626 = arith.constant 28 : i32
      %get3A_2627 = arith.index_cast %get3A_2626 : i32 to index
      %get3A_2628 = arith.constant 32 : index
      %get3A_2629 = tpu.vector_load %arg15[%get3A_2627, %get3A_2628] {strides = array<i32>} : memref<32x128xf32, #tpu.memory_space<vmem>>, vector<16xf32>,
      %max3A_2630 = arith.maximumf %max3A_2625, %get3A_2629 : vector<16xf32>
      %get3A_2631 = arith.constant 29 : i32
      %get3A_2632 = arith.index_cast %get3A_2631 : i32 to index
      %get3A_2633 = arith.constant 32 : index
      %get3A_2634 = tpu.vector_load %arg15[%get3A_2632, %get3A_2633] {strides = array<i32>} : memref<32x128xf32, #tpu.memory_space<vmem>>, vector<16xf32>,
      %max3A_2635 = arith.maximumf %max3A_2630, %get3A_2634 : vector<16xf32>
      %get3A_2636 = arith.constant 30 : i32
      %get3A_2637 = arith.index_cast %get3A_2636 : i32 to index
      %get3A_2638 = arith.constant 32 : index
      %get3A_2639 = tpu.vector_load %arg15[%get3A_2637, %get3A_2638] {strides = array<i32>} : memref<32x128xf32, #tpu.memory_space<vmem>>, vector<16xf32>,
      %max3A_2640 = arith.maximumf %max3A_2635, %get3A_2639 : vector<16xf32>
      %get3A_2641 = arith.constant 31 : i32
      %get3A_2642 = arith.index_cast %get3A_2641 : i32 to index
      %get3A_2643 = arith.constant 32 : index
      %get3A_2644 = tpu.vector_load %arg15[%get3A_2642, %get3A_2643] {strides = array<i32>} : memref<32x128xf32, #tpu.memory_space<vmem>>, vector<16xf32>,
      %max3A_2645 = arith.maximumf %max3A_2640, %get3A_2644 : vector<16xf32>
      %swap3A_2646 = arith.constant 1 : i32
      %swap3A_2647 = arith.index_cast %swap3A_2646 : i32 to index
      %swap3A_2648 = arith.constant 96 : index
      %swap3A_2649 = tpu.vector_load %arg16[%swap3A_2647, %swap3A_2648] {strides = array<i32>} : memref<2x192xf32, #tpu.memory_space<vmem>>, vector<16xf32>,
      tpu.vector_store %arg16[%swap3A_2647, %swap3A_2648], %max3A_2645 {strides = array<i32>} : memref<2x192xf32, #tpu.memory_space<vmem>>, vector<16xf32>,
      %get3A_2650 = arith.constant 0 : i32
      %get3A_2651 = arith.index_cast %get3A_2650 : i32 to index
      %get3A_2652 = arith.constant 48 : index
      %get3A_2653 = tpu.vector_load %arg15[%get3A_2651, %get3A_2652] {strides = array<i32>} : memref<32x128xf32, #tpu.memory_space<vmem>>, vector<16xf32>,
      %get3A_2654 = arith.constant 1 : i32
      %get3A_2655 = arith.index_cast %get3A_2654 : i32 to index
      %get3A_2656 = arith.constant 48 : index
      %get3A_2657 = tpu.vector_load %arg15[%get3A_2655, %get3A_2656] {strides = array<i32>} : memref<32x128xf32, #tpu.memory_space<vmem>>, vector<16xf32>,
      %max3A_2658 = arith.maximumf %get3A_2653, %get3A_2657 : vector<16xf32>
      %get3A_2659 = arith.constant 2 : i32
      %get3A_2660 = arith.index_cast %get3A_2659 : i32 to index
      %get3A_2661 = arith.constant 48 : index
      %get3A_2662 = tpu.vector_load %arg15[%get3A_2660, %get3A_2661] {strides = array<i32>} : memref<32x128xf32, #tpu.memory_space<vmem>>, vector<16xf32>,
      %max3A_2663 = arith.maximumf %max3A_2658, %get3A_2662 : vector<16xf32>
      %get3A_2664 = arith.constant 3 : i32
      %get3A_2665 = arith.index_cast %get3A_2664 : i32 to index
      %get3A_2666 = arith.constant 48 : index
      %get3A_2667 = tpu.vector_load %arg15[%get3A_2665, %get3A_2666] {strides = array<i32>} : memref<32x128xf32, #tpu.memory_space<vmem>>, vector<16xf32>,
      %max3A_2668 = arith.maximumf %max3A_2663, %get3A_2667 : vector<16xf32>
      %get3A_2669 = arith.constant 4 : i32
      %get3A_2670 = arith.index_cast %get3A_2669 : i32 to index
      %get3A_2671 = arith.constant 48 : index
      %get3A_2672 = tpu.vector_load %arg15[%get3A_2670, %get3A_2671] {strides = array<i32>} : memref<32x128xf32, #tpu.memory_space<vmem>>, vector<16xf32>,
      %max3A_2673 = arith.maximumf %max3A_2668, %get3A_2672 : vector<16xf32>
      %get3A_2674 = arith.constant 5 : i32
      %get3A_2675 = arith.index_cast %get3A_2674 : i32 to index
      %get3A_2676 = arith.constant 48 : index
      %get3A_2677 = tpu.vector_load %arg15[%get3A_2675, %get3A_2676] {strides = array<i32>} : memref<32x128xf32, #tpu.memory_space<vmem>>, vector<16xf32>,
      %max3A_2678 = arith.maximumf %max3A_2673, %get3A_2677 : vector<16xf32>
      %get3A_2679 = arith.constant 6 : i32
      %get3A_2680 = arith.index_cast %get3A_2679 : i32 to index
      %get3A_2681 = arith.constant 48 : index
      %get3A_2682 = tpu.vector_load %arg15[%get3A_2680, %get3A_2681] {strides = array<i32>} : memref<32x128xf32, #tpu.memory_space<vmem>>, vector<16xf32>,
      %max3A_2683 = arith.maximumf %max3A_2678, %get3A_2682 : vector<16xf32>
      %get3A_2684 = arith.constant 7 : i32
      %get3A_2685 = arith.index_cast %get3A_2684 : i32 to index
      %get3A_2686 = arith.constant 48 : index
      %get3A_2687 = tpu.vector_load %arg15[%get3A_2685, %get3A_2686] {strides = array<i32>} : memref<32x128xf32, #tpu.memory_space<vmem>>, vector<16xf32>,
      %max3A_2688 = arith.maximumf %max3A_2683, %get3A_2687 : vector<16xf32>
      %get3A_2689 = arith.constant 8 : i32
      %get3A_2690 = arith.index_cast %get3A_2689 : i32 to index
      %get3A_2691 = arith.constant 48 : index
      %get3A_2692 = tpu.vector_load %arg15[%get3A_2690, %get3A_2691] {strides = array<i32>} : memref<32x128xf32, #tpu.memory_space<vmem>>, vector<16xf32>,
      %max3A_2693 = arith.maximumf %max3A_2688, %get3A_2692 : vector<16xf32>
      %get3A_2694 = arith.constant 9 : i32
      %get3A_2695 = arith.index_cast %get3A_2694 : i32 to index
      %get3A_2696 = arith.constant 48 : index
      %get3A_2697 = tpu.vector_load %arg15[%get3A_2695, %get3A_2696] {strides = array<i32>} : memref<32x128xf32, #tpu.memory_space<vmem>>, vector<16xf32>,
      %max3A_2698 = arith.maximumf %max3A_2693, %get3A_2697 : vector<16xf32>
      %get3A_2699 = arith.constant 10 : i32
      %get3A_2700 = arith.index_cast %get3A_2699 : i32 to index
      %get3A_2701 = arith.constant 48 : index
      %get3A_2702 = tpu.vector_load %arg15[%get3A_2700, %get3A_2701] {strides = array<i32>} : memref<32x128xf32, #tpu.memory_space<vmem>>, vector<16xf32>,
      %max3A_2703 = arith.maximumf %max3A_2698, %get3A_2702 : vector<16xf32>
      %get3A_2704 = arith.constant 11 : i32
      %get3A_2705 = arith.index_cast %get3A_2704 : i32 to index
      %get3A_2706 = arith.constant 48 : index
      %get3A_2707 = tpu.vector_load %arg15[%get3A_2705, %get3A_2706] {strides = array<i32>} : memref<32x128xf32, #tpu.memory_space<vmem>>, vector<16xf32>,
      %max3A_2708 = arith.maximumf %max3A_2703, %get3A_2707 : vector<16xf32>
      %get3A_2709 = arith.constant 12 : i32
      %get3A_2710 = arith.index_cast %get3A_2709 : i32 to index
      %get3A_2711 = arith.constant 48 : index
      %get3A_2712 = tpu.vector_load %arg15[%get3A_2710, %get3A_2711] {strides = array<i32>} : memref<32x128xf32, #tpu.memory_space<vmem>>, vector<16xf32>,
      %max3A_2713 = arith.maximumf %max3A_2708, %get3A_2712 : vector<16xf32>
      %get3A_2714 = arith.constant 13 : i32
      %get3A_2715 = arith.index_cast %get3A_2714 : i32 to index
      %get3A_2716 = arith.constant 48 : index
      %get3A_2717 = tpu.vector_load %arg15[%get3A_2715, %get3A_2716] {strides = array<i32>} : memref<32x128xf32, #tpu.memory_space<vmem>>, vector<16xf32>,
      %max3A_2718 = arith.maximumf %max3A_2713, %get3A_2717 : vector<16xf32>
      %get3A_2719 = arith.constant 14 : i32
      %get3A_2720 = arith.index_cast %get3A_2719 : i32 to index
      %get3A_2721 = arith.constant 48 : index
      %get3A_2722 = tpu.vector_load %arg15[%get3A_2720, %get3A_2721] {strides = array<i32>} : memref<32x128xf32, #tpu.memory_space<vmem>>, vector<16xf32>,
      %max3A_2723 = arith.maximumf %max3A_2718, %get3A_2722 : vector<16xf32>
      %get3A_2724 = arith.constant 15 : i32
      %get3A_2725 = arith.index_cast %get3A_2724 : i32 to index
      %get3A_2726 = arith.constant 48 : index
      %get3A_2727 = tpu.vector_load %arg15[%get3A_2725, %get3A_2726] {strides = array<i32>} : memref<32x128xf32, #tpu.memory_space<vmem>>, vector<16xf32>,
      %max3A_2728 = arith.maximumf %max3A_2723, %get3A_2727 : vector<16xf32>
      %get3A_2729 = arith.constant 16 : i32
      %get3A_2730 = arith.index_cast %get3A_2729 : i32 to index
      %get3A_2731 = arith.constant 48 : index
      %get3A_2732 = tpu.vector_load %arg15[%get3A_2730, %get3A_2731] {strides = array<i32>} : memref<32x128xf32, #tpu.memory_space<vmem>>, vector<16xf32>,
      %max3A_2733 = arith.maximumf %max3A_2728, %get3A_2732 : vector<16xf32>
      %get3A_2734 = arith.constant 17 : i32
      %get3A_2735 = arith.index_cast %get3A_2734 : i32 to index
      %get3A_2736 = arith.constant 48 : index
      %get3A_2737 = tpu.vector_load %arg15[%get3A_2735, %get3A_2736] {strides = array<i32>} : memref<32x128xf32, #tpu.memory_space<vmem>>, vector<16xf32>,
      %max3A_2738 = arith.maximumf %max3A_2733, %get3A_2737 : vector<16xf32>
      %get3A_2739 = arith.constant 18 : i32
      %get3A_2740 = arith.index_cast %get3A_2739 : i32 to index
      %get3A_2741 = arith.constant 48 : index
      %get3A_2742 = tpu.vector_load %arg15[%get3A_2740, %get3A_2741] {strides = array<i32>} : memref<32x128xf32, #tpu.memory_space<vmem>>, vector<16xf32>,
      %max3A_2743 = arith.maximumf %max3A_2738, %get3A_2742 : vector<16xf32>
      %get3A_2744 = arith.constant 19 : i32
      %get3A_2745 = arith.index_cast %get3A_2744 : i32 to index
      %get3A_2746 = arith.constant 48 : index
      %get3A_2747 = tpu.vector_load %arg15[%get3A_2745, %get3A_2746] {strides = array<i32>} : memref<32x128xf32, #tpu.memory_space<vmem>>, vector<16xf32>,
      %max3A_2748 = arith.maximumf %max3A_2743, %get3A_2747 : vector<16xf32>
      %get3A_2749 = arith.constant 20 : i32
      %get3A_2750 = arith.index_cast %get3A_2749 : i32 to index
      %get3A_2751 = arith.constant 48 : index
      %get3A_2752 = tpu.vector_load %arg15[%get3A_2750, %get3A_2751] {strides = array<i32>} : memref<32x128xf32, #tpu.memory_space<vmem>>, vector<16xf32>,
      %max3A_2753 = arith.maximumf %max3A_2748, %get3A_2752 : vector<16xf32>
      %get3A_2754 = arith.constant 21 : i32
      %get3A_2755 = arith.index_cast %get3A_2754 : i32 to index
      %get3A_2756 = arith.constant 48 : index
      %get3A_2757 = tpu.vector_load %arg15[%get3A_2755, %get3A_2756] {strides = array<i32>} : memref<32x128xf32, #tpu.memory_space<vmem>>, vector<16xf32>,
      %max3A_2758 = arith.maximumf %max3A_2753, %get3A_2757 : vector<16xf32>
      %get3A_2759 = arith.constant 22 : i32
      %get3A_2760 = arith.index_cast %get3A_2759 : i32 to index
      %get3A_2761 = arith.constant 48 : index
      %get3A_2762 = tpu.vector_load %arg15[%get3A_2760, %get3A_2761] {strides = array<i32>} : memref<32x128xf32, #tpu.memory_space<vmem>>, vector<16xf32>,
      %max3A_2763 = arith.maximumf %max3A_2758, %get3A_2762 : vector<16xf32>
      %get3A_2764 = arith.constant 23 : i32
      %get3A_2765 = arith.index_cast %get3A_2764 : i32 to index
      %get3A_2766 = arith.constant 48 : index
      %get3A_2767 = tpu.vector_load %arg15[%get3A_2765, %get3A_2766] {strides = array<i32>} : memref<32x128xf32, #tpu.memory_space<vmem>>, vector<16xf32>,
      %max3A_2768 = arith.maximumf %max3A_2763, %get3A_2767 : vector<16xf32>
      %get3A_2769 = arith.constant 24 : i32
      %get3A_2770 = arith.index_cast %get3A_2769 : i32 to index
      %get3A_2771 = arith.constant 48 : index
      %get3A_2772 = tpu.vector_load %arg15[%get3A_2770, %get3A_2771] {strides = array<i32>} : memref<32x128xf32, #tpu.memory_space<vmem>>, vector<16xf32>,
      %max3A_2773 = arith.maximumf %max3A_2768, %get3A_2772 : vector<16xf32>
      %get3A_2774 = arith.constant 25 : i32
      %get3A_2775 = arith.index_cast %get3A_2774 : i32 to index
      %get3A_2776 = arith.constant 48 : index
      %get3A_2777 = tpu.vector_load %arg15[%get3A_2775, %get3A_2776] {strides = array<i32>} : memref<32x128xf32, #tpu.memory_space<vmem>>, vector<16xf32>,
      %max3A_2778 = arith.maximumf %max3A_2773, %get3A_2777 : vector<16xf32>
      %get3A_2779 = arith.constant 26 : i32
      %get3A_2780 = arith.index_cast %get3A_2779 : i32 to index
      %get3A_2781 = arith.constant 48 : index
      %get3A_2782 = tpu.vector_load %arg15[%get3A_2780, %get3A_2781] {strides = array<i32>} : memref<32x128xf32, #tpu.memory_space<vmem>>, vector<16xf32>,
      %max3A_2783 = arith.maximumf %max3A_2778, %get3A_2782 : vector<16xf32>
      %get3A_2784 = arith.constant 27 : i32
      %get3A_2785 = arith.index_cast %get3A_2784 : i32 to index
      %get3A_2786 = arith.constant 48 : index
      %get3A_2787 = tpu.vector_load %arg15[%get3A_2785, %get3A_2786] {strides = array<i32>} : memref<32x128xf32, #tpu.memory_space<vmem>>, vector<16xf32>,
      %max3A_2788 = arith.maximumf %max3A_2783, %get3A_2787 : vector<16xf32>
      %get3A_2789 = arith.constant 28 : i32
      %get3A_2790 = arith.index_cast %get3A_2789 : i32 to index
      %get3A_2791 = arith.constant 48 : index
      %get3A_2792 = tpu.vector_load %arg15[%get3A_2790, %get3A_2791] {strides = array<i32>} : memref<32x128xf32, #tpu.memory_space<vmem>>, vector<16xf32>,
      %max3A_2793 = arith.maximumf %max3A_2788, %get3A_2792 : vector<16xf32>
      %get3A_2794 = arith.constant 29 : i32
      %get3A_2795 = arith.index_cast %get3A_2794 : i32 to index
      %get3A_2796 = arith.constant 48 : index
      %get3A_2797 = tpu.vector_load %arg15[%get3A_2795, %get3A_2796] {strides = array<i32>} : memref<32x128xf32, #tpu.memory_space<vmem>>, vector<16xf32>,
      %max3A_2798 = arith.maximumf %max3A_2793, %get3A_2797 : vector<16xf32>
      %get3A_2799 = arith.constant 30 : i32
      %get3A_2800 = arith.index_cast %get3A_2799 : i32 to index
      %get3A_2801 = arith.constant 48 : index
      %get3A_2802 = tpu.vector_load %arg15[%get3A_2800, %get3A_2801] {strides = array<i32>} : memref<32x128xf32, #tpu.memory_space<vmem>>, vector<16xf32>,
      %max3A_2803 = arith.maximumf %max3A_2798, %get3A_2802 : vector<16xf32>
      %get3A_2804 = arith.constant 31 : i32
      %get3A_2805 = arith.index_cast %get3A_2804 : i32 to index
      %get3A_2806 = arith.constant 48 : index
      %get3A_2807 = tpu.vector_load %arg15[%get3A_2805, %get3A_2806] {strides = array<i32>} : memref<32x128xf32, #tpu.memory_space<vmem>>, vector<16xf32>,
      %max3A_2808 = arith.maximumf %max3A_2803, %get3A_2807 : vector<16xf32>
      %swap3A_2809 = arith.constant 1 : i32
      %swap3A_2810 = arith.index_cast %swap3A_2809 : i32 to index
      %swap3A_2811 = arith.constant 112 : index
      %swap3A_2812 = tpu.vector_load %arg16[%swap3A_2810, %swap3A_2811] {strides = array<i32>} : memref<2x192xf32, #tpu.memory_space<vmem>>, vector<16xf32>,
      tpu.vector_store %arg16[%swap3A_2810, %swap3A_2811], %max3A_2808 {strides = array<i32>} : memref<2x192xf32, #tpu.memory_space<vmem>>, vector<16xf32>,
      %get3A_2813 = arith.constant 0 : i32
      %get3A_2814 = arith.index_cast %get3A_2813 : i32 to index
      %get3A_2815 = arith.constant 64 : index
      %get3A_2816 = tpu.vector_load %arg15[%get3A_2814, %get3A_2815] {strides = array<i32>} : memref<32x128xf32, #tpu.memory_space<vmem>>, vector<16xf32>,
      %get3A_2817 = arith.constant 1 : i32
      %get3A_2818 = arith.index_cast %get3A_2817 : i32 to index
      %get3A_2819 = arith.constant 64 : index
      %get3A_2820 = tpu.vector_load %arg15[%get3A_2818, %get3A_2819] {strides = array<i32>} : memref<32x128xf32, #tpu.memory_space<vmem>>, vector<16xf32>,
      %max3A_2821 = arith.maximumf %get3A_2816, %get3A_2820 : vector<16xf32>
      %get3A_2822 = arith.constant 2 : i32
      %get3A_2823 = arith.index_cast %get3A_2822 : i32 to index
      %get3A_2824 = arith.constant 64 : index
      %get3A_2825 = tpu.vector_load %arg15[%get3A_2823, %get3A_2824] {strides = array<i32>} : memref<32x128xf32, #tpu.memory_space<vmem>>, vector<16xf32>,
      %max3A_2826 = arith.maximumf %max3A_2821, %get3A_2825 : vector<16xf32>
      %get3A_2827 = arith.constant 3 : i32
      %get3A_2828 = arith.index_cast %get3A_2827 : i32 to index
      %get3A_2829 = arith.constant 64 : index
      %get3A_2830 = tpu.vector_load %arg15[%get3A_2828, %get3A_2829] {strides = array<i32>} : memref<32x128xf32, #tpu.memory_space<vmem>>, vector<16xf32>,
      %max3A_2831 = arith.maximumf %max3A_2826, %get3A_2830 : vector<16xf32>
      %get3A_2832 = arith.constant 4 : i32
      %get3A_2833 = arith.index_cast %get3A_2832 : i32 to index
      %get3A_2834 = arith.constant 64 : index
      %get3A_2835 = tpu.vector_load %arg15[%get3A_2833, %get3A_2834] {strides = array<i32>} : memref<32x128xf32, #tpu.memory_space<vmem>>, vector<16xf32>,
      %max3A_2836 = arith.maximumf %max3A_2831, %get3A_2835 : vector<16xf32>
      %get3A_2837 = arith.constant 5 : i32
      %get3A_2838 = arith.index_cast %get3A_2837 : i32 to index
      %get3A_2839 = arith.constant 64 : index
      %get3A_2840 = tpu.vector_load %arg15[%get3A_2838, %get3A_2839] {strides = array<i32>} : memref<32x128xf32, #tpu.memory_space<vmem>>, vector<16xf32>,
      %max3A_2841 = arith.maximumf %max3A_2836, %get3A_2840 : vector<16xf32>
      %get3A_2842 = arith.constant 6 : i32
      %get3A_2843 = arith.index_cast %get3A_2842 : i32 to index
      %get3A_2844 = arith.constant 64 : index
      %get3A_2845 = tpu.vector_load %arg15[%get3A_2843, %get3A_2844] {strides = array<i32>} : memref<32x128xf32, #tpu.memory_space<vmem>>, vector<16xf32>,
      %max3A_2846 = arith.maximumf %max3A_2841, %get3A_2845 : vector<16xf32>
      %get3A_2847 = arith.constant 7 : i32
      %get3A_2848 = arith.index_cast %get3A_2847 : i32 to index
      %get3A_2849 = arith.constant 64 : index
      %get3A_2850 = tpu.vector_load %arg15[%get3A_2848, %get3A_2849] {strides = array<i32>} : memref<32x128xf32, #tpu.memory_space<vmem>>, vector<16xf32>,
      %max3A_2851 = arith.maximumf %max3A_2846, %get3A_2850 : vector<16xf32>
      %get3A_2852 = arith.constant 8 : i32
      %get3A_2853 = arith.index_cast %get3A_2852 : i32 to index
      %get3A_2854 = arith.constant 64 : index
      %get3A_2855 = tpu.vector_load %arg15[%get3A_2853, %get3A_2854] {strides = array<i32>} : memref<32x128xf32, #tpu.memory_space<vmem>>, vector<16xf32>,
      %max3A_2856 = arith.maximumf %max3A_2851, %get3A_2855 : vector<16xf32>
      %get3A_2857 = arith.constant 9 : i32
      %get3A_2858 = arith.index_cast %get3A_2857 : i32 to index
      %get3A_2859 = arith.constant 64 : index
      %get3A_2860 = tpu.vector_load %arg15[%get3A_2858, %get3A_2859] {strides = array<i32>} : memref<32x128xf32, #tpu.memory_space<vmem>>, vector<16xf32>,
      %max3A_2861 = arith.maximumf %max3A_2856, %get3A_2860 : vector<16xf32>
      %get3A_2862 = arith.constant 10 : i32
      %get3A_2863 = arith.index_cast %get3A_2862 : i32 to index
      %get3A_2864 = arith.constant 64 : index
      %get3A_2865 = tpu.vector_load %arg15[%get3A_2863, %get3A_2864] {strides = array<i32>} : memref<32x128xf32, #tpu.memory_space<vmem>>, vector<16xf32>,
      %max3A_2866 = arith.maximumf %max3A_2861, %get3A_2865 : vector<16xf32>
      %get3A_2867 = arith.constant 11 : i32
      %get3A_2868 = arith.index_cast %get3A_2867 : i32 to index
      %get3A_2869 = arith.constant 64 : index
      %get3A_2870 = tpu.vector_load %arg15[%get3A_2868, %get3A_2869] {strides = array<i32>} : memref<32x128xf32, #tpu.memory_space<vmem>>, vector<16xf32>,
      %max3A_2871 = arith.maximumf %max3A_2866, %get3A_2870 : vector<16xf32>
      %get3A_2872 = arith.constant 12 : i32
      %get3A_2873 = arith.index_cast %get3A_2872 : i32 to index
      %get3A_2874 = arith.constant 64 : index
      %get3A_2875 = tpu.vector_load %arg15[%get3A_2873, %get3A_2874] {strides = array<i32>} : memref<32x128xf32, #tpu.memory_space<vmem>>, vector<16xf32>,
      %max3A_2876 = arith.maximumf %max3A_2871, %get3A_2875 : vector<16xf32>
      %get3A_2877 = arith.constant 13 : i32
      %get3A_2878 = arith.index_cast %get3A_2877 : i32 to index
      %get3A_2879 = arith.constant 64 : index
      %get3A_2880 = tpu.vector_load %arg15[%get3A_2878, %get3A_2879] {strides = array<i32>} : memref<32x128xf32, #tpu.memory_space<vmem>>, vector<16xf32>,
      %max3A_2881 = arith.maximumf %max3A_2876, %get3A_2880 : vector<16xf32>
      %get3A_2882 = arith.constant 14 : i32
      %get3A_2883 = arith.index_cast %get3A_2882 : i32 to index
      %get3A_2884 = arith.constant 64 : index
      %get3A_2885 = tpu.vector_load %arg15[%get3A_2883, %get3A_2884] {strides = array<i32>} : memref<32x128xf32, #tpu.memory_space<vmem>>, vector<16xf32>,
      %max3A_2886 = arith.maximumf %max3A_2881, %get3A_2885 : vector<16xf32>
      %get3A_2887 = arith.constant 15 : i32
      %get3A_2888 = arith.index_cast %get3A_2887 : i32 to index
      %get3A_2889 = arith.constant 64 : index
      %get3A_2890 = tpu.vector_load %arg15[%get3A_2888, %get3A_2889] {strides = array<i32>} : memref<32x128xf32, #tpu.memory_space<vmem>>, vector<16xf32>,
      %max3A_2891 = arith.maximumf %max3A_2886, %get3A_2890 : vector<16xf32>
      %get3A_2892 = arith.constant 16 : i32
      %get3A_2893 = arith.index_cast %get3A_2892 : i32 to index
      %get3A_2894 = arith.constant 64 : index
      %get3A_2895 = tpu.vector_load %arg15[%get3A_2893, %get3A_2894] {strides = array<i32>} : memref<32x128xf32, #tpu.memory_space<vmem>>, vector<16xf32>,
      %max3A_2896 = arith.maximumf %max3A_2891, %get3A_2895 : vector<16xf32>
      %get3A_2897 = arith.constant 17 : i32
      %get3A_2898 = arith.index_cast %get3A_2897 : i32 to index
      %get3A_2899 = arith.constant 64 : index
      %get3A_2900 = tpu.vector_load %arg15[%get3A_2898, %get3A_2899] {strides = array<i32>} : memref<32x128xf32, #tpu.memory_space<vmem>>, vector<16xf32>,
      %max3A_2901 = arith.maximumf %max3A_2896, %get3A_2900 : vector<16xf32>
      %get3A_2902 = arith.constant 18 : i32
      %get3A_2903 = arith.index_cast %get3A_2902 : i32 to index
      %get3A_2904 = arith.constant 64 : index
      %get3A_2905 = tpu.vector_load %arg15[%get3A_2903, %get3A_2904] {strides = array<i32>} : memref<32x128xf32, #tpu.memory_space<vmem>>, vector<16xf32>,
      %max3A_2906 = arith.maximumf %max3A_2901, %get3A_2905 : vector<16xf32>
      %get3A_2907 = arith.constant 19 : i32
      %get3A_2908 = arith.index_cast %get3A_2907 : i32 to index
      %get3A_2909 = arith.constant 64 : index
      %get3A_2910 = tpu.vector_load %arg15[%get3A_2908, %get3A_2909] {strides = array<i32>} : memref<32x128xf32, #tpu.memory_space<vmem>>, vector<16xf32>,
      %max3A_2911 = arith.maximumf %max3A_2906, %get3A_2910 : vector<16xf32>
      %get3A_2912 = arith.constant 20 : i32
      %get3A_2913 = arith.index_cast %get3A_2912 : i32 to index
      %get3A_2914 = arith.constant 64 : index
      %get3A_2915 = tpu.vector_load %arg15[%get3A_2913, %get3A_2914] {strides = array<i32>} : memref<32x128xf32, #tpu.memory_space<vmem>>, vector<16xf32>,
      %max3A_2916 = arith.maximumf %max3A_2911, %get3A_2915 : vector<16xf32>
      %get3A_2917 = arith.constant 21 : i32
      %get3A_2918 = arith.index_cast %get3A_2917 : i32 to index
      %get3A_2919 = arith.constant 64 : index
      %get3A_2920 = tpu.vector_load %arg15[%get3A_2918, %get3A_2919] {strides = array<i32>} : memref<32x128xf32, #tpu.memory_space<vmem>>, vector<16xf32>,
      %max3A_2921 = arith.maximumf %max3A_2916, %get3A_2920 : vector<16xf32>
      %get3A_2922 = arith.constant 22 : i32
      %get3A_2923 = arith.index_cast %get3A_2922 : i32 to index
      %get3A_2924 = arith.constant 64 : index
      %get3A_2925 = tpu.vector_load %arg15[%get3A_2923, %get3A_2924] {strides = array<i32>} : memref<32x128xf32, #tpu.memory_space<vmem>>, vector<16xf32>,
      %max3A_2926 = arith.maximumf %max3A_2921, %get3A_2925 : vector<16xf32>
      %get3A_2927 = arith.constant 23 : i32
      %get3A_2928 = arith.index_cast %get3A_2927 : i32 to index
      %get3A_2929 = arith.constant 64 : index
      %get3A_2930 = tpu.vector_load %arg15[%get3A_2928, %get3A_2929] {strides = array<i32>} : memref<32x128xf32, #tpu.memory_space<vmem>>, vector<16xf32>,
      %max3A_2931 = arith.maximumf %max3A_2926, %get3A_2930 : vector<16xf32>
      %get3A_2932 = arith.constant 24 : i32
      %get3A_2933 = arith.index_cast %get3A_2932 : i32 to index
      %get3A_2934 = arith.constant 64 : index
      %get3A_2935 = tpu.vector_load %arg15[%get3A_2933, %get3A_2934] {strides = array<i32>} : memref<32x128xf32, #tpu.memory_space<vmem>>, vector<16xf32>,
      %max3A_2936 = arith.maximumf %max3A_2931, %get3A_2935 : vector<16xf32>
      %get3A_2937 = arith.constant 25 : i32
      %get3A_2938 = arith.index_cast %get3A_2937 : i32 to index
      %get3A_2939 = arith.constant 64 : index
      %get3A_2940 = tpu.vector_load %arg15[%get3A_2938, %get3A_2939] {strides = array<i32>} : memref<32x128xf32, #tpu.memory_space<vmem>>, vector<16xf32>,
      %max3A_2941 = arith.maximumf %max3A_2936, %get3A_2940 : vector<16xf32>
      %get3A_2942 = arith.constant 26 : i32
      %get3A_2943 = arith.index_cast %get3A_2942 : i32 to index
      %get3A_2944 = arith.constant 64 : index
      %get3A_2945 = tpu.vector_load %arg15[%get3A_2943, %get3A_2944] {strides = array<i32>} : memref<32x128xf32, #tpu.memory_space<vmem>>, vector<16xf32>,
      %max3A_2946 = arith.maximumf %max3A_2941, %get3A_2945 : vector<16xf32>
      %get3A_2947 = arith.constant 27 : i32
      %get3A_2948 = arith.index_cast %get3A_2947 : i32 to index
      %get3A_2949 = arith.constant 64 : index
      %get3A_2950 = tpu.vector_load %arg15[%get3A_2948, %get3A_2949] {strides = array<i32>} : memref<32x128xf32, #tpu.memory_space<vmem>>, vector<16xf32>,
      %max3A_2951 = arith.maximumf %max3A_2946, %get3A_2950 : vector<16xf32>
      %get3A_2952 = arith.constant 28 : i32
      %get3A_2953 = arith.index_cast %get3A_2952 : i32 to index
      %get3A_2954 = arith.constant 64 : index
      %get3A_2955 = tpu.vector_load %arg15[%get3A_2953, %get3A_2954] {strides = array<i32>} : memref<32x128xf32, #tpu.memory_space<vmem>>, vector<16xf32>,
      %max3A_2956 = arith.maximumf %max3A_2951, %get3A_2955 : vector<16xf32>
      %get3A_2957 = arith.constant 29 : i32
      %get3A_2958 = arith.index_cast %get3A_2957 : i32 to index
      %get3A_2959 = arith.constant 64 : index
      %get3A_2960 = tpu.vector_load %arg15[%get3A_2958, %get3A_2959] {strides = array<i32>} : memref<32x128xf32, #tpu.memory_space<vmem>>, vector<16xf32>,
      %max3A_2961 = arith.maximumf %max3A_2956, %get3A_2960 : vector<16xf32>
      %get3A_2962 = arith.constant 30 : i32
      %get3A_2963 = arith.index_cast %get3A_2962 : i32 to index
      %get3A_2964 = arith.constant 64 : index
      %get3A_2965 = tpu.vector_load %arg15[%get3A_2963, %get3A_2964] {strides = array<i32>} : memref<32x128xf32, #tpu.memory_space<vmem>>, vector<16xf32>,
      %max3A_2966 = arith.maximumf %max3A_2961, %get3A_2965 : vector<16xf32>
      %get3A_2967 = arith.constant 31 : i32
      %get3A_2968 = arith.index_cast %get3A_2967 : i32 to index
      %get3A_2969 = arith.constant 64 : index
      %get3A_2970 = tpu.vector_load %arg15[%get3A_2968, %get3A_2969] {strides = array<i32>} : memref<32x128xf32, #tpu.memory_space<vmem>>, vector<16xf32>,
      %max3A_2971 = arith.maximumf %max3A_2966, %get3A_2970 : vector<16xf32>
      %swap3A_2972 = arith.constant 1 : i32
      %swap3A_2973 = arith.index_cast %swap3A_2972 : i32 to index
      %swap3A_2974 = arith.constant 128 : index
      %swap3A_2975 = tpu.vector_load %arg16[%swap3A_2973, %swap3A_2974] {strides = array<i32>} : memref<2x192xf32, #tpu.memory_space<vmem>>, vector<16xf32>,
      tpu.vector_store %arg16[%swap3A_2973, %swap3A_2974], %max3A_2971 {strides = array<i32>} : memref<2x192xf32, #tpu.memory_space<vmem>>, vector<16xf32>,
      %get3A_2976 = arith.constant 0 : i32
      %get3A_2977 = arith.index_cast %get3A_2976 : i32 to index
      %get3A_2978 = arith.constant 80 : index
      %get3A_2979 = tpu.vector_load %arg15[%get3A_2977, %get3A_2978] {strides = array<i32>} : memref<32x128xf32, #tpu.memory_space<vmem>>, vector<16xf32>,
      %get3A_2980 = arith.constant 1 : i32
      %get3A_2981 = arith.index_cast %get3A_2980 : i32 to index
      %get3A_2982 = arith.constant 80 : index
      %get3A_2983 = tpu.vector_load %arg15[%get3A_2981, %get3A_2982] {strides = array<i32>} : memref<32x128xf32, #tpu.memory_space<vmem>>, vector<16xf32>,
      %max3A_2984 = arith.maximumf %get3A_2979, %get3A_2983 : vector<16xf32>
      %get3A_2985 = arith.constant 2 : i32
      %get3A_2986 = arith.index_cast %get3A_2985 : i32 to index
      %get3A_2987 = arith.constant 80 : index
      %get3A_2988 = tpu.vector_load %arg15[%get3A_2986, %get3A_2987] {strides = array<i32>} : memref<32x128xf32, #tpu.memory_space<vmem>>, vector<16xf32>,
      %max3A_2989 = arith.maximumf %max3A_2984, %get3A_2988 : vector<16xf32>
      %get3A_2990 = arith.constant 3 : i32
      %get3A_2991 = arith.index_cast %get3A_2990 : i32 to index
      %get3A_2992 = arith.constant 80 : index
      %get3A_2993 = tpu.vector_load %arg15[%get3A_2991, %get3A_2992] {strides = array<i32>} : memref<32x128xf32, #tpu.memory_space<vmem>>, vector<16xf32>,
      %max3A_2994 = arith.maximumf %max3A_2989, %get3A_2993 : vector<16xf32>
      %get3A_2995 = arith.constant 4 : i32
      %get3A_2996 = arith.index_cast %get3A_2995 : i32 to index
      %get3A_2997 = arith.constant 80 : index
      %get3A_2998 = tpu.vector_load %arg15[%get3A_2996, %get3A_2997] {strides = array<i32>} : memref<32x128xf32, #tpu.memory_space<vmem>>, vector<16xf32>,
      %max3A_2999 = arith.maximumf %max3A_2994, %get3A_2998 : vector<16xf32>
      %get3A_3000 = arith.constant 5 : i32
      %get3A_3001 = arith.index_cast %get3A_3000 : i32 to index
      %get3A_3002 = arith.constant 80 : index
      %get3A_3003 = tpu.vector_load %arg15[%get3A_3001, %get3A_3002] {strides = array<i32>} : memref<32x128xf32, #tpu.memory_space<vmem>>, vector<16xf32>,
      %max3A_3004 = arith.maximumf %max3A_2999, %get3A_3003 : vector<16xf32>
      %get3A_3005 = arith.constant 6 : i32
      %get3A_3006 = arith.index_cast %get3A_3005 : i32 to index
      %get3A_3007 = arith.constant 80 : index
      %get3A_3008 = tpu.vector_load %arg15[%get3A_3006, %get3A_3007] {strides = array<i32>} : memref<32x128xf32, #tpu.memory_space<vmem>>, vector<16xf32>,
      %max3A_3009 = arith.maximumf %max3A_3004, %get3A_3008 : vector<16xf32>
      %get3A_3010 = arith.constant 7 : i32
      %get3A_3011 = arith.index_cast %get3A_3010 : i32 to index
      %get3A_3012 = arith.constant 80 : index
      %get3A_3013 = tpu.vector_load %arg15[%get3A_3011, %get3A_3012] {strides = array<i32>} : memref<32x128xf32, #tpu.memory_space<vmem>>, vector<16xf32>,
      %max3A_3014 = arith.maximumf %max3A_3009, %get3A_3013 : vector<16xf32>
      %get3A_3015 = arith.constant 8 : i32
      %get3A_3016 = arith.index_cast %get3A_3015 : i32 to index
      %get3A_3017 = arith.constant 80 : index
      %get3A_3018 = tpu.vector_load %arg15[%get3A_3016, %get3A_3017] {strides = array<i32>} : memref<32x128xf32, #tpu.memory_space<vmem>>, vector<16xf32>,
      %max3A_3019 = arith.maximumf %max3A_3014, %get3A_3018 : vector<16xf32>
      %get3A_3020 = arith.constant 9 : i32
      %get3A_3021 = arith.index_cast %get3A_3020 : i32 to index
      %get3A_3022 = arith.constant 80 : index
      %get3A_3023 = tpu.vector_load %arg15[%get3A_3021, %get3A_3022] {strides = array<i32>} : memref<32x128xf32, #tpu.memory_space<vmem>>, vector<16xf32>,
      %max3A_3024 = arith.maximumf %max3A_3019, %get3A_3023 : vector<16xf32>
      %get3A_3025 = arith.constant 10 : i32
      %get3A_3026 = arith.index_cast %get3A_3025 : i32 to index
      %get3A_3027 = arith.constant 80 : index
      %get3A_3028 = tpu.vector_load %arg15[%get3A_3026, %get3A_3027] {strides = array<i32>} : memref<32x128xf32, #tpu.memory_space<vmem>>, vector<16xf32>,
      %max3A_3029 = arith.maximumf %max3A_3024, %get3A_3028 : vector<16xf32>
      %get3A_3030 = arith.constant 11 : i32
      %get3A_3031 = arith.index_cast %get3A_3030 : i32 to index
      %get3A_3032 = arith.constant 80 : index
      %get3A_3033 = tpu.vector_load %arg15[%get3A_3031, %get3A_3032] {strides = array<i32>} : memref<32x128xf32, #tpu.memory_space<vmem>>, vector<16xf32>,
      %max3A_3034 = arith.maximumf %max3A_3029, %get3A_3033 : vector<16xf32>
      %get3A_3035 = arith.constant 12 : i32
      %get3A_3036 = arith.index_cast %get3A_3035 : i32 to index
      %get3A_3037 = arith.constant 80 : index
      %get3A_3038 = tpu.vector_load %arg15[%get3A_3036, %get3A_3037] {strides = array<i32>} : memref<32x128xf32, #tpu.memory_space<vmem>>, vector<16xf32>,
      %max3A_3039 = arith.maximumf %max3A_3034, %get3A_3038 : vector<16xf32>
      %get3A_3040 = arith.constant 13 : i32
      %get3A_3041 = arith.index_cast %get3A_3040 : i32 to index
      %get3A_3042 = arith.constant 80 : index
      %get3A_3043 = tpu.vector_load %arg15[%get3A_3041, %get3A_3042] {strides = array<i32>} : memref<32x128xf32, #tpu.memory_space<vmem>>, vector<16xf32>,
      %max3A_3044 = arith.maximumf %max3A_3039, %get3A_3043 : vector<16xf32>
      %get3A_3045 = arith.constant 14 : i32
      %get3A_3046 = arith.index_cast %get3A_3045 : i32 to index
      %get3A_3047 = arith.constant 80 : index
      %get3A_3048 = tpu.vector_load %arg15[%get3A_3046, %get3A_3047] {strides = array<i32>} : memref<32x128xf32, #tpu.memory_space<vmem>>, vector<16xf32>,
      %max3A_3049 = arith.maximumf %max3A_3044, %get3A_3048 : vector<16xf32>
      %get3A_3050 = arith.constant 15 : i32
      %get3A_3051 = arith.index_cast %get3A_3050 : i32 to index
      %get3A_3052 = arith.constant 80 : index
      %get3A_3053 = tpu.vector_load %arg15[%get3A_3051, %get3A_3052] {strides = array<i32>} : memref<32x128xf32, #tpu.memory_space<vmem>>, vector<16xf32>,
      %max3A_3054 = arith.maximumf %max3A_3049, %get3A_3053 : vector<16xf32>
      %get3A_3055 = arith.constant 16 : i32
      %get3A_3056 = arith.index_cast %get3A_3055 : i32 to index
      %get3A_3057 = arith.constant 80 : index
      %get3A_3058 = tpu.vector_load %arg15[%get3A_3056, %get3A_3057] {strides = array<i32>} : memref<32x128xf32, #tpu.memory_space<vmem>>, vector<16xf32>,
      %max3A_3059 = arith.maximumf %max3A_3054, %get3A_3058 : vector<16xf32>
      %get3A_3060 = arith.constant 17 : i32
      %get3A_3061 = arith.index_cast %get3A_3060 : i32 to index
      %get3A_3062 = arith.constant 80 : index
      %get3A_3063 = tpu.vector_load %arg15[%get3A_3061, %get3A_3062] {strides = array<i32>} : memref<32x128xf32, #tpu.memory_space<vmem>>, vector<16xf32>,
      %max3A_3064 = arith.maximumf %max3A_3059, %get3A_3063 : vector<16xf32>
      %get3A_3065 = arith.constant 18 : i32
      %get3A_3066 = arith.index_cast %get3A_3065 : i32 to index
      %get3A_3067 = arith.constant 80 : index
      %get3A_3068 = tpu.vector_load %arg15[%get3A_3066, %get3A_3067] {strides = array<i32>} : memref<32x128xf32, #tpu.memory_space<vmem>>, vector<16xf32>,
      %max3A_3069 = arith.maximumf %max3A_3064, %get3A_3068 : vector<16xf32>
      %get3A_3070 = arith.constant 19 : i32
      %get3A_3071 = arith.index_cast %get3A_3070 : i32 to index
      %get3A_3072 = arith.constant 80 : index
      %get3A_3073 = tpu.vector_load %arg15[%get3A_3071, %get3A_3072] {strides = array<i32>} : memref<32x128xf32, #tpu.memory_space<vmem>>, vector<16xf32>,
      %max3A_3074 = arith.maximumf %max3A_3069, %get3A_3073 : vector<16xf32>
      %get3A_3075 = arith.constant 20 : i32
      %get3A_3076 = arith.index_cast %get3A_3075 : i32 to index
      %get3A_3077 = arith.constant 80 : index
      %get3A_3078 = tpu.vector_load %arg15[%get3A_3076, %get3A_3077] {strides = array<i32>} : memref<32x128xf32, #tpu.memory_space<vmem>>, vector<16xf32>,
      %max3A_3079 = arith.maximumf %max3A_3074, %get3A_3078 : vector<16xf32>
      %get3A_3080 = arith.constant 21 : i32
      %get3A_3081 = arith.index_cast %get3A_3080 : i32 to index
      %get3A_3082 = arith.constant 80 : index
      %get3A_3083 = tpu.vector_load %arg15[%get3A_3081, %get3A_3082] {strides = array<i32>} : memref<32x128xf32, #tpu.memory_space<vmem>>, vector<16xf32>,
      %max3A_3084 = arith.maximumf %max3A_3079, %get3A_3083 : vector<16xf32>
      %get3A_3085 = arith.constant 22 : i32
      %get3A_3086 = arith.index_cast %get3A_3085 : i32 to index
      %get3A_3087 = arith.constant 80 : index
      %get3A_3088 = tpu.vector_load %arg15[%get3A_3086, %get3A_3087] {strides = array<i32>} : memref<32x128xf32, #tpu.memory_space<vmem>>, vector<16xf32>,
      %max3A_3089 = arith.maximumf %max3A_3084, %get3A_3088 : vector<16xf32>
      %get3A_3090 = arith.constant 23 : i32
      %get3A_3091 = arith.index_cast %get3A_3090 : i32 to index
      %get3A_3092 = arith.constant 80 : index
      %get3A_3093 = tpu.vector_load %arg15[%get3A_3091, %get3A_3092] {strides = array<i32>} : memref<32x128xf32, #tpu.memory_space<vmem>>, vector<16xf32>,
      %max3A_3094 = arith.maximumf %max3A_3089, %get3A_3093 : vector<16xf32>
      %get3A_3095 = arith.constant 24 : i32
      %get3A_3096 = arith.index_cast %get3A_3095 : i32 to index
      %get3A_3097 = arith.constant 80 : index
      %get3A_3098 = tpu.vector_load %arg15[%get3A_3096, %get3A_3097] {strides = array<i32>} : memref<32x128xf32, #tpu.memory_space<vmem>>, vector<16xf32>,
      %max3A_3099 = arith.maximumf %max3A_3094, %get3A_3098 : vector<16xf32>
      %get3A_3100 = arith.constant 25 : i32
      %get3A_3101 = arith.index_cast %get3A_3100 : i32 to index
      %get3A_3102 = arith.constant 80 : index
      %get3A_3103 = tpu.vector_load %arg15[%get3A_3101, %get3A_3102] {strides = array<i32>} : memref<32x128xf32, #tpu.memory_space<vmem>>, vector<16xf32>,
      %max3A_3104 = arith.maximumf %max3A_3099, %get3A_3103 : vector<16xf32>
      %get3A_3105 = arith.constant 26 : i32
      %get3A_3106 = arith.index_cast %get3A_3105 : i32 to index
      %get3A_3107 = arith.constant 80 : index
      %get3A_3108 = tpu.vector_load %arg15[%get3A_3106, %get3A_3107] {strides = array<i32>} : memref<32x128xf32, #tpu.memory_space<vmem>>, vector<16xf32>,
      %max3A_3109 = arith.maximumf %max3A_3104, %get3A_3108 : vector<16xf32>
      %get3A_3110 = arith.constant 27 : i32
      %get3A_3111 = arith.index_cast %get3A_3110 : i32 to index
      %get3A_3112 = arith.constant 80 : index
      %get3A_3113 = tpu.vector_load %arg15[%get3A_3111, %get3A_3112] {strides = array<i32>} : memref<32x128xf32, #tpu.memory_space<vmem>>, vector<16xf32>,
      %max3A_3114 = arith.maximumf %max3A_3109, %get3A_3113 : vector<16xf32>
      %get3A_3115 = arith.constant 28 : i32
      %get3A_3116 = arith.index_cast %get3A_3115 : i32 to index
      %get3A_3117 = arith.constant 80 : index
      %get3A_3118 = tpu.vector_load %arg15[%get3A_3116, %get3A_3117] {strides = array<i32>} : memref<32x128xf32, #tpu.memory_space<vmem>>, vector<16xf32>,
      %max3A_3119 = arith.maximumf %max3A_3114, %get3A_3118 : vector<16xf32>
      %get3A_3120 = arith.constant 29 : i32
      %get3A_3121 = arith.index_cast %get3A_3120 : i32 to index
      %get3A_3122 = arith.constant 80 : index
      %get3A_3123 = tpu.vector_load %arg15[%get3A_3121, %get3A_3122] {strides = array<i32>} : memref<32x128xf32, #tpu.memory_space<vmem>>, vector<16xf32>,
      %max3A_3124 = arith.maximumf %max3A_3119, %get3A_3123 : vector<16xf32>
      %get3A_3125 = arith.constant 30 : i32
      %get3A_3126 = arith.index_cast %get3A_3125 : i32 to index
      %get3A_3127 = arith.constant 80 : index
      %get3A_3128 = tpu.vector_load %arg15[%get3A_3126, %get3A_3127] {strides = array<i32>} : memref<32x128xf32, #tpu.memory_space<vmem>>, vector<16xf32>,
      %max3A_3129 = arith.maximumf %max3A_3124, %get3A_3128 : vector<16xf32>
      %get3A_3130 = arith.constant 31 : i32
      %get3A_3131 = arith.index_cast %get3A_3130 : i32 to index
      %get3A_3132 = arith.constant 80 : index
      %get3A_3133 = tpu.vector_load %arg15[%get3A_3131, %get3A_3132] {strides = array<i32>} : memref<32x128xf32, #tpu.memory_space<vmem>>, vector<16xf32>,
      %max3A_3134 = arith.maximumf %max3A_3129, %get3A_3133 : vector<16xf32>
      %swap3A_3135 = arith.constant 1 : i32
      %swap3A_3136 = arith.index_cast %swap3A_3135 : i32 to index
      %swap3A_3137 = arith.constant 144 : index
      %swap3A_3138 = tpu.vector_load %arg16[%swap3A_3136, %swap3A_3137] {strides = array<i32>} : memref<2x192xf32, #tpu.memory_space<vmem>>, vector<16xf32>,
      tpu.vector_store %arg16[%swap3A_3136, %swap3A_3137], %max3A_3134 {strides = array<i32>} : memref<2x192xf32, #tpu.memory_space<vmem>>, vector<16xf32>,
      %get3A_3139 = arith.constant 0 : i32
      %get3A_3140 = arith.index_cast %get3A_3139 : i32 to index
      %get3A_3141 = arith.constant 96 : index
      %get3A_3142 = tpu.vector_load %arg15[%get3A_3140, %get3A_3141] {strides = array<i32>} : memref<32x128xf32, #tpu.memory_space<vmem>>, vector<16xf32>,
      %get3A_3143 = arith.constant 1 : i32
      %get3A_3144 = arith.index_cast %get3A_3143 : i32 to index
      %get3A_3145 = arith.constant 96 : index
      %get3A_3146 = tpu.vector_load %arg15[%get3A_3144, %get3A_3145] {strides = array<i32>} : memref<32x128xf32, #tpu.memory_space<vmem>>, vector<16xf32>,
      %max3A_3147 = arith.maximumf %get3A_3142, %get3A_3146 : vector<16xf32>
      %get3A_3148 = arith.constant 2 : i32
      %get3A_3149 = arith.index_cast %get3A_3148 : i32 to index
      %get3A_3150 = arith.constant 96 : index
      %get3A_3151 = tpu.vector_load %arg15[%get3A_3149, %get3A_3150] {strides = array<i32>} : memref<32x128xf32, #tpu.memory_space<vmem>>, vector<16xf32>,
      %max3A_3152 = arith.maximumf %max3A_3147, %get3A_3151 : vector<16xf32>
      %get3A_3153 = arith.constant 3 : i32
      %get3A_3154 = arith.index_cast %get3A_3153 : i32 to index
      %get3A_3155 = arith.constant 96 : index
      %get3A_3156 = tpu.vector_load %arg15[%get3A_3154, %get3A_3155] {strides = array<i32>} : memref<32x128xf32, #tpu.memory_space<vmem>>, vector<16xf32>,
      %max3A_3157 = arith.maximumf %max3A_3152, %get3A_3156 : vector<16xf32>
      %get3A_3158 = arith.constant 4 : i32
      %get3A_3159 = arith.index_cast %get3A_3158 : i32 to index
      %get3A_3160 = arith.constant 96 : index
      %get3A_3161 = tpu.vector_load %arg15[%get3A_3159, %get3A_3160] {strides = array<i32>} : memref<32x128xf32, #tpu.memory_space<vmem>>, vector<16xf32>,
      %max3A_3162 = arith.maximumf %max3A_3157, %get3A_3161 : vector<16xf32>
      %get3A_3163 = arith.constant 5 : i32
      %get3A_3164 = arith.index_cast %get3A_3163 : i32 to index
      %get3A_3165 = arith.constant 96 : index
      %get3A_3166 = tpu.vector_load %arg15[%get3A_3164, %get3A_3165] {strides = array<i32>} : memref<32x128xf32, #tpu.memory_space<vmem>>, vector<16xf32>,
      %max3A_3167 = arith.maximumf %max3A_3162, %get3A_3166 : vector<16xf32>
      %get3A_3168 = arith.constant 6 : i32
      %get3A_3169 = arith.index_cast %get3A_3168 : i32 to index
      %get3A_3170 = arith.constant 96 : index
      %get3A_3171 = tpu.vector_load %arg15[%get3A_3169, %get3A_3170] {strides = array<i32>} : memref<32x128xf32, #tpu.memory_space<vmem>>, vector<16xf32>,
      %max3A_3172 = arith.maximumf %max3A_3167, %get3A_3171 : vector<16xf32>
      %get3A_3173 = arith.constant 7 : i32
      %get3A_3174 = arith.index_cast %get3A_3173 : i32 to index
      %get3A_3175 = arith.constant 96 : index
      %get3A_3176 = tpu.vector_load %arg15[%get3A_3174, %get3A_3175] {strides = array<i32>} : memref<32x128xf32, #tpu.memory_space<vmem>>, vector<16xf32>,
      %max3A_3177 = arith.maximumf %max3A_3172, %get3A_3176 : vector<16xf32>
      %get3A_3178 = arith.constant 8 : i32
      %get3A_3179 = arith.index_cast %get3A_3178 : i32 to index
      %get3A_3180 = arith.constant 96 : index
      %get3A_3181 = tpu.vector_load %arg15[%get3A_3179, %get3A_3180] {strides = array<i32>} : memref<32x128xf32, #tpu.memory_space<vmem>>, vector<16xf32>,
      %max3A_3182 = arith.maximumf %max3A_3177, %get3A_3181 : vector<16xf32>
      %get3A_3183 = arith.constant 9 : i32
      %get3A_3184 = arith.index_cast %get3A_3183 : i32 to index
      %get3A_3185 = arith.constant 96 : index
      %get3A_3186 = tpu.vector_load %arg15[%get3A_3184, %get3A_3185] {strides = array<i32>} : memref<32x128xf32, #tpu.memory_space<vmem>>, vector<16xf32>,
      %max3A_3187 = arith.maximumf %max3A_3182, %get3A_3186 : vector<16xf32>
      %get3A_3188 = arith.constant 10 : i32
      %get3A_3189 = arith.index_cast %get3A_3188 : i32 to index
      %get3A_3190 = arith.constant 96 : index
      %get3A_3191 = tpu.vector_load %arg15[%get3A_3189, %get3A_3190] {strides = array<i32>} : memref<32x128xf32, #tpu.memory_space<vmem>>, vector<16xf32>,
      %max3A_3192 = arith.maximumf %max3A_3187, %get3A_3191 : vector<16xf32>
      %get3A_3193 = arith.constant 11 : i32
      %get3A_3194 = arith.index_cast %get3A_3193 : i32 to index
      %get3A_3195 = arith.constant 96 : index
      %get3A_3196 = tpu.vector_load %arg15[%get3A_3194, %get3A_3195] {strides = array<i32>} : memref<32x128xf32, #tpu.memory_space<vmem>>, vector<16xf32>,
      %max3A_3197 = arith.maximumf %max3A_3192, %get3A_3196 : vector<16xf32>
      %get3A_3198 = arith.constant 12 : i32
      %get3A_3199 = arith.index_cast %get3A_3198 : i32 to index
      %get3A_3200 = arith.constant 96 : index
      %get3A_3201 = tpu.vector_load %arg15[%get3A_3199, %get3A_3200] {strides = array<i32>} : memref<32x128xf32, #tpu.memory_space<vmem>>, vector<16xf32>,
      %max3A_3202 = arith.maximumf %max3A_3197, %get3A_3201 : vector<16xf32>
      %get3A_3203 = arith.constant 13 : i32
      %get3A_3204 = arith.index_cast %get3A_3203 : i32 to index
      %get3A_3205 = arith.constant 96 : index
      %get3A_3206 = tpu.vector_load %arg15[%get3A_3204, %get3A_3205] {strides = array<i32>} : memref<32x128xf32, #tpu.memory_space<vmem>>, vector<16xf32>,
      %max3A_3207 = arith.maximumf %max3A_3202, %get3A_3206 : vector<16xf32>
      %get3A_3208 = arith.constant 14 : i32
      %get3A_3209 = arith.index_cast %get3A_3208 : i32 to index
      %get3A_3210 = arith.constant 96 : index
      %get3A_3211 = tpu.vector_load %arg15[%get3A_3209, %get3A_3210] {strides = array<i32>} : memref<32x128xf32, #tpu.memory_space<vmem>>, vector<16xf32>,
      %max3A_3212 = arith.maximumf %max3A_3207, %get3A_3211 : vector<16xf32>
      %get3A_3213 = arith.constant 15 : i32
      %get3A_3214 = arith.index_cast %get3A_3213 : i32 to index
      %get3A_3215 = arith.constant 96 : index
      %get3A_3216 = tpu.vector_load %arg15[%get3A_3214, %get3A_3215] {strides = array<i32>} : memref<32x128xf32, #tpu.memory_space<vmem>>, vector<16xf32>,
      %max3A_3217 = arith.maximumf %max3A_3212, %get3A_3216 : vector<16xf32>
      %get3A_3218 = arith.constant 16 : i32
      %get3A_3219 = arith.index_cast %get3A_3218 : i32 to index
      %get3A_3220 = arith.constant 96 : index
      %get3A_3221 = tpu.vector_load %arg15[%get3A_3219, %get3A_3220] {strides = array<i32>} : memref<32x128xf32, #tpu.memory_space<vmem>>, vector<16xf32>,
      %max3A_3222 = arith.maximumf %max3A_3217, %get3A_3221 : vector<16xf32>
      %get3A_3223 = arith.constant 17 : i32
      %get3A_3224 = arith.index_cast %get3A_3223 : i32 to index
      %get3A_3225 = arith.constant 96 : index
      %get3A_3226 = tpu.vector_load %arg15[%get3A_3224, %get3A_3225] {strides = array<i32>} : memref<32x128xf32, #tpu.memory_space<vmem>>, vector<16xf32>,
      %max3A_3227 = arith.maximumf %max3A_3222, %get3A_3226 : vector<16xf32>
      %get3A_3228 = arith.constant 18 : i32
      %get3A_3229 = arith.index_cast %get3A_3228 : i32 to index
      %get3A_3230 = arith.constant 96 : index
      %get3A_3231 = tpu.vector_load %arg15[%get3A_3229, %get3A_3230] {strides = array<i32>} : memref<32x128xf32, #tpu.memory_space<vmem>>, vector<16xf32>,
      %max3A_3232 = arith.maximumf %max3A_3227, %get3A_3231 : vector<16xf32>
      %get3A_3233 = arith.constant 19 : i32
      %get3A_3234 = arith.index_cast %get3A_3233 : i32 to index
      %get3A_3235 = arith.constant 96 : index
      %get3A_3236 = tpu.vector_load %arg15[%get3A_3234, %get3A_3235] {strides = array<i32>} : memref<32x128xf32, #tpu.memory_space<vmem>>, vector<16xf32>,
      %max3A_3237 = arith.maximumf %max3A_3232, %get3A_3236 : vector<16xf32>
      %get3A_3238 = arith.constant 20 : i32
      %get3A_3239 = arith.index_cast %get3A_3238 : i32 to index
      %get3A_3240 = arith.constant 96 : index
      %get3A_3241 = tpu.vector_load %arg15[%get3A_3239, %get3A_3240] {strides = array<i32>} : memref<32x128xf32, #tpu.memory_space<vmem>>, vector<16xf32>,
      %max3A_3242 = arith.maximumf %max3A_3237, %get3A_3241 : vector<16xf32>
      %get3A_3243 = arith.constant 21 : i32
      %get3A_3244 = arith.index_cast %get3A_3243 : i32 to index
      %get3A_3245 = arith.constant 96 : index
      %get3A_3246 = tpu.vector_load %arg15[%get3A_3244, %get3A_3245] {strides = array<i32>} : memref<32x128xf32, #tpu.memory_space<vmem>>, vector<16xf32>,
      %max3A_3247 = arith.maximumf %max3A_3242, %get3A_3246 : vector<16xf32>
      %get3A_3248 = arith.constant 22 : i32
      %get3A_3249 = arith.index_cast %get3A_3248 : i32 to index
      %get3A_3250 = arith.constant 96 : index
      %get3A_3251 = tpu.vector_load %arg15[%get3A_3249, %get3A_3250] {strides = array<i32>} : memref<32x128xf32, #tpu.memory_space<vmem>>, vector<16xf32>,
      %max3A_3252 = arith.maximumf %max3A_3247, %get3A_3251 : vector<16xf32>
      %get3A_3253 = arith.constant 23 : i32
      %get3A_3254 = arith.index_cast %get3A_3253 : i32 to index
      %get3A_3255 = arith.constant 96 : index
      %get3A_3256 = tpu.vector_load %arg15[%get3A_3254, %get3A_3255] {strides = array<i32>} : memref<32x128xf32, #tpu.memory_space<vmem>>, vector<16xf32>,
      %max3A_3257 = arith.maximumf %max3A_3252, %get3A_3256 : vector<16xf32>
      %get3A_3258 = arith.constant 24 : i32
      %get3A_3259 = arith.index_cast %get3A_3258 : i32 to index
      %get3A_3260 = arith.constant 96 : index
      %get3A_3261 = tpu.vector_load %arg15[%get3A_3259, %get3A_3260] {strides = array<i32>} : memref<32x128xf32, #tpu.memory_space<vmem>>, vector<16xf32>,
      %max3A_3262 = arith.maximumf %max3A_3257, %get3A_3261 : vector<16xf32>
      %get3A_3263 = arith.constant 25 : i32
      %get3A_3264 = arith.index_cast %get3A_3263 : i32 to index
      %get3A_3265 = arith.constant 96 : index
      %get3A_3266 = tpu.vector_load %arg15[%get3A_3264, %get3A_3265] {strides = array<i32>} : memref<32x128xf32, #tpu.memory_space<vmem>>, vector<16xf32>,
      %max3A_3267 = arith.maximumf %max3A_3262, %get3A_3266 : vector<16xf32>
      %get3A_3268 = arith.constant 26 : i32
      %get3A_3269 = arith.index_cast %get3A_3268 : i32 to index
      %get3A_3270 = arith.constant 96 : index
      %get3A_3271 = tpu.vector_load %arg15[%get3A_3269, %get3A_3270] {strides = array<i32>} : memref<32x128xf32, #tpu.memory_space<vmem>>, vector<16xf32>,
      %max3A_3272 = arith.maximumf %max3A_3267, %get3A_3271 : vector<16xf32>
      %get3A_3273 = arith.constant 27 : i32
      %get3A_3274 = arith.index_cast %get3A_3273 : i32 to index
      %get3A_3275 = arith.constant 96 : index
      %get3A_3276 = tpu.vector_load %arg15[%get3A_3274, %get3A_3275] {strides = array<i32>} : memref<32x128xf32, #tpu.memory_space<vmem>>, vector<16xf32>,
      %max3A_3277 = arith.maximumf %max3A_3272, %get3A_3276 : vector<16xf32>
      %get3A_3278 = arith.constant 28 : i32
      %get3A_3279 = arith.index_cast %get3A_3278 : i32 to index
      %get3A_3280 = arith.constant 96 : index
      %get3A_3281 = tpu.vector_load %arg15[%get3A_3279, %get3A_3280] {strides = array<i32>} : memref<32x128xf32, #tpu.memory_space<vmem>>, vector<16xf32>,
      %max3A_3282 = arith.maximumf %max3A_3277, %get3A_3281 : vector<16xf32>
      %get3A_3283 = arith.constant 29 : i32
      %get3A_3284 = arith.index_cast %get3A_3283 : i32 to index
      %get3A_3285 = arith.constant 96 : index
      %get3A_3286 = tpu.vector_load %arg15[%get3A_3284, %get3A_3285] {strides = array<i32>} : memref<32x128xf32, #tpu.memory_space<vmem>>, vector<16xf32>,
      %max3A_3287 = arith.maximumf %max3A_3282, %get3A_3286 : vector<16xf32>
      %get3A_3288 = arith.constant 30 : i32
      %get3A_3289 = arith.index_cast %get3A_3288 : i32 to index
      %get3A_3290 = arith.constant 96 : index
      %get3A_3291 = tpu.vector_load %arg15[%get3A_3289, %get3A_3290] {strides = array<i32>} : memref<32x128xf32, #tpu.memory_space<vmem>>, vector<16xf32>,
      %max3A_3292 = arith.maximumf %max3A_3287, %get3A_3291 : vector<16xf32>
      %get3A_3293 = arith.constant 31 : i32
      %get3A_3294 = arith.index_cast %get3A_3293 : i32 to index
      %get3A_3295 = arith.constant 96 : index
      %get3A_3296 = tpu.vector_load %arg15[%get3A_3294, %get3A_3295] {strides = array<i32>} : memref<32x128xf32, #tpu.memory_space<vmem>>, vector<16xf32>,
      %max3A_3297 = arith.maximumf %max3A_3292, %get3A_3296 : vector<16xf32>
      %swap3A_3298 = arith.constant 1 : i32
      %swap3A_3299 = arith.index_cast %swap3A_3298 : i32 to index
      %swap3A_3300 = arith.constant 160 : index
      %swap3A_3301 = tpu.vector_load %arg16[%swap3A_3299, %swap3A_3300] {strides = array<i32>} : memref<2x192xf32, #tpu.memory_space<vmem>>, vector<16xf32>,
      tpu.vector_store %arg16[%swap3A_3299, %swap3A_3300], %max3A_3297 {strides = array<i32>} : memref<2x192xf32, #tpu.memory_space<vmem>>, vector<16xf32>,
      %get3A_3302 = arith.constant 0 : i32
      %get3A_3303 = arith.index_cast %get3A_3302 : i32 to index
      %get3A_3304 = arith.constant 112 : index
      %get3A_3305 = tpu.vector_load %arg15[%get3A_3303, %get3A_3304] {strides = array<i32>} : memref<32x128xf32, #tpu.memory_space<vmem>>, vector<16xf32>,
      %get3A_3306 = arith.constant 1 : i32
      %get3A_3307 = arith.index_cast %get3A_3306 : i32 to index
      %get3A_3308 = arith.constant 112 : index
      %get3A_3309 = tpu.vector_load %arg15[%get3A_3307, %get3A_3308] {strides = array<i32>} : memref<32x128xf32, #tpu.memory_space<vmem>>, vector<16xf32>,
      %max3A_3310 = arith.maximumf %get3A_3305, %get3A_3309 : vector<16xf32>
      %get3A_3311 = arith.constant 2 : i32
      %get3A_3312 = arith.index_cast %get3A_3311 : i32 to index
      %get3A_3313 = arith.constant 112 : index
      %get3A_3314 = tpu.vector_load %arg15[%get3A_3312, %get3A_3313] {strides = array<i32>} : memref<32x128xf32, #tpu.memory_space<vmem>>, vector<16xf32>,
      %max3A_3315 = arith.maximumf %max3A_3310, %get3A_3314 : vector<16xf32>
      %get3A_3316 = arith.constant 3 : i32
      %get3A_3317 = arith.index_cast %get3A_3316 : i32 to index
      %get3A_3318 = arith.constant 112 : index
      %get3A_3319 = tpu.vector_load %arg15[%get3A_3317, %get3A_3318] {strides = array<i32>} : memref<32x128xf32, #tpu.memory_space<vmem>>, vector<16xf32>,
      %max3A_3320 = arith.maximumf %max3A_3315, %get3A_3319 : vector<16xf32>
      %get3A_3321 = arith.constant 4 : i32
      %get3A_3322 = arith.index_cast %get3A_3321 : i32 to index
      %get3A_3323 = arith.constant 112 : index
      %get3A_3324 = tpu.vector_load %arg15[%get3A_3322, %get3A_3323] {strides = array<i32>} : memref<32x128xf32, #tpu.memory_space<vmem>>, vector<16xf32>,
      %max3A_3325 = arith.maximumf %max3A_3320, %get3A_3324 : vector<16xf32>
      %get3A_3326 = arith.constant 5 : i32
      %get3A_3327 = arith.index_cast %get3A_3326 : i32 to index
      %get3A_3328 = arith.constant 112 : index
      %get3A_3329 = tpu.vector_load %arg15[%get3A_3327, %get3A_3328] {strides = array<i32>} : memref<32x128xf32, #tpu.memory_space<vmem>>, vector<16xf32>,
      %max3A_3330 = arith.maximumf %max3A_3325, %get3A_3329 : vector<16xf32>
      %get3A_3331 = arith.constant 6 : i32
      %get3A_3332 = arith.index_cast %get3A_3331 : i32 to index
      %get3A_3333 = arith.constant 112 : index
      %get3A_3334 = tpu.vector_load %arg15[%get3A_3332, %get3A_3333] {strides = array<i32>} : memref<32x128xf32, #tpu.memory_space<vmem>>, vector<16xf32>,
      %max3A_3335 = arith.maximumf %max3A_3330, %get3A_3334 : vector<16xf32>
      %get3A_3336 = arith.constant 7 : i32
      %get3A_3337 = arith.index_cast %get3A_3336 : i32 to index
      %get3A_3338 = arith.constant 112 : index
      %get3A_3339 = tpu.vector_load %arg15[%get3A_3337, %get3A_3338] {strides = array<i32>} : memref<32x128xf32, #tpu.memory_space<vmem>>, vector<16xf32>,
      %max3A_3340 = arith.maximumf %max3A_3335, %get3A_3339 : vector<16xf32>
      %get3A_3341 = arith.constant 8 : i32
      %get3A_3342 = arith.index_cast %get3A_3341 : i32 to index
      %get3A_3343 = arith.constant 112 : index
      %get3A_3344 = tpu.vector_load %arg15[%get3A_3342, %get3A_3343] {strides = array<i32>} : memref<32x128xf32, #tpu.memory_space<vmem>>, vector<16xf32>,
      %max3A_3345 = arith.maximumf %max3A_3340, %get3A_3344 : vector<16xf32>
      %get3A_3346 = arith.constant 9 : i32
      %get3A_3347 = arith.index_cast %get3A_3346 : i32 to index
      %get3A_3348 = arith.constant 112 : index
      %get3A_3349 = tpu.vector_load %arg15[%get3A_3347, %get3A_3348] {strides = array<i32>} : memref<32x128xf32, #tpu.memory_space<vmem>>, vector<16xf32>,
      %max3A_3350 = arith.maximumf %max3A_3345, %get3A_3349 : vector<16xf32>
      %get3A_3351 = arith.constant 10 : i32
      %get3A_3352 = arith.index_cast %get3A_3351 : i32 to index
      %get3A_3353 = arith.constant 112 : index
      %get3A_3354 = tpu.vector_load %arg15[%get3A_3352, %get3A_3353] {strides = array<i32>} : memref<32x128xf32, #tpu.memory_space<vmem>>, vector<16xf32>,
      %max3A_3355 = arith.maximumf %max3A_3350, %get3A_3354 : vector<16xf32>
      %get3A_3356 = arith.constant 11 : i32
      %get3A_3357 = arith.index_cast %get3A_3356 : i32 to index
      %get3A_3358 = arith.constant 112 : index
      %get3A_3359 = tpu.vector_load %arg15[%get3A_3357, %get3A_3358] {strides = array<i32>} : memref<32x128xf32, #tpu.memory_space<vmem>>, vector<16xf32>,
      %max3A_3360 = arith.maximumf %max3A_3355, %get3A_3359 : vector<16xf32>
      %get3A_3361 = arith.constant 12 : i32
      %get3A_3362 = arith.index_cast %get3A_3361 : i32 to index
      %get3A_3363 = arith.constant 112 : index
      %get3A_3364 = tpu.vector_load %arg15[%get3A_3362, %get3A_3363] {strides = array<i32>} : memref<32x128xf32, #tpu.memory_space<vmem>>, vector<16xf32>,
      %max3A_3365 = arith.maximumf %max3A_3360, %get3A_3364 : vector<16xf32>
      %get3A_3366 = arith.constant 13 : i32
      %get3A_3367 = arith.index_cast %get3A_3366 : i32 to index
      %get3A_3368 = arith.constant 112 : index
      %get3A_3369 = tpu.vector_load %arg15[%get3A_3367, %get3A_3368] {strides = array<i32>} : memref<32x128xf32, #tpu.memory_space<vmem>>, vector<16xf32>,
      %max3A_3370 = arith.maximumf %max3A_3365, %get3A_3369 : vector<16xf32>
      %get3A_3371 = arith.constant 14 : i32
      %get3A_3372 = arith.index_cast %get3A_3371 : i32 to index
      %get3A_3373 = arith.constant 112 : index
      %get3A_3374 = tpu.vector_load %arg15[%get3A_3372, %get3A_3373] {strides = array<i32>} : memref<32x128xf32, #tpu.memory_space<vmem>>, vector<16xf32>,
      %max3A_3375 = arith.maximumf %max3A_3370, %get3A_3374 : vector<16xf32>
      %get3A_3376 = arith.constant 15 : i32
      %get3A_3377 = arith.index_cast %get3A_3376 : i32 to index
      %get3A_3378 = arith.constant 112 : index
      %get3A_3379 = tpu.vector_load %arg15[%get3A_3377, %get3A_3378] {strides = array<i32>} : memref<32x128xf32, #tpu.memory_space<vmem>>, vector<16xf32>,
      %max3A_3380 = arith.maximumf %max3A_3375, %get3A_3379 : vector<16xf32>
      %get3A_3381 = arith.constant 16 : i32
      %get3A_3382 = arith.index_cast %get3A_3381 : i32 to index
      %get3A_3383 = arith.constant 112 : index
      %get3A_3384 = tpu.vector_load %arg15[%get3A_3382, %get3A_3383] {strides = array<i32>} : memref<32x128xf32, #tpu.memory_space<vmem>>, vector<16xf32>,
      %max3A_3385 = arith.maximumf %max3A_3380, %get3A_3384 : vector<16xf32>
      %get3A_3386 = arith.constant 17 : i32
      %get3A_3387 = arith.index_cast %get3A_3386 : i32 to index
      %get3A_3388 = arith.constant 112 : index
      %get3A_3389 = tpu.vector_load %arg15[%get3A_3387, %get3A_3388] {strides = array<i32>} : memref<32x128xf32, #tpu.memory_space<vmem>>, vector<16xf32>,
      %max3A_3390 = arith.maximumf %max3A_3385, %get3A_3389 : vector<16xf32>
      %get3A_3391 = arith.constant 18 : i32
      %get3A_3392 = arith.index_cast %get3A_3391 : i32 to index
      %get3A_3393 = arith.constant 112 : index
      %get3A_3394 = tpu.vector_load %arg15[%get3A_3392, %get3A_3393] {strides = array<i32>} : memref<32x128xf32, #tpu.memory_space<vmem>>, vector<16xf32>,
      %max3A_3395 = arith.maximumf %max3A_3390, %get3A_3394 : vector<16xf32>
      %get3A_3396 = arith.constant 19 : i32
      %get3A_3397 = arith.index_cast %get3A_3396 : i32 to index
      %get3A_3398 = arith.constant 112 : index
      %get3A_3399 = tpu.vector_load %arg15[%get3A_3397, %get3A_3398] {strides = array<i32>} : memref<32x128xf32, #tpu.memory_space<vmem>>, vector<16xf32>,
      %max3A_3400 = arith.maximumf %max3A_3395, %get3A_3399 : vector<16xf32>
      %get3A_3401 = arith.constant 20 : i32
      %get3A_3402 = arith.index_cast %get3A_3401 : i32 to index
      %get3A_3403 = arith.constant 112 : index
      %get3A_3404 = tpu.vector_load %arg15[%get3A_3402, %get3A_3403] {strides = array<i32>} : memref<32x128xf32, #tpu.memory_space<vmem>>, vector<16xf32>,
      %max3A_3405 = arith.maximumf %max3A_3400, %get3A_3404 : vector<16xf32>
      %get3A_3406 = arith.constant 21 : i32
      %get3A_3407 = arith.index_cast %get3A_3406 : i32 to index
      %get3A_3408 = arith.constant 112 : index
      %get3A_3409 = tpu.vector_load %arg15[%get3A_3407, %get3A_3408] {strides = array<i32>} : memref<32x128xf32, #tpu.memory_space<vmem>>, vector<16xf32>,
      %max3A_3410 = arith.maximumf %max3A_3405, %get3A_3409 : vector<16xf32>
      %get3A_3411 = arith.constant 22 : i32
      %get3A_3412 = arith.index_cast %get3A_3411 : i32 to index
      %get3A_3413 = arith.constant 112 : index
      %get3A_3414 = tpu.vector_load %arg15[%get3A_3412, %get3A_3413] {strides = array<i32>} : memref<32x128xf32, #tpu.memory_space<vmem>>, vector<16xf32>,
      %max3A_3415 = arith.maximumf %max3A_3410, %get3A_3414 : vector<16xf32>
      %get3A_3416 = arith.constant 23 : i32
      %get3A_3417 = arith.index_cast %get3A_3416 : i32 to index
      %get3A_3418 = arith.constant 112 : index
      %get3A_3419 = tpu.vector_load %arg15[%get3A_3417, %get3A_3418] {strides = array<i32>} : memref<32x128xf32, #tpu.memory_space<vmem>>, vector<16xf32>,
      %max3A_3420 = arith.maximumf %max3A_3415, %get3A_3419 : vector<16xf32>
      %get3A_3421 = arith.constant 24 : i32
      %get3A_3422 = arith.index_cast %get3A_3421 : i32 to index
      %get3A_3423 = arith.constant 112 : index
      %get3A_3424 = tpu.vector_load %arg15[%get3A_3422, %get3A_3423] {strides = array<i32>} : memref<32x128xf32, #tpu.memory_space<vmem>>, vector<16xf32>,
      %max3A_3425 = arith.maximumf %max3A_3420, %get3A_3424 : vector<16xf32>
      %get3A_3426 = arith.constant 25 : i32
      %get3A_3427 = arith.index_cast %get3A_3426 : i32 to index
      %get3A_3428 = arith.constant 112 : index
      %get3A_3429 = tpu.vector_load %arg15[%get3A_3427, %get3A_3428] {strides = array<i32>} : memref<32x128xf32, #tpu.memory_space<vmem>>, vector<16xf32>,
      %max3A_3430 = arith.maximumf %max3A_3425, %get3A_3429 : vector<16xf32>
      %get3A_3431 = arith.constant 26 : i32
      %get3A_3432 = arith.index_cast %get3A_3431 : i32 to index
      %get3A_3433 = arith.constant 112 : index
      %get3A_3434 = tpu.vector_load %arg15[%get3A_3432, %get3A_3433] {strides = array<i32>} : memref<32x128xf32, #tpu.memory_space<vmem>>, vector<16xf32>,
      %max3A_3435 = arith.maximumf %max3A_3430, %get3A_3434 : vector<16xf32>
      %get3A_3436 = arith.constant 27 : i32
      %get3A_3437 = arith.index_cast %get3A_3436 : i32 to index
      %get3A_3438 = arith.constant 112 : index
      %get3A_3439 = tpu.vector_load %arg15[%get3A_3437, %get3A_3438] {strides = array<i32>} : memref<32x128xf32, #tpu.memory_space<vmem>>, vector<16xf32>,
      %max3A_3440 = arith.maximumf %max3A_3435, %get3A_3439 : vector<16xf32>
      %get3A_3441 = arith.constant 28 : i32
      %get3A_3442 = arith.index_cast %get3A_3441 : i32 to index
      %get3A_3443 = arith.constant 112 : index
      %get3A_3444 = tpu.vector_load %arg15[%get3A_3442, %get3A_3443] {strides = array<i32>} : memref<32x128xf32, #tpu.memory_space<vmem>>, vector<16xf32>,
      %max3A_3445 = arith.maximumf %max3A_3440, %get3A_3444 : vector<16xf32>
      %get3A_3446 = arith.constant 29 : i32
      %get3A_3447 = arith.index_cast %get3A_3446 : i32 to index
      %get3A_3448 = arith.constant 112 : index
      %get3A_3449 = tpu.vector_load %arg15[%get3A_3447, %get3A_3448] {strides = array<i32>} : memref<32x128xf32, #tpu.memory_space<vmem>>, vector<16xf32>,
      %max3A_3450 = arith.maximumf %max3A_3445, %get3A_3449 : vector<16xf32>
      %get3A_3451 = arith.constant 30 : i32
      %get3A_3452 = arith.index_cast %get3A_3451 : i32 to index
      %get3A_3453 = arith.constant 112 : index
      %get3A_3454 = tpu.vector_load %arg15[%get3A_3452, %get3A_3453] {strides = array<i32>} : memref<32x128xf32, #tpu.memory_space<vmem>>, vector<16xf32>,
      %max3A_3455 = arith.maximumf %max3A_3450, %get3A_3454 : vector<16xf32>
      %get3A_3456 = arith.constant 31 : i32
      %get3A_3457 = arith.index_cast %get3A_3456 : i32 to index
      %get3A_3458 = arith.constant 112 : index
      %get3A_3459 = tpu.vector_load %arg15[%get3A_3457, %get3A_3458] {strides = array<i32>} : memref<32x128xf32, #tpu.memory_space<vmem>>, vector<16xf32>,
      %max3A_3460 = arith.maximumf %max3A_3455, %get3A_3459 : vector<16xf32>
      %swap3A_3461 = arith.constant 1 : i32
      %swap3A_3462 = arith.index_cast %swap3A_3461 : i32 to index
      %swap3A_3463 = arith.constant 176 : index
      %swap3A_3464 = tpu.vector_load %arg16[%swap3A_3462, %swap3A_3463] {strides = array<i32>} : memref<2x192xf32, #tpu.memory_space<vmem>>, vector<16xf32>,
      tpu.vector_store %arg16[%swap3A_3462, %swap3A_3463], %max3A_3460 {strides = array<i32>} : memref<2x192xf32, #tpu.memory_space<vmem>>, vector<16xf32>,
      %dma_start3A_3465 = arith.constant 0 : i32
      %dma_start3A_3466 = tpu.memref_slice %arg5[%add3A_54, %dma_start3A_3465] : memref<4096x192xf32, #tpu.memory_space<hbm>> -> memref<2x192xf32, #tpu.memory_space<hbm>>
      %dma_start3A_3467 = arith.constant 0 : i32
      %dma_start3A_3468 = tpu.memref_slice %arg5[%add3A_54, %dma_start3A_3467] : memref<4096x192xf32, #tpu.memory_space<hbm>> -> memref<2x192xf32, #tpu.memory_space<hbm>>
      tpu.enqueue_dma source(%arg16 : memref<2x192xf32, #tpu.memory_space<vmem>>) target(%dma_start3A_3468 : memref<2x192xf32, #tpu.memory_space<hbm>>) target_semaphore(%arg23 : memref<!tpu.dma_semaphore, #tpu.memory_space<semaphore_mem>>)
    }
    %scan3A_23 = arith.constant 64 : i32
    %add3A_24 = arith.constant 128 : i32
    %add3A_25 = arith.addi %mul3A_2, %add3A_24 : i32
    %sub3A = arith.constant 2 : i32
    %sub3A_26 = arith.subi %add3A_25, %sub3A : i32
    %dma_wait3A = arith.constant 0 : i32
    %dma_wait3A_27 = tpu.memref_slice %arg5[%sub3A_26, %dma_wait3A] : memref<4096x192xf32, #tpu.memory_space<hbm>> -> memref<2x192xf32, #tpu.memory_space<hbm>>
    %dma_wait3A_28 = arith.constant 0 : i32
    %dma_wait3A_29 = tpu.memref_slice %arg5[%sub3A_26, %dma_wait3A_28] : memref<4096x192xf32, #tpu.memory_space<hbm>> -> memref<2x192xf32, #tpu.memory_space<hbm>>
    tpu.wait_dma2 semaphore(%arg23 : memref<!tpu.dma_semaphore, #tpu.memory_space<semaphore_mem>>) src(%arg16 : memref<2x192xf32, #tpu.memory_space<vmem>>) dst(%dma_wait3A_29 : memref<2x192xf32, #tpu.memory_space<hbm>>)
    %add3A_30 = arith.constant 128 : i32
    %add3A_31 = arith.addi %mul3A_2, %add3A_30 : i32
    %min3A = arith.constant 4095 : i32
    %min3A_32 = arith.minsi %add3A_31, %min3A : i32
    %dma_wait3A_33 = arith.constant 0 : i32
    %dma_wait3A_34 = tpu.memref_slice %arg2[%min3A_32, %dma_wait3A_33] : memref<4096x4096xf32, #tpu.memory_space<hbm>> -> memref<1x4096xf32, #tpu.memory_space<hbm>>
    %dma_wait3A_35 = tpu.memref_squeeze %dma_wait3A_34 : memref<1x4096xf32, #tpu.memory_space<hbm>> -> memref<4096xf32, #tpu.memory_space<hbm>>
    %dma_wait3A_36 = arith.constant 0 : i32
    %dma_wait3A_37 = tpu.memref_slice %arg2[%min3A_32, %dma_wait3A_36] : memref<4096x4096xf32, #tpu.memory_space<hbm>> -> memref<1x4096xf32, #tpu.memory_space<hbm>>
    %dma_wait3A_38 = tpu.memref_squeeze %dma_wait3A_37 : memref<1x4096xf32, #tpu.memory_space<hbm>> -> memref<4096xf32, #tpu.memory_space<hbm>>
    tpu.wait_dma2 semaphore(%arg17 : memref<!tpu.dma_semaphore, #tpu.memory_space<semaphore_mem>>) src(%dma_wait3A_38 : memref<4096xf32, #tpu.memory_space<hbm>>) dst(%arg6 : memref<4096xf32, #tpu.memory_space<vmem>>)
    %add3A_39 = arith.constant 128 : i32
    %add3A_40 = arith.addi %mul3A_2, %add3A_39 : i32
    %add3A_41 = arith.constant 1 : i32
    %add3A_42 = arith.addi %add3A_40, %add3A_41 : i32
    %min3A_43 = arith.constant 4095 : i32
    %min3A_44 = arith.minsi %add3A_42, %min3A_43 : i32
    %dma_wait3A_45 = arith.constant 0 : i32
    %dma_wait3A_46 = tpu.memref_slice %arg2[%min3A_44, %dma_wait3A_45] : memref<4096x4096xf32, #tpu.memory_space<hbm>> -> memref<1x4096xf32, #tpu.memory_space<hbm>>
    %dma_wait3A_47 = tpu.memref_squeeze %dma_wait3A_46 : memref<1x4096xf32, #tpu.memory_space<hbm>> -> memref<4096xf32, #tpu.memory_space<hbm>>
    %dma_wait3A_48 = arith.constant 0 : i32
    %dma_wait3A_49 = tpu.memref_slice %arg2[%min3A_44, %dma_wait3A_48] : memref<4096x4096xf32, #tpu.memory_space<hbm>> -> memref<1x4096xf32, #tpu.memory_space<hbm>>
    %dma_wait3A_50 = tpu.memref_squeeze %dma_wait3A_49 : memref<1x4096xf32, #tpu.memory_space<hbm>> -> memref<4096xf32, #tpu.memory_space<hbm>>
    tpu.wait_dma2 semaphore(%arg18 : memref<!tpu.dma_semaphore, #tpu.memory_space<semaphore_mem>>) src(%dma_wait3A_50 : memref<4096xf32, #tpu.memory_space<hbm>>) dst(%arg7 : memref<4096xf32, #tpu.memory_space<vmem>>)
    return
  }
}

module attributes {stable_mosaic.version = 14 : i64} {
  func.func @_mm_body(%arg0: i32, %arg1: memref<1x4096x3xf32, #tpu.memory_space<vmem>>, %arg2: memref<1x4096x64xf32, #tpu.memory_space<vmem>>, %arg3: memref<67x192xf32, #tpu.memory_space<vmem>>, %arg4: memref<1x192xf32, #tpu.memory_space<vmem>>, %arg5: memref<1x4096x128xf32, #tpu.memory_space<vmem>>, %arg6: memref<1x4096x128xf32, #tpu.memory_space<vmem>>) attributes {dimension_semantics = [#tpu.dimension_semantics<arbitrary>], iteration_bounds = array<i64: 5>, scalar_prefetch = 0 : i64, scratch_operands = 0 : i64, tpu.core_type = #tpu.core_type<tc>, window_params = [{transform_indices = @transform_0, window_bounds = array<i64: 1, 4096, 3>}, {transform_indices = @transform_1, window_bounds = array<i64: 1, 4096, 64>}, {pipeline_mode = #tpu.pipeline_mode<synchronous>, transform_indices = @transform_2, window_bounds = array<i64: 67, 192>}, {pipeline_mode = #tpu.pipeline_mode<synchronous>, transform_indices = @transform_3, window_bounds = array<i64: 1, 192>}, {transform_indices = @transform_4, window_bounds = array<i64: 1, 4096, 128>}, {transform_indices = @transform_5, window_bounds = array<i64: 1, 4096, 128>}]} {
    %ne3A = arith.constant 4 : i32
    %ne3A_0 = arith.cmpi ne, %arg0, %ne3A : i32
    %convert_element_type3A = arith.extui %ne3A_0 : i1 to i32
    %cond3A = arith.constant 0 : i32
    %cond3A_1 = arith.cmpi ne, %convert_element_type3A, %cond3A : i32
    scf.if %cond3A_1 {
      %get3A = arith.constant 0 : index
      %get3A_6 = arith.constant 0 : index
      %get3A_7 = vector.load %arg3[%get3A, %get3A_6] : memref<67x192xf32, #tpu.memory_space<vmem>>, vector<67x192xf32>
      %get3A_8 = arith.constant 0 : index
      %get3A_9 = arith.constant 0 : index
      %get3A_10 = arith.constant 0 : index
      %get3A_11 = vector.load %arg1[%get3A_8, %get3A_9, %get3A_10] : memref<1x4096x3xf32, #tpu.memory_space<vmem>>, vector<1x4096x3xf32>
      %get3A_12 = vector.shape_cast %get3A_11 : vector<1x4096x3xf32> to vector<4096x3xf32>
      %slice3A = vector.extract_strided_slice %get3A_7 {offsets = [0, 0], sizes = [3, 192], strides = [1, 1]} : vector<67x192xf32> to vector<3x192xf32>
      %dot_general3A = arith.constant dense<0.000000e+00> : vector<4096x192xf32>
      %dot_general3A_13 = tpu.matmul %get3A_12, %slice3A, %dot_general3A {dimension_numbers = #tpu.dot_dimension_numbers<[1], [0], [0], [1], [0, 0, 1, 1], [], []>, transpose_lhs_hint = false} : vector<4096x3xf32>, vector<3x192xf32>, vector<4096x192xf32> -> vector<4096x192xf32>
      %get3A_14 = arith.constant 0 : index
      %get3A_15 = arith.constant 0 : index
      %get3A_16 = arith.constant 0 : index
      %get3A_17 = vector.load %arg2[%get3A_14, %get3A_15, %get3A_16] : memref<1x4096x64xf32, #tpu.memory_space<vmem>>, vector<1x4096x64xf32>
      %get3A_18 = vector.shape_cast %get3A_17 : vector<1x4096x64xf32> to vector<4096x64xf32>
      %slice3A_19 = vector.extract_strided_slice %get3A_7 {offsets = [3, 0], sizes = [64, 192], strides = [1, 1]} : vector<67x192xf32> to vector<64x192xf32>
      %dot_general3A_20 = arith.constant dense<0.000000e+00> : vector<4096x192xf32>
      %dot_general3A_21 = tpu.matmul %get3A_18, %slice3A_19, %dot_general3A_20 {dimension_numbers = #tpu.dot_dimension_numbers<[1], [0], [0], [1], [0, 0, 1, 1], [], []>, transpose_lhs_hint = false} : vector<4096x64xf32>, vector<64x192xf32>, vector<4096x192xf32> -> vector<4096x192xf32>
      %add3A = arith.addf %dot_general3A_13, %dot_general3A_21 : vector<4096x192xf32>
      %get3A_22 = arith.constant 0 : index
      %get3A_23 = arith.constant 0 : index
      %get3A_24 = vector.load %arg4[%get3A_22, %get3A_23] : memref<1x192xf32, #tpu.memory_space<vmem>>, vector<1x192xf32>
      %add3A_25 = vector.broadcast %get3A_24 : vector<1x192xf32> to vector<4096x192xf32>
      %add3A_26 = arith.addf %add3A, %add3A_25 : vector<4096x192xf32>
      %slice3A_27 = vector.extract_strided_slice %add3A_26 {offsets = [0, 0], sizes = [4096, 64], strides = [1, 1]} : vector<4096x192xf32> to vector<4096x64xf32>
      %slice3A_28 = vector.extract_strided_slice %add3A_26 {offsets = [0, 0], sizes = [4096, 64], strides = [1, 1]} : vector<4096x192xf32> to vector<4096x64xf32>
      %concatenate3A = tpu.concatenate %slice3A_27, %slice3A_28 in 1 : vector<4096x64xf32>, vector<4096x64xf32> -> vector<4096x128xf32>
      %swap3A = arith.constant 0 : index
      %swap3A_29 = arith.constant 0 : index
      %swap3A_30 = arith.constant 0 : index
      %swap3A_31 = vector.load %arg5[%swap3A, %swap3A_29, %swap3A_30] : memref<1x4096x128xf32, #tpu.memory_space<vmem>>, vector<1x4096x128xf32>
      %swap3A_32 = vector.shape_cast %swap3A_31 : vector<1x4096x128xf32> to vector<4096x128xf32>
      %swap3A_33 = vector.shape_cast %concatenate3A : vector<4096x128xf32> to vector<1x4096x128xf32>
      tpu.vector_store %arg5[%swap3A, %swap3A_29, %swap3A_30], %swap3A_33 {strides = array<i32>} : memref<1x4096x128xf32, #tpu.memory_space<vmem>>, vector<1x4096x128xf32>,
      %slice3A_34 = vector.extract_strided_slice %add3A_26 {offsets = [0, 64], sizes = [4096, 128], strides = [1, 1]} : vector<4096x192xf32> to vector<4096x128xf32>
      %swap3A_35 = arith.constant 0 : index
      %swap3A_36 = arith.constant 0 : index
      %swap3A_37 = arith.constant 0 : index
      %swap3A_38 = vector.load %arg6[%swap3A_35, %swap3A_36, %swap3A_37] : memref<1x4096x128xf32, #tpu.memory_space<vmem>>, vector<1x4096x128xf32>
      %swap3A_39 = vector.shape_cast %swap3A_38 : vector<1x4096x128xf32> to vector<4096x128xf32>
      %swap3A_40 = vector.shape_cast %slice3A_34 : vector<4096x128xf32> to vector<1x4096x128xf32>
      tpu.vector_store %arg6[%swap3A_35, %swap3A_36, %swap3A_37], %swap3A_40 {strides = array<i32>} : memref<1x4096x128xf32, #tpu.memory_space<vmem>>, vector<1x4096x128xf32>,
    } else {
    }
    %eq3A = arith.constant 4 : i32
    %eq3A_2 = arith.cmpi eq, %arg0, %eq3A : i32
    %convert_element_type3A_3 = arith.extui %eq3A_2 : i1 to i32
    %cond3A_4 = arith.constant 0 : i32
    %cond3A_5 = arith.cmpi ne, %convert_element_type3A_3, %cond3A_4 : i32
    scf.if %cond3A_5 {
      %broadcast_in_dim3A = arith.constant -3.000000e+38 : f32
      %broadcast_in_dim3A_6 = vector.broadcast %broadcast_in_dim3A : f32 to vector<4096x128xf32>
      %swap3A = arith.constant 0 : index
      %swap3A_7 = arith.constant 0 : index
      %swap3A_8 = arith.constant 0 : index
      %swap3A_9 = vector.load %arg5[%swap3A, %swap3A_7, %swap3A_8] : memref<1x4096x128xf32, #tpu.memory_space<vmem>>, vector<1x4096x128xf32>
      %swap3A_10 = vector.shape_cast %swap3A_9 : vector<1x4096x128xf32> to vector<4096x128xf32>
      %swap3A_11 = vector.shape_cast %broadcast_in_dim3A_6 : vector<4096x128xf32> to vector<1x4096x128xf32>
      tpu.vector_store %arg5[%swap3A, %swap3A_7, %swap3A_8], %swap3A_11 {strides = array<i32>} : memref<1x4096x128xf32, #tpu.memory_space<vmem>>, vector<1x4096x128xf32>,
      %broadcast_in_dim3A_12 = arith.constant -3.000000e+38 : f32
      %broadcast_in_dim3A_13 = vector.broadcast %broadcast_in_dim3A_12 : f32 to vector<4096x128xf32>
      %swap3A_14 = arith.constant 0 : index
      %swap3A_15 = arith.constant 0 : index
      %swap3A_16 = arith.constant 0 : index
      %swap3A_17 = vector.load %arg6[%swap3A_14, %swap3A_15, %swap3A_16] : memref<1x4096x128xf32, #tpu.memory_space<vmem>>, vector<1x4096x128xf32>
      %swap3A_18 = vector.shape_cast %swap3A_17 : vector<1x4096x128xf32> to vector<4096x128xf32>
      %swap3A_19 = vector.shape_cast %broadcast_in_dim3A_13 : vector<4096x128xf32> to vector<1x4096x128xf32>
      tpu.vector_store %arg6[%swap3A_14, %swap3A_15, %swap3A_16], %swap3A_19 {strides = array<i32>} : memref<1x4096x128xf32, #tpu.memory_space<vmem>>, vector<1x4096x128xf32>,
    } else {
    }
    return
  }
  func.func @transform_0(%arg0: i32) -> (i32, i32, i32) {
    %min3A = arith.constant 3 : i32
    %min3A_0 = arith.minsi %arg0, %min3A : i32
    %c0_i32 = arith.constant 0 : i32
    %c0_i32_1 = arith.constant 0 : i32
    %c0_i32_2 = arith.constant 0 : i32
    return %min3A_0, %c0_i32, %c0_i32_1 : i32, i32, i32
  }
  func.func @transform_1(%arg0: i32) -> (i32, i32, i32) {
    %min3A = arith.constant 3 : i32
    %min3A_0 = arith.minsi %arg0, %min3A : i32
    %c0_i32 = arith.constant 0 : i32
    %c0_i32_1 = arith.constant 0 : i32
    %c0_i32_2 = arith.constant 0 : i32
    return %min3A_0, %c0_i32, %c0_i32_1 : i32, i32, i32
  }
  func.func @transform_2(%arg0: i32) -> (i32, i32) {
    %c0_i32 = arith.constant 0 : i32
    %c0_i32_0 = arith.constant 0 : i32
    %c0_i32_1 = arith.constant 0 : i32
    return %c0_i32, %c0_i32_0 : i32, i32
  }
  func.func @transform_3(%arg0: i32) -> (i32, i32) {
    %c0_i32 = arith.constant 0 : i32
    %c0_i32_0 = arith.constant 0 : i32
    %c0_i32_1 = arith.constant 0 : i32
    return %c0_i32, %c0_i32_0 : i32, i32
  }
  func.func @transform_4(%arg0: i32) -> (i32, i32, i32) {
    %c0_i32 = arith.constant 0 : i32
    %c0_i32_0 = arith.constant 0 : i32
    %c0_i32_1 = arith.constant 0 : i32
    return %arg0, %c0_i32, %c0_i32_0 : i32, i32, i32
  }
  func.func @transform_5(%arg0: i32) -> (i32, i32, i32) {
    %c0_i32 = arith.constant 0 : i32
    %c0_i32_0 = arith.constant 0 : i32
    %c0_i32_1 = arith.constant 0 : i32
    return %arg0, %c0_i32, %c0_i32_0 : i32, i32, i32
  }
}

module attributes {stable_mosaic.version = 14 : i64} {
  func.func @_fin_body(%arg0: i32, %arg1: i32, %arg2: memref<1x512x192xf32, #tpu.memory_space<vmem>>, %arg3: memref<1x512x3xf32, #tpu.memory_space<vmem>>, %arg4: memref<3x192xf32, #tpu.memory_space<vmem>>, %arg5: memref<192x256xf32, #tpu.memory_space<vmem>>, %arg6: memref<1x256xf32, #tpu.memory_space<vmem>>, %arg7: memref<1x512x256xf32, #tpu.memory_space<vmem>>) attributes {dimension_semantics = [#tpu.dimension_semantics<arbitrary>, #tpu.dimension_semantics<arbitrary>], iteration_bounds = array<i64: 4, 2>, scalar_prefetch = 0 : i64, scratch_operands = 0 : i64, tpu.core_type = #tpu.core_type<tc>, window_params = [{transform_indices = @transform_0, window_bounds = array<i64: 1, 512, 192>}, {transform_indices = @transform_1, window_bounds = array<i64: 1, 512, 3>}, {pipeline_mode = #tpu.pipeline_mode<synchronous>, transform_indices = @transform_2, window_bounds = array<i64: 3, 192>}, {pipeline_mode = #tpu.pipeline_mode<synchronous>, transform_indices = @transform_3, window_bounds = array<i64: 192, 256>}, {pipeline_mode = #tpu.pipeline_mode<synchronous>, transform_indices = @transform_4, window_bounds = array<i64: 1, 256>}, {transform_indices = @transform_5, window_bounds = array<i64: 1, 512, 256>}]} {
    %get3A = arith.constant 0 : index
    %get3A_0 = arith.constant 0 : index
    %get3A_1 = arith.constant 0 : index
    %get3A_2 = vector.load %arg3[%get3A, %get3A_0, %get3A_1] : memref<1x512x3xf32, #tpu.memory_space<vmem>>, vector<1x512x3xf32>
    %get3A_3 = vector.shape_cast %get3A_2 : vector<1x512x3xf32> to vector<512x3xf32>
    %get3A_4 = arith.constant 0 : index
    %get3A_5 = arith.constant 0 : index
    %get3A_6 = vector.load %arg4[%get3A_4, %get3A_5] : memref<3x192xf32, #tpu.memory_space<vmem>>, vector<3x192xf32>
    %dot_general3A = arith.constant dense<0.000000e+00> : vector<512x192xf32>
    %dot_general3A_7 = tpu.matmul %get3A_3, %get3A_6, %dot_general3A {dimension_numbers = #tpu.dot_dimension_numbers<[1], [0], [0], [1], [0, 0, 1, 1], [], []>, transpose_lhs_hint = false} : vector<512x3xf32>, vector<3x192xf32>, vector<512x192xf32> -> vector<512x192xf32>
    %get3A_8 = arith.constant 0 : index
    %get3A_9 = arith.constant 0 : index
    %get3A_10 = arith.constant 0 : index
    %get3A_11 = vector.load %arg2[%get3A_8, %get3A_9, %get3A_10] : memref<1x512x192xf32, #tpu.memory_space<vmem>>, vector<1x512x192xf32>
    %get3A_12 = vector.shape_cast %get3A_11 : vector<1x512x192xf32> to vector<512x192xf32>
    %sub3A = arith.subf %get3A_12, %dot_general3A_7 : vector<512x192xf32>
    %max3A = arith.constant 0.000000e+00 : f32
    %max3A_13 = vector.broadcast %max3A : f32 to vector<512x192xf32>
    %max3A_14 = arith.maximumf %sub3A, %max3A_13 : vector<512x192xf32>
    %get3A_15 = arith.constant 0 : index
    %get3A_16 = arith.constant 0 : index
    %get3A_17 = vector.load %arg5[%get3A_15, %get3A_16] : memref<192x256xf32, #tpu.memory_space<vmem>>, vector<192x256xf32>
    %dot_general3A_18 = arith.constant dense<0.000000e+00> : vector<512x256xf32>
    %dot_general3A_19 = tpu.matmul %max3A_14, %get3A_17, %dot_general3A_18 {dimension_numbers = #tpu.dot_dimension_numbers<[1], [0], [0], [1], [0, 0, 1, 1], [], []>, transpose_lhs_hint = false} : vector<512x192xf32>, vector<192x256xf32>, vector<512x256xf32> -> vector<512x256xf32>
    %get3A_20 = arith.constant 0 : index
    %get3A_21 = arith.constant 0 : index
    %get3A_22 = vector.load %arg6[%get3A_20, %get3A_21] : memref<1x256xf32, #tpu.memory_space<vmem>>, vector<1x256xf32>
    %add3A = vector.broadcast %get3A_22 : vector<1x256xf32> to vector<512x256xf32>
    %add3A_23 = arith.addf %dot_general3A_19, %add3A : vector<512x256xf32>
    %max3A_24 = arith.constant 0.000000e+00 : f32
    %max3A_25 = vector.broadcast %max3A_24 : f32 to vector<512x256xf32>
    %max3A_26 = arith.maximumf %add3A_23, %max3A_25 : vector<512x256xf32>
    %swap3A = arith.constant 0 : index
    %swap3A_27 = arith.constant 0 : index
    %swap3A_28 = arith.constant 0 : index
    %swap3A_29 = vector.load %arg7[%swap3A, %swap3A_27, %swap3A_28] : memref<1x512x256xf32, #tpu.memory_space<vmem>>, vector<1x512x256xf32>
    %swap3A_30 = vector.shape_cast %swap3A_29 : vector<1x512x256xf32> to vector<512x256xf32>
    %swap3A_31 = vector.shape_cast %max3A_26 : vector<512x256xf32> to vector<1x512x256xf32>
    tpu.vector_store %arg7[%swap3A, %swap3A_27, %swap3A_28], %swap3A_31 {strides = array<i32>} : memref<1x512x256xf32, #tpu.memory_space<vmem>>, vector<1x512x256xf32>,
    return
  }
  func.func @transform_0(%arg0: i32, %arg1: i32) -> (i32, i32, i32) {
    %c0_i32 = arith.constant 0 : i32
    %c0_i32_0 = arith.constant 0 : i32
    return %arg0, %arg1, %c0_i32 : i32, i32, i32
  }
  func.func @transform_1(%arg0: i32, %arg1: i32) -> (i32, i32, i32) {
    %c0_i32 = arith.constant 0 : i32
    %c0_i32_0 = arith.constant 0 : i32
    return %arg0, %arg1, %c0_i32 : i32, i32, i32
  }
  func.func @transform_2(%arg0: i32, %arg1: i32) -> (i32, i32) {
    %c0_i32 = arith.constant 0 : i32
    %c0_i32_0 = arith.constant 0 : i32
    %c0_i32_1 = arith.constant 0 : i32
    return %c0_i32, %c0_i32_0 : i32, i32
  }
  func.func @transform_3(%arg0: i32, %arg1: i32) -> (i32, i32) {
    %c0_i32 = arith.constant 0 : i32
    %c0_i32_0 = arith.constant 0 : i32
    %c0_i32_1 = arith.constant 0 : i32
    return %c0_i32, %c0_i32_0 : i32, i32
  }
  func.func @transform_4(%arg0: i32, %arg1: i32) -> (i32, i32) {
    %c0_i32 = arith.constant 0 : i32
    %c0_i32_0 = arith.constant 0 : i32
    %c0_i32_1 = arith.constant 0 : i32
    return %c0_i32, %c0_i32_0 : i32, i32
  }
  func.func @transform_5(%arg0: i32, %arg1: i32) -> (i32, i32, i32) {
    %c0_i32 = arith.constant 0 : i32
    %c0_i32_0 = arith.constant 0 : i32
    return %arg0, %arg1, %c0_i32 : i32, i32, i32
  }
}

</mosaic_0001>

<sc_bundles>
// kernel: kernel.5.cloned.1.call-start
scs
__scs_entry_jumppad:
0x0: {  	(pc) =	sbr.rel $0x88, $3  }
0x1: {  	(tag) =	ssettag $0x0;
	lr =	simm.s32 $0x1  }
0x2: {  	[smem:$0x3F97] =	sst lr;
	_ =	strace $0xD0000000  }
0x3: {  	_ = 	snop  }
0x4: {  	_ = 	snop  }
0x5: {  	_ = 	snop  }
0x6: {  	_ = 	snop  }
0x7: {  	_ = 	snop  }
__scs_overlays_trampoline_lowered:
0x8: {  	[smem:$0x3FA6] =	sst s0  }
0x9: {  	[smem:$0x3FA7] =	sst s1  }
0xa: {  	[smem:$0x3FA8] =	sst s2  }
0xb: {  	[smem:$0x3FA9] =	sst s3  }
0xc: {  	[smem:$0x3FAA] =	sst s4  }
0xd: {  	[smem:$0x3FAB] =	sst s5  }
0xe: {  	[smem:$0x3FAC] =	sst s6  }
0xf: {  	[smem:$0x3FAD] =	sst s7  }
0x10: {  	[smem:$0x3FAE] =	sst s8  }
0x11: {  	[smem:$0x3FAF] =	sst s9;
	s0 =	simm.s32 @!p0 $0x0  }
0x12: {  	s1 =	sld [smem:$0x3F95];
	s0 =	simm.s32 @p0 $0x1  }
0x13: {  	[smem:$0x3FB0] =	sst s0;
	s0 =	simm.s32 @!p1 $0x0  }
0x14: {  	s2 =	sld [smem:$0x3F94];
	s0 =	simm.s32 @p1 $0x1  }
0x15: {  	[smem:$0x3FB1] =	sst s0;
	s0 =	simm.s32 @!p2 $0x0  }
0x16: {  	s3 =	sld [smem:$0x3FDB];
	s0 =	simm.s32 @p2 $0x1  }
0x17: {  	s4 =	simm.s32 $0x1BF5;
	[smem:$0x3FB3] =	sst s0  }
0x18: {  	s0 =	sld [smem:$0x3F96];
	_ =	swait.ge [sflag:s4], $0x0  }
0x19: {  	s7 =	sld [smem:$0x3F97]  }
0x1a: {  	s8 =	sadd.s32 $0xFFFFE003, lr  }
0x1b: {  	s9 =	sadd.s32 $0xFFFFFEF7, lr;
	s5 =	simm.s32 $0xFFFFFFFF;
	p2 =	slt.u32 s8, $0xFFFFF086  }
0x1c: {  	p1 =	slt.u32 s9, $0xF7A;
	s5 =	simm.s32 @!p2 $0x0  }
0x1d: {  	s5 =	simm.s32 @p1 $0x1;
	p0 =	seq.s32 s7, s2  }
0x1e: {  	s7 =	smul.u32 @!p0 $0xF7A, s2;
	p2 =	seq.s32 @!p0 s5, $0x0  }
0x1f: {  	s9 =	smul.u32 $0xF7A, s1;
	s8 =	simm.s32 @!p0 $0x1BF5;
	p2 =	por !p2, p0  }
0x20: {  	[sflag:s8] =	ssyncset.s32 @!p0 $0xFFFFF086;
	s6 =	sadd.s32 @!p0 s3, s7;
	s7 =	simm.s32 @!p0 $0x108  }
0x21: {  	s3 =	sadd.s32 s3, s9;
	s6 =	sadd.s32 @!p0 $0x88, s6;
	s7 =	simm.s32 @p2 $0x1082  }
0x22: {  	[simem:s7], [sflag:s8] =	dma.local @!p0 [hbm:s6], $0xF7A  }
0x23: {  	s9 =	sor.u32 $0xD0000000, s2;
	s6 =	simm.s32 $0x108;
	_ =	swait.ge @!p0 [sflag:s8], $0x0  }
0x24: {  	s3 =	sadd.s32 $0x88, s3;
	s6 =	simm.s32 @!p1 $0x1082;
	[sflag:s4] =	ssyncset.s32 $0xFFFFF086  }
0x25: {  	[simem:s6], [sflag:s4] =	dma.local [hbm:s3], $0xF7A  }
0x26: {  	[smem:$0x3F97] =	sst s1;
	(tag) =	ssettag s2;
	_ =	strace s9  }
0x27: {  	s1 =	sld [smem:$0x3FA7]  }
0x28: {  	s2 =	sld [smem:$0x3FA8]  }
0x29: {  	s4 =	sld [smem:$0x3FAA]  }
0x2a: {  	p0 =	seq.s32 s5, $0x0;
	s5 =	sld [smem:$0x3FAB]  }
0x2b: {  	s6 =	sld [smem:$0x3FAC]  }
0x2c: {  	s7 =	sld [smem:$0x3FAD]  }
0x2d: {  	s3 =	simm.s32 $0x108;
	s8 =	sld [smem:$0x3FAE]  }
0x2e: {  	s3 =	simm.s32 @!p0 $0x1082;
	s9 =	sld [smem:$0x3FAF]  }
0x2f: {  	lr =	sadd.s32 s0, s3;
	s0 =	sld [smem:$0x3FA6]  }
0x30: {  	s3 =	sld [smem:$0x3FA9]  }
0x31: {  	[smem:$0x3FB2] =	sst s10  }
0x32: {  	s10 =	sld [smem:$0x3FB0];
	_ =	sdelay $0x3  }
0x33: {  	p0 =	seq.s32 s10, $0x1;
	s10 =	sld [smem:$0x3FB2];
	_ =	sdelay $0x3  }
0x34: {  	[smem:$0x3FB2] =	sst s10  }
0x35: {  	s10 =	sld [smem:$0x3FB1];
	_ =	sdelay $0x3  }
0x36: {  	p1 =	seq.s32 s10, $0x1;
	s10 =	sld [smem:$0x3FB2];
	_ =	sdelay $0x3  }
0x37: {  	[smem:$0x3FB2] =	sst s10  }
0x38: {  	s10 =	sld [smem:$0x3FB3]  }
0x39: {  	_ = 	snop;
	(pc) =	sbr.ind lr, $3  }
0x3a: {  	_ = 	snop  }
0x3b: {  	_ = 	snop  }
0x3c: {  	p2 =	seq.s32 s10, $0x1;
	s10 =	sld [smem:$0x3FB2]  }
0x3d: {  	_ =	shalt  }
0x3e: {  	_ =	shalt  }
0x3f: {  	_ =	shalt  }
0x40: {  	_ =	shalt  }
0x41: {  	_ =	shalt  }
0x42: {  	_ =	shalt  }
0x43: {  	_ =	shalt  }
0x44: {  	_ =	shalt  }
0x45: {  	_ =	shalt  }
0x46: {  	_ =	shalt  }
0x47: {  	_ =	shalt  }
0x48: {  	_ =	shalt  }
0x49: {  	_ =	shalt  }
0x4a: {  	_ =	shalt  }
0x4b: {  	_ =	shalt  }
0x4c: {  	_ =	shalt  }
0x4d: {  	_ =	shalt  }
0x4e: {  	_ =	shalt  }
0x4f: {  	_ =	shalt  }
0x50: {  	_ =	shalt  }
0x51: {  	_ =	shalt  }
0x52: {  	_ =	shalt  }
0x53: {  	_ =	shalt  }
0x54: {  	_ =	shalt  }
0x55: {  	_ =	shalt  }
0x56: {  	_ =	shalt  }
0x57: {  	_ =	shalt  }
0x58: {  	_ =	shalt  }
0x59: {  	_ =	shalt  }
0x5a: {  	_ =	shalt  }
0x5b: {  	_ =	shalt  }
0x5c: {  	_ =	shalt  }
0x5d: {  	_ =	shalt  }
0x5e: {  	_ =	shalt  }
0x5f: {  	_ =	shalt  }
0x60: {  	_ =	shalt  }
0x61: {  	_ =	shalt  }
0x62: {  	_ =	shalt  }
0x63: {  	_ =	shalt  }
0x64: {  	_ =	shalt  }
0x65: {  	_ =	shalt  }
0x66: {  	_ =	shalt  }
0x67: {  	_ =	shalt  }
0x68: {  	_ =	shalt  }
0x69: {  	_ =	shalt  }
0x6a: {  	_ =	shalt  }
0x6b: {  	_ =	shalt  }
0x6c: {  	_ =	shalt  }
0x6d: {  	_ =	shalt  }
0x6e: {  	_ =	shalt  }
0x6f: {  	_ =	shalt  }
0x70: {  	_ =	shalt  }
0x71: {  	_ =	shalt  }
0x72: {  	_ =	shalt  }
0x73: {  	_ =	shalt  }
0x74: {  	_ =	shalt  }
0x75: {  	_ =	shalt  }
0x76: {  	_ =	shalt  }
0x77: {  	_ =	shalt  }
0x78: {  	_ =	shalt  }
0x79: {  	_ =	shalt  }
0x7a: {  	_ =	shalt  }
0x7b: {  	_ =	shalt  }
0x7c: {  	_ =	shalt  }
0x7d: {  	_ =	shalt  }
0x7e: {  	_ =	shalt  }
0x7f: {  	_ =	shalt  }
0x80: {  	_ =	shalt  }
0x81: {  	_ =	shalt  }
0x82: {  	_ =	shalt  }
0x83: {  	_ =	shalt  }
0x84: {  	_ =	shalt  }
0x85: {  	_ =	shalt  }
0x86: {  	_ =	shalt  }
0x87: {  	_ =	shalt  }
.Lfunc_end0:
.L_simem_size_0:
called_computation_lowered:
.L_overlay_start_0:
0x88: {  	s2 =	sld [smem:$0x3FD9]  }
0x89: {  	s3 =	sld [smem:$0x3FFE];
	_ =	sdelay $0x1  }
0x8a: {  	s1 =	srdreg.scid  }
0x8b: {  	s0 =	sand.u32 $0x1, s1  }
0x8c: {  	s17 =	sshll.u32 s0, $0xA;
	s2 =	sadd.s32 s3, s2  }
0x8d: {  	s2 =	sadd.s32 s2, s17  }
0x8e: {  	[smem:$0x3FBE] =	sst s2  }
0x8f: {  	_ = 	snop  }
0x90: {  	s2 =	sld [smem:$0x3FC6]  }
0x91: {  	s18 =	sld [smem:$0x3FD0];
	(tm) =	ssettm $0x1  }
0x92: {  	s4 =	sld [smem:$0x3FFB];
	_ =	sdelay $0x3  }
0x93: {  	_ =	strace s4  }
0x94: {  	s4 =	sld [smem:$0x3FFC];
	_ =	sdelay $0x3  }
0x95: {  	_ =	strace s4  }
0x96: {  	s4 =	sld [smem:$0x3FFD];
	_ =	sdelay $0x3  }
0x97: {  	_ =	strace s4  }
0x98: {  	_ =	strace $0x8FFFFFFF  }
0x99: {  	s19 =	sld [smem:$0x3FDB];
	_ =	sdelay $0x1  }
0x9a: {  	s5 =	simm.s32 $_scs_section_size  }
0x9b: {  	s6 =	simm.s32 $_size__tile_overlayer_lowered;
	s7 =	simm.s32 $_tile_overlayer_lowered  }
0x9c: {  	s22 =	simm.s32 $0x1BFF;
	s21 =	sshll.u32 s7, $0x1;
	s4 =	sadd.s32 s5, s19  }
0x9d: {  	s8 =	simm.s32 $0x0;
	s20 =	sshll.u32 s6, $0x1;
	s6 =	sadd.s32 s21, s4  }
0x9e: {  	[timem:s8], [sflag:s22] =	dma.local [hbm:s6], s20  }
0x9f: {  	_ =	swait.ge [sflag:s22], s20  }
0xa0: {  	s5 =	ssub.s32 $0x0, s20;
	[sflag:s22] =	ssyncset.done $0x0  }
0xa1: {  	[sflag:s22] =	ssyncadd.s32 s5;
	_ =	sdelay $0x1  }
0xa2: {  	s23 =	simm.s32 $0x1B8B  }
0xa3: {  	_ =	swait.ge [sflag:s23], $0x1  }
0xa4: {  	[sflag:s23] =	ssyncset.done $0x0  }
0xa5: {  	s25 =	simm.s32 $0x1B8E;
	s24 =	sld [smem:$0x3FFE];
	[sflag:s23] =	ssyncadd.s32 $0xFFFFFFFF  }
0xa6: {  	s26 =	simm.s32 $execute0_lowered;
	[smem:$0x3FD2] =	sst s25  }
0xa7: {  	s6 =	sshll.u32 s26, $0x1;
	_ =	strace $0x80000046;
	[dreg:$0x1] =	wrdreg $0xFFFFFFFF  }
0xa8: {  	s28 =	simm.s32 $_size_execute0_lowered;
	s4 =	sadd.s32 s4, s6;
	[dreg:$0x0] =	wrdreg $0x0  }
0xa9: {  	s6 =	sshll.u32 s28, $0x1;
	[dreg:$0x2] =	wrdreg s4  }
0xaa: {  	[dreg:$0x3] =	wrdreg s6  }
0xab: {  	[dreg:$0x4] =	wrdreg $0xC0  }
0xac: {  	_ =	task [dreg:s8], $0x5FFFF  }
0xad: {  	[dreg:$0x1] =	wrdreg $0xFFFFFFFF  }
0xae: {  	[dreg:$0x0] =	wrdreg $0x60  }
0xaf: {  	[dreg:$0x2] =	wrdreg s2  }
0xb0: {  	[dreg:$0x3] =	wrdreg s24  }
0xb1: {  	[dreg:$0x4] =	wrdreg s18  }
0xb2: {  	[dreg:$0x5] =	wrdreg $0x9  }
0xb3: {  	_ =	task.clear_ibuf [dreg:s8], $0x6FFFF;
	_ =	strace $0x90000046  }
0xb4: {  	s29 =	simm.s32 $0x9;
	_ =	strace $0x80000048  }
0xb5: {  	_ =	swait.ge [sflag:s29], $0x1  }
0xb6: {  	[sflag:s29] =	ssyncadd.s32 $0xFFFFFFFF  }
0xb7: {  	_ =	strace $0x90000048  }
0xb8: {  	_ =	sfence  }
0xb9: {  	s30 =	sld [smem:$0x0];
	_ =	sdelay $0x2  }
0xba: {  	s31 =	sshll.u32 s1, $0xD;
	s1 =	sshrl.u32 s1, $0x2  }
0xbb: {  	s3 =	sand.u32 $0x4000, s31;
	s1 =	sadd.s32 s1, s30  }
0xbc: {  	s0 =	sor.u32 s3, s0;
	s1 =	sshll.u32 s1, $0x11  }
0xbd: {  	s0 =	sor.u32 s1, s0  }
0xbe: {  	s0 =	sadd.s32 $0x8F2B, s0  }
0xbf: {  	[sflag:s0] =	ssyncadd.remote.s32 $0x1  }
0xc0: {  	_ =	sfence.sel $0xFFFF  }
0xc1: {  	[dreg:$0x0] =	wrdreg $0xFFFFFFFF;
	(pc) =	sbr.abs _section_cstart, $3  }
0xc2: {  	[dreg:$0x1] =	wrdreg $0xFFFFFFFF  }
0xc3: {  	_ =	task.clear_ibuf [dreg:s8], $0x2FFFF;
	_ =	strace $0x9FFFFFFF  }
0xc4: {  	(tm) =	ssettm $0x7FFFFFFF  }
0xc5: {  	_ =	shalt  }
tec
execute0_lowered:
.L_overlay_start_1:
0x0: {  	(tag) =	ssettag $0x1  }
0x1: {  	s1 =	rddreg [dreg:$0x0]  }
0x2: {  	s0 =	rddreg [dreg:$0x1];
	s2 =	srdreg.scid;
	s3 =	simm.s32 $0x0  }
0x3: {  	s8 =	stileid.u32;
	s11 =	simm.s32 $0x80;
	s12 =	simm.s32 $0x400  }
0x4: {  	s13 =	simm.s32 $0x1000;
	s14 =	simm.s32 $0x1;
	s15 =	simm.s32 $0x2100  }
0x5: {  	s16 =	simm.s32 $0x10;
	s17 =	simm.s32 $0x2000;
	s19 =	simm.s32 $0x20  }
0x6: {  	s28 =	simm.s32 $0x4;
	s29 =	simm.s32 $0x5;
	s30 =	simm.s32 $0x6  }
0x7: {  	s31 =	simm.s32 $0x100;
	s2 =	sand.u32 $0x1, s2;
	[smem:$0x7FF] =	sst s3  }
0x8: {  	s20 =	sshll.u32 s8, $0x8;
	s5 =	sadd.s32 $0x1600, s0;
	s7 =	sadd.s32 $0x51600, s0  }
0x9: {  	s25 =	sshll.u32 s8, $0xA;
	s3 =	simm.s32 $0x0;
	s4 =	sshll.u32 s2, $0x7  }
0xa: {  	_ =	strace $0x80000047;
	s21 =	ssub.s32 $0x2, s2;
	s2 =	sand.u32 $0x3000, s25  }
0xb: {  	s25 =	simm.s32 $0x4200;
	s6 =	sor.u32 s4, s20;
	s23 =	sshrl.u32 s21, $0x1  }
.Ltmp0:
0xc: {  	s22 =	sshll.u32 s6, $0x9;
	s0 =	ssub.s32 s21, s23;
	(pc) =	sbr.rel .LBB2_1-.Ltmp0, $4  }
0xd: {  	s21 =	simm.s32 $0x2;
	s23 =	simm.s32 $0x2080;
	s24 =	sadd.s32 s1, s22  }
0xe: {  	v0 =	vlaneseq.u32;
	s0 =	smax.u32 s0, $0x1;
	s22 =	simm.s32 $0x2180;
	[dreg:$0x4] =	wrdreg s24  }
0xf: {  	v24 =	vor.u32 s2, v0;
	s26 =	sadd.s32 $0x10, s24;
	[dreg:$0x6] =	wrdreg s0;
	s24 =	simm.s32 $0x2A00  }
0x10: {  	v25 =	vimm.s32 $0x4000;
	v2 =	vimm.s32 $0x0;
	[tilespmem:$0x1FFF0] =	vst v24;
	s0 =	simm.s32 $0x5200;
	[dreg:$0x5] =	wrdreg s26;
	s26 =	simm.s32 $0x3  }
.LBB2_25:
0x11: {  	s2 =	simm.s32 $0x7  }
0x12: {  	_ =	swait.ge [sflag:s2], $0x200  }
0x13: {  	[sflag:s2] =	ssyncset.done $0x0  }
0x14: {  	[sflag:s2] =	ssyncadd.s32 $0xFFFFFE00  }
0x15: {  	_ =	swait.ge [sflag:s14], $0x1000  }
0x16: {  	[sflag:s14] =	ssyncset.done $0x0  }
0x17: {  	[sflag:s14] =	ssyncadd.s32 $0xFFFFF000  }
0x18: {  	_ =	swait.ge [sflag:s21], $0x1000  }
0x19: {  	s3 =	rddreg [dreg:$0x7]  }
0x1a: {  	s20 =	rddreg [dreg:$0x6];
	s3 =	sadd.s32 $0x1, s3  }
0x1b: {  	p0 =	sne.s32 s3, s20  }
.Ltmp1:
0x1c: {  	_ = 	snop;
	(pc) =	sbr.rel @!p0 .LBB2_26-.Ltmp1, $3  }
0x1d: {  	_ =	sdelay $0x1  }
0x1e: {  	[sflag:s21] =	ssyncset.done $0x0  }
0x1f: {  	[sflag:s21] =	ssyncadd.s32 $0xFFFFF000  }
.LBB2_1:
.Ltmp2:
0x20: {  	[dreg:$0x7] =	wrdreg s3;
	(pc) =	sbr.rel .LBB2_2-.Ltmp2, $4  }
0x21: {  	s2 =	simm.s32 $0x0;
	s18 =	rddreg [dreg:$0x4]  }
0x22: {  	[tilespmem:s2], [sflag:$0x1] =	stream.strided.gather [hbm4b:s18+s11], $0x1000, s12, s11, $0x38;
	[tilespmem:$0x5400] =	vst v63  }
0x23: {  	s20 =	rddreg [dreg:$0x5];
	s9 =	simm.s32 $0x0  }
0x24: {  	[tilespmem:s13], [sflag:$0x2] =	stream.strided.gather [hbm4b:s20+s11], $0x1000, s12, s11, $0x38;
	[tilespmem:$0x5400] =	vst v63  }
.LBB2_24:
0x25: {  	[tilespmem:s24], [sflag:$0x5] =	stream.indirect.gather [hbm4b:s5+s16], $0x80, s23, s16, $0xb8;
	[tilespmem:$0x5400] =	vst v63  }
0x26: {  	s2 =	smin.u32 s10, $0xFFC  }
0x27: {  	s2 =	sadd.s32 $0x3, s2  }
0x28: {  	[tilespmem:s25], [sflag:$0x6] =	stream.indirect.gather [hbm4b:s7+s19], $0x80, s22, s19, $0xb8;
	[tilespmem:$0x5400] =	vst v63  }
0x29: {  	s3 =	sshll.u32 s2, $0x4  }
0x2a: {  	s2 =	sshll.u32 s2, $0x9;
	s3 =	sand.u32 $0x70, s3  }
0x2b: {  	s2 =	sand.u32 $0x3FF000, s2;
	s3 =	sadd.s32 s1, s3  }
0x2c: {  	s2 =	sadd.s32 s2, s3  }
0x2d: {  	[tilespmem:s13], [sflag:$0x2] =	stream.strided.gather [hbm4b:s2+s11], $0x1000, s12, s11, $0x38;
	[tilespmem:$0x5400] =	vst v63  }
0x2e: {  	_ =	swait.ge [sflag:s26], $0x800  }
0x2f: {  	[sflag:s26] =	ssyncset.done $0x0  }
0x30: {  	[sflag:s26] =	ssyncadd.s32 $0xFFFFF800  }
0x31: {  	_ =	swait.ge [sflag:s28], $0x1000  }
0x32: {  	p0 =	seq.s32 s9, $0x0;
	[sflag:s28] =	ssyncset.done $0x0  }
0x33: {  	s2 =	simm.s32 @!p0 $0x7;
	[sflag:s28] =	ssyncadd.s32 $0xFFFFF000  }
0x34: {  	_ =	swait.ge @!p0 [sflag:s2], $0x200  }
0x35: {  	[sflag:s2] =	ssyncset.done @!p0 $0x0  }
0x36: {  	[sflag:s2] =	ssyncadd.s32 @!p0 $0xFFFFFE00  }
0x37: {  	v18 =	vld [tilespmem:$0x2200]  }
0x38: {  	v37 =	vld [tilespmem:$0x2280]  }
0x39: {  	v3 =	vld [tilespmem:$0x3400]  }
0x3a: {  	v38 =	vld [tilespmem:$0x2300]  }
0x3b: {  	v39 =	vld [tilespmem:$0x2380]  }
0x3c: {  	v40 =	vld [tilespmem:$0x2400]  }
0x3d: {  	v41 =	vld [tilespmem:$0x2480]  }
0x3e: {  	[tilespmem:$0x1F000] =	vst v3;
	v3 =	vld [tilespmem:$0x3480]  }
0x3f: {  	v42 =	vld [tilespmem:$0x2500]  }
0x40: {  	v58 =	vld [tilespmem:$0x2580]  }
0x41: {  	v55 =	vld [tilespmem:$0x2600]  }
0x42: {  	v53 =	vld [tilespmem:$0x2680]  }
0x43: {  	[tilespmem:$0x1F010] =	vst v3;
	v3 =	vld [tilespmem:$0x3500]  }
0x44: {  	v50 =	vld [tilespmem:$0x2700]  }
0x45: {  	v59 =	vld [tilespmem:$0x2780]  }
0x46: {  	v60 =	vld [tilespmem:$0x2800]  }
0x47: {  	v61 =	vld [tilespmem:$0x2880]  }
0x48: {  	[tilespmem:$0x1F020] =	vst v3;
	v3 =	vld [tilespmem:$0x3580]  }
0x49: {  	v62 =	vld [tilespmem:$0x2900]  }
0x4a: {  	v63 =	vld [tilespmem:$0x2980]  }
0x4b: {  	v23 =	vld [tilespmem:$0x2210]  }
0x4c: {  	v22 =	vld [tilespmem:$0x2290]  }
0x4d: {  	[tilespmem:$0x1F030] =	vst v3;
	v3 =	vld [tilespmem:$0x3600]  }
0x4e: {  	v25 =	vld [tilespmem:$0x2310]  }
0x4f: {  	v28 =	vld [tilespmem:$0x2390]  }
0x50: {  	v31 =	vld [tilespmem:$0x2410]  }
0x51: {  	v34 =	vld [tilespmem:$0x2490]  }
0x52: {  	[tilespmem:$0x1F040] =	vst v3;
	v3 =	vld [tilespmem:$0x3680]  }
0x53: {  	v47 =	vld [tilespmem:$0x2510]  }
0x54: {  	v54 =	vld [tilespmem:$0x2590]  }
0x55: {  	v0 =	vld [tilespmem:$0x2610]  }
0x56: {  	v8 =	vld [tilespmem:$0x2220]  }
0x57: {  	[tilespmem:$0x1F050] =	vst v3;
	v3 =	vld [tilespmem:$0x3700]  }
0x58: {  	v48 =	vld [tilespmem:$0x22A0]  }
0x59: {  	v10 =	vld [tilespmem:$0x2320]  }
0x5a: {  	v13 =	vld [tilespmem:$0x23A0]  }
0x5b: {  	v16 =	vld [tilespmem:$0x2420]  }
0x5c: {  	[tilespmem:$0x1F060] =	vst v3;
	v3 =	vld [tilespmem:$0x3780]  }
0x5d: {  	v20 =	vld [tilespmem:$0x24A0]  }
0x5e: {  	v26 =	vld [tilespmem:$0x2520]  }
0x5f: {  	v29 =	vld [tilespmem:$0x25A0]  }
0x60: {  	v32 =	vld [tilespmem:$0x2620]  }
0x61: {  	[tilespmem:$0x1F070] =	vst v3;
	v3 =	vld [tilespmem:$0x3800]  }
0x62: {  	v35 =	vld [tilespmem:$0x26A0]  }
0x63: {  	v51 =	vld [tilespmem:$0x2720]  }
0x64: {  	v46 =	vld [tilespmem:$0x2230]  }
0x65: {  	v43 =	vld [tilespmem:$0x22B0]  }
0x66: {  	[tilespmem:$0x1F080] =	vst v3;
	v3 =	vld [tilespmem:$0x3880]  }
0x67: {  	v1 =	vld [tilespmem:$0x23B0]  }
0x68: {  	v5 =	vld [tilespmem:$0x2430]  }
0x69: {  	v7 =	vld [tilespmem:$0x24B0]  }
0x6a: {  	v11 =	vld [tilespmem:$0x2530]  }
0x6b: {  	[tilespmem:$0x1F090] =	vst v3;
	v3 =	vld [tilespmem:$0x3900]  }
0x6c: {  	v14 =	vld [tilespmem:$0x25B0]  }
0x6d: {  	v17 =	vld [tilespmem:$0x2630]  }
0x6e: {  	v21 =	vld [tilespmem:$0x26B0]  }
0x6f: {  	v27 =	vld [tilespmem:$0x2730]  }
0x70: {  	[tilespmem:$0x1F0A0] =	vst v3;
	v3 =	vld [tilespmem:$0x3980]  }
0x71: {  	v30 =	vld [tilespmem:$0x27B0]  }
0x72: {  	[tilespmem:$0x1EF30] =	vst v0;
	v0 =	vld [tilespmem:$0x2690]  }
0x73: {  	v33 =	vld [tilespmem:$0x2830]  }
0x74: {  	v36 =	vld [tilespmem:$0x28B0]  }
0x75: {  	[tilespmem:$0x1F0B0] =	vst v3;
	v3 =	vld [tilespmem:$0x3A00]  }
0x76: {  	v52 =	vld [tilespmem:$0x2930]  }
0x77: {  	[tilespmem:$0x1EF40] =	vst v0;
	v0 =	vld [tilespmem:$0x2710]  }
0x78: {  	v56 =	vld [tilespmem:$0x29B0]  }
0x79: {  	v45 =	vld [tilespmem:$0x3200]  }
0x7a: {  	[tilespmem:$0x1F0C0] =	vst v3;
	v3 =	vld [tilespmem:$0x3A80]  }
0x7b: {  	v44 =	vld [tilespmem:$0x3280]  }
0x7c: {  	[tilespmem:$0x1EF50] =	vst v0;
	v0 =	vld [tilespmem:$0x2790]  }
0x7d: {  	v49 =	vld [tilespmem:$0x3300]  }
0x7e: {  	v57 =	vld [tilespmem:$0x3380]  }
0x7f: {  	[tilespmem:$0x1F0D0] =	vst v3;
	v3 =	vld [tilespmem:$0x3B00]  }
0x80: {  	v4 =	vld [tilespmem:$0x3210]  }
0x81: {  	[tilespmem:$0x1EF60] =	vst v0;
	v0 =	vld [tilespmem:$0x2810]  }
0x82: {  	v6 =	vld [tilespmem:$0x3310]  }
0x83: {  	v9 =	vld [tilespmem:$0x3390]  }
0x84: {  	[tilespmem:$0x1F0E0] =	vst v3;
	v3 =	vld [tilespmem:$0x3B80]  }
0x85: {  	v12 =	vld [tilespmem:$0x3410]  }
0x86: {  	[tilespmem:$0x1EF70] =	vst v0;
	v0 =	vld [tilespmem:$0x2890]  }
0x87: {  	v15 =	vld [tilespmem:$0x3490]  }
0x88: {  	v19 =	vld [tilespmem:$0x3510]  }
0x89: {  	[tilespmem:$0x1F0F0] =	vst v3;
	v3 =	vld [tilespmem:$0x3C00]  }
0x8a: {  	v24 =	vld [tilespmem:$0x3590]  }
0x8b: {  	[tilespmem:$0x1EF90] =	vst v0;
	v0 =	vld [tilespmem:$0x2910]  }
0x8c: {  	v18 =	vmax.f32 v18, v37;
	v37 =	vld [tilespmem:$0x3610]  }
0x8d: {  	v23 =	vmax.f32 v23, v22;
	v22 =	vld [tilespmem:$0x3C90]  }
0x8e: {  	[tilespmem:$0x1F100] =	vst v3;
	v3 =	vld [tilespmem:$0x3C80]  }
0x8f: {  	v8 =	vmax.f32 v8, v48;
	v48 =	vld [tilespmem:$0x3220]  }
0x90: {  	[tilespmem:$0x1EFB0] =	vst v0;
	v0 =	vld [tilespmem:$0x2990]  }
0x91: {  	v18 =	vmax.f32 v18, v38;
	v38 =	vld [tilespmem:$0x3690]  }
0x92: {  	v25 =	vmax.f32 v23, v25;
	v23 =	vld [tilespmem:$0x3D10]  }
0x93: {  	[tilespmem:$0x1F110] =	vst v3;
	v3 =	vld [tilespmem:$0x3D00]  }
0x94: {  	v8 =	vmax.f32 v8, v10;
	v10 =	vld [tilespmem:$0x3D90]  }
0x95: {  	[tilespmem:$0x1EFD0] =	vst v0;
	v0 =	vld [tilespmem:$0x27A0]  }
0x96: {  	v18 =	vmax.f32 v18, v39;
	v39 =	vld [tilespmem:$0x3710]  }
0x97: {  	v8 =	vmax.f32 v8, v13;
	v13 =	vld [tilespmem:$0x3E10]  }
0x98: {  	[tilespmem:$0x1F120] =	vst v3;
	v3 =	vld [tilespmem:$0x3D80]  }
0x99: {  	v25 =	vmax.f32 v25, v28;
	v28 =	vld [tilespmem:$0x1EF30]  }
0x9a: {  	[tilespmem:$0x1EF80] =	vst v0;
	v0 =	vld [tilespmem:$0x2820]  }
0x9b: {  	v18 =	vmax.f32 v18, v40;
	v40 =	vld [tilespmem:$0x3790]  }
0x9c: {  	v8 =	vmax.f32 v8, v16;
	v16 =	vld [tilespmem:$0x3E90]  }
0x9d: {  	[tilespmem:$0x1F130] =	vst v3;
	v3 =	vld [tilespmem:$0x3E00]  }
0x9e: {  	v18 =	vmax.f32 v18, v41;
	v41 =	vld [tilespmem:$0x3810]  }
0x9f: {  	[tilespmem:$0x1EFA0] =	vst v0;
	v0 =	vld [tilespmem:$0x28A0]  }
0xa0: {  	v8 =	vmax.f32 v8, v20;
	v20 =	vld [tilespmem:$0x3F10]  }
0xa1: {  	v18 =	vmax.f32 v18, v42;
	v42 =	vld [tilespmem:$0x3890]  }
0xa2: {  	[tilespmem:$0x1F140] =	vst v3;
	v3 =	vld [tilespmem:$0x3E80]  }
0xa3: {  	v18 =	vmax.f32 v18, v58;
	v58 =	vld [tilespmem:$0x3910]  }
0xa4: {  	[tilespmem:$0x1EFC0] =	vst v0;
	v0 =	vld [tilespmem:$0x2920]  }
0xa5: {  	v25 =	vmax.f32 v25, v31;
	v31 =	vld [tilespmem:$0x1EF40]  }
0xa6: {  	v18 =	vmax.f32 v18, v55;
	v55 =	vld [tilespmem:$0x3990]  }
0xa7: {  	[tilespmem:$0x1F150] =	vst v3;
	v3 =	vld [tilespmem:$0x3F00]  }
0xa8: {  	v18 =	vmax.f32 v18, v53;
	v53 =	vld [tilespmem:$0x3A10]  }
0xa9: {  	[tilespmem:$0x1EFE0] =	vst v0;
	v0 =	vld [tilespmem:$0x29A0]  }
0xaa: {  	v18 =	vmax.f32 v18, v50;
	v50 =	vld [tilespmem:$0x3A90]  }
0xab: {  	v18 =	vmax.f32 v18, v59;
	v59 =	vld [tilespmem:$0x3B10]  }
0xac: {  	[tilespmem:$0x1F160] =	vst v3;
	v3 =	vld [tilespmem:$0x3F80]  }
0xad: {  	v18 =	vmax.f32 v18, v60;
	v60 =	vld [tilespmem:$0x3B90]  }
0xae: {  	v18 =	vmax.f32 v18, v61;
	[tilespmem:$0x1EFF0] =	vst v0;
	v0 =	vld [tilespmem:$0x2330]  }
0xaf: {  	v61 =	vld [tilespmem:$0x3C10];
	v18 =	vmax.f32 v18, v62  }
0xb0: {  	v18 =	vmax.f32 v18, v63;
	v63 =	vmax.f32 v8, v26;
	v8 =	vld [tilespmem:$0x3F90]  }
0xb1: {  	[tilespmem:$0x1F170] =	vst v3;
	v3 =	vld [tilespmem:$0x4000]  }
0xb2: {  	v62 =	vmax.f32 v46, v43;
	v46 =	vld [tilespmem:$0x1EF70]  }
0xb3: {  	v25 =	vmax.f32 v25, v34;
	v26 =	vld [tilespmem:$0x1EFB0];
	v0 =	vmax.f32 v62, v0  }
0xb4: {  	v0 =	vmax.f32 v0, v1;
	v1 =	vmax.f32 v25, v47;
	v47 =	vld [tilespmem:$0x1EF80]  }
0xb5: {  	v25 =	vld [tilespmem:$0x1EF90]  }
0xb6: {  	v0 =	vmax.f32 v0, v5;
	v5 =	vmax.f32 v63, v29;
	[tilespmem:$0x1F180] =	vst v3;
	v3 =	vld [tilespmem:$0x4080]  }
0xb7: {  	v5 =	vmax.f32 v5, v32;
	v32 =	vld [tilespmem:$0x1EF50]  }
0xb8: {  	v5 =	vmax.f32 v5, v35;
	v35 =	vld [tilespmem:$0x1EF60]  }
0xb9: {  	v1 =	vmax.f32 v1, v54;
	v54 =	vld [tilespmem:$0x3420];
	v0 =	vmax.f32 v0, v7  }
0xba: {  	v1 =	vmax.f32 v1, v28;
	v29 =	vmax.f32 v0, v11;
	v0 =	vld [tilespmem:$0x4010]  }
0xbb: {  	v11 =	vmax.f32 v1, v31;
	v7 =	vmax.f32 v29, v14;
	[tilespmem:$0x1F190] =	vst v3;
	v3 =	vld [tilespmem:$0x4100]  }
0xbc: {  	v1 =	vld [tilespmem:$0x4090];
	v34 =	vmax.f32 v7, v17;
	v11 =	vmax.f32 v11, v32  }
0xbd: {  	v43 =	vmax.f32 v5, v51;
	v5 =	vld [tilespmem:$0x4190];
	v14 =	vmax.f32 v34, v21;
	v11 =	vmax.f32 v11, v35  }
0xbe: {  	v14 =	vmax.f32 v14, v27;
	v27 =	vld [tilespmem:$0x1EFD0];
	v11 =	vmax.f32 v11, v46  }
0xbf: {  	v11 =	vmax.f32 v11, v25;
	v25 =	vld [tilespmem:$0x1EFA0]  }
0xc0: {  	[tilespmem:$0x1F1A0] =	vst v3;
	v3 =	vld [tilespmem:$0x4180]  }
0xc1: {  	v11 =	vmax.f32 v11, v26;
	v26 =	vld [tilespmem:$0x1EFC0]  }
0xc2: {  	v51 =	vld [tilespmem:$0x1EFF0]  }
0xc3: {  	v17 =	vmax.f32 v43, v47;
	v11 =	vmax.f32 v11, v27;
	v27 =	vld [tilespmem:$0x1EFE0]  }
0xc4: {  	v17 =	vmax.f32 v17, v25;
	v25 =	vld [tilespmem:$0x32A0]  }
0xc5: {  	[tilespmem:$0x1F1B0] =	vst v3;
	v3 =	vld [tilespmem:$0x3290]  }
0xc6: {  	v17 =	vmax.f32 v17, v26;
	v26 =	vld [tilespmem:$0x3320]  }
0xc7: {  	v7 =	vld [tilespmem:$0x4110]  }
0xc8: {  	v17 =	vmax.f32 v17, v27;
	v27 =	vld [tilespmem:$0x33A0]  }
0xc9: {  	v14 =	vmax.f32 v14, v30;
	v62 =	vld [tilespmem:$0x34A0]  }
0xca: {  	v14 =	vmax.f32 v14, v33;
	v63 =	vmax.f32 v48, v25;
	v25 =	vld [tilespmem:$0x1F000];
	v3 =	vmax.f32 v4, v3  }
0xcb: {  	v14 =	vmax.f32 v14, v36;
	v3 =	vmax.f32 v3, v6;
	v6 =	vmax.f32 v63, v26;
	v26 =	vld [tilespmem:$0x1F010]  }
0xcc: {  	v14 =	vmax.f32 v14, v52;
	v52 =	vmax.f32 v45, v44  }
0xcd: {  	v28 =	vmax.f32 v52, v49  }
0xce: {  	v28 =	vmax.f32 v28, v57  }
0xcf: {  	v25 =	vmax.f32 v28, v25  }
0xd0: {  	v25 =	vmax.f32 v25, v26;
	v26 =	vld [tilespmem:$0x1F020];
	_ =	sdelay $0x2  }
0xd1: {  	v30 =	vld [tilespmem:$0x3520];
	v3 =	vmax.f32 v3, v9  }
0xd2: {  	v31 =	vld [tilespmem:$0x35A0];
	v3 =	vmax.f32 v3, v12  }
0xd3: {  	v3 =	vmax.f32 v3, v15;
	v25 =	vmax.f32 v25, v26;
	v26 =	vld [tilespmem:$0x1F030]  }
0xd4: {  	v35 =	vld [tilespmem:$0x1F040];
	v3 =	vmax.f32 v3, v19  }
0xd5: {  	v3 =	vmax.f32 v3, v24;
	v24 =	vld [tilespmem:$0x1F050]  }
0xd6: {  	v32 =	vld [tilespmem:$0x3620]  }
0xd7: {  	v33 =	vld [tilespmem:$0x36A0]  }
0xd8: {  	v34 =	vld [tilespmem:$0x3720];
	v25 =	vmax.f32 v25, v26  }
0xd9: {  	v36 =	vld [tilespmem:$0x37A0];
	v19 =	vmax.f32 v25, v35  }
0xda: {  	v19 =	vmax.f32 v19, v24;
	v24 =	vld [tilespmem:$0x1F060]  }
0xdb: {  	v43 =	vld [tilespmem:$0x39A0]  }
0xdc: {  	v44 =	vld [tilespmem:$0x3A20]  }
0xdd: {  	v45 =	vld [tilespmem:$0x3AA0]  }
0xde: {  	v46 =	vld [tilespmem:$0x3B20]  }
0xdf: {  	v19 =	vmax.f32 v19, v24;
	v24 =	vld [tilespmem:$0x1F070]  }
0xe0: {  	v47 =	vld [tilespmem:$0x3BA0]  }
0xe1: {  	v48 =	vld [tilespmem:$0x3C20]  }
0xe2: {  	v49 =	vld [tilespmem:$0x3CA0]  }
0xe3: {  	v17 =	vmax.f32 v17, v51;
	v51 =	vld [tilespmem:$0x3DA0]  }
0xe4: {  	v19 =	vmax.f32 v19, v24;
	v24 =	vld [tilespmem:$0x1F080]  }
0xe5: {  	v52 =	vld [tilespmem:$0x3E20]  }
0xe6: {  	v14 =	vmax.f32 v14, v56;
	v56 =	vld [tilespmem:$0x1F140]  }
0xe7: {  	v57 =	vld [tilespmem:$0x3FA0]  }
0xe8: {  	[tilespmem:$0x5200] =	vst v18;
	v18 =	vld [tilespmem:$0x1F180]  }
0xe9: {  	v19 =	vmax.f32 v19, v24;
	v24 =	vld [tilespmem:$0x1F090]  }
0xea: {  	v21 =	vld [tilespmem:$0x1F1A0]  }
0xeb: {  	[tilespmem:$0x5210] =	vst v11;
	v11 =	vld [tilespmem:$0x3740]  }
0xec: {  	[tilespmem:$0x5230] =	vst v14;
	v14 =	vld [tilespmem:$0x38C0]  }
0xed: {  	v29 =	vld [tilespmem:$0x3D40]  }
0xee: {  	v19 =	vmax.f32 v19, v24;
	v24 =	vld [tilespmem:$0x1F0A0]  }
0xef: {  	[tilespmem:$0x5220] =	vst v17;
	v17 =	vld [tilespmem:$0x32E0]  }
0xf0: {  	v63 =	vld [tilespmem:$0x4120]  }
0xf1: {  	v28 =	vld [tilespmem:$0x3CC0]  }
0xf2: {  	v9 =	vld [tilespmem:$0x3640]  }
0xf3: {  	v19 =	vmax.f32 v19, v24;
	v24 =	vld [tilespmem:$0x1F0B0]  }
0xf4: {  	v6 =	vmax.f32 v6, v27;
	v27 =	vld [tilespmem:$0x34E0]  }
0xf5: {  	v6 =	vmax.f32 v6, v54;
	v54 =	vld [tilespmem:$0x1F130]  }
0xf6: {  	v12 =	vld [tilespmem:$0x37C0]  }
0xf7: {  	v4 =	vmax.f32 v6, v62;
	v62 =	vld [tilespmem:$0x1F170]  }
0xf8: {  	v19 =	vmax.f32 v19, v24;
	v24 =	vld [tilespmem:$0x1F0C0]  }
0xf9: {  	v6 =	vld [tilespmem:$0x34C0]  }
0xfa: {  	v15 =	vld [tilespmem:$0x3940]  }
0xfb: {  	v4 =	vmax.f32 v4, v30;
	v30 =	vld [tilespmem:$0x3DC0]  }
0xfc: {  	v4 =	vmax.f32 v4, v31;
	v31 =	vld [tilespmem:$0x3E40]  }
0xfd: {  	v19 =	vmax.f32 v19, v24;
	v24 =	vld [tilespmem:$0x1F0D0]  }
0xfe: {  	v3 =	vmax.f32 v3, v37;
	v37 =	vld [tilespmem:$0x3820]  }
0xff: {  	v4 =	vmax.f32 v4, v32;
	v32 =	vld [tilespmem:$0x3EC0]  }
0x100: {  	v3 =	vmax.f32 v3, v38;
	v38 =	vld [tilespmem:$0x38A0]  }
0x101: {  	v4 =	vmax.f32 v4, v33;
	v33 =	vld [tilespmem:$0x3F40]  }
0x102: {  	v19 =	vmax.f32 v19, v24;
	v24 =	vld [tilespmem:$0x1F0E0]  }
0x103: {  	v3 =	vmax.f32 v3, v39;
	v39 =	vld [tilespmem:$0x3920]  }
0x104: {  	v4 =	vmax.f32 v4, v34;
	v34 =	vld [tilespmem:$0x3FC0]  }
0x105: {  	v3 =	vmax.f32 v3, v40;
	v40 =	vld [tilespmem:$0x3BB0]  }
0x106: {  	v4 =	vmax.f32 v4, v36;
	v36 =	vld [tilespmem:$0x4040]  }
0x107: {  	v19 =	vmax.f32 v19, v24;
	v24 =	vld [tilespmem:$0x1F0F0]  }
0x108: {  	v3 =	vmax.f32 v3, v41;
	v41 =	vld [tilespmem:$0x3450]  }
0x109: {  	v4 =	vmax.f32 v4, v37;
	v37 =	vld [tilespmem:$0x39B0]  }
0x10a: {  	v3 =	vmax.f32 v3, v42;
	v42 =	vld [tilespmem:$0x3B30]  }
0x10b: {  	v3 =	vmax.f32 v3, v58;
	v58 =	vld [tilespmem:$0x1F150]  }
0x10c: {  	v19 =	vmax.f32 v19, v24;
	v24 =	vld [tilespmem:$0x1F100]  }
0x10d: {  	v4 =	vmax.f32 v4, v38;
	v38 =	vld [tilespmem:$0x40C0]  }
0x10e: {  	v3 =	vmax.f32 v3, v55;
	v55 =	vld [tilespmem:$0x3F20]  }
0x10f: {  	v4 =	vmax.f32 v4, v39;
	v39 =	vld [tilespmem:$0x32D0]  }
0x110: {  	v3 =	vmax.f32 v3, v53;
	v53 =	vld [tilespmem:$0x3EA0]  }
0x111: {  	v19 =	vmax.f32 v19, v24;
	v24 =	vld [tilespmem:$0x1F110]  }
0x112: {  	v4 =	vmax.f32 v4, v43;
	v43 =	vld [tilespmem:$0x3AB0]  }
0x113: {  	v3 =	vmax.f32 v3, v50;
	v50 =	vld [tilespmem:$0x3D20]  }
0x114: {  	v4 =	vmax.f32 v4, v44;
	v26 =	vld [tilespmem:$0x3C40]  }
0x115: {  	v44 =	vld [tilespmem:$0x41C0];
	v3 =	vmax.f32 v3, v59;
	v4 =	vmax.f32 v4, v45  }
0x116: {  	v3 =	vmax.f32 v3, v60;
	v4 =	vmax.f32 v4, v46;
	v19 =	vmax.f32 v19, v24;
	v24 =	vld [tilespmem:$0x1F120]  }
0x117: {  	v59 =	vld [tilespmem:$0x4020];
	v3 =	vmax.f32 v3, v61;
	v4 =	vmax.f32 v4, v47  }
0x118: {  	v3 =	vmax.f32 v3, v22;
	v4 =	vmax.f32 v4, v48;
	v22 =	vld [tilespmem:$0x34D0]  }
0x119: {  	v35 =	vld [tilespmem:$0x3930];
	v3 =	vmax.f32 v3, v23;
	v4 =	vmax.f32 v4, v49  }
0x11a: {  	v45 =	vld [tilespmem:$0x33D0];
	v3 =	vmax.f32 v3, v10;
	v4 =	vmax.f32 v4, v50  }
0x11b: {  	v25 =	vld [tilespmem:$0x3460];
	v3 =	vmax.f32 v3, v13;
	v4 =	vmax.f32 v4, v51;
	v19 =	vmax.f32 v19, v24  }
0x11c: {  	v61 =	vld [tilespmem:$0x40A0];
	v3 =	vmax.f32 v3, v16;
	v4 =	vmax.f32 v4, v52;
	v19 =	vmax.f32 v19, v54  }
0x11d: {  	v3 =	vmax.f32 v3, v20;
	v4 =	vmax.f32 v4, v53;
	[tilespmem:$0x1F280] =	vst v22;
	v22 =	vld [tilespmem:$0x35D0];
	v19 =	vmax.f32 v19, v56  }
0x11e: {  	v3 =	vmax.f32 v3, v8;
	v4 =	vmax.f32 v4, v55;
	v10 =	vmax.f32 v19, v58;
	v19 =	vld [tilespmem:$0x41A0]  }
0x11f: {  	v60 =	vld [tilespmem:$0x1F160];
	v0 =	vmax.f32 v3, v0;
	v3 =	vmax.f32 v4, v57  }
0x120: {  	v46 =	vld [tilespmem:$0x3A30];
	v0 =	vmax.f32 v0, v1;
	v1 =	vmax.f32 v3, v59  }
0x121: {  	v47 =	vld [tilespmem:$0x4140];
	v0 =	vmax.f32 v0, v7;
	v1 =	vmax.f32 v1, v61  }
0x122: {  	v0 =	vmax.f32 v0, v5;
	v1 =	vmax.f32 v1, v63;
	[tilespmem:$0x1F2A0] =	vst v22;
	v22 =	vld [tilespmem:$0x36D0]  }
0x123: {  	v48 =	vld [tilespmem:$0x3350];
	[tilespmem:$0x5250] =	vst v0;
	v0 =	vmax.f32 v1, v19  }
0x124: {  	[tilespmem:$0x5260] =	vst v0;
	v0 =	vld [tilespmem:$0x3C30]  }
0x125: {  	v20 =	vld [tilespmem:$0x1F190]  }
0x126: {  	v23 =	vld [tilespmem:$0x3B40]  }
0x127: {  	[tilespmem:$0x1F2C0] =	vst v22;
	v22 =	vld [tilespmem:$0x37D0];
	v10 =	vmax.f32 v10, v60  }
0x128: {  	v49 =	vld [tilespmem:$0x3250];
	v10 =	vmax.f32 v10, v62  }
0x129: {  	v10 =	vmax.f32 v10, v18;
	[tilespmem:$0x1F1C0] =	vst v0;
	v0 =	vld [tilespmem:$0x3CB0]  }
0x12a: {  	v10 =	vmax.f32 v10, v20;
	v20 =	vld [tilespmem:$0x3550]  }
0x12b: {  	v50 =	vld [tilespmem:$0x3230]  }
0x12c: {  	[tilespmem:$0x1F2E0] =	vst v22;
	v22 =	vld [tilespmem:$0x38D0]  }
0x12d: {  	v51 =	vld [tilespmem:$0x32B0]  }
0x12e: {  	[tilespmem:$0x1F1D0] =	vst v0;
	v0 =	vld [tilespmem:$0x3D30]  }
0x12f: {  	[tilespmem:$0x1F290] =	vst v20;
	v20 =	vld [tilespmem:$0x3650]  }
0x130: {  	v13 =	vld [tilespmem:$0x3840]  }
0x131: {  	[tilespmem:$0x1F300] =	vst v22;
	v22 =	vld [tilespmem:$0x39D0]  }
0x132: {  	v52 =	vld [tilespmem:$0x3330]  }
0x133: {  	[tilespmem:$0x1F1E0] =	vst v0;
	v0 =	vld [tilespmem:$0x3DB0]  }
0x134: {  	[tilespmem:$0x1F2B0] =	vst v20;
	v20 =	vld [tilespmem:$0x3750]  }
0x135: {  	v16 =	vld [tilespmem:$0x39C0]  }
0x136: {  	[tilespmem:$0x1F320] =	vst v22;
	v22 =	vld [tilespmem:$0x3AD0]  }
0x137: {  	v53 =	vld [tilespmem:$0x33B0]  }
0x138: {  	[tilespmem:$0x1F1F0] =	vst v0;
	v0 =	vld [tilespmem:$0x3E30]  }
0x139: {  	[tilespmem:$0x1F2D0] =	vst v20;
	v20 =	vld [tilespmem:$0x3850]  }
0x13a: {  	v55 =	vld [tilespmem:$0x34B0]  }
0x13b: {  	[tilespmem:$0x1F340] =	vst v22;
	v22 =	vld [tilespmem:$0x3BD0]  }
0x13c: {  	v8 =	vld [tilespmem:$0x35C0]  }
0x13d: {  	[tilespmem:$0x1F200] =	vst v0;
	v0 =	vld [tilespmem:$0x3EB0]  }
0x13e: {  	[tilespmem:$0x1F2F0] =	vst v20;
	v20 =	vld [tilespmem:$0x3950]  }
0x13f: {  	v57 =	vld [tilespmem:$0x35B0]  }
0x140: {  	[tilespmem:$0x1F360] =	vst v22;
	v22 =	vld [tilespmem:$0x3CD0]  }
0x141: {  	v3 =	vld [tilespmem:$0x1F1B0]  }
0x142: {  	[tilespmem:$0x1F210] =	vst v0;
	v0 =	vld [tilespmem:$0x3F30]  }
0x143: {  	[tilespmem:$0x1F310] =	vst v20;
	v20 =	vld [tilespmem:$0x3A50]  }
0x144: {  	v59 =	vld [tilespmem:$0x36B0]  }
0x145: {  	[tilespmem:$0x1F380] =	vst v22;
	v22 =	vld [tilespmem:$0x3DD0]  }
0x146: {  	v50 =	vmax.f32 v50, v51;
	v51 =	vld [tilespmem:$0x3560]  }
0x147: {  	[tilespmem:$0x1F220] =	vst v0;
	v0 =	vld [tilespmem:$0x3FB0]  }
0x148: {  	[tilespmem:$0x1F330] =	vst v20;
	v20 =	vld [tilespmem:$0x3B50]  }
0x149: {  	v61 =	vld [tilespmem:$0x37B0]  }
0x14a: {  	[tilespmem:$0x1F3A0] =	vst v22;
	v22 =	vld [tilespmem:$0x3ED0]  }
0x14b: {  	v7 =	vld [tilespmem:$0x3540]  }
0x14c: {  	[tilespmem:$0x1F230] =	vst v0;
	v0 =	vld [tilespmem:$0x4030]  }
0x14d: {  	[tilespmem:$0x1F350] =	vst v20;
	v20 =	vld [tilespmem:$0x3C50]  }
0x14e: {  	v50 =	vmax.f32 v50, v52;
	v52 =	vld [tilespmem:$0x35E0]  }
0x14f: {  	[tilespmem:$0x1F3C0] =	vst v22;
	v22 =	vld [tilespmem:$0x3FD0]  }
0x150: {  	v63 =	vld [tilespmem:$0x38B0]  }
0x151: {  	[tilespmem:$0x1F240] =	vst v0;
	v0 =	vld [tilespmem:$0x40B0]  }
0x152: {  	[tilespmem:$0x1F370] =	vst v20;
	v20 =	vld [tilespmem:$0x3D50]  }
0x153: {  	v5 =	vld [tilespmem:$0x3440]  }
0x154: {  	[tilespmem:$0x1F3E0] =	vst v22;
	v22 =	vld [tilespmem:$0x40D0]  }
0x155: {  	v24 =	vld [tilespmem:$0x3BC0]  }
0x156: {  	[tilespmem:$0x1F250] =	vst v0;
	v0 =	vld [tilespmem:$0x4130]  }
0x157: {  	[tilespmem:$0x1F390] =	vst v20;
	v20 =	vld [tilespmem:$0x3E50]  }
0x158: {  	v54 =	vld [tilespmem:$0x3430]  }
0x159: {  	v56 =	vld [tilespmem:$0x3530]  }
0x15a: {  	[tilespmem:$0x1F400] =	vst v22;
	v22 =	vld [tilespmem:$0x41D0]  }
0x15b: {  	[tilespmem:$0x1F260] =	vst v0;
	v0 =	vld [tilespmem:$0x41B0]  }
0x15c: {  	[tilespmem:$0x1F3B0] =	vst v20;
	v20 =	vld [tilespmem:$0x3F50]  }
0x15d: {  	v58 =	vld [tilespmem:$0x3630]  }
0x15e: {  	v60 =	vld [tilespmem:$0x3730]  }
0x15f: {  	v1 =	vld [tilespmem:$0x3240]  }
0x160: {  	[tilespmem:$0x1F270] =	vst v0;
	v0 =	vld [tilespmem:$0x32C0]  }
0x161: {  	[tilespmem:$0x1F3D0] =	vst v20;
	v20 =	vld [tilespmem:$0x4050]  }
0x162: {  	v62 =	vld [tilespmem:$0x3830]  }
0x163: {  	v18 =	vld [tilespmem:$0x3260]  }
0x164: {  	[tilespmem:$0x1F420] =	vst v22;
	v22 =	vld [tilespmem:$0x33E0]  }
0x165: {  	v4 =	vmax.f32 v10, v21;
	v10 =	vld [tilespmem:$0x36C0];
	v0 =	vmax.f32 v1, v0;
	v1 =	vmax.f32 v50, v53  }
0x166: {  	[tilespmem:$0x1F3F0] =	vst v20;
	v20 =	vld [tilespmem:$0x4150];
	v1 =	vmax.f32 v1, v54  }
0x167: {  	v19 =	vld [tilespmem:$0x3A40];
	v1 =	vmax.f32 v1, v55  }
0x168: {  	v21 =	vld [tilespmem:$0x3AC0];
	v1 =	vmax.f32 v1, v56  }
0x169: {  	v3 =	vmax.f32 v4, v3;
	v4 =	vld [tilespmem:$0x33C0];
	v1 =	vmax.f32 v1, v57  }
0x16a: {  	[tilespmem:$0x5240] =	vst v3;
	v3 =	vld [tilespmem:$0x3340];
	v1 =	vmax.f32 v1, v58  }
0x16b: {  	[tilespmem:$0x1F410] =	vst v20;
	v20 =	vld [tilespmem:$0x3360];
	v1 =	vmax.f32 v1, v59  }
0x16c: {  	v50 =	vld [tilespmem:$0x3660];
	v1 =	vmax.f32 v1, v60  }
0x16d: {  	v53 =	vld [tilespmem:$0x36E0];
	v1 =	vmax.f32 v1, v61  }
0x16e: {  	v54 =	vld [tilespmem:$0x3760];
	v1 =	vmax.f32 v1, v62  }
0x16f: {  	v0 =	vmax.f32 v0, v3;
	v3 =	vld [tilespmem:$0x1F1C0];
	v1 =	vmax.f32 v1, v63  }
0x170: {  	v55 =	vld [tilespmem:$0x37E0];
	v1 =	vmax.f32 v1, v35  }
0x171: {  	v0 =	vmax.f32 v0, v4;
	v4 =	vld [tilespmem:$0x4060];
	v1 =	vmax.f32 v1, v37  }
0x172: {  	v0 =	vmax.f32 v0, v5;
	v5 =	vld [tilespmem:$0x3FE0];
	v1 =	vmax.f32 v1, v46  }
0x173: {  	v56 =	vmax.f32 v49, v39;
	v39 =	vld [tilespmem:$0x3B70];
	v1 =	vmax.f32 v1, v43  }
0x174: {  	v49 =	vld [tilespmem:$0x1F360];
	v0 =	vmax.f32 v0, v6;
	v1 =	vmax.f32 v1, v42  }
0x175: {  	v6 =	vld [tilespmem:$0x3EE0];
	v0 =	vmax.f32 v0, v7;
	v1 =	vmax.f32 v1, v40  }
0x176: {  	v0 =	vmax.f32 v0, v8;
	v1 =	vmax.f32 v1, v3;
	v3 =	vld [tilespmem:$0x1F1D0]  }
0x177: {  	v17 =	vmax.f32 v18, v17;
	v57 =	vld [tilespmem:$0x3470];
	v0 =	vmax.f32 v0, v9  }
0x178: {  	v17 =	vmax.f32 v17, v20;
	v7 =	vld [tilespmem:$0x3860];
	v0 =	vmax.f32 v0, v10  }
0x179: {  	v17 =	vmax.f32 v17, v22;
	v58 =	vld [tilespmem:$0x34F0];
	v0 =	vmax.f32 v0, v11  }
0x17a: {  	v17 =	vmax.f32 v17, v25;
	v25 =	vld [tilespmem:$0x3670];
	v0 =	vmax.f32 v0, v12  }
0x17b: {  	v0 =	vmax.f32 v0, v13;
	v1 =	vmax.f32 v1, v3;
	v3 =	vld [tilespmem:$0x1F1E0]  }
0x17c: {  	v8 =	vld [tilespmem:$0x38E0];
	v0 =	vmax.f32 v0, v14  }
0x17d: {  	v17 =	vmax.f32 v17, v27;
	v27 =	vld [tilespmem:$0x1F2A0];
	v0 =	vmax.f32 v0, v15  }
0x17e: {  	v9 =	vld [tilespmem:$0x3960];
	v0 =	vmax.f32 v0, v16  }
0x17f: {  	v60 =	vld [tilespmem:$0x3570];
	v0 =	vmax.f32 v0, v19  }
0x180: {  	v0 =	vmax.f32 v0, v21;
	v1 =	vmax.f32 v1, v3;
	v3 =	vld [tilespmem:$0x1F1F0]  }
0x181: {  	v17 =	vmax.f32 v17, v51;
	v51 =	vld [tilespmem:$0x1F370];
	v0 =	vmax.f32 v0, v23  }
0x182: {  	v10 =	vld [tilespmem:$0x39E0];
	v0 =	vmax.f32 v0, v24  }
0x183: {  	v61 =	vld [tilespmem:$0x35F0];
	v0 =	vmax.f32 v0, v26  }
0x184: {  	v17 =	vmax.f32 v17, v52;
	v52 =	vld [tilespmem:$0x3DF0];
	v0 =	vmax.f32 v0, v28  }
0x185: {  	v0 =	vmax.f32 v0, v29;
	v1 =	vmax.f32 v1, v3;
	v3 =	vld [tilespmem:$0x1F200]  }
0x186: {  	v29 =	vld [tilespmem:$0x1F210];
	v0 =	vmax.f32 v0, v30  }
0x187: {  	v30 =	vld [tilespmem:$0x1F220];
	v0 =	vmax.f32 v0, v31  }
0x188: {  	v31 =	vmax.f32 v0, v32;
	v32 =	vld [tilespmem:$0x1F230]  }
0x189: {  	v24 =	vld [tilespmem:$0x1F240]  }
0x18a: {  	v26 =	vld [tilespmem:$0x1F250];
	v1 =	vmax.f32 v1, v3  }
0x18b: {  	v11 =	vld [tilespmem:$0x3A60];
	v19 =	vmax.f32 v1, v29  }
0x18c: {  	v62 =	vld [tilespmem:$0x3770];
	v19 =	vmax.f32 v19, v30  }
0x18d: {  	v35 =	vld [tilespmem:$0x3270];
	v19 =	vmax.f32 v19, v32  }
0x18e: {  	v19 =	vmax.f32 v19, v24;
	v24 =	vld [tilespmem:$0x32F0]  }
0x18f: {  	v19 =	vmax.f32 v19, v26;
	v26 =	vld [tilespmem:$0x3370]  }
0x190: {  	v17 =	vmax.f32 v17, v50;
	v50 =	vld [tilespmem:$0x3D70]  }
0x191: {  	v12 =	vld [tilespmem:$0x3AE0]  }
0x192: {  	v63 =	vld [tilespmem:$0x37F0]  }
0x193: {  	v17 =	vmax.f32 v17, v53;
	v53 =	vld [tilespmem:$0x1F380];
	v59 =	vmax.f32 v35, v24  }
0x194: {  	v20 =	vmax.f32 v59, v26;
	v26 =	vld [tilespmem:$0x1F280]  }
0x195: {  	v13 =	vld [tilespmem:$0x3B60]  }
0x196: {  	v17 =	vmax.f32 v17, v54;
	v54 =	vld [tilespmem:$0x3E70];
	v29 =	vmax.f32 v56, v48  }
0x197: {  	v14 =	vld [tilespmem:$0x3BE0];
	v29 =	vmax.f32 v29, v45  }
0x198: {  	v37 =	vld [tilespmem:$0x3F60];
	v24 =	vmax.f32 v29, v41  }
0x199: {  	v24 =	vmax.f32 v24, v26;
	v26 =	vld [tilespmem:$0x1F290]  }
0x19a: {  	v17 =	vmax.f32 v17, v55;
	v55 =	vld [tilespmem:$0x1F390]  }
0x19b: {  	v15 =	vld [tilespmem:$0x3C60]  }
0x19c: {  	v46 =	vld [tilespmem:$0x1F270]  }
0x19d: {  	v16 =	vld [tilespmem:$0x3CE0]  }
0x19e: {  	v43 =	vld [tilespmem:$0x3D60];
	v24 =	vmax.f32 v24, v26  }
0x19f: {  	v24 =	vmax.f32 v24, v27;
	v27 =	vld [tilespmem:$0x1F2B0]  }
0x1a0: {  	v42 =	vld [tilespmem:$0x3DE0]  }
0x1a1: {  	v40 =	vld [tilespmem:$0x3E60]  }
0x1a2: {  	v28 =	vld [tilespmem:$0x1F3F0]  }
0x1a3: {  	v0 =	vld [tilespmem:$0x41E0]  }
0x1a4: {  	v24 =	vmax.f32 v24, v27;
	v27 =	vld [tilespmem:$0x1F2C0]  }
0x1a5: {  	v21 =	vmax.f32 v31, v33;
	v31 =	vld [tilespmem:$0x39F0]  }
0x1a6: {  	v33 =	vld [tilespmem:$0x3A70]  }
0x1a7: {  	v21 =	vmax.f32 v21, v34;
	v34 =	vld [tilespmem:$0x1F310]  }
0x1a8: {  	v21 =	vmax.f32 v21, v36;
	v36 =	vld [tilespmem:$0x1F260]  }
0x1a9: {  	v24 =	vmax.f32 v24, v27;
	v27 =	vld [tilespmem:$0x1F2D0]  }
0x1aa: {  	v21 =	vmax.f32 v21, v38;
	v38 =	vld [tilespmem:$0x33F0]  }
0x1ab: {  	v21 =	vmax.f32 v21, v47;
	v47 =	vld [tilespmem:$0x1F350]  }
0x1ac: {  	v21 =	vmax.f32 v21, v44;
	v44 =	vld [tilespmem:$0x3BF0]  }
0x1ad: {  	v3 =	vld [tilespmem:$0x40E0]  }
0x1ae: {  	v24 =	vmax.f32 v24, v27;
	v27 =	vld [tilespmem:$0x1F2E0]  }
0x1af: {  	v1 =	vld [tilespmem:$0x4160]  }
0x1b0: {  	v48 =	vld [tilespmem:$0x3CF0]  }
0x1b1: {  	v56 =	vld [tilespmem:$0x3EF0];
	v20 =	vmax.f32 v20, v38  }
0x1b2: {  	v20 =	vmax.f32 v20, v57;
	v26 =	vld [tilespmem:$0x36F0]  }
0x1b3: {  	v18 =	vmax.f32 v20, v58;
	v24 =	vmax.f32 v24, v27;
	v27 =	vld [tilespmem:$0x1F2F0]  }
0x1b4: {  	v30 =	vld [tilespmem:$0x3870];
	v18 =	vmax.f32 v18, v60  }
0x1b5: {  	v45 =	vld [tilespmem:$0x1F340];
	v18 =	vmax.f32 v18, v61  }
0x1b6: {  	v18 =	vmax.f32 v18, v25;
	v25 =	vld [tilespmem:$0x38F0]  }
0x1b7: {  	v18 =	vmax.f32 v18, v26;
	v26 =	vld [tilespmem:$0x3970]  }
0x1b8: {  	v24 =	vmax.f32 v24, v27;
	v27 =	vld [tilespmem:$0x1F300]  }
0x1b9: {  	v19 =	vmax.f32 v19, v36;
	v36 =	vld [tilespmem:$0x3AF0];
	v18 =	vmax.f32 v18, v62  }
0x1ba: {  	v7 =	vmax.f32 v17, v7;
	v38 =	vld [tilespmem:$0x1F320];
	v32 =	vmax.f32 v18, v63  }
0x1bb: {  	v7 =	vmax.f32 v7, v8;
	v41 =	vld [tilespmem:$0x1F330];
	v35 =	vmax.f32 v32, v30  }
0x1bc: {  	v7 =	vmax.f32 v7, v9;
	v19 =	vmax.f32 v19, v46;
	v46 =	vld [tilespmem:$0x3C70];
	v8 =	vmax.f32 v35, v25  }
0x1bd: {  	v7 =	vmax.f32 v7, v10;
	v59 =	vld [tilespmem:$0x1F3B0];
	v8 =	vmax.f32 v8, v26;
	v24 =	vmax.f32 v24, v27  }
0x1be: {  	v7 =	vmax.f32 v7, v11;
	v57 =	vld [tilespmem:$0x1F3A0];
	v8 =	vmax.f32 v8, v31;
	v23 =	vmax.f32 v24, v34  }
0x1bf: {  	v7 =	vmax.f32 v7, v12;
	v58 =	vld [tilespmem:$0x3F70];
	v8 =	vmax.f32 v8, v33;
	v22 =	vmax.f32 v23, v38  }
0x1c0: {  	v7 =	vmax.f32 v7, v13;
	v60 =	vld [tilespmem:$0x3FF0];
	v8 =	vmax.f32 v8, v36;
	v22 =	vmax.f32 v22, v41  }
0x1c1: {  	v7 =	vmax.f32 v7, v14;
	v61 =	vld [tilespmem:$0x1F3C0];
	v8 =	vmax.f32 v8, v39;
	v22 =	vmax.f32 v22, v45  }
0x1c2: {  	v7 =	vmax.f32 v7, v15;
	v62 =	vld [tilespmem:$0x4070];
	v8 =	vmax.f32 v8, v44;
	v20 =	vmax.f32 v22, v47  }
0x1c3: {  	v7 =	vmax.f32 v7, v16;
	v63 =	vld [tilespmem:$0x1F3D0];
	v8 =	vmax.f32 v8, v46;
	v18 =	vmax.f32 v20, v49  }
0x1c4: {  	v7 =	vmax.f32 v7, v43;
	v30 =	vld [tilespmem:$0x41F0];
	v8 =	vmax.f32 v8, v48;
	v17 =	vmax.f32 v18, v51  }
0x1c5: {  	v7 =	vmax.f32 v7, v42;
	v31 =	vld [tilespmem:$0x1F400];
	v8 =	vmax.f32 v8, v50;
	v14 =	vmax.f32 v17, v53  }
0x1c6: {  	v7 =	vmax.f32 v7, v40;
	v8 =	vmax.f32 v8, v52;
	v22 =	vld [tilespmem:$0x1F3E0];
	v14 =	vmax.f32 v14, v55  }
0x1c7: {  	v6 =	vmax.f32 v7, v6;
	v20 =	vld [tilespmem:$0x40F0];
	v18 =	vmax.f32 v8, v54;
	v14 =	vmax.f32 v14, v57  }
0x1c8: {  	v6 =	vmax.f32 v6, v37;
	v23 =	vld [tilespmem:$0x4170];
	v7 =	vmax.f32 v18, v56;
	v14 =	vmax.f32 v14, v59  }
0x1c9: {  	v5 =	vmax.f32 v6, v5;
	v33 =	vld [tilespmem:$0x1F410];
	v29 =	vmax.f32 v7, v58;
	v14 =	vmax.f32 v14, v61  }
0x1ca: {  	v4 =	vmax.f32 v5, v4;
	v35 =	vld [tilespmem:$0x1F420];
	v32 =	vmax.f32 v29, v60;
	v14 =	vmax.f32 v14, v63  }
0x1cb: {  	v3 =	vmax.f32 v4, v3;
	v34 =	vmax.f32 v32, v62;
	v10 =	vmax.f32 v14, v22  }
0x1cc: {  	[tilespmem:$0x5300] =	vst v21;
	v1 =	vmax.f32 v3, v1;
	v3 =	vmax.f32 v34, v20;
	v10 =	vmax.f32 v10, v28  }
0x1cd: {  	v0 =	vmax.f32 v1, v0;
	[tilespmem:$0x5270] =	vst v19;
	v1 =	vmax.f32 v3, v23;
	v10 =	vmax.f32 v10, v31  }
0x1ce: {  	[tilespmem:$0x5320] =	vst v0;
	v0 =	vmax.f32 v1, v30;
	v6 =	vmax.f32 v10, v33  }
0x1cf: {  	[tilespmem:$0x5330] =	vst v0;
	v5 =	vmax.f32 v6, v35  }
0x1d0: {  	[tilespmem:$0x5310] =	vst v5  }
0x1d1: {  	_ =	swait.ge [sflag:s29], $0x800  }
0x1d2: {  	[sflag:s29] =	ssyncset.done $0x0  }
0x1d3: {  	[sflag:s29] =	ssyncadd.s32 $0xFFFFF800  }
0x1d4: {  	_ =	swait.ge [sflag:s30], $0x1000  }
0x1d5: {  	[sflag:s30] =	ssyncset.done $0x0  }
0x1d6: {  	[sflag:s30] =	ssyncadd.s32 $0xFFFFF000  }
0x1d7: {  	v0 =	vld [tilespmem:$0x2D80];
	_ =	sdelay $0x4  }
0x1d8: {  	[tilespmem:$0x1F430] =	vst v0;
	v0 =	vld [tilespmem:$0x2E00];
	_ =	sdelay $0x4  }
0x1d9: {  	[tilespmem:$0x1F440] =	vst v0;
	v0 =	vld [tilespmem:$0x2E80];
	_ =	sdelay $0x4  }
0x1da: {  	[tilespmem:$0x1F450] =	vst v0;
	v0 =	vld [tilespmem:$0x2F00];
	_ =	sdelay $0x4  }
0x1db: {  	[tilespmem:$0x1F460] =	vst v0;
	v0 =	vld [tilespmem:$0x2F80];
	_ =	sdelay $0x4  }
0x1dc: {  	[tilespmem:$0x1F470] =	vst v0;
	v0 =	vld [tilespmem:$0x3000];
	_ =	sdelay $0x4  }
0x1dd: {  	[tilespmem:$0x1F480] =	vst v0;
	v0 =	vld [tilespmem:$0x3080];
	_ =	sdelay $0x4  }
0x1de: {  	[tilespmem:$0x1F490] =	vst v0;
	v0 =	vld [tilespmem:$0x3100];
	_ =	sdelay $0x4  }
0x1df: {  	[tilespmem:$0x1F4A0] =	vst v0;
	v0 =	vld [tilespmem:$0x3180];
	_ =	sdelay $0x4  }
0x1e0: {  	[tilespmem:$0x1F4C0] =	vst v0;
	v0 =	vld [tilespmem:$0x3090];
	_ =	sdelay $0x4  }
0x1e1: {  	[tilespmem:$0x1F4B0] =	vst v0;
	v0 =	vld [tilespmem:$0x3110];
	_ =	sdelay $0x4  }
0x1e2: {  	[tilespmem:$0x1F4D0] =	vst v0;
	v0 =	vld [tilespmem:$0x3190];
	_ =	sdelay $0x4  }
0x1e3: {  	[tilespmem:$0x1F4E0] =	vst v0;
	v0 =	vld [tilespmem:$0x2A20];
	_ =	sdelay $0x4  }
0x1e4: {  	[tilespmem:$0x1F4F0] =	vst v0;
	v0 =	vld [tilespmem:$0x2AA0];
	_ =	sdelay $0x4  }
0x1e5: {  	[tilespmem:$0x1F500] =	vst v0;
	v0 =	vld [tilespmem:$0x2B20];
	_ =	sdelay $0x4  }
0x1e6: {  	[tilespmem:$0x1F510] =	vst v0;
	v0 =	vld [tilespmem:$0x2BA0];
	_ =	sdelay $0x4  }
0x1e7: {  	[tilespmem:$0x1F520] =	vst v0;
	v0 =	vld [tilespmem:$0x2C20];
	_ =	sdelay $0x4  }
0x1e8: {  	[tilespmem:$0x1F530] =	vst v0;
	v0 =	vld [tilespmem:$0x2CA0];
	_ =	sdelay $0x4  }
0x1e9: {  	[tilespmem:$0x1F540] =	vst v0;
	v0 =	vld [tilespmem:$0x2D20];
	_ =	sdelay $0x4  }
0x1ea: {  	[tilespmem:$0x1F550] =	vst v0;
	v0 =	vld [tilespmem:$0x2DA0];
	_ =	sdelay $0x4  }
0x1eb: {  	[tilespmem:$0x1F560] =	vst v0;
	v0 =	vld [tilespmem:$0x2E20];
	_ =	sdelay $0x4  }
0x1ec: {  	[tilespmem:$0x1F570] =	vst v0;
	v0 =	vld [tilespmem:$0x2EA0];
	_ =	sdelay $0x4  }
0x1ed: {  	[tilespmem:$0x1F580] =	vst v0;
	v0 =	vld [tilespmem:$0x2F20];
	_ =	sdelay $0x4  }
0x1ee: {  	[tilespmem:$0x1F590] =	vst v0;
	v0 =	vld [tilespmem:$0x2FA0];
	_ =	sdelay $0x4  }
0x1ef: {  	[tilespmem:$0x1F5A0] =	vst v0;
	v0 =	vld [tilespmem:$0x3020];
	_ =	sdelay $0x4  }
0x1f0: {  	[tilespmem:$0x1F5C0] =	vst v0;
	v0 =	vld [tilespmem:$0x30A0];
	_ =	sdelay $0x4  }
0x1f1: {  	[tilespmem:$0x1F5E0] =	vst v0;
	v0 =	vld [tilespmem:$0x3120];
	_ =	sdelay $0x4  }
0x1f2: {  	[tilespmem:$0x1F600] =	vst v0;
	v0 =	vld [tilespmem:$0x31A0];
	_ =	sdelay $0x4  }
0x1f3: {  	[tilespmem:$0x1F620] =	vst v0;
	v0 =	vld [tilespmem:$0x2A30];
	_ =	sdelay $0x4  }
0x1f4: {  	[tilespmem:$0x1F640] =	vst v0;
	v0 =	vld [tilespmem:$0x2AB0];
	_ =	sdelay $0x4  }
0x1f5: {  	[tilespmem:$0x1F650] =	vst v0;
	v0 =	vld [tilespmem:$0x2B30];
	_ =	sdelay $0x4  }
0x1f6: {  	[tilespmem:$0x1F670] =	vst v0;
	v0 =	vld [tilespmem:$0x2BB0];
	_ =	sdelay $0x4  }
0x1f7: {  	[tilespmem:$0x1F690] =	vst v0;
	v0 =	vld [tilespmem:$0x2C30];
	_ =	sdelay $0x4  }
0x1f8: {  	[tilespmem:$0x1F6B0] =	vst v0;
	v0 =	vld [tilespmem:$0x2CB0];
	_ =	sdelay $0x4  }
0x1f9: {  	[tilespmem:$0x1F6D0] =	vst v0;
	v0 =	vld [tilespmem:$0x2D30];
	_ =	sdelay $0x4  }
0x1fa: {  	[tilespmem:$0x1F6F0] =	vst v0;
	v0 =	vld [tilespmem:$0x2DB0];
	_ =	sdelay $0x4  }
0x1fb: {  	[tilespmem:$0x1F720] =	vst v0;
	v0 =	vld [tilespmem:$0x2E30];
	_ =	sdelay $0x4  }
0x1fc: {  	[tilespmem:$0x1F750] =	vst v0;
	v0 =	vld [tilespmem:$0x2EB0];
	_ =	sdelay $0x4  }
0x1fd: {  	[tilespmem:$0x1F780] =	vst v0;
	v0 =	vld [tilespmem:$0x2F30];
	_ =	sdelay $0x4  }
0x1fe: {  	[tilespmem:$0x1F7B0] =	vst v0;
	v0 =	vld [tilespmem:$0x2FB0];
	_ =	sdelay $0x4  }
0x1ff: {  	[tilespmem:$0x1F7E0] =	vst v0;
	v0 =	vld [tilespmem:$0x3030];
	_ =	sdelay $0x4  }
0x200: {  	[tilespmem:$0x1F810] =	vst v0;
	v0 =	vld [tilespmem:$0x30B0];
	_ =	sdelay $0x4  }
0x201: {  	[tilespmem:$0x1F840] =	vst v0;
	v0 =	vld [tilespmem:$0x3130];
	_ =	sdelay $0x4  }
0x202: {  	[tilespmem:$0x1F870] =	vst v0;
	v0 =	vld [tilespmem:$0x31B0];
	_ =	sdelay $0x4  }
0x203: {  	[tilespmem:$0x1F8A0] =	vst v0;
	v0 =	vld [tilespmem:$0x4780];
	_ =	sdelay $0x4  }
0x204: {  	[tilespmem:$0x1F5B0] =	vst v0;
	v0 =	vld [tilespmem:$0x4800];
	_ =	sdelay $0x4  }
0x205: {  	[tilespmem:$0x1F5D0] =	vst v0;
	v0 =	vld [tilespmem:$0x4880];
	_ =	sdelay $0x4  }
0x206: {  	[tilespmem:$0x1F5F0] =	vst v0;
	v0 =	vld [tilespmem:$0x4900];
	_ =	sdelay $0x4  }
0x207: {  	[tilespmem:$0x1F610] =	vst v0;
	v0 =	vld [tilespmem:$0x4980];
	_ =	sdelay $0x4  }
0x208: {  	[tilespmem:$0x1F630] =	vst v0;
	v0 =	vld [tilespmem:$0x4A00];
	_ =	sdelay $0x4  }
0x209: {  	[tilespmem:$0x1F660] =	vst v0;
	v0 =	vld [tilespmem:$0x4A80];
	_ =	sdelay $0x4  }
0x20a: {  	[tilespmem:$0x1F680] =	vst v0;
	v0 =	vld [tilespmem:$0x4B00];
	_ =	sdelay $0x1  }
0x20b: {  	v43 =	vld [tilespmem:$0x2A00]  }
0x20c: {  	v41 =	vld [tilespmem:$0x2A80]  }
0x20d: {  	v44 =	vld [tilespmem:$0x2B00]  }
0x20e: {  	[tilespmem:$0x1F6A0] =	vst v0;
	v0 =	vld [tilespmem:$0x4B80]  }
0x20f: {  	v48 =	vld [tilespmem:$0x2B80]  }
0x210: {  	v53 =	vld [tilespmem:$0x2C00]  }
0x211: {  	v57 =	vld [tilespmem:$0x2C80]  }
0x212: {  	v61 =	vld [tilespmem:$0x2D00]  }
0x213: {  	[tilespmem:$0x1F6C0] =	vst v0;
	v0 =	vld [tilespmem:$0x4C00]  }
0x214: {  	v23 =	vld [tilespmem:$0x2A10]  }
0x215: {  	v19 =	vld [tilespmem:$0x2A90]  }
0x216: {  	v24 =	vld [tilespmem:$0x2B10]  }
0x217: {  	v27 =	vld [tilespmem:$0x2B90]  }
0x218: {  	[tilespmem:$0x1F6E0] =	vst v0;
	v0 =	vld [tilespmem:$0x4C80]  }
0x219: {  	v31 =	vld [tilespmem:$0x2C10]  }
0x21a: {  	v33 =	vld [tilespmem:$0x2C90]  }
0x21b: {  	v37 =	vld [tilespmem:$0x2D10]  }
0x21c: {  	v40 =	vld [tilespmem:$0x2D90]  }
0x21d: {  	[tilespmem:$0x1F700] =	vst v0;
	v0 =	vld [tilespmem:$0x4D00]  }
0x21e: {  	v45 =	vld [tilespmem:$0x2E10]  }
0x21f: {  	v50 =	vld [tilespmem:$0x2E90]  }
0x220: {  	v54 =	vld [tilespmem:$0x2F10]  }
0x221: {  	v56 =	vld [tilespmem:$0x2F90]  }
0x222: {  	[tilespmem:$0x1F730] =	vst v0;
	v0 =	vld [tilespmem:$0x4D80]  }
0x223: {  	v60 =	vld [tilespmem:$0x3010]  }
0x224: {  	v15 =	vld [tilespmem:$0x4200]  }
0x225: {  	v13 =	vld [tilespmem:$0x4280]  }
0x226: {  	v17 =	vld [tilespmem:$0x4300]  }
0x227: {  	[tilespmem:$0x1F760] =	vst v0;
	v0 =	vld [tilespmem:$0x4E00]  }
0x228: {  	v20 =	vld [tilespmem:$0x4380]  }
0x229: {  	v25 =	vld [tilespmem:$0x4400]  }
0x22a: {  	v29 =	vld [tilespmem:$0x4480]  }
0x22b: {  	v35 =	vld [tilespmem:$0x4500]  }
0x22c: {  	[tilespmem:$0x1F790] =	vst v0;
	v0 =	vld [tilespmem:$0x4E80]  }
0x22d: {  	v38 =	vld [tilespmem:$0x4580]  }
0x22e: {  	v47 =	vld [tilespmem:$0x4600]  }
0x22f: {  	v52 =	vld [tilespmem:$0x4680]  }
0x230: {  	v58 =	vld [tilespmem:$0x4700]  }
0x231: {  	[tilespmem:$0x1F7C0] =	vst v0;
	v0 =	vld [tilespmem:$0x4F00]  }
0x232: {  	v1 =	vld [tilespmem:$0x4210]  }
0x233: {  	v3 =	vld [tilespmem:$0x4310]  }
0x234: {  	v4 =	vld [tilespmem:$0x4390]  }
0x235: {  	v5 =	vld [tilespmem:$0x4410]  }
0x236: {  	[tilespmem:$0x1F7F0] =	vst v0;
	v0 =	vld [tilespmem:$0x4F80]  }
0x237: {  	v6 =	vld [tilespmem:$0x4490]  }
0x238: {  	v7 =	vld [tilespmem:$0x4510]  }
0x239: {  	v8 =	vld [tilespmem:$0x4590]  }
0x23a: {  	v9 =	vld [tilespmem:$0x4610]  }
0x23b: {  	[tilespmem:$0x1F820] =	vst v0;
	v0 =	vld [tilespmem:$0x5000]  }
0x23c: {  	v10 =	vld [tilespmem:$0x4690]  }
0x23d: {  	v11 =	vld [tilespmem:$0x4710]  }
0x23e: {  	v16 =	vld [tilespmem:$0x4790]  }
0x23f: {  	v21 =	vld [tilespmem:$0x4810]  }
0x240: {  	[tilespmem:$0x1F850] =	vst v0;
	v0 =	vld [tilespmem:$0x5080]  }
0x241: {  	v26 =	vld [tilespmem:$0x4890]  }
0x242: {  	v30 =	vld [tilespmem:$0x4910]  }
0x243: {  	v34 =	vld [tilespmem:$0x4990]  }
0x244: {  	v36 =	vld [tilespmem:$0x4C10]  }
0x245: {  	[tilespmem:$0x1F880] =	vst v0;
	v0 =	vld [tilespmem:$0x5100]  }
0x246: {  	v42 =	vld [tilespmem:$0x4C90]  }
0x247: {  	v49 =	vld [tilespmem:$0x4D10]  }
0x248: {  	v55 =	vld [tilespmem:$0x4D90]  }
0x249: {  	v62 =	vld [tilespmem:$0x4E10];
	[tilespmem:$0x1F710] =	vst v36  }
0x24a: {  	[tilespmem:$0x1F8B0] =	vst v0;
	v0 =	vld [tilespmem:$0x5180]  }
0x24b: {  	v39 =	vld [tilespmem:$0x4A10];
	[tilespmem:$0x1F740] =	vst v42  }
0x24c: {  	v46 =	vld [tilespmem:$0x4A90];
	[tilespmem:$0x1F770] =	vst v49  }
0x24d: {  	v51 =	vld [tilespmem:$0x4B10];
	[tilespmem:$0x1F7A0] =	vst v55  }
0x24e: {  	v59 =	vld [tilespmem:$0x4B90];
	[tilespmem:$0x1F7D0] =	vst v62  }
0x24f: {  	[tilespmem:$0x1F8D0] =	vst v0;
	v0 =	vld [tilespmem:$0x4290]  }
0x250: {  	v12 =	vld [tilespmem:$0x4E90]  }
0x251: {  	v63 =	vld [tilespmem:$0x4F10];
	_ =	sdelay $0x4  }
0x252: {  	[tilespmem:$0x1F830] =	vst v63;
	v63 =	vld [tilespmem:$0x4420];
	_ =	sdelay $0x4  }
0x253: {  	[tilespmem:$0x1F970] =	vst v63;
	v63 =	vld [tilespmem:$0x4920];
	_ =	sdelay $0x4  }
0x254: {  	[tilespmem:$0x1FAC0] =	vst v63;
	v63 =	vld [tilespmem:$0x4E20];
	_ =	sdelay $0x4  }
0x255: {  	[tilespmem:$0x1FCA0] =	vst v63;
	v63 =	vld [tilespmem:$0x4330];
	_ =	sdelay $0x4  }
0x256: {  	[tilespmem:$0x1F960] =	vst v63;
	v63 =	vld [tilespmem:$0x4830]  }
0x257: {  	v19 =	vmax.f32 v23, v19  }
0x258: {  	v19 =	vmax.f32 v19, v24;
	v24 =	vld [tilespmem:$0x4F40];
	_ =	sdelay $0x2  }
0x259: {  	[tilespmem:$0x1FAA0] =	vst v63;
	v63 =	vld [tilespmem:$0x4D30];
	_ =	sdelay $0x1  }
0x25a: {  	[tilespmem:$0x1FD80] =	vst v24;
	v24 =	vld [tilespmem:$0x4FC0];
	_ =	sdelay $0x2  }
0x25b: {  	[tilespmem:$0x1FC80] =	vst v63;
	v63 =	vld [tilespmem:$0x47C0];
	_ =	sdelay $0x1  }
0x25c: {  	[tilespmem:$0x1FDB0] =	vst v24;
	v24 =	vld [tilespmem:$0x5040];
	_ =	sdelay $0x2  }
0x25d: {  	[tilespmem:$0x1FAB0] =	vst v63;
	v63 =	vld [tilespmem:$0x4840];
	_ =	sdelay $0x1  }
0x25e: {  	[tilespmem:$0x1FDE0] =	vst v24;
	v24 =	vld [tilespmem:$0x50C0];
	_ =	sdelay $0x2  }
0x25f: {  	[tilespmem:$0x1FAE0] =	vst v63;
	v63 =	vld [tilespmem:$0x48C0]  }
0x260: {  	v41 =	vmax.f32 v43, v41  }
0x261: {  	v41 =	vmax.f32 v41, v44;
	[tilespmem:$0x1FE10] =	vst v24;
	v24 =	vld [tilespmem:$0x1F430]  }
0x262: {  	v48 =	vmax.f32 v41, v48  }
0x263: {  	v23 =	vmax.f32 v48, v53  }
0x264: {  	v23 =	vmax.f32 v23, v57;
	[tilespmem:$0x1FB10] =	vst v63;
	v63 =	vld [tilespmem:$0x4940]  }
0x265: {  	v23 =	vmax.f32 v23, v61  }
0x266: {  	v23 =	vmax.f32 v23, v24;
	v24 =	vld [tilespmem:$0x5140];
	_ =	sdelay $0x2  }
0x267: {  	[tilespmem:$0x1FB40] =	vst v63;
	v63 =	vld [tilespmem:$0x49C0];
	_ =	sdelay $0x1  }
0x268: {  	[tilespmem:$0x1FE30] =	vst v24;
	v24 =	vld [tilespmem:$0x1F440];
	_ =	sdelay $0x2  }
0x269: {  	[tilespmem:$0x1FB70] =	vst v63;
	v63 =	vld [tilespmem:$0x4A40];
	_ =	sdelay $0x1  }
0x26a: {  	v23 =	vmax.f32 v23, v24;
	v24 =	vld [tilespmem:$0x51C0];
	_ =	sdelay $0x2  }
0x26b: {  	[tilespmem:$0x1FBA0] =	vst v63;
	v63 =	vld [tilespmem:$0x4AC0];
	_ =	sdelay $0x1  }
0x26c: {  	[tilespmem:$0x1FE50] =	vst v24;
	v24 =	vld [tilespmem:$0x1F450];
	_ =	sdelay $0x2  }
0x26d: {  	[tilespmem:$0x1FBD0] =	vst v63;
	v63 =	vld [tilespmem:$0x4B40];
	_ =	sdelay $0x1  }
0x26e: {  	v23 =	vmax.f32 v23, v24;
	v24 =	vld [tilespmem:$0x4250];
	_ =	sdelay $0x2  }
0x26f: {  	[tilespmem:$0x1FC00] =	vst v63;
	v63 =	vld [tilespmem:$0x4BC0];
	_ =	sdelay $0x1  }
0x270: {  	[tilespmem:$0x1FE40] =	vst v24;
	v24 =	vld [tilespmem:$0x1F460];
	_ =	sdelay $0x2  }
0x271: {  	[tilespmem:$0x1FC30] =	vst v63;
	v63 =	vld [tilespmem:$0x4C40];
	_ =	sdelay $0x1  }
0x272: {  	v23 =	vmax.f32 v23, v24;
	v24 =	vld [tilespmem:$0x1F470];
	_ =	sdelay $0x2  }
0x273: {  	[tilespmem:$0x1FC60] =	vst v63;
	v63 =	vld [tilespmem:$0x4CC0];
	_ =	sdelay $0x1  }
0x274: {  	v23 =	vmax.f32 v23, v24;
	v24 =	vld [tilespmem:$0x1F480];
	_ =	sdelay $0x2  }
0x275: {  	v19 =	vmax.f32 v19, v27;
	[tilespmem:$0x1FC90] =	vst v63;
	v63 =	vld [tilespmem:$0x4D40]  }
0x276: {  	v19 =	vmax.f32 v19, v31  }
0x277: {  	v19 =	vmax.f32 v19, v33;
	v23 =	vmax.f32 v23, v24;
	v24 =	vld [tilespmem:$0x1F490]  }
0x278: {  	v19 =	vmax.f32 v19, v37  }
0x279: {  	v19 =	vmax.f32 v19, v40  }
0x27a: {  	v19 =	vmax.f32 v19, v45;
	[tilespmem:$0x1FCC0] =	vst v63;
	v63 =	vld [tilespmem:$0x4DC0]  }
0x27b: {  	v19 =	vmax.f32 v19, v50;
	v44 =	vld [tilespmem:$0x4EC0]  }
0x27c: {  	v19 =	vmax.f32 v19, v54;
	v23 =	vmax.f32 v23, v24;
	v24 =	vld [tilespmem:$0x1F4A0]  }
0x27d: {  	v19 =	vmax.f32 v19, v56;
	v57 =	vld [tilespmem:$0x1F4D0]  }
0x27e: {  	v19 =	vmax.f32 v19, v60;
	v60 =	vld [tilespmem:$0x1F4E0]  }
0x27f: {  	[tilespmem:$0x1FCF0] =	vst v63;
	v63 =	vld [tilespmem:$0x4E40]  }
0x280: {  	v0 =	vmax.f32 v1, v0;
	v1 =	vld [tilespmem:$0x4650]  }
0x281: {  	v23 =	vmax.f32 v23, v24;
	v24 =	vld [tilespmem:$0x1F4B0]  }
0x282: {  	v0 =	vmax.f32 v0, v3;
	v3 =	vld [tilespmem:$0x46D0]  }
0x283: {  	v61 =	vld [tilespmem:$0x1F4F0]  }
0x284: {  	[tilespmem:$0x1FD20] =	vst v63;
	v63 =	vld [tilespmem:$0x1F500]  }
0x285: {  	v43 =	vld [tilespmem:$0x1F510]  }
0x286: {  	[tilespmem:$0x1FE70] =	vst v1;
	v1 =	vld [tilespmem:$0x1F520];
	v19 =	vmax.f32 v19, v24  }
0x287: {  	[tilespmem:$0x1FE80] =	vst v3;
	v3 =	vld [tilespmem:$0x1F530];
	v19 =	vmax.f32 v19, v57  }
0x288: {  	v45 =	vld [tilespmem:$0x1F540];
	v19 =	vmax.f32 v19, v60  }
0x289: {  	v48 =	vld [tilespmem:$0x1F550];
	[tilespmem:$0x1FEF0] =	vst v19;
	v19 =	vmax.f32 v61, v63  }
0x28a: {  	v13 =	vmax.f32 v15, v13;
	v50 =	vld [tilespmem:$0x1F560];
	v15 =	vmax.f32 v19, v43  }
0x28b: {  	v53 =	vld [tilespmem:$0x1F570];
	v0 =	vmax.f32 v0, v4;
	v1 =	vmax.f32 v15, v1  }
0x28c: {  	v13 =	vmax.f32 v13, v17;
	v54 =	vld [tilespmem:$0x1F580];
	v0 =	vmax.f32 v0, v5;
	v1 =	vmax.f32 v1, v3  }
0x28d: {  	v13 =	vmax.f32 v13, v20;
	v56 =	vld [tilespmem:$0x1F590];
	v0 =	vmax.f32 v0, v6;
	v1 =	vmax.f32 v1, v45  }
0x28e: {  	v0 =	vmax.f32 v0, v7;
	v57 =	vld [tilespmem:$0x1F5A0];
	v3 =	vmax.f32 v13, v25;
	v1 =	vmax.f32 v1, v48  }
0x28f: {  	v0 =	vmax.f32 v0, v8;
	v60 =	vld [tilespmem:$0x1F5C0];
	v3 =	vmax.f32 v3, v29;
	v1 =	vmax.f32 v1, v50  }
0x290: {  	v0 =	vmax.f32 v0, v9;
	v63 =	vld [tilespmem:$0x1F5E0];
	v3 =	vmax.f32 v3, v35;
	v1 =	vmax.f32 v1, v53  }
0x291: {  	v0 =	vmax.f32 v0, v10;
	v10 =	vld [tilespmem:$0x1F600];
	v3 =	vmax.f32 v3, v38;
	v1 =	vmax.f32 v1, v54  }
0x292: {  	v29 =	vld [tilespmem:$0x1F620];
	v3 =	vmax.f32 v3, v47;
	v1 =	vmax.f32 v1, v56  }
0x293: {  	[tilespmem:$0x1FD50] =	vst v44;
	v44 =	vld [tilespmem:$0x4750];
	v3 =	vmax.f32 v3, v52;
	v1 =	vmax.f32 v1, v57  }
0x294: {  	v3 =	vmax.f32 v3, v58;
	v58 =	vld [tilespmem:$0x1F5B0];
	v1 =	vmax.f32 v1, v60  }
0x295: {  	v61 =	vld [tilespmem:$0x1F5D0];
	v1 =	vmax.f32 v1, v63  }
0x296: {  	v8 =	vld [tilespmem:$0x1F5F0];
	v1 =	vmax.f32 v1, v10  }
0x297: {  	v0 =	vmax.f32 v0, v11;
	v11 =	vld [tilespmem:$0x1F610];
	v1 =	vmax.f32 v1, v29  }
0x298: {  	[tilespmem:$0x1FF00] =	vst v1;
	v1 =	vld [tilespmem:$0x1F630]  }
0x299: {  	v0 =	vmax.f32 v0, v16;
	v3 =	vmax.f32 v3, v58  }
0x29a: {  	v0 =	vmax.f32 v0, v21;
	v3 =	vmax.f32 v3, v61  }
0x29b: {  	[tilespmem:$0x1FE90] =	vst v44;
	v44 =	vld [tilespmem:$0x1F680];
	v0 =	vmax.f32 v0, v26;
	v3 =	vmax.f32 v3, v8  }
0x29c: {  	v0 =	vmax.f32 v0, v30;
	v30 =	vld [tilespmem:$0x1F650];
	v3 =	vmax.f32 v3, v11  }
0x29d: {  	v1 =	vmax.f32 v3, v1;
	v3 =	vld [tilespmem:$0x4CD0]  }
0x29e: {  	v35 =	vld [tilespmem:$0x1F660]  }
0x29f: {  	v50 =	vld [tilespmem:$0x1F6C0]  }
0x2a0: {  	v47 =	vld [tilespmem:$0x1F6A0]  }
0x2a1: {  	v52 =	vld [tilespmem:$0x1F6E0]  }
0x2a2: {  	[tilespmem:$0x1FEC0] =	vst v3;
	v3 =	vld [tilespmem:$0x1F640]  }
0x2a3: {  	v0 =	vmax.f32 v0, v34;
	v43 =	vld [tilespmem:$0x1F670];
	v1 =	vmax.f32 v1, v35  }
0x2a4: {  	v0 =	vmax.f32 v0, v39;
	v45 =	vld [tilespmem:$0x1F690];
	v1 =	vmax.f32 v1, v44  }
0x2a5: {  	v0 =	vmax.f32 v0, v46;
	v48 =	vld [tilespmem:$0x1F6B0];
	v1 =	vmax.f32 v1, v47  }
0x2a6: {  	v0 =	vmax.f32 v0, v51;
	v51 =	vld [tilespmem:$0x1F6D0];
	v1 =	vmax.f32 v1, v50  }
0x2a7: {  	v6 =	vmax.f32 v1, v52;
	v1 =	vld [tilespmem:$0x1F6F0];
	v3 =	vmax.f32 v3, v30  }
0x2a8: {  	v3 =	vmax.f32 v3, v43  }
0x2a9: {  	v3 =	vmax.f32 v3, v45  }
0x2aa: {  	v3 =	vmax.f32 v3, v48  }
0x2ab: {  	v3 =	vmax.f32 v3, v51  }
0x2ac: {  	v53 =	vmax.f32 v3, v1;
	v1 =	vld [tilespmem:$0x1F700];
	_ =	sdelay $0x4  }
0x2ad: {  	v6 =	vmax.f32 v6, v1;
	v1 =	vld [tilespmem:$0x1F710];
	_ =	sdelay $0x3  }
0x2ae: {  	v0 =	vmax.f32 v0, v59  }
0x2af: {  	v0 =	vmax.f32 v0, v1;
	v1 =	vld [tilespmem:$0x4FD0];
	_ =	sdelay $0x4  }
0x2b0: {  	[tilespmem:$0x1FF10] =	vst v1;
	v1 =	vld [tilespmem:$0x1F720];
	_ =	sdelay $0x4  }
0x2b1: {  	v54 =	vmax.f32 v53, v1;
	v1 =	vld [tilespmem:$0x1F730];
	_ =	sdelay $0x4  }
0x2b2: {  	v6 =	vmax.f32 v6, v1;
	v1 =	vld [tilespmem:$0x1F740];
	_ =	sdelay $0x4  }
0x2b3: {  	v0 =	vmax.f32 v0, v1;
	v1 =	vld [tilespmem:$0x1F750];
	_ =	sdelay $0x4  }
0x2b4: {  	v56 =	vmax.f32 v54, v1;
	v1 =	vld [tilespmem:$0x1F760];
	_ =	sdelay $0x4  }
0x2b5: {  	v6 =	vmax.f32 v6, v1;
	v1 =	vld [tilespmem:$0x1F770];
	_ =	sdelay $0x4  }
0x2b6: {  	v0 =	vmax.f32 v0, v1;
	v1 =	vld [tilespmem:$0x50D0];
	_ =	sdelay $0x4  }
0x2b7: {  	[tilespmem:$0x1FF20] =	vst v1;
	v1 =	vld [tilespmem:$0x1F780];
	_ =	sdelay $0x4  }
0x2b8: {  	v10 =	vmax.f32 v56, v1;
	v1 =	vld [tilespmem:$0x1F790];
	_ =	sdelay $0x4  }
0x2b9: {  	v6 =	vmax.f32 v6, v1;
	v1 =	vld [tilespmem:$0x1F7A0];
	_ =	sdelay $0x4  }
0x2ba: {  	v0 =	vmax.f32 v0, v1;
	v1 =	vld [tilespmem:$0x5150];
	_ =	sdelay $0x4  }
0x2bb: {  	[tilespmem:$0x1FF30] =	vst v1;
	v1 =	vld [tilespmem:$0x1F7B0];
	_ =	sdelay $0x4  }
0x2bc: {  	v10 =	vmax.f32 v10, v1;
	v1 =	vld [tilespmem:$0x1F7C0];
	_ =	sdelay $0x4  }
0x2bd: {  	v6 =	vmax.f32 v6, v1;
	v1 =	vld [tilespmem:$0x1F7D0];
	_ =	sdelay $0x4  }
0x2be: {  	v0 =	vmax.f32 v0, v1;
	v1 =	vld [tilespmem:$0x51D0];
	_ =	sdelay $0x4  }
0x2bf: {  	[tilespmem:$0x1FF40] =	vst v1;
	v1 =	vld [tilespmem:$0x1F7E0];
	_ =	sdelay $0x4  }
0x2c0: {  	v10 =	vmax.f32 v10, v1;
	v1 =	vld [tilespmem:$0x1F7F0];
	_ =	sdelay $0x3  }
0x2c1: {  	[tilespmem:$0x1F800] =	vst v12  }
0x2c2: {  	v6 =	vmax.f32 v6, v1;
	v1 =	vld [tilespmem:$0x1F800];
	_ =	sdelay $0x4  }
0x2c3: {  	v0 =	vmax.f32 v0, v1;
	v1 =	vld [tilespmem:$0x1F810];
	_ =	sdelay $0x4  }
0x2c4: {  	v10 =	vmax.f32 v10, v1;
	v1 =	vld [tilespmem:$0x1F820];
	_ =	sdelay $0x4  }
0x2c5: {  	v6 =	vmax.f32 v6, v1;
	v1 =	vld [tilespmem:$0x1F830];
	_ =	sdelay $0x4  }
0x2c6: {  	v0 =	vmax.f32 v0, v1;
	v1 =	vld [tilespmem:$0x1F840];
	_ =	sdelay $0x3  }
0x2c7: {  	v18 =	vld [tilespmem:$0x4F90]  }
0x2c8: {  	v10 =	vmax.f32 v10, v1;
	v1 =	vld [tilespmem:$0x1F850];
	_ =	sdelay $0x3  }
0x2c9: {  	[tilespmem:$0x1F860] =	vst v18  }
0x2ca: {  	v6 =	vmax.f32 v6, v1;
	v1 =	vld [tilespmem:$0x1F860];
	_ =	sdelay $0x4  }
0x2cb: {  	v0 =	vmax.f32 v0, v1;
	v1 =	vld [tilespmem:$0x1F870];
	_ =	sdelay $0x3  }
0x2cc: {  	v22 =	vld [tilespmem:$0x5010]  }
0x2cd: {  	v10 =	vmax.f32 v10, v1;
	v1 =	vld [tilespmem:$0x1F880];
	_ =	sdelay $0x3  }
0x2ce: {  	[tilespmem:$0x1F890] =	vst v22  }
0x2cf: {  	v6 =	vmax.f32 v6, v1;
	v1 =	vld [tilespmem:$0x1F890];
	_ =	sdelay $0x4  }
0x2d0: {  	v0 =	vmax.f32 v0, v1;
	v1 =	vld [tilespmem:$0x1F8A0];
	_ =	sdelay $0x3  }
0x2d1: {  	v28 =	vld [tilespmem:$0x5090]  }
0x2d2: {  	v10 =	vmax.f32 v10, v1;
	v1 =	vld [tilespmem:$0x1F8B0];
	_ =	sdelay $0x3  }
0x2d3: {  	[tilespmem:$0x1F8C0] =	vst v28  }
0x2d4: {  	v6 =	vmax.f32 v6, v1;
	v1 =	vld [tilespmem:$0x1F8C0];
	_ =	sdelay $0x3  }
0x2d5: {  	v32 =	vld [tilespmem:$0x5110]  }
0x2d6: {  	v0 =	vmax.f32 v0, v1;
	v1 =	vld [tilespmem:$0x1F8D0]  }
0x2d7: {  	v49 =	vld [tilespmem:$0x42A0]  }
0x2d8: {  	v55 =	vld [tilespmem:$0x4320]  }
0x2d9: {  	v62 =	vld [tilespmem:$0x43A0]  }
0x2da: {  	v42 =	vld [tilespmem:$0x4220];
	[tilespmem:$0x1F8E0] =	vst v32  }
0x2db: {  	v6 =	vmax.f32 v6, v1;
	v1 =	vld [tilespmem:$0x1F8E0]  }
0x2dc: {  	v36 =	vld [tilespmem:$0x5190];
	[tilespmem:$0x1F900] =	vst v49  }
0x2dd: {  	[tilespmem:$0x1F920] =	vst v55;
	v55 =	vld [tilespmem:$0x4820]  }
0x2de: {  	[tilespmem:$0x1F950] =	vst v62;
	v62 =	vld [tilespmem:$0x48A0]  }
0x2df: {  	[tilespmem:$0x1F8F0] =	vst v42;
	v3 =	vld [tilespmem:$0x1F900]  }
0x2e0: {  	v0 =	vmax.f32 v0, v1;
	v1 =	vld [tilespmem:$0x1F8F0];
	_ =	sdelay $0x1  }
0x2e1: {  	[tilespmem:$0x1FA70] =	vst v55;
	v55 =	vld [tilespmem:$0x4D20]  }
0x2e2: {  	[tilespmem:$0x1FA90] =	vst v62;
	v62 =	vld [tilespmem:$0x4DA0]  }
0x2e3: {  	[tilespmem:$0x1F910] =	vst v36  }
0x2e4: {  	v57 =	vmax.f32 v1, v3;
	v1 =	vld [tilespmem:$0x1F910];
	_ =	sdelay $0x1  }
0x2e5: {  	[tilespmem:$0x1FC40] =	vst v55;
	v55 =	vld [tilespmem:$0x4230]  }
0x2e6: {  	[tilespmem:$0x1FC70] =	vst v62;
	v62 =	vld [tilespmem:$0x42B0]  }
0x2e7: {  	v21 =	vld [tilespmem:$0x4C50]  }
0x2e8: {  	v3 =	vmax.f32 v0, v1;
	v0 =	vld [tilespmem:$0x1F920];
	_ =	sdelay $0x2  }
0x2e9: {  	v18 =	vld [tilespmem:$0x44A0];
	[tilespmem:$0x1F940] =	vst v62  }
0x2ea: {  	[tilespmem:$0x1F930] =	vst v55;
	v1 =	vld [tilespmem:$0x1F940]  }
0x2eb: {  	[tilespmem:$0x1FEB0] =	vst v21;
	v21 =	vmax.f32 v57, v0;
	v0 =	vld [tilespmem:$0x1F930];
	_ =	sdelay $0x3  }
0x2ec: {  	[tilespmem:$0x1F990] =	vst v18;
	v18 =	vld [tilespmem:$0x49A0]  }
0x2ed: {  	v26 =	vmax.f32 v0, v1;
	v0 =	vld [tilespmem:$0x1F950];
	_ =	sdelay $0x2  }
0x2ee: {  	v22 =	vld [tilespmem:$0x4520]  }
0x2ef: {  	[tilespmem:$0x1FAF0] =	vst v18;
	v18 =	vld [tilespmem:$0x4EA0]  }
0x2f0: {  	v21 =	vmax.f32 v21, v0;
	v0 =	vld [tilespmem:$0x1F960];
	_ =	sdelay $0x2  }
0x2f1: {  	[tilespmem:$0x1F9B0] =	vst v22;
	v22 =	vld [tilespmem:$0x4A20]  }
0x2f2: {  	[tilespmem:$0x1FCD0] =	vst v18;
	v18 =	vld [tilespmem:$0x43B0]  }
0x2f3: {  	v26 =	vmax.f32 v26, v0;
	v0 =	vld [tilespmem:$0x1F970];
	_ =	sdelay $0x2  }
0x2f4: {  	v28 =	vld [tilespmem:$0x45A0];
	[tilespmem:$0x1FB20] =	vst v22  }
0x2f5: {  	v22 =	vld [tilespmem:$0x4F20];
	[tilespmem:$0x1F980] =	vst v18  }
0x2f6: {  	v58 =	vmax.f32 v21, v0;
	v0 =	vld [tilespmem:$0x1F980]  }
0x2f7: {  	v14 =	vld [tilespmem:$0x4240]  }
0x2f8: {  	v12 =	vld [tilespmem:$0x42C0]  }
0x2f9: {  	[tilespmem:$0x1F9D0] =	vst v28;
	v28 =	vld [tilespmem:$0x4AA0]  }
0x2fa: {  	[tilespmem:$0x1FD00] =	vst v22;
	v22 =	vld [tilespmem:$0x4430]  }
0x2fb: {  	v59 =	vmax.f32 v26, v0;
	v0 =	vld [tilespmem:$0x1F990];
	_ =	sdelay $0x1  }
0x2fc: {  	v32 =	vld [tilespmem:$0x4620]  }
0x2fd: {  	[tilespmem:$0x1FB50] =	vst v28;
	v28 =	vld [tilespmem:$0x4FA0]  }
0x2fe: {  	[tilespmem:$0x1F9A0] =	vst v22;
	v18 =	vld [tilespmem:$0x48B0]  }
0x2ff: {  	v12 =	vmax.f32 v14, v12;
	v14 =	vmax.f32 v58, v0;
	v0 =	vld [tilespmem:$0x1F9A0];
	_ =	sdelay $0x1  }
0x300: {  	[tilespmem:$0x1F9F0] =	vst v32;
	v32 =	vld [tilespmem:$0x4B20]  }
0x301: {  	[tilespmem:$0x1FD30] =	vst v28;
	v28 =	vld [tilespmem:$0x44B0]  }
0x302: {  	[tilespmem:$0x1FAD0] =	vst v18;
	v18 =	vld [tilespmem:$0x4DB0]  }
0x303: {  	v60 =	vmax.f32 v59, v0;
	v0 =	vld [tilespmem:$0x1F9B0];
	_ =	sdelay $0x1  }
0x304: {  	v36 =	vld [tilespmem:$0x46A0];
	[tilespmem:$0x1FB80] =	vst v32  }
0x305: {  	v32 =	vld [tilespmem:$0x5020];
	[tilespmem:$0x1F9C0] =	vst v28  }
0x306: {  	[tilespmem:$0x1FCB0] =	vst v18;
	v18 =	vld [tilespmem:$0x4340]  }
0x307: {  	v14 =	vmax.f32 v14, v0;
	v0 =	vld [tilespmem:$0x1F9C0];
	_ =	sdelay $0x2  }
0x308: {  	[tilespmem:$0x1FA10] =	vst v36;
	v36 =	vld [tilespmem:$0x4BA0]  }
0x309: {  	[tilespmem:$0x1FD60] =	vst v32;
	v32 =	vld [tilespmem:$0x4530]  }
0x30a: {  	v12 =	vmax.f32 v12, v18;
	v18 =	vmax.f32 v60, v0;
	v0 =	vld [tilespmem:$0x1F9D0];
	_ =	sdelay $0x2  }
0x30b: {  	v42 =	vld [tilespmem:$0x4720];
	[tilespmem:$0x1FBB0] =	vst v36  }
0x30c: {  	v36 =	vld [tilespmem:$0x50A0];
	[tilespmem:$0x1F9E0] =	vst v32  }
0x30d: {  	v14 =	vmax.f32 v14, v0;
	v0 =	vld [tilespmem:$0x1F9E0];
	_ =	sdelay $0x2  }
0x30e: {  	[tilespmem:$0x1FA30] =	vst v42;
	v42 =	vld [tilespmem:$0x4C20]  }
0x30f: {  	[tilespmem:$0x1FD90] =	vst v36;
	v36 =	vld [tilespmem:$0x45B0]  }
0x310: {  	v18 =	vmax.f32 v18, v0;
	v0 =	vld [tilespmem:$0x1F9F0];
	_ =	sdelay $0x2  }
0x311: {  	v49 =	vld [tilespmem:$0x47A0];
	[tilespmem:$0x1FBE0] =	vst v42  }
0x312: {  	v42 =	vld [tilespmem:$0x5120];
	[tilespmem:$0x1FA00] =	vst v36  }
0x313: {  	v14 =	vmax.f32 v14, v0;
	v0 =	vld [tilespmem:$0x1FA00];
	_ =	sdelay $0x2  }
0x314: {  	[tilespmem:$0x1FA50] =	vst v49;
	v49 =	vld [tilespmem:$0x4CA0]  }
0x315: {  	[tilespmem:$0x1FDC0] =	vst v42;
	v42 =	vld [tilespmem:$0x4630]  }
0x316: {  	v18 =	vmax.f32 v18, v0;
	v0 =	vld [tilespmem:$0x1FA10];
	_ =	sdelay $0x2  }
0x317: {  	[tilespmem:$0x1FC10] =	vst v49  }
0x318: {  	v49 =	vld [tilespmem:$0x51A0];
	[tilespmem:$0x1FA20] =	vst v42  }
0x319: {  	v14 =	vmax.f32 v14, v0;
	v0 =	vld [tilespmem:$0x1FA20];
	_ =	sdelay $0x3  }
0x31a: {  	[tilespmem:$0x1FDF0] =	vst v49;
	v49 =	vld [tilespmem:$0x46B0]  }
0x31b: {  	v18 =	vmax.f32 v18, v0;
	v0 =	vld [tilespmem:$0x1FA30];
	_ =	sdelay $0x3  }
0x31c: {  	[tilespmem:$0x1FA40] =	vst v49  }
0x31d: {  	v14 =	vmax.f32 v14, v0;
	v0 =	vld [tilespmem:$0x1FA40];
	_ =	sdelay $0x2  }
0x31e: {  	v55 =	vld [tilespmem:$0x4730]  }
0x31f: {  	v62 =	vld [tilespmem:$0x47B0]  }
0x320: {  	v18 =	vmax.f32 v18, v0;
	v0 =	vld [tilespmem:$0x1FA50]  }
0x321: {  	v22 =	vld [tilespmem:$0x4930]  }
0x322: {  	v28 =	vld [tilespmem:$0x49B0]  }
0x323: {  	v32 =	vld [tilespmem:$0x4A30]  }
0x324: {  	[tilespmem:$0x1FA60] =	vst v55;
	v36 =	vld [tilespmem:$0x4AB0]  }
0x325: {  	v14 =	vmax.f32 v14, v0;
	v0 =	vld [tilespmem:$0x1FA60]  }
0x326: {  	v42 =	vld [tilespmem:$0x4B30]  }
0x327: {  	v49 =	vld [tilespmem:$0x4BB0]  }
0x328: {  	v55 =	vld [tilespmem:$0x4C30]  }
0x329: {  	[tilespmem:$0x1FA80] =	vst v62;
	v62 =	vld [tilespmem:$0x4CB0]  }
0x32a: {  	v18 =	vmax.f32 v18, v0;
	v0 =	vld [tilespmem:$0x1FA70]  }
0x32b: {  	[tilespmem:$0x1FB00] =	vst v22;
	v22 =	vld [tilespmem:$0x4E30]  }
0x32c: {  	[tilespmem:$0x1FB30] =	vst v28;
	v28 =	vld [tilespmem:$0x4EB0]  }
0x32d: {  	[tilespmem:$0x1FB60] =	vst v32;
	v32 =	vld [tilespmem:$0x4F30]  }
0x32e: {  	[tilespmem:$0x1FB90] =	vst v36;
	v36 =	vld [tilespmem:$0x4FB0]  }
0x32f: {  	v14 =	vmax.f32 v14, v0;
	v0 =	vld [tilespmem:$0x1FA80]  }
0x330: {  	[tilespmem:$0x1FBC0] =	vst v42;
	v42 =	vld [tilespmem:$0x5030]  }
0x331: {  	[tilespmem:$0x1FBF0] =	vst v49;
	v49 =	vld [tilespmem:$0x50B0]  }
0x332: {  	[tilespmem:$0x1FC20] =	vst v55;
	v55 =	vld [tilespmem:$0x5130]  }
0x333: {  	[tilespmem:$0x1FC50] =	vst v62;
	v62 =	vld [tilespmem:$0x51B0]  }
0x334: {  	v18 =	vmax.f32 v18, v0;
	v0 =	vld [tilespmem:$0x1FA90]  }
0x335: {  	[tilespmem:$0x1FCE0] =	vst v22;
	v22 =	vld [tilespmem:$0x43C0]  }
0x336: {  	[tilespmem:$0x1FD10] =	vst v28;
	v28 =	vld [tilespmem:$0x4440]  }
0x337: {  	[tilespmem:$0x1FD40] =	vst v32;
	v32 =	vld [tilespmem:$0x44C0]  }
0x338: {  	[tilespmem:$0x1FD70] =	vst v36;
	v36 =	vld [tilespmem:$0x4540]  }
0x339: {  	v14 =	vmax.f32 v14, v0;
	v0 =	vld [tilespmem:$0x1FAA0]  }
0x33a: {  	[tilespmem:$0x1FDA0] =	vst v42;
	v42 =	vld [tilespmem:$0x45C0]  }
0x33b: {  	[tilespmem:$0x1FDD0] =	vst v49;
	v49 =	vld [tilespmem:$0x4640];
	v12 =	vmax.f32 v12, v22  }
0x33c: {  	[tilespmem:$0x1FE00] =	vst v55;
	v55 =	vld [tilespmem:$0x46C0];
	v12 =	vmax.f32 v12, v28  }
0x33d: {  	[tilespmem:$0x1FE20] =	vst v62;
	v62 =	vld [tilespmem:$0x4740];
	v12 =	vmax.f32 v12, v32  }
0x33e: {  	v12 =	vmax.f32 v12, v36;
	v18 =	vmax.f32 v18, v0;
	v0 =	vld [tilespmem:$0x1FAB0]  }
0x33f: {  	v12 =	vmax.f32 v12, v42  }
0x340: {  	v12 =	vmax.f32 v12, v49  }
0x341: {  	v12 =	vmax.f32 v12, v55  }
0x342: {  	v12 =	vmax.f32 v12, v62  }
0x343: {  	v12 =	vmax.f32 v12, v0;
	v0 =	vld [tilespmem:$0x1FAC0];
	_ =	sdelay $0x4  }
0x344: {  	v14 =	vmax.f32 v14, v0;
	v0 =	vld [tilespmem:$0x1FAD0];
	_ =	sdelay $0x4  }
0x345: {  	v18 =	vmax.f32 v18, v0;
	v0 =	vld [tilespmem:$0x1FAE0];
	_ =	sdelay $0x4  }
0x346: {  	v12 =	vmax.f32 v12, v0;
	v0 =	vld [tilespmem:$0x1FAF0];
	_ =	sdelay $0x4  }
0x347: {  	v14 =	vmax.f32 v14, v0;
	v0 =	vld [tilespmem:$0x1FB00];
	_ =	sdelay $0x4  }
0x348: {  	v18 =	vmax.f32 v18, v0;
	v0 =	vld [tilespmem:$0x1FB10];
	_ =	sdelay $0x4  }
0x349: {  	v12 =	vmax.f32 v12, v0;
	v0 =	vld [tilespmem:$0x1FB20];
	_ =	sdelay $0x4  }
0x34a: {  	v14 =	vmax.f32 v14, v0;
	v0 =	vld [tilespmem:$0x1FB30];
	_ =	sdelay $0x4  }
0x34b: {  	v18 =	vmax.f32 v18, v0;
	v0 =	vld [tilespmem:$0x1FB40];
	_ =	sdelay $0x4  }
0x34c: {  	v12 =	vmax.f32 v12, v0;
	v0 =	vld [tilespmem:$0x1FB50];
	_ =	sdelay $0x4  }
0x34d: {  	v14 =	vmax.f32 v14, v0;
	v0 =	vld [tilespmem:$0x1FB60];
	_ =	sdelay $0x4  }
0x34e: {  	v18 =	vmax.f32 v18, v0;
	v0 =	vld [tilespmem:$0x1FB70];
	_ =	sdelay $0x4  }
0x34f: {  	v12 =	vmax.f32 v12, v0;
	v0 =	vld [tilespmem:$0x1FB80];
	_ =	sdelay $0x4  }
0x350: {  	v14 =	vmax.f32 v14, v0;
	v0 =	vld [tilespmem:$0x1FB90];
	_ =	sdelay $0x4  }
0x351: {  	v18 =	vmax.f32 v18, v0;
	v0 =	vld [tilespmem:$0x1FBA0];
	_ =	sdelay $0x4  }
0x352: {  	v12 =	vmax.f32 v12, v0;
	v0 =	vld [tilespmem:$0x1FBB0];
	_ =	sdelay $0x4  }
0x353: {  	v14 =	vmax.f32 v14, v0;
	v0 =	vld [tilespmem:$0x1FBC0];
	_ =	sdelay $0x4  }
0x354: {  	v18 =	vmax.f32 v18, v0;
	v0 =	vld [tilespmem:$0x1FBD0];
	_ =	sdelay $0x4  }
0x355: {  	v12 =	vmax.f32 v12, v0;
	v0 =	vld [tilespmem:$0x1FBE0];
	_ =	sdelay $0x4  }
0x356: {  	v14 =	vmax.f32 v14, v0;
	v0 =	vld [tilespmem:$0x1FBF0];
	_ =	sdelay $0x4  }
0x357: {  	v18 =	vmax.f32 v18, v0;
	v0 =	vld [tilespmem:$0x1FC00];
	_ =	sdelay $0x4  }
0x358: {  	v12 =	vmax.f32 v12, v0;
	v0 =	vld [tilespmem:$0x1FC10];
	_ =	sdelay $0x4  }
0x359: {  	v14 =	vmax.f32 v14, v0;
	v0 =	vld [tilespmem:$0x1FC20];
	_ =	sdelay $0x4  }
0x35a: {  	v18 =	vmax.f32 v18, v0;
	v0 =	vld [tilespmem:$0x1FC30];
	_ =	sdelay $0x4  }
0x35b: {  	v12 =	vmax.f32 v12, v0;
	v0 =	vld [tilespmem:$0x1FC40];
	_ =	sdelay $0x4  }
0x35c: {  	v14 =	vmax.f32 v14, v0;
	v0 =	vld [tilespmem:$0x1FC50];
	_ =	sdelay $0x4  }
0x35d: {  	v18 =	vmax.f32 v18, v0;
	v0 =	vld [tilespmem:$0x1FC60];
	_ =	sdelay $0x4  }
0x35e: {  	v12 =	vmax.f32 v12, v0;
	v0 =	vld [tilespmem:$0x1FC70];
	_ =	sdelay $0x4  }
0x35f: {  	v14 =	vmax.f32 v14, v0;
	v0 =	vld [tilespmem:$0x1FC80];
	_ =	sdelay $0x4  }
0x360: {  	v18 =	vmax.f32 v18, v0;
	v0 =	vld [tilespmem:$0x1FC90];
	_ =	sdelay $0x4  }
0x361: {  	v12 =	vmax.f32 v12, v0;
	v0 =	vld [tilespmem:$0x1FCA0];
	_ =	sdelay $0x4  }
0x362: {  	v14 =	vmax.f32 v14, v0;
	v0 =	vld [tilespmem:$0x1FCB0];
	_ =	sdelay $0x4  }
0x363: {  	v18 =	vmax.f32 v18, v0;
	v0 =	vld [tilespmem:$0x1FCC0];
	_ =	sdelay $0x4  }
0x364: {  	v61 =	vmax.f32 v12, v0;
	v0 =	vld [tilespmem:$0x1FCD0];
	_ =	sdelay $0x4  }
0x365: {  	v62 =	vmax.f32 v14, v0;
	v0 =	vld [tilespmem:$0x1FCE0];
	_ =	sdelay $0x4  }
0x366: {  	v18 =	vmax.f32 v18, v0;
	v0 =	vld [tilespmem:$0x1FCF0];
	_ =	sdelay $0x4  }
0x367: {  	v21 =	vmax.f32 v61, v0;
	v0 =	vld [tilespmem:$0x1FD00];
	_ =	sdelay $0x3  }
0x368: {  	v41 =	vld [tilespmem:$0x42D0]  }
0x369: {  	v58 =	vmax.f32 v62, v0;
	v0 =	vld [tilespmem:$0x1FD10]  }
0x36a: {  	v31 =	vld [tilespmem:$0x4350]  }
0x36b: {  	v40 =	vld [tilespmem:$0x43D0]  }
0x36c: {  	v27 =	vld [tilespmem:$0x4450]  }
0x36d: {  	v37 =	vld [tilespmem:$0x44D0]  }
0x36e: {  	v63 =	vmax.f32 v18, v0;
	v0 =	vld [tilespmem:$0x1FD20]  }
0x36f: {  	v33 =	vld [tilespmem:$0x4550]  }
0x370: {  	v17 =	vld [tilespmem:$0x48D0]  }
0x371: {  	v20 =	vld [tilespmem:$0x4AD0]  }
0x372: {  	v4 =	vld [tilespmem:$0x4ED0]  }
0x373: {  	v21 =	vmax.f32 v21, v0;
	v0 =	vld [tilespmem:$0x1FD30]  }
0x374: {  	v5 =	vld [tilespmem:$0x4E50]  }
0x375: {  	v7 =	vld [tilespmem:$0x5050]  }
0x376: {  	v9 =	vld [tilespmem:$0x4BD0]  }
0x377: {  	v16 =	vld [tilespmem:$0x4B50]  }
0x378: {  	v58 =	vmax.f32 v58, v0;
	v0 =	vld [tilespmem:$0x1FD40]  }
0x379: {  	v34 =	vld [tilespmem:$0x42E0]  }
0x37a: {  	v39 =	vld [tilespmem:$0x4460]  }
0x37b: {  	v46 =	vld [tilespmem:$0x4660]  }
0x37c: {  	v22 =	vld [tilespmem:$0x4FE0]  }
0x37d: {  	v59 =	vmax.f32 v63, v0;
	v0 =	vld [tilespmem:$0x1FD50]  }
0x37e: {  	v24 =	vld [tilespmem:$0x1F4C0]  }
0x37f: {  	v28 =	vld [tilespmem:$0x4EE0]  }
0x380: {  	v32 =	vld [tilespmem:$0x4D60]  }
0x381: {  	v36 =	vld [tilespmem:$0x4860]  }
0x382: {  	[tilespmem:$0x1FEA0] =	vst v9;
	v9 =	vmax.f32 v21, v0;
	v0 =	vld [tilespmem:$0x1FD60]  }
0x383: {  	v42 =	vld [tilespmem:$0x48E0];
	v23 =	vmax.f32 v23, v24  }
0x384: {  	[tilespmem:$0x1FEE0] =	vst v23;
	v23 =	vld [tilespmem:$0x45D0]  }
0x385: {  	v49 =	vld [tilespmem:$0x4960]  }
0x386: {  	v55 =	vld [tilespmem:$0x4BE0]  }
0x387: {  	v58 =	vmax.f32 v58, v0;
	v0 =	vld [tilespmem:$0x1FD70]  }
0x388: {  	v24 =	vld [tilespmem:$0x47D0]  }
0x389: {  	[tilespmem:$0x1FE60] =	vst v23;
	v23 =	vld [tilespmem:$0x4850]  }
0x38a: {  	v19 =	vld [tilespmem:$0x4A50]  }
0x38b: {  	v25 =	vld [tilespmem:$0x4260]  }
0x38c: {  	v59 =	vmax.f32 v59, v0;
	v0 =	vld [tilespmem:$0x1FD80]  }
0x38d: {  	v38 =	vld [tilespmem:$0x4D50]  }
0x38e: {  	v15 =	vld [tilespmem:$0x49D0]  }
0x38f: {  	v13 =	vld [tilespmem:$0x4950]  }
0x390: {  	v25 =	vmax.f32 v25, v34;
	v34 =	vld [tilespmem:$0x44F0]  }
0x391: {  	v60 =	vmax.f32 v9, v0;
	v0 =	vld [tilespmem:$0x1FD90]  }
0x392: {  	[tilespmem:$0x1FED0] =	vst v38;
	v38 =	vld [tilespmem:$0x43E0]  }
0x393: {  	v29 =	vld [tilespmem:$0x4E60]  }
0x394: {  	v8 =	vld [tilespmem:$0x4DD0]  }
0x395: {  	v11 =	vld [tilespmem:$0x4F50]  }
0x396: {  	v58 =	vmax.f32 v58, v0;
	v0 =	vld [tilespmem:$0x1FDA0]  }
0x397: {  	v35 =	vld [tilespmem:$0x4360]  }
0x398: {  	v44 =	vld [tilespmem:$0x4560]  }
0x399: {  	v47 =	vld [tilespmem:$0x46E0]  }
0x39a: {  	v50 =	vld [tilespmem:$0x47E0]  }
0x39b: {  	v59 =	vmax.f32 v59, v0;
	v0 =	vld [tilespmem:$0x1FDB0]  }
0x39c: {  	v52 =	vld [tilespmem:$0x4A60]  }
0x39d: {  	v25 =	vmax.f32 v25, v35;
	v35 =	vld [tilespmem:$0x4B70]  }
0x39e: {  	v25 =	vmax.f32 v25, v38;
	v38 =	vld [tilespmem:$0x4670]  }
0x39f: {  	v25 =	vmax.f32 v25, v39;
	v39 =	vld [tilespmem:$0x1FE60]  }
0x3a0: {  	v60 =	vmax.f32 v60, v0;
	v0 =	vld [tilespmem:$0x1FDC0]  }
0x3a1: {  	v30 =	vld [tilespmem:$0x4DE0]  }
0x3a2: {  	v43 =	vld [tilespmem:$0x44E0]  }
0x3a3: {  	v45 =	vld [tilespmem:$0x45E0]  }
0x3a4: {  	v48 =	vld [tilespmem:$0x4760]  }
0x3a5: {  	v58 =	vmax.f32 v58, v0;
	v0 =	vld [tilespmem:$0x1FDD0]  }
0x3a6: {  	v51 =	vld [tilespmem:$0x49E0]  }
0x3a7: {  	v25 =	vmax.f32 v25, v43;
	v43 =	vld [tilespmem:$0x1FE70]  }
0x3a8: {  	v25 =	vmax.f32 v25, v44;
	v44 =	vld [tilespmem:$0x47F0]  }
0x3a9: {  	v25 =	vmax.f32 v25, v45;
	v45 =	vld [tilespmem:$0x1FE80]  }
0x3aa: {  	v59 =	vmax.f32 v59, v0;
	v0 =	vld [tilespmem:$0x1FDE0]  }
0x3ab: {  	v25 =	vmax.f32 v25, v46;
	v46 =	vld [tilespmem:$0x4870]  }
0x3ac: {  	v25 =	vmax.f32 v25, v47;
	v47 =	vld [tilespmem:$0x4F70]  }
0x3ad: {  	v25 =	vmax.f32 v25, v48;
	v48 =	vld [tilespmem:$0x1FEF0]  }
0x3ae: {  	v53 =	vld [tilespmem:$0x4AE0]  }
0x3af: {  	v60 =	vmax.f32 v60, v0;
	v0 =	vld [tilespmem:$0x1FDF0]  }
0x3b0: {  	v54 =	vld [tilespmem:$0x4B60]  }
0x3b1: {  	v56 =	vld [tilespmem:$0x4C60]  }
0x3b2: {  	v57 =	vld [tilespmem:$0x4CE0]  }
0x3b3: {  	v1 =	vld [tilespmem:$0x1FE20]  }
0x3b4: {  	v58 =	vmax.f32 v58, v0;
	v0 =	vld [tilespmem:$0x1FE00]  }
0x3b5: {  	v26 =	vld [tilespmem:$0x4F60]  }
0x3b6: {  	v12 =	vld [tilespmem:$0x5060]  }
0x3b7: {  	v14 =	vld [tilespmem:$0x50E0]  }
0x3b8: {  	v61 =	vld [tilespmem:$0x4270]  }
0x3b9: {  	v59 =	vmax.f32 v59, v0;
	v0 =	vld [tilespmem:$0x1FE10]  }
0x3ba: {  	v59 =	vmax.f32 v59, v1;
	v1 =	vld [tilespmem:$0x1FE30]  }
0x3bb: {  	v62 =	vld [tilespmem:$0x42F0]  }
0x3bc: {  	v18 =	vld [tilespmem:$0x5160]  }
0x3bd: {  	v9 =	vld [tilespmem:$0x1FE50]  }
0x3be: {  	v63 =	vld [tilespmem:$0x4370];
	v60 =	vmax.f32 v60, v0  }
0x3bf: {  	v60 =	vmax.f32 v60, v1;
	v1 =	vld [tilespmem:$0x1FE40]  }
0x3c0: {  	v0 =	vld [tilespmem:$0x43F0]  }
0x3c1: {  	v21 =	vld [tilespmem:$0x51E0]  }
0x3c2: {  	v60 =	vmax.f32 v60, v9;
	v9 =	vmax.f32 v61, v62;
	v61 =	vld [tilespmem:$0x4570]  }
0x3c3: {  	v62 =	vmax.f32 v9, v63;
	v63 =	vld [tilespmem:$0x45F0]  }
0x3c4: {  	v41 =	vmax.f32 v1, v41;
	v1 =	vld [tilespmem:$0x4470]  }
0x3c5: {  	v0 =	vmax.f32 v62, v0;
	v62 =	vld [tilespmem:$0x48F0];
	v31 =	vmax.f32 v41, v31  }
0x3c6: {  	v41 =	vld [tilespmem:$0x4770];
	v31 =	vmax.f32 v31, v40  }
0x3c7: {  	v40 =	vld [tilespmem:$0x1FEB0];
	v27 =	vmax.f32 v31, v27  }
0x3c8: {  	v27 =	vmax.f32 v27, v37;
	v37 =	vld [tilespmem:$0x4CF0]  }
0x3c9: {  	v0 =	vmax.f32 v0, v1;
	v1 =	vld [tilespmem:$0x46F0]  }
0x3ca: {  	v27 =	vmax.f32 v27, v33;
	v33 =	vld [tilespmem:$0x4AF0];
	v0 =	vmax.f32 v0, v34  }
0x3cb: {  	v0 =	vmax.f32 v0, v61;
	v61 =	vld [tilespmem:$0x1FE90]  }
0x3cc: {  	v27 =	vmax.f32 v27, v39;
	v39 =	vld [tilespmem:$0x4D70]  }
0x3cd: {  	v27 =	vmax.f32 v27, v43;
	v43 =	vld [tilespmem:$0x1FED0]  }
0x3ce: {  	v27 =	vmax.f32 v27, v45;
	v0 =	vmax.f32 v0, v63;
	v45 =	vld [tilespmem:$0x1FEE0]  }
0x3cf: {  	v0 =	vmax.f32 v0, v38;
	v38 =	vld [tilespmem:$0x1FEA0]  }
0x3d0: {  	v0 =	vmax.f32 v0, v1;
	v1 =	vld [tilespmem:$0x4970];
	v27 =	vmax.f32 v27, v61  }
0x3d1: {  	v0 =	vmax.f32 v0, v41;
	v41 =	vld [tilespmem:$0x4DF0];
	v24 =	vmax.f32 v27, v24  }
0x3d2: {  	v0 =	vmax.f32 v0, v44;
	v23 =	vmax.f32 v24, v23;
	v24 =	vmax.f32 v25, v50;
	v25 =	vld [tilespmem:$0x49F0]  }
0x3d3: {  	v0 =	vmax.f32 v0, v46;
	v17 =	vmax.f32 v23, v17;
	v63 =	vmax.f32 v24, v36;
	v24 =	vld [tilespmem:$0x4A70]  }
0x3d4: {  	v44 =	vld [tilespmem:$0x4EF0];
	v0 =	vmax.f32 v0, v62;
	v13 =	vmax.f32 v17, v13;
	v9 =	vmax.f32 v63, v42  }
0x3d5: {  	v0 =	vmax.f32 v0, v1;
	v1 =	vld [tilespmem:$0x4BF0];
	v13 =	vmax.f32 v13, v15;
	v34 =	vmax.f32 v9, v49  }
0x3d6: {  	v42 =	vld [tilespmem:$0x1FEC0];
	v13 =	vmax.f32 v13, v19;
	v15 =	vmax.f32 v34, v51  }
0x3d7: {  	v36 =	vld [tilespmem:$0x4C70];
	v13 =	vmax.f32 v13, v20;
	v15 =	vmax.f32 v15, v52;
	v0 =	vmax.f32 v0, v25  }
0x3d8: {  	v61 =	vld [tilespmem:$0x1FF20];
	v13 =	vmax.f32 v13, v16;
	v15 =	vmax.f32 v15, v53;
	v0 =	vmax.f32 v0, v24  }
0x3d9: {  	v50 =	vld [tilespmem:$0x4FF0];
	v13 =	vmax.f32 v13, v38;
	v15 =	vmax.f32 v15, v54;
	v0 =	vmax.f32 v0, v33  }
0x3da: {  	v62 =	vld [tilespmem:$0x1FF30];
	v13 =	vmax.f32 v13, v40;
	v15 =	vmax.f32 v15, v55;
	v0 =	vmax.f32 v0, v35  }
0x3db: {  	v13 =	vmax.f32 v13, v42;
	v15 =	vmax.f32 v15, v56;
	v0 =	vmax.f32 v0, v1;
	v1 =	vld [tilespmem:$0x4E70]  }
0x3dc: {  	v54 =	vld [tilespmem:$0x1FF10];
	v13 =	vmax.f32 v13, v43;
	v15 =	vmax.f32 v15, v57;
	v0 =	vmax.f32 v0, v36  }
0x3dd: {  	[tilespmem:$0x5290] =	vst v48;
	v63 =	vld [tilespmem:$0x1FF40];
	v8 =	vmax.f32 v13, v8;
	v46 =	vmax.f32 v15, v32;
	v0 =	vmax.f32 v0, v37  }
0x3de: {  	[tilespmem:$0x52B0] =	vst v10;
	v51 =	vld [tilespmem:$0x1FF00];
	v5 =	vmax.f32 v8, v5;
	v49 =	vmax.f32 v46, v30;
	v0 =	vmax.f32 v0, v39  }
0x3df: {  	[tilespmem:$0x52C0] =	vst v6;
	v53 =	vld [tilespmem:$0x5070];
	v4 =	vmax.f32 v5, v4;
	v52 =	vmax.f32 v49, v29;
	v0 =	vmax.f32 v0, v41  }
0x3e0: {  	[tilespmem:$0x52D0] =	vst v3;
	v4 =	vmax.f32 v4, v11;
	v5 =	vmax.f32 v52, v28;
	v0 =	vmax.f32 v0, v1;
	v1 =	vld [tilespmem:$0x50F0]  }
0x3e1: {  	[tilespmem:$0x52E0] =	vst v58;
	v55 =	vld [tilespmem:$0x5170];
	v4 =	vmax.f32 v4, v54;
	v5 =	vmax.f32 v5, v26;
	v0 =	vmax.f32 v0, v44  }
0x3e2: {  	[tilespmem:$0x52F0] =	vst v59;
	v57 =	vld [tilespmem:$0x51F0];
	v3 =	vmax.f32 v4, v7;
	v56 =	vmax.f32 v5, v22;
	v0 =	vmax.f32 v0, v47  }
0x3e3: {  	s18 =	sshll.u32 s9, $0x5;
	s9 =	sadd.s32 $0x1, s9;
	[tilespmem:$0x5380] =	vst v60;
	v3 =	vmax.f32 v3, v61;
	v4 =	vmax.f32 v56, v12;
	v0 =	vmax.f32 v0, v50  }
0x3e4: {  	p0 =	sne.s32 s9, $0x40;
	[tilespmem:$0x5280] =	vst v45;
	v3 =	vmax.f32 v3, v62;
	v4 =	vmax.f32 v4, v14;
	v0 =	vmax.f32 v0, v53  }
.Ltmp3:
0x3e5: {  	[tilespmem:$0x52A0] =	vst v51;
	v3 =	vmax.f32 v3, v63;
	v4 =	vmax.f32 v4, v18;
	v0 =	vmax.f32 v0, v1;
	(pc) =	sbr.rel @!p0 .LBB2_25-.Ltmp3, $4  }
0x3e6: {  	s20 =	sshll.u32 s10, $0x5;
	s2 =	sand.u32 $0x60, s18;
	s4 =	rddreg [dreg:$0x2];
	[tilespmem:$0x5390] =	vst v3;
	v1 =	vmax.f32 v4, v21;
	v0 =	vmax.f32 v0, v55  }
0x3e7: {  	s3 =	sand.u32 $0x1FF00, s20;
	s2 =	sadd.s32 s4, s2;
	[tilespmem:$0x53A0] =	vst v1;
	v0 =	vmax.f32 v0, v57  }
0x3e8: {  	s2 =	sadd.s32 s3, s2;
	[tilespmem:$0x53B0] =	vst v0  }
0x3e9: {  	v25 =	vimm.s32 $0x4000;
	v24 =	vld [tilespmem:$0x1FFF0];
	[hbm4b:s2+s31] =	stream.strided.scatter [tilespmem:s0], [sflag:$0x7], $0x200, s12, s31, $0x38  }
.LBB2_2:
0x3ea: {  	_ =	swait.ge [sflag:s14], $0x1000  }
.Ltmp4:
0x3eb: {  	[sflag:s14] =	ssyncset.done $0x0;
	(pc) =	sbr.rel .LBB2_3-.Ltmp4, $4  }
0x3ec: {  	[sflag:s14] =	ssyncadd.s32 $0xFFFFF000  }
0x3ed: {  	[tilespmem:$0x2000] =	vst v25  }
0x3ee: {  	[tilespmem:$0x2100] =	vst v25  }
0x3ef: {  	s8 =	simm.s32 $0x0;
	v5 =	vimm.s32 $0x0;
	s10 =	simm.s32 $0x20;
	s2 =	simm.s32 $0x40;
	v4 =	vimm.s32 $0x0;
	[tilespmem:$0x2110] =	vst v25;
	v3 =	vmov v24  }
.LBB2_5:
0x3f0: {  	v3 =	vadd.s32 $0x400, v3  }
.LBB2_12:
0x3f1: {  	s8 =	sadd.s32 $0x1, s8  }
0x3f2: {  	p0 =	sne.s32 s8, $0x4  }
.Ltmp5:
0x3f3: {  	_ = 	snop;
	(pc) =	sbr.rel @!p0 .LBB2_13-.Ltmp5, $2  }
0x3f4: {  	_ =	sdelay $0x2  }
0x3f5: {  	s10 =	sadd.s32 $0x400, s10;
	s2 =	sadd.s32 $0x400, s2  }
.LBB2_3:
0x3f6: {  	v0 =	vshll.u32 v4, $0x10  }
0x3f7: {  	v0 =	vadd.s32 v5, v0  }
0x3f8: {  	v0 =	vxor.u32 $0x80000000, v0  }
0x3f9: {  	(xrf0) =	vmax.scan.msk.u32 $0xffff, v0;
	_ =	sdelay $0x5  }
0x3fa: {  	v0, _, _ =	vpop (xrf0)  }
0x3fb: {  	(v2sf) =	vpush v0, $0xF;
	_ =	sdelay $0xe  }
0x3fc: {  	s4 =	spop (v2sf)  }
0x3fd: {  	s3 =	sxor.u32 $0x80000000, s4  }
0x3fe: {  	p1 =	sgt.s32 s4, $0xFFFFFFFF;
	s4 =	sand.u32 $0xFFFF, s4;
	p0 =	slt.s32 s3, $0x1  }
0x3ff: {  	s18 =	sshra.s32 s3, $0x1F;
	p6 =	sne.s32 s4, $0x0;
	p0 =	por p1, p0  }
0x400: {  	s20 =	sshrl.u32 s18, $0x10;
	p0 =	por !p6, !p0  }
0x401: {  	s18 =	simm.s32 $0x1;
	s4 =	sadd.s32 s20, s3;
	p0 =	por !p0, !p0  }
0x402: {  	s4 =	sshra.s32 s4, $0x10;
	s18 =	simm.s32 @!p0 $0x0  }
0x403: {  	s4 =	ssub.s32 s4, s18  }
0x404: {  	p0 =	slt.s32 s4, $0x10  }
.Ltmp6:
0x405: {  	_ = 	snop;
	(pc) =	sbr.rel @p0 .LBB2_9-.Ltmp6, $1  }
0x406: {  	_ =	sdelay $0x3  }
0x407: {  	s4 =	sshll.u32 s4, $0x10  }
0x408: {  	s3 =	ssub.s32 s3, s4  }
0x409: {  	p0 =	slt.s32 s3, $0x20  }
.Ltmp7:
0x40a: {  	_ = 	snop;
	(pc) =	sbr.rel @!p0 .LBB2_5-.Ltmp7, $1  }
0x40b: {  	_ =	sdelay $0x3  }
0x40c: {  	v0 =	vld [tilespmem:s2+$0xFFFFFFE0]  }
0x40d: {  	v1 =	vld [tilespmem:s2+$0xFFFFFFF0]  }
0x40e: {  	v6 =	vld [tilespmem:s2+$0x0]  }
0x40f: {  	v7 =	vld [tilespmem:s2+$0x10]  }
0x410: {  	v8 =	vld [tilespmem:s2+$0x20]  }
0x411: {  	v9 =	vld [tilespmem:s2+$0xFFFFFFC0]  }
0x412: {  	v10 =	vld [tilespmem:s2+$0xFFFFFFD0]  }
0x413: {  	vm0 =	vge.f32 v0, $2.250000000e+00  }
0x414: {  	vm1 =	vlt.f32 v0, $9.000000000e+00;
	vm2 =	vge.f32 v1, $2.250000000e+00;
	vm6 =	vlt.f32 v1, $9.000000000e+00  }
0x415: {  	vm7 =	vge.f32 v6, $2.250000000e+00;
	vm8 =	vlt.f32 v6, $9.000000000e+00;
	vm9 =	vge.f32 v7, $2.250000000e+00  }
0x416: {  	vm10 =	vlt.f32 v7, $9.000000000e+00;
	vm3 =	vge.f32 v9, $2.250000000e+00;
	vm4 =	vlt.f32 v9, $9.000000000e+00  }
0x417: {  	vm11 =	vge.f32 v8, $2.250000000e+00;
	vm5 =	vlt.f32 v10, $9.000000000e+00;
	vm4 =	vmand vm3, vm4  }
0x418: {  	vm12 =	vlt.f32 v8, $9.000000000e+00;
	vm3 =	vge.f32 v10, $2.250000000e+00;
	v1 =	vmpcnt.ones.xlane vm4  }
0x419: {  	vm5 =	vmand vm3, vm5;
	vm3 =	vmand vm0, vm1;
	vm1 =	vmand vm2, vm6  }
0x41a: {  	vm2 =	vmand vm7, vm8;
	vm0 =	vmand vm9, vm10;
	vm7 =	vmand vm11, vm12  }
0x41b: {  	v0 =	vld [tilespmem:s2+$0x30];
	v11 =	vsel vm4, $0x1, v2;
	v17 =	vsel vm4, $0xFFFFFFFF, v2;
	v6 =	vmpcnt.ones.xlane vm5  }
0x41c: {  	v7 =	vmpcnt.ones.xlane vm3;
	v9 =	vmpcnt.ones.xlane vm2;
	v13 =	vsel vm5, $0x1, v2  }
0x41d: {  	v14 =	vsel vm3, $0x1, v2;
	(xrf0) =	vadd.scan.msk.s32 $0xffff, v11;
	v11 =	vsel vm1, $0x1, v2;
	v15 =	vsel vm2, $0x1, v2  }
0x41e: {  	v16 =	vsel vm7, $0x1, v2;
	v18 =	vsel vm5, $0xFFFFFFFF, v2;
	v19 =	vsel vm1, $0xFFFFFFFF, v2  }
0x41f: {  	v20 =	vsel vm0, $0xFFFFFFFF, v2;
	v50 =	vsel vm7, $0xFFFFFFFF, v2;
	v1 =	vadd.s32 v5, v1  }
0x420: {  	(xrf0) =	vadd.scan.msk.s32 $0xffff, v13;
	v13 =	vsel vm0, $0x1, v2;
	v5 =	vadd.s32 v17, v5;
	vm13 =	vge.f32 v0, $2.250000000e+00  }
0x421: {  	v8 =	vadd.s32 v1, v6;
	v6 =	vmpcnt.ones.xlane vm1;
	vm6 =	vlt.f32 v0, $9.000000000e+00  }
0x422: {  	(xrf0) =	vadd.scan.msk.s32 $0xffff, v14;
	v1 =	vadd.s32 v18, v1;
	v7 =	vadd.s32 v8, v7;
	vm6 =	vmand vm13, vm6  }
0x423: {  	(xrf0) =	vadd.scan.msk.s32 $0xffff, v11;
	v11 =	vsel vm3, $0xFFFFFFFF, v2;
	v10 =	vadd.s32 v7, v6;
	v6 =	vmpcnt.ones.xlane vm0  }
0x424: {  	v14 =	vsel vm6, $0x1, v2;
	(xrf0) =	vadd.scan.msk.s32 $0xffff, v15;
	v15 =	vsel vm2, $0xFFFFFFFF, v2;
	v8 =	vadd.s32 v11, v8  }
0x425: {  	v7 =	vadd.s32 v19, v7;
	v0 =	vadd.s32 v10, v9;
	v9 =	vmpcnt.ones.xlane vm7  }
0x426: {  	(xrf0) =	vadd.scan.msk.s32 $0xffff, v13;
	v13 =	vsel vm6, $0xFFFFFFFF, v2;
	v12 =	vadd.s32 v0, v6;
	v6 =	vmpcnt.ones.xlane vm6  }
0x427: {  	v10 =	vadd.s32 v15, v10;
	v0 =	vadd.s32 v20, v0;
	v9 =	vadd.s32 v12, v9;
	v15, _, _ =	vpop (xrf0);
	(xrf0) =	vadd.scan.msk.s32 $0xffff, v16  }
0x428: {  	v12 =	vadd.s32 v50, v12;
	v6 =	vadd.s32 v9, v6;
	v9 =	vadd.s32 v13, v9;
	v11, _, _ =	vpop (xrf0);
	(xrf0) =	vadd.scan.msk.s32 $0xffff, v14  }
0x429: {  	v5 =	vadd.s32 v15, v5;
	v13 =	vimm.s32 $0x0;
	v1 =	vadd.s32 v11, v1;
	v11, _, _ =	vpop (xrf0)  }
0x42a: {  	vm13 =	vlt.s32 v5, $0x20;
	vm8 =	vlt.s32 v1, $0x20;
	v8 =	vadd.s32 v11, v8;
	v11, _, _ =	vpop (xrf0)  }
0x42b: {  	vm4 =	vmand vm4, vm13;
	vm14 =	vlt.s32 v8, $0x20;
	v7 =	vadd.s32 v11, v7;
	v11, _, _ =	vpop (xrf0)  }
0x42c: {  	v13 =	vsel vm4, $0xFFFFFFFF, v13;
	vm10 =	vmand vm5, vm8;
	v10 =	vadd.s32 v11, v10;
	v11, _, _ =	vpop (xrf0)  }
0x42d: {  	vm15 =	vlt.s32 v7, $0x20;
	vm11 =	vmand vm3, vm14;
	v0 =	vadd.s32 v11, v0;
	v11, _, _ =	vpop (xrf0)  }
0x42e: {  	vm5 =	vlt.s32 v10, $0x20;
	vm12 =	vmand vm1, vm15;
	v11 =	vadd.s32 v11, v12;
	v12, _, _ =	vpop (xrf0)  }
0x42f: {  	s4 =	sadd.s32 $0x80, s2;
	[tilespmem:$0x1FFD0] =	vst v13;
	vm2 =	vmand vm2, vm5;
	v9 =	vadd.s32 v12, v9;
	v12 =	vimm.s32 $0x0  }
0x430: {  	v13 =	vld [tilespmem:s4+$0xFFFFFFE0];
	v12 =	vsel vm2, $0xFFFFFFFF, v12  }
0x431: {  	v15 =	vadd.s32 $0x10, v3;
	v14 =	vld [tilespmem:s4+$0xFFFFFFF0];
	[tilespmem:$0x1FFE0] =	vst v12  }
0x432: {  	v53 =	vadd.s32 $0x20, v3;
	v12 =	vld [tilespmem:s4+$0xFFFFFFC0];
	[tilespmem:v1+s15+$0x0] =	vst.idx.msk vm10, v15  }
0x433: {  	v54 =	vadd.s32 $0x30, v3;
	v51 =	vld [tilespmem:s4+$0xFFFFFFD0];
	[tilespmem:v8+s15+$0x0] =	vst.idx.msk vm11, v53  }
0x434: {  	vm1 =	vlt.s32 v11, $0x20;
	[tilespmem:v7+s15+$0x0] =	vst.idx.msk vm12, v54  }
0x435: {  	vm3 =	vlt.s32 v0, $0x20;
	vm8 =	vmand vm7, vm1;
	vm1 =	vlt.s32 v9, $0x20;
	v7 =	vld [tilespmem:$0x1FFD0]  }
0x436: {  	vm9 =	vmand vm0, vm3;
	vm7 =	vmand vm6, vm1;
	vm4 =	vge.f32 v13, $2.250000000e+00  }
0x437: {  	vm1 =	vlt.f32 v13, $9.000000000e+00;
	vm2 =	vge.f32 v12, $2.250000000e+00;
	vm3 =	vlt.f32 v12, $9.000000000e+00  }
0x438: {  	vm5 =	vmand vm2, vm3;
	vm2 =	vge.f32 v51, $2.250000000e+00;
	vm3 =	vlt.f32 v51, $9.000000000e+00  }
0x439: {  	vm13 =	vge.f32 v14, $2.250000000e+00;
	vm14 =	vlt.f32 v14, $9.000000000e+00;
	vm2 =	vmand vm2, vm3  }
0x43a: {  	vm3 =	vmand vm4, vm1;
	vm1 =	vmand vm13, vm14;
	vm13 =	vnez.u8 v7  }
0x43b: {  	v13 =	vld [tilespmem:s4+$0x20]  }
0x43c: {  	v52 =	vld [tilespmem:s4+$0x0]  }
0x43d: {  	v21 =	vld [tilespmem:s4+$0x10];
	v14 =	vadd.s32 $0x60, v3  }
0x43e: {  	v56 =	vld [tilespmem:s4+$0x30];
	[tilespmem:v11+s15+$0x0] =	vst.idx.msk vm8, v14;
	v12 =	vadd.s32 $0x70, v3;
	v1 =	vmpcnt.ones.xlane vm5  }
0x43f: {  	[tilespmem:v9+s15+$0x0] =	vst.idx.msk vm7, v12;
	v8 =	vmpcnt.ones.xlane vm2  }
0x440: {  	vm10 =	vge.f32 v13, $2.250000000e+00;
	vm11 =	vlt.f32 v13, $9.000000000e+00;
	v13 =	vadd.s32 v6, v1;
	[tilespmem:v5+s15+$0x0] =	vst.idx.msk vm13, v3  }
0x441: {  	v55 =	vadd.s32 $0x40, v3;
	v15 =	vadd.s32 v13, v8;
	v8 =	vld [tilespmem:$0x1FFE0]  }
0x442: {  	v22 =	vadd.s32 $0x50, v3;
	vm15 =	vge.f32 v52, $2.250000000e+00;
	vm0 =	vlt.f32 v52, $9.000000000e+00  }
0x443: {  	vm6 =	vge.f32 v21, $2.250000000e+00;
	vm12 =	vge.f32 v56, $2.250000000e+00;
	vm7 =	vmand vm10, vm11  }
0x444: {  	vm0 =	vmand vm15, vm0;
	vm4 =	vlt.f32 v21, $9.000000000e+00;
	v58 =	vsel vm7, $0x1, v2  }
0x445: {  	vm4 =	vmand vm6, vm4;
	v9 =	vsel vm2, $0x1, v2;
	v11 =	vsel vm3, $0x1, v2  }
0x446: {  	v60 =	vsel vm2, $0xFFFFFFFF, v2;
	v1 =	vmpcnt.ones.xlane vm3;
	vm6 =	vnez.u8 v8  }
0x447: {  	v61 =	vsel vm3, $0xFFFFFFFF, v2;
	v62 =	vsel vm1, $0xFFFFFFFF, v2;
	v57 =	vsel vm4, $0x1, v2  }
0x448: {  	v13 =	vadd.s32 v60, v13;
	v14 =	vadd.s32 v15, v1;
	v5 =	vmpcnt.ones.xlane vm1  }
0x449: {  	v1 =	vmpcnt.ones.xlane vm0;
	vm13 =	vlt.f32 v56, $9.000000000e+00;
	[tilespmem:v0+s15+$0x0] =	vst.idx.msk vm9, v22;
	v0 =	vsel vm5, $0x1, v2  }
0x44a: {  	v7 =	vadd.s32 v14, v5;
	v5 =	vmpcnt.ones.xlane vm4;
	(xrf0) =	vadd.scan.msk.s32 $0xffff, v0;
	v0 =	vsel vm1, $0x1, v2  }
0x44b: {  	v1 =	vadd.s32 v7, v1;
	(xrf0) =	vadd.scan.msk.s32 $0xffff, v9;
	v9 =	vsel vm5, $0xFFFFFFFF, v2;
	v8 =	vmpcnt.ones.xlane vm7  }
0x44c: {  	(xrf0) =	vadd.scan.msk.s32 $0xffff, v11;
	v11 =	vsel vm0, $0xFFFFFFFF, v2;
	[tilespmem:v10+s15+$0x0] =	vst.idx.msk vm6, v55;
	v10 =	vadd.s32 v1, v5  }
0x44d: {  	(xrf0) =	vadd.scan.msk.s32 $0xffff, v0;
	v0 =	vsel vm4, $0xFFFFFFFF, v2;
	v12 =	vadd.s32 v10, v8;
	v8 =	vsel vm0, $0x1, v2  }
0x44e: {  	v0 =	vadd.s32 v0, v1;
	vm6 =	vmand vm12, vm13;
	v1 =	vsel vm7, $0xFFFFFFFF, v2;
	(xrf0) =	vadd.scan.msk.s32 $0xffff, v8  }
0x44f: {  	v5 =	vmpcnt.ones.xlane vm6;
	v59 =	vsel vm6, $0x1, v2;
	v63 =	vsel vm6, $0xFFFFFFFF, v2;
	(xrf0) =	vadd.scan.msk.s32 $0xffff, v57  }
0x450: {  	v8 =	vadd.s32 v11, v7;
	v7 =	vadd.s32 v1, v10;
	v1 =	vadd.s32 v63, v12;
	v11, _, _ =	vpop (xrf0);
	(xrf0) =	vadd.scan.msk.s32 $0xffff, v58  }
0x451: {  	s3 =	simm.s32 $0x8;
	v10 =	vadd.s32 v62, v14;
	v5 =	vadd.s32 v12, v5;
	v12 =	vadd.s32 v61, v15;
	v14, _, _ =	vpop (xrf0);
	(xrf0) =	vadd.scan.msk.s32 $0xffff, v59  }
.LBB2_7:
0x452: {  	s3 =	sadd.s32 $0x8, s3;
	v15 =	vadd.s32 v9, v6;
	v9 =	vadd.s32 v14, v13;
	v13, _, _ =	vpop (xrf0);
	v3 =	vadd.s32 $0x80, v3  }
0x453: {  	p0 =	slt.u32 s3, $0x38;
	v11 =	vadd.s32 v11, v15;
	vm8 =	vlt.s32 v9, $0x20;
	v12 =	vadd.s32 v13, v12;
	v6, _, _ =	vpop (xrf0)  }
0x454: {  	vm9 =	vlt.s32 v11, $0x20;
	vm10 =	vlt.s32 v12, $0x20;
	v10 =	vadd.s32 v6, v10;
	v6, _, _ =	vpop (xrf0)  }
0x455: {  	s4 =	sadd.s32 $0x80, s4;
	vm5 =	vmand vm5, vm9;
	vm9 =	vlt.s32 v10, $0x20;
	v8 =	vadd.s32 v6, v8;
	v6, _, _ =	vpop (xrf0)  }
0x456: {  	vm8 =	vmand vm2, vm8;
	v13 =	vld [tilespmem:s4+$0xFFFFFFE0];
	vm11 =	vlt.s32 v8, $0x20;
	v0 =	vadd.s32 v6, v0;
	v6, _, _ =	vpop (xrf0)  }
0x457: {  	vm2 =	vmand vm3, vm10;
	v14 =	vld [tilespmem:s4+$0xFFFFFFF0];
	vm10 =	vlt.s32 v0, $0x20;
	v7 =	vadd.s32 v6, v7;
	v6, _, _ =	vpop (xrf0)  }
0x458: {  	vm3 =	vmand vm1, vm9;
	v15 =	vld [tilespmem:s4+$0x0];
	vm1 =	vlt.s32 v7, $0x20;
	v1 =	vadd.s32 v6, v1;
	v6 =	vmovc v5  }
0x459: {  	vm0 =	vmand vm0, vm11;
	v16 =	vld [tilespmem:s4+$0x10];
	vm9 =	vmand vm7, vm1;
	vm7 =	vlt.s32 v1, $0x20  }
0x45a: {  	v18 =	vadd.s32 $0x10, v3;
	vm1 =	vmand vm4, vm10;
	v17 =	vld [tilespmem:s4+$0x20];
	vm12 =	vmand vm6, vm7  }
0x45b: {  	v20 =	vadd.s32 $0x30, v3;
	v21 =	vadd.s32 $0x40, v3;
	v19 =	vld [tilespmem:s4+$0xFFFFFFC0];
	[tilespmem:v11+s15+$0x0] =	vst.idx.msk vm5, v3;
	v11 =	vadd.s32 $0x20, v3  }
0x45c: {  	v23 =	vadd.s32 $0x70, v3;
	v22 =	vld [tilespmem:s4+$0xFFFFFFD0];
	[tilespmem:v9+s15+$0x0] =	vst.idx.msk vm8, v18;
	v9 =	vadd.s32 $0x50, v3;
	v18 =	vadd.s32 $0x60, v3  }
0x45d: {  	vm13 =	vge.f32 v13, $2.250000000e+00;
	vm14 =	vlt.f32 v13, $9.000000000e+00;
	vm4 =	vge.f32 v14, $2.250000000e+00;
	v13 =	vld [tilespmem:s4+$0x30];
	[tilespmem:v12+s15+$0x0] =	vst.idx.msk vm2, v11  }
0x45e: {  	vm15 =	vlt.f32 v14, $9.000000000e+00;
	vm7 =	vge.f32 v15, $2.250000000e+00;
	vm10 =	vlt.f32 v15, $9.000000000e+00;
	[tilespmem:v10+s15+$0x0] =	vst.idx.msk vm3, v20  }
0x45f: {  	vm8 =	vge.f32 v16, $2.250000000e+00;
	vm11 =	vlt.f32 v16, $9.000000000e+00;
	vm6 =	vge.f32 v17, $2.250000000e+00;
	[tilespmem:v7+s15+$0x0] =	vst.idx.msk vm9, v18  }
0x460: {  	vm9 =	vlt.f32 v17, $9.000000000e+00;
	vm2 =	vge.f32 v19, $2.250000000e+00;
	vm3 =	vlt.f32 v19, $9.000000000e+00;
	[tilespmem:v1+s15+$0x0] =	vst.idx.msk vm12, v23  }
0x461: {  	vm5 =	vmand vm2, vm3;
	vm2 =	vge.f32 v22, $2.250000000e+00;
	vm3 =	vlt.f32 v22, $9.000000000e+00;
	[tilespmem:v8+s15+$0x0] =	vst.idx.msk vm0, v21  }
0x462: {  	v1 =	vmpcnt.ones.xlane vm5;
	vm2 =	vmand vm2, vm3;
	vm12 =	vge.f32 v13, $2.250000000e+00;
	[tilespmem:v0+s15+$0x0] =	vst.idx.msk vm1, v9  }
0x463: {  	vm3 =	vmand vm13, vm14;
	vm13 =	vlt.f32 v13, $9.000000000e+00;
	v0 =	vmpcnt.ones.xlane vm2  }
0x464: {  	vm1 =	vmand vm4, vm15;
	v10 =	vadd.s32 v5, v1;
	v1 =	vmpcnt.ones.xlane vm3  }
0x465: {  	vm0 =	vmand vm7, vm10;
	v12 =	vadd.s32 v10, v0;
	v0 =	vmpcnt.ones.xlane vm1  }
0x466: {  	vm4 =	vmand vm8, vm11;
	v14 =	vadd.s32 v12, v1;
	v1 =	vmpcnt.ones.xlane vm0  }
0x467: {  	vm7 =	vmand vm6, vm9;
	v7 =	vadd.s32 v14, v0;
	v0 =	vmpcnt.ones.xlane vm4  }
0x468: {  	vm6 =	vmand vm12, vm13;
	v5 =	vmpcnt.ones.xlane vm7;
	v1 =	vadd.s32 v7, v1  }
0x469: {  	v8 =	vsel vm5, $0x1, v2;
	v11 =	vadd.s32 v1, v0;
	v0 =	vmpcnt.ones.xlane vm6  }
0x46a: {  	v9 =	vsel vm2, $0x1, v2;
	v13 =	vsel vm3, $0x1, v2;
	v15 =	vadd.s32 v11, v5;
	(xrf0) =	vadd.scan.msk.s32 $0xffff, v8  }
0x46b: {  	v16 =	vsel vm0, $0x1, v2;
	v8 =	vsel vm1, $0x1, v2;
	v5 =	vadd.s32 v15, v0;
	(xrf0) =	vadd.scan.msk.s32 $0xffff, v9  }
0x46c: {  	v18 =	vsel vm7, $0x1, v2;
	v17 =	vsel vm4, $0x1, v2;
	v19 =	vsel vm6, $0x1, v2;
	(xrf0) =	vadd.scan.msk.s32 $0xffff, v13  }
.Ltmp8:
0x46d: {  	v20 =	vsel vm3, $0xFFFFFFFF, v2;
	v9 =	vsel vm5, $0xFFFFFFFF, v2;
	v13 =	vsel vm2, $0xFFFFFFFF, v2;
	(xrf0) =	vadd.scan.msk.s32 $0xffff, v8;
	(pc) =	sbr.rel @p0 .LBB2_7-.Ltmp8, $4  }
0x46e: {  	v21 =	vsel vm1, $0xFFFFFFFF, v2;
	v0 =	vsel vm4, $0xFFFFFFFF, v2;
	v8 =	vsel vm0, $0xFFFFFFFF, v2;
	(xrf0) =	vadd.scan.msk.s32 $0xffff, v16  }
0x46f: {  	v0 =	vadd.s32 v0, v1;
	v1 =	vsel vm7, $0xFFFFFFFF, v2;
	v16 =	vsel vm6, $0xFFFFFFFF, v2;
	(xrf0) =	vadd.scan.msk.s32 $0xffff, v17  }
0x470: {  	v8 =	vadd.s32 v8, v7;
	v7 =	vadd.s32 v1, v11;
	v1 =	vadd.s32 v16, v15;
	v11, _, _ =	vpop (xrf0);
	(xrf0) =	vadd.scan.msk.s32 $0xffff, v18  }
0x471: {  	v12 =	vadd.s32 v20, v12;
	v13 =	vadd.s32 v13, v10;
	v10 =	vadd.s32 v21, v14;
	v14, _, _ =	vpop (xrf0);
	(xrf0) =	vadd.scan.msk.s32 $0xffff, v19  }
0x472: {  	v55, _, _ =	vpop (xrf0)  }
0x473: {  	v6 =	vadd.s32 v9, v6;
	v13 =	vadd.s32 v14, v13;
	v3 =	vadd.s32 $0x80, v3;
	v56, _, _ =	vpop (xrf0)  }
0x474: {  	v6 =	vadd.s32 v11, v6;
	v9 =	vadd.s32 v55, v12;
	vm9 =	vlt.s32 v13, $0x20;
	v57, _, _ =	vpop (xrf0)  }
0x475: {  	v61 =	vadd.s32 $0x10, v3;
	vm8 =	vlt.s32 v6, $0x20;
	vm2 =	vmand vm2, vm9;
	v58, _, _ =	vpop (xrf0)  }
0x476: {  	v10 =	vadd.s32 v56, v10;
	vm14 =	vlt.s32 v9, $0x20;
	vm5 =	vmand vm5, vm8;
	v59, _, _ =	vpop (xrf0)  }
0x477: {  	vm3 =	vmand vm3, vm14;
	vm15 =	vlt.s32 v10, $0x20;
	v7 =	vadd.s32 v59, v7;
	v60, _, _ =	vpop (xrf0)  }
0x478: {  	vm1 =	vmand vm1, vm15;
	vm12 =	vlt.s32 v7, $0x20;
	v1 =	vadd.s32 v60, v1  }
0x479: {  	v8 =	vadd.s32 v57, v8;
	vm7 =	vmand vm7, vm12;
	vm13 =	vlt.s32 v1, $0x20  }
0x47a: {  	vm14 =	vlt.s32 v8, $0x20;
	v0 =	vadd.s32 v58, v0;
	vm6 =	vmand vm6, vm13  }
0x47b: {  	vm15 =	vlt.s32 v0, $0x20;
	vm0 =	vmand vm0, vm14;
	[tilespmem:v13+s15+$0x0] =	vst.idx.msk vm2, v61  }
0x47c: {  	vm4 =	vmand vm4, vm15;
	[tilespmem:v6+s15+$0x0] =	vst.idx.msk vm5, v3;
	v6 =	vadd.s32 $0x20, v3  }
0x47d: {  	v62 =	vadd.s32 $0x30, v3;
	[tilespmem:v9+s15+$0x0] =	vst.idx.msk vm3, v6  }
.Ltmp9:
0x47e: {  	v6 =	vadd.s32 $0x60, v3;
	[tilespmem:v10+s15+$0x0] =	vst.idx.msk vm1, v62;
	(pc) =	sbr.rel .LBB2_12-.Ltmp9, $4  }
0x47f: {  	v63 =	vadd.s32 $0x70, v3;
	[tilespmem:v7+s15+$0x0] =	vst.idx.msk vm7, v6  }
0x480: {  	v6 =	vadd.s32 $0x40, v3;
	[tilespmem:v1+s15+$0x0] =	vst.idx.msk vm6, v63  }
0x481: {  	v1 =	vadd.s32 $0x50, v3;
	[tilespmem:v8+s15+$0x0] =	vst.idx.msk vm0, v6  }
0x482: {  	v3 =	vadd.s32 $0x80, v3;
	[tilespmem:v0+s15+$0x0] =	vst.idx.msk vm4, v1  }
.LBB2_9:
0x483: {  	v0 =	vld [tilespmem:s10+$0xFFFFFFE0]  }
0x484: {  	v1 =	vld [tilespmem:s10+$0xFFFFFFF0]  }
0x485: {  	v6 =	vld [tilespmem:s10+$0x0]  }
0x486: {  	v7 =	vld [tilespmem:s10+$0x10];
	_ =	sdelay $0x1  }
0x487: {  	vm0 =	vge.f32 v0, $1.000000000e+00  }
0x488: {  	vm1 =	vge.f32 v0, $2.250000000e+00;
	vm2 =	vlt.f32 v0, $9.000000000e+00;
	vm3 =	vge.f32 v1, $1.000000000e+00  }
0x489: {  	vm4 =	vge.f32 v1, $2.250000000e+00;
	vm8 =	vlt.f32 v1, $9.000000000e+00;
	vm9 =	vge.f32 v6, $1.000000000e+00  }
0x48a: {  	vm10 =	vge.f32 v6, $2.250000000e+00;
	vm11 =	vlt.f32 v6, $9.000000000e+00;
	vm12 =	vge.f32 v7, $1.000000000e+00  }
0x48b: {  	vm13 =	vge.f32 v7, $2.250000000e+00;
	vm7 =	vmxor vm1, vm0;
	vm6 =	vmand vm1, vm2  }
0x48c: {  	vm2 =	vlt.f32 v7, $9.000000000e+00;
	vm1 =	vmxor vm10, vm9;
	vm0 =	vmxor vm13, vm12  }
0x48d: {  	vm5 =	vmxor vm4, vm3;
	v0 =	vmpcnt.ones.xlane vm1;
	v1 =	vmpcnt.ones.xlane vm0  }
0x48e: {  	vm3 =	vmand vm4, vm8;
	v6 =	vmpcnt.ones.xlane vm7;
	v7 =	vmpcnt.ones.xlane vm6  }
0x48f: {  	vm4 =	vmand vm10, vm11;
	v8 =	vmpcnt.ones.xlane vm5;
	v9 =	vmpcnt.ones.xlane vm3  }
0x490: {  	vm2 =	vmand vm13, vm2;
	v12 =	vsel vm7, $0x1, v2;
	v15 =	vsel vm6, $0x1, v2  }
0x491: {  	v16 =	vsel vm0, $0x1, v2;
	v18 =	vsel vm6, $0xFFFFFFFF, v2;
	v10 =	vadd.s32 v4, v6  }
0x492: {  	v7 =	vadd.s32 v5, v7;
	v6 =	vmpcnt.ones.xlane vm4;
	v8 =	vadd.s32 v10, v8  }
0x493: {  	v11 =	vmpcnt.ones.xlane vm2;
	(xrf0) =	vadd.scan.msk.s32 $0xffff, v12;
	v9 =	vadd.s32 v7, v9;
	v13 =	vadd.s32 v8, v0  }
0x494: {  	(xrf0) =	vadd.scan.msk.s32 $0xffff, v15;
	v14 =	vadd.s32 v9, v6;
	v6 =	vadd.s32 v13, v1;
	v1 =	vsel vm5, $0x1, v2  }
0x495: {  	v19 =	vsel vm5, $0xFFFFFFFF, v2;
	v0 =	vadd.s32 v14, v11;
	v11 =	vsel vm3, $0x1, v2;
	(xrf0) =	vadd.scan.msk.s32 $0xffff, v1  }
0x496: {  	v20 =	vsel vm1, $0xFFFFFFFF, v2;
	v21 =	vsel vm4, $0xFFFFFFFF, v2;
	v12 =	vsel vm1, $0x1, v2;
	(xrf0) =	vadd.scan.msk.s32 $0xffff, v11  }
0x497: {  	v17 =	vsel vm2, $0x1, v2;
	v61 =	vsel vm2, $0xFFFFFFFF, v2;
	v15 =	vsel vm4, $0x1, v2;
	(xrf0) =	vadd.scan.msk.s32 $0xffff, v12  }
0x498: {  	v1 =	vsel vm7, $0xFFFFFFFF, v2;
	v11 =	vsel vm3, $0xFFFFFFFF, v2;
	v12 =	vsel vm0, $0xFFFFFFFF, v2;
	(xrf0) =	vadd.scan.msk.s32 $0xffff, v15  }
0x499: {  	v1 =	vadd.s32 v1, v4;
	v12 =	vadd.s32 v12, v13;
	v13 =	vadd.s32 v61, v14;
	v14, _, _ =	vpop (xrf0);
	(xrf0) =	vadd.scan.msk.s32 $0xffff, v16  }
0x49a: {  	v5 =	vadd.s32 v18, v5;
	v4 =	vadd.s32 v19, v10;
	v10, _, _ =	vpop (xrf0);
	v1 =	vadd.s32 v14, v1  }
0x49b: {  	v7 =	vadd.s32 v11, v7;
	(xrf0) =	vadd.scan.msk.s32 $0xffff, v17;
	v5 =	vadd.s32 v10, v5;
	vm8 =	vlt.s32 v1, $0x10;
	v11, _, _ =	vpop (xrf0)  }
0x49c: {  	vm7 =	vmand vm7, vm8;
	v4 =	vadd.s32 v11, v4;
	v10, _, _ =	vpop (xrf0);
	v11 =	vimm.s32 $0x0  }
0x49d: {  	v8 =	vadd.s32 v20, v8;
	v7 =	vadd.s32 v10, v7;
	v10, _, _ =	vpop (xrf0);
	v11 =	vsel vm7, $0xFFFFFFFF, v11  }
0x49e: {  	s3 =	sadd.s32 $0x40, s10;
	v9 =	vadd.s32 v21, v9;
	[tilespmem:$0x1FFA0] =	vst v11;
	v8 =	vadd.s32 v10, v8;
	v10, _, _ =	vpop (xrf0)  }
0x49f: {  	v9 =	vadd.s32 v10, v9;
	v10, _, _ =	vpop (xrf0);
	v11 =	vld [tilespmem:s3+$0xFFFFFFE0]  }
0x4a0: {  	v16 =	vimm.s32 $0x0;
	vm7 =	vlt.s32 v7, $0x20;
	v10 =	vadd.s32 v10, v12  }
0x4a1: {  	vm11 =	vlt.s32 v4, $0x10;
	vm13 =	vmand vm3, vm7;
	v12, _, _ =	vpop (xrf0);
	vm3 =	vlt.s32 v10, $0x10  }
0x4a2: {  	vm8 =	vlt.s32 v8, $0x10;
	v14 =	vld [tilespmem:s3+$0xFFFFFFF0];
	v12 =	vadd.s32 v12, v13;
	vm0 =	vmand vm0, vm3  }
0x4a3: {  	v15 =	vld [tilespmem:s3+$0x10];
	vm14 =	vmand vm1, vm8;
	vm1 =	vlt.s32 v12, $0x20;
	v16 =	vsel vm0, $0xFFFFFFFF, v16  }
0x4a4: {  	v13 =	vld [tilespmem:s3+$0x0];
	vm0 =	vmand vm2, vm1;
	[tilespmem:$0x1FFB0] =	vst v16;
	v16 =	vimm.s32 $0x0;
	vm1 =	vge.f32 v11, $2.250000000e+00  }
0x4a5: {  	vm2 =	vlt.f32 v11, $9.000000000e+00;
	v16 =	vsel vm0, $0xFFFFFFFF, v16;
	vm0 =	vge.f32 v11, $1.000000000e+00;
	v11 =	vld [tilespmem:$0x1FFA0]  }
0x4a6: {  	vm12 =	vmand vm5, vm11;
	_ =	sdelay $0x1  }
0x4a7: {  	vm5 =	vlt.s32 v9, $0x20  }
0x4a8: {  	vm11 =	vmand vm4, vm5  }
0x4a9: {  	vm9 =	vlt.s32 v5, $0x20;
	vm7 =	vmxor vm1, vm0;
	vm0 =	vnez.u8 v11  }
0x4aa: {  	vm9 =	vmand vm6, vm9;
	[tilespmem:$0x1FFC0] =	vst v16;
	v16 =	vadd.s32 $0x10, v3  }
0x4ab: {  	v17 =	vadd.s32 $0x20, v3;
	[tilespmem:v4+s17+$0x0] =	vst.idx.msk vm12, v16  }
0x4ac: {  	[tilespmem:v8+s17+$0x0] =	vst.idx.msk vm14, v17  }
0x4ad: {  	[tilespmem:v7+s15+$0x0] =	vst.idx.msk vm13, v16  }
0x4ae: {  	vm5 =	vmand vm1, vm2;
	[tilespmem:v9+s15+$0x0] =	vst.idx.msk vm11, v17  }
0x4af: {  	v11 =	vmpcnt.ones.xlane vm5;
	[tilespmem:v1+s17+$0x0] =	vst.idx.msk vm0, v3;
	v1 =	vmpcnt.ones.xlane vm7  }
0x4b0: {  	[tilespmem:v5+s15+$0x0] =	vst.idx.msk vm9, v3  }
0x4b1: {  	v7 =	vadd.s32 v6, v1;
	v1 =	vadd.s32 v0, v11;
	v11 =	vld [tilespmem:$0x1FFB0];
	_ =	sdelay $0x1  }
0x4b2: {  	vm8 =	vge.f32 v14, $1.000000000e+00  }
0x4b3: {  	vm4 =	vge.f32 v14, $2.250000000e+00;
	vm15 =	vlt.f32 v14, $9.000000000e+00;
	vm3 =	vge.f32 v15, $1.000000000e+00  }
0x4b4: {  	vm2 =	vmand vm4, vm15;
	vm0 =	vmxor vm4, vm8;
	vm4 =	vge.f32 v15, $2.250000000e+00  }
0x4b5: {  	vm15 =	vmxor vm4, vm3;
	vm3 =	vnez.u8 v11;
	_ =	sdelay $0x3  }
0x4b6: {  	v18 =	vadd.s32 $0x30, v3;
	vm10 =	vge.f32 v13, $1.000000000e+00  }
0x4b7: {  	vm6 =	vge.f32 v13, $2.250000000e+00;
	vm9 =	vlt.f32 v13, $9.000000000e+00;
	v13 =	vmpcnt.ones.xlane vm2  }
0x4b8: {  	[tilespmem:v10+s17+$0x0] =	vst.idx.msk vm3, v18  }
0x4b9: {  	v11 =	vadd.s32 v1, v13;
	v13 =	vld [tilespmem:$0x1FFC0];
	_ =	sdelay $0x4  }
0x4ba: {  	vm3 =	vnez.u8 v13;
	_ =	sdelay $0x1  }
0x4bb: {  	vm1 =	vmxor vm6, vm10  }
0x4bc: {  	v14 =	vsel vm7, $0xFFFFFFFF, v2;
	v4 =	vmpcnt.ones.xlane vm1;
	v16 =	vsel vm2, $0x1, v2  }
0x4bd: {  	vm8 =	vlt.f32 v15, $9.000000000e+00;
	v8 =	vmpcnt.ones.xlane vm0;
	vm6 =	vmand vm6, vm9  }
0x4be: {  	vm4 =	vmand vm4, vm8;
	v5 =	vmpcnt.ones.xlane vm15;
	v9 =	vmpcnt.ones.xlane vm6  }
0x4bf: {  	v8 =	vadd.s32 v7, v8;
	v10 =	vmpcnt.ones.xlane vm4;
	[tilespmem:v12+s15+$0x0] =	vst.idx.msk vm3, v18;
	v12 =	vsel vm7, $0x1, v2  }
0x4c0: {  	v17 =	vadd.s32 v8, v4;
	v18 =	vadd.s32 v11, v9;
	v9 =	vsel vm5, $0x1, v2;
	(xrf0) =	vadd.scan.msk.s32 $0xffff, v12  }
0x4c1: {  	v4 =	vadd.s32 v17, v5;
	v5 =	vadd.s32 v18, v10;
	v10 =	vsel vm0, $0x1, v2;
	(xrf0) =	vadd.scan.msk.s32 $0xffff, v9  }
0x4c2: {  	v19 =	vsel vm1, $0x1, v2;
	v15 =	vsel vm0, $0xFFFFFFFF, v2;
	v63 =	vsel vm6, $0xFFFFFFFF, v2;
	(xrf0) =	vadd.scan.msk.s32 $0xffff, v10  }
0x4c3: {  	v62 =	vsel vm15, $0x1, v2;
	v13 =	vsel vm5, $0xFFFFFFFF, v2;
	v11 =	vadd.s32 v63, v11;
	(xrf0) =	vadd.scan.msk.s32 $0xffff, v16  }
0x4c4: {  	v12 =	vsel vm4, $0x1, v2;
	v9 =	vsel vm6, $0x1, v2;
	v10 =	vsel vm1, $0xFFFFFFFF, v2;
	(xrf0) =	vadd.scan.msk.s32 $0xffff, v19  }
0x4c5: {  	v10 =	vadd.s32 v10, v8;
	v8 =	vsel vm15, $0xFFFFFFFF, v2;
	v19 =	vsel vm4, $0xFFFFFFFF, v2;
	(xrf0) =	vadd.scan.msk.s32 $0xffff, v9  }
0x4c6: {  	s4 =	simm.s32 $0x4;
	v16 =	vsel vm2, $0xFFFFFFFF, v2;
	v9 =	vadd.s32 v8, v17;
	v8 =	vadd.s32 v19, v18;
	v17, _, _ =	vpop (xrf0);
	(xrf0) =	vadd.scan.msk.s32 $0xffff, v62  }
.LBB2_10:
0x4c7: {  	s4 =	sadd.s32 $0x4, s4;
	v18 =	vadd.s32 v14, v6;
	v7 =	vadd.s32 v15, v7;
	v1 =	vadd.s32 v16, v1;
	v14, _, _ =	vpop (xrf0);
	(xrf0) =	vadd.scan.msk.s32 $0xffff, v12  }
0x4c8: {  	v15 =	vadd.s32 v13, v0;
	v6 =	vmov v4;
	p0 =	slt.u32 s4, $0x3C;
	v12 =	vadd.s32 v17, v18;
	v13, _, _ =	vpop (xrf0)  }
0x4c9: {  	v14 =	vadd.s32 v14, v15;
	vm8 =	vlt.s32 v12, $0x10;
	v7 =	vadd.s32 v13, v7;
	v0, _, _ =	vpop (xrf0)  }
0x4ca: {  	vm9 =	vlt.s32 v14, $0x20;
	v1 =	vadd.s32 v0, v1;
	vm10 =	vlt.s32 v7, $0x10;
	v0, _, _ =	vpop (xrf0)  }
0x4cb: {  	vm7 =	vmand vm7, vm8;
	vm8 =	vlt.s32 v1, $0x20;
	v10 =	vadd.s32 v0, v10;
	v0, _, _ =	vpop (xrf0)  }
0x4cc: {  	s3 =	sadd.s32 $0x40, s3;
	vm5 =	vmand vm5, vm9;
	v11 =	vadd.s32 v0, v11;
	vm9 =	vlt.s32 v10, $0x10;
	v0, _, _ =	vpop (xrf0)  }
0x4cd: {  	vm3 =	vmand vm0, vm10;
	v13 =	vld [tilespmem:s3+$0xFFFFFFE0];
	vm10 =	vlt.s32 v11, $0x20;
	v9 =	vadd.s32 v0, v9;
	v0, _, _ =	vpop (xrf0)  }
0x4ce: {  	vm8 =	vmand vm2, vm8;
	v15 =	vld [tilespmem:s3+$0xFFFFFFF0];
	v8 =	vadd.s32 v0, v8;
	vm2 =	vlt.s32 v9, $0x10;
	v0 =	vmovc v5  }
0x4cf: {  	vm9 =	vmand vm1, vm9;
	vm1 =	vmand vm6, vm10;
	v16 =	vld [tilespmem:s3+$0x0];
	vm6 =	vlt.s32 v8, $0x20  }
0x4d0: {  	v3 =	vadd.s32 $0x40, v3;
	vm2 =	vmand vm15, vm2;
	v17 =	vld [tilespmem:s3+$0x10];
	vm4 =	vmand vm4, vm6  }
0x4d1: {  	v18 =	vadd.s32 $0x20, v3;
	[tilespmem:v12+s17+$0x0] =	vst.idx.msk vm7, v3;
	v12 =	vadd.s32 $0x10, v3  }
0x4d2: {  	vm0 =	vge.f32 v13, $1.000000000e+00;
	vm6 =	vge.f32 v13, $2.250000000e+00;
	[tilespmem:v14+s15+$0x0] =	vst.idx.msk vm5, v3;
	v14 =	vadd.s32 $0x30, v3  }
0x4d3: {  	vm5 =	vlt.f32 v13, $9.000000000e+00;
	vm10 =	vge.f32 v15, $1.000000000e+00;
	vm11 =	vge.f32 v15, $2.250000000e+00;
	[tilespmem:v7+s17+$0x0] =	vst.idx.msk vm3, v12  }
0x4d4: {  	vm12 =	vlt.f32 v15, $9.000000000e+00;
	vm13 =	vge.f32 v16, $1.000000000e+00;
	vm14 =	vge.f32 v16, $2.250000000e+00;
	[tilespmem:v1+s15+$0x0] =	vst.idx.msk vm8, v12  }
0x4d5: {  	vm8 =	vlt.f32 v16, $9.000000000e+00;
	vm15 =	vge.f32 v17, $1.000000000e+00;
	vm3 =	vge.f32 v17, $2.250000000e+00;
	[tilespmem:v10+s17+$0x0] =	vst.idx.msk vm9, v18  }
0x4d6: {  	vm7 =	vmxor vm6, vm0;
	vm5 =	vmand vm6, vm5;
	vm9 =	vlt.f32 v17, $9.000000000e+00;
	[tilespmem:v11+s15+$0x0] =	vst.idx.msk vm1, v18  }
0x4d7: {  	vm0 =	vmxor vm11, vm10;
	vm1 =	vmxor vm14, vm13;
	vm15 =	vmxor vm3, vm15;
	[tilespmem:v9+s17+$0x0] =	vst.idx.msk vm2, v14  }
0x4d8: {  	vm2 =	vmand vm11, vm12;
	v9 =	vmpcnt.ones.xlane vm1;
	v10 =	vmpcnt.ones.xlane vm15;
	[tilespmem:v8+s15+$0x0] =	vst.idx.msk vm4, v14  }
0x4d9: {  	v1 =	vmpcnt.ones.xlane vm7;
	vm6 =	vmand vm14, vm8;
	v8 =	vmpcnt.ones.xlane vm5  }
0x4da: {  	v11 =	vmpcnt.ones.xlane vm0;
	v12 =	vmpcnt.ones.xlane vm2;
	vm4 =	vmand vm3, vm9  }
0x4db: {  	v7 =	vadd.s32 v4, v1;
	v4 =	vmpcnt.ones.xlane vm6;
	v1 =	vadd.s32 v5, v8  }
0x4dc: {  	v8 =	vadd.s32 v7, v11;
	v5 =	vmpcnt.ones.xlane vm4;
	v11 =	vadd.s32 v1, v12  }
0x4dd: {  	v12 =	vsel vm7, $0x1, v2;
	v9 =	vadd.s32 v8, v9;
	v17 =	vadd.s32 v11, v4  }
0x4de: {  	v13 =	vsel vm5, $0x1, v2;
	v4 =	vadd.s32 v9, v10;
	v5 =	vadd.s32 v17, v5;
	(xrf0) =	vadd.scan.msk.s32 $0xffff, v12  }
0x4df: {  	v18 =	vsel vm1, $0x1, v2;
	v16 =	vsel vm2, $0x1, v2;
	v10 =	vsel vm0, $0x1, v2;
	(xrf0) =	vadd.scan.msk.s32 $0xffff, v13  }
.Ltmp10:
0x4e0: {  	v19 =	vsel vm6, $0x1, v2;
	v20 =	vsel vm15, $0x1, v2;
	v12 =	vsel vm4, $0x1, v2;
	(xrf0) =	vadd.scan.msk.s32 $0xffff, v10;
	(pc) =	sbr.rel @p0 .LBB2_10-.Ltmp10, $4  }
0x4e1: {  	v15 =	vsel vm0, $0xFFFFFFFF, v2;
	v14 =	vsel vm7, $0xFFFFFFFF, v2;
	v13 =	vsel vm5, $0xFFFFFFFF, v2;
	(xrf0) =	vadd.scan.msk.s32 $0xffff, v16  }
0x4e2: {  	v21 =	vsel vm6, $0xFFFFFFFF, v2;
	v10 =	vsel vm1, $0xFFFFFFFF, v2;
	v16 =	vsel vm2, $0xFFFFFFFF, v2;
	(xrf0) =	vadd.scan.msk.s32 $0xffff, v18  }
0x4e3: {  	v10 =	vadd.s32 v10, v8;
	v8 =	vsel vm15, $0xFFFFFFFF, v2;
	v18 =	vsel vm4, $0xFFFFFFFF, v2;
	(xrf0) =	vadd.scan.msk.s32 $0xffff, v19  }
0x4e4: {  	v11 =	vadd.s32 v21, v11;
	v9 =	vadd.s32 v8, v9;
	v8 =	vadd.s32 v18, v17;
	v17, _, _ =	vpop (xrf0);
	(xrf0) =	vadd.scan.msk.s32 $0xffff, v20  }
0x4e5: {  	v6 =	vadd.s32 v14, v6;
	v7 =	vadd.s32 v15, v7  }
0x4e6: {  	v57, _, _ =	vpop (xrf0);
	(xrf0) =	vadd.scan.msk.s32 $0xffff, v12;
	v1 =	vadd.s32 v16, v1;
	v0 =	vadd.s32 v13, v0;
	v6 =	vadd.s32 v17, v6  }
0x4e7: {  	v3 =	vadd.s32 $0x40, v3;
	v58, _, _ =	vpop (xrf0);
	v0 =	vadd.s32 v57, v0;
	vm3 =	vlt.s32 v6, $0x10  }
0x4e8: {  	v7 =	vadd.s32 v58, v7;
	v59, _, _ =	vpop (xrf0);
	vm8 =	vlt.s32 v0, $0x20;
	vm3 =	vmand vm7, vm3  }
0x4e9: {  	v1 =	vadd.s32 v59, v1;
	v60, _, _ =	vpop (xrf0);
	vm13 =	vlt.s32 v7, $0x10;
	vm5 =	vmand vm5, vm8  }
0x4ea: {  	vm9 =	vlt.s32 v1, $0x20;
	v61, _, _ =	vpop (xrf0);
	v10 =	vadd.s32 v60, v10;
	vm0 =	vmand vm0, vm13  }
0x4eb: {  	v11 =	vadd.s32 v61, v11;
	v62, _, _ =	vpop (xrf0);
	vm14 =	vlt.s32 v10, $0x10;
	vm2 =	vmand vm2, vm9  }
0x4ec: {  	vm12 =	vlt.s32 v11, $0x20;
	v63, _, _ =	vpop (xrf0);
	v9 =	vadd.s32 v62, v9;
	vm1 =	vmand vm1, vm14  }
0x4ed: {  	v8 =	vadd.s32 v63, v8;
	vm13 =	vlt.s32 v9, $0x10;
	vm6 =	vmand vm6, vm12  }
0x4ee: {  	vm14 =	vlt.s32 v8, $0x20;
	vm7 =	vmand vm15, vm13;
	[tilespmem:v6+s17+$0x0] =	vst.idx.msk vm3, v3  }
0x4ef: {  	vm15 =	vmand vm4, vm14;
	v6 =	vadd.s32 $0x10, v3;
	[tilespmem:v0+s15+$0x0] =	vst.idx.msk vm5, v3  }
0x4f0: {  	[tilespmem:v7+s17+$0x0] =	vst.idx.msk vm0, v6  }
.Ltmp11:
0x4f1: {  	v0 =	vadd.s32 $0x20, v3;
	[tilespmem:v1+s15+$0x0] =	vst.idx.msk vm2, v6;
	(pc) =	sbr.rel .LBB2_12-.Ltmp11, $4  }
0x4f2: {  	[tilespmem:v10+s17+$0x0] =	vst.idx.msk vm1, v0  }
0x4f3: {  	v1 =	vadd.s32 $0x30, v3;
	[tilespmem:v11+s15+$0x0] =	vst.idx.msk vm6, v0  }
0x4f4: {  	[tilespmem:v9+s17+$0x0] =	vst.idx.msk vm7, v1  }
0x4f5: {  	v3 =	vadd.s32 $0x40, v3;
	[tilespmem:v8+s15+$0x0] =	vst.idx.msk vm15, v1  }
.LBB2_13:
0x4f6: {  	s2 =	sshll.u32 s9, $0x1;
	s3 =	simm.s32 $0x2200  }
0x4f7: {  	[tilespmem:s3], [sflag:$0x3] =	stream.indirect.gather [hbm4b:s5+s16], $0x80, s17, s16, $0xb8;
	[tilespmem:$0x5400] =	vst v63  }
0x4f8: {  	s10 =	sadd.s32 s6, s2  }
0x4f9: {  	s8 =	simm.s32 $0x3200;
	s18 =	smin.u32 s10, $0xFFD  }
0x4fa: {  	[tilespmem:s8], [sflag:$0x4] =	stream.indirect.gather [hbm4b:s7+s19], $0x80, s15, s19, $0xb8;
	[tilespmem:$0x5400] =	vst v63  }
0x4fb: {  	s2 =	sadd.s32 $0x2, s18  }
0x4fc: {  	s20 =	sshll.u32 s2, $0x4  }
0x4fd: {  	s2 =	sshll.u32 s2, $0x9;
	s3 =	sand.u32 $0x70, s20  }
0x4fe: {  	s2 =	sand.u32 $0x3FF000, s2;
	s3 =	sadd.s32 s1, s3  }
0x4ff: {  	s8 =	simm.s32 $0x0;
	s2 =	sadd.s32 s2, s3  }
0x500: {  	[tilespmem:s8], [sflag:$0x1] =	stream.strided.gather [hbm4b:s2+s11], $0x1000, s12, s11, $0x38;
	[tilespmem:$0x5400] =	vst v63  }
0x501: {  	_ =	swait.ge [sflag:s21], $0x1000  }
.Ltmp12:
0x502: {  	[sflag:s21] =	ssyncset.done $0x0;
	(pc) =	sbr.rel .LBB2_14-.Ltmp12, $4  }
0x503: {  	[sflag:s21] =	ssyncadd.s32 $0xFFFFF000  }
0x504: {  	[tilespmem:$0x2080] =	vst v25  }
0x505: {  	[tilespmem:$0x2180] =	vst v25  }
0x506: {  	v5 =	vimm.s32 $0x0;
	s4 =	simm.s32 $0x1040;
	v3 =	vmov v24;
	v4 =	vimm.s32 $0x0;
	s2 =	simm.s32 $0x1020;
	[tilespmem:$0x2190] =	vst v25  }
.LBB2_16:
0x507: {  	v3 =	vadd.s32 $0x400, v3  }
.LBB2_23:
0x508: {  	s8 =	sadd.s32 $0x1, s8  }
0x509: {  	p0 =	sne.s32 s8, $0x4  }
.Ltmp13:
0x50a: {  	_ = 	snop;
	(pc) =	sbr.rel @!p0 .LBB2_24-.Ltmp13, $2  }
0x50b: {  	_ =	sdelay $0x2  }
0x50c: {  	s2 =	sadd.s32 $0x400, s2;
	s4 =	sadd.s32 $0x400, s4  }
.LBB2_14:
0x50d: {  	v0 =	vshll.u32 v4, $0x10  }
0x50e: {  	v0 =	vadd.s32 v5, v0  }
0x50f: {  	v0 =	vxor.u32 $0x80000000, v0  }
0x510: {  	(xrf0) =	vmax.scan.msk.u32 $0xffff, v0;
	_ =	sdelay $0x5  }
0x511: {  	v0, _, _ =	vpop (xrf0)  }
0x512: {  	(v2sf) =	vpush v0, $0xF;
	_ =	sdelay $0xe  }
0x513: {  	s18 =	spop (v2sf)  }
0x514: {  	s3 =	sxor.u32 $0x80000000, s18  }
0x515: {  	p1 =	sgt.s32 s18, $0xFFFFFFFF;
	s18 =	sand.u32 $0xFFFF, s18;
	p0 =	slt.s32 s3, $0x1  }
0x516: {  	s20 =	sshra.s32 s3, $0x1F;
	p6 =	sne.s32 s18, $0x0;
	p0 =	por p1, p0  }
0x517: {  	s20 =	sshrl.u32 s20, $0x10;
	p0 =	por !p6, !p0  }
0x518: {  	s18 =	sadd.s32 s20, s3;
	s20 =	simm.s32 $0x1;
	p0 =	por !p0, !p0  }
0x519: {  	s18 =	sshra.s32 s18, $0x10;
	s20 =	simm.s32 @!p0 $0x0  }
0x51a: {  	s18 =	ssub.s32 s18, s20  }
0x51b: {  	p0 =	slt.s32 s18, $0x10  }
.Ltmp14:
0x51c: {  	_ = 	snop;
	(pc) =	sbr.rel @p0 .LBB2_20-.Ltmp14, $1  }
0x51d: {  	_ =	sdelay $0x3  }
0x51e: {  	s18 =	sshll.u32 s18, $0x10  }
0x51f: {  	s3 =	ssub.s32 s3, s18  }
0x520: {  	p0 =	slt.s32 s3, $0x20  }
.Ltmp15:
0x521: {  	_ = 	snop;
	(pc) =	sbr.rel @!p0 .LBB2_16-.Ltmp15, $1  }
0x522: {  	_ =	sdelay $0x3  }
0x523: {  	v0 =	vld [tilespmem:s4+$0xFFFFFFE0]  }
0x524: {  	v1 =	vld [tilespmem:s4+$0xFFFFFFF0]  }
0x525: {  	v6 =	vld [tilespmem:s4+$0x0]  }
0x526: {  	v7 =	vld [tilespmem:s4+$0x10]  }
0x527: {  	v8 =	vld [tilespmem:s4+$0x20]  }
0x528: {  	v9 =	vld [tilespmem:s4+$0xFFFFFFC0]  }
0x529: {  	v10 =	vld [tilespmem:s4+$0xFFFFFFD0]  }
0x52a: {  	vm0 =	vge.f32 v0, $2.250000000e+00  }
0x52b: {  	vm1 =	vlt.f32 v0, $9.000000000e+00;
	vm2 =	vge.f32 v1, $2.250000000e+00;
	vm6 =	vlt.f32 v1, $9.000000000e+00  }
0x52c: {  	vm7 =	vge.f32 v6, $2.250000000e+00;
	vm8 =	vlt.f32 v6, $9.000000000e+00;
	vm9 =	vge.f32 v7, $2.250000000e+00  }
0x52d: {  	vm10 =	vlt.f32 v7, $9.000000000e+00;
	vm3 =	vge.f32 v9, $2.250000000e+00;
	vm4 =	vlt.f32 v9, $9.000000000e+00  }
0x52e: {  	vm11 =	vge.f32 v8, $2.250000000e+00;
	vm5 =	vlt.f32 v10, $9.000000000e+00;
	vm4 =	vmand vm3, vm4  }
0x52f: {  	vm12 =	vlt.f32 v8, $9.000000000e+00;
	vm3 =	vge.f32 v10, $2.250000000e+00;
	v1 =	vmpcnt.ones.xlane vm4  }
0x530: {  	vm5 =	vmand vm3, vm5;
	vm3 =	vmand vm0, vm1;
	vm1 =	vmand vm2, vm6  }
0x531: {  	vm2 =	vmand vm7, vm8;
	vm0 =	vmand vm9, vm10;
	vm7 =	vmand vm11, vm12  }
0x532: {  	v0 =	vld [tilespmem:s4+$0x30];
	v11 =	vsel vm4, $0x1, v2;
	v17 =	vsel vm4, $0xFFFFFFFF, v2;
	v6 =	vmpcnt.ones.xlane vm5  }
0x533: {  	v7 =	vmpcnt.ones.xlane vm3;
	v9 =	vmpcnt.ones.xlane vm2;
	v13 =	vsel vm5, $0x1, v2  }
0x534: {  	v14 =	vsel vm3, $0x1, v2;
	(xrf0) =	vadd.scan.msk.s32 $0xffff, v11;
	v11 =	vsel vm1, $0x1, v2;
	v15 =	vsel vm2, $0x1, v2  }
0x535: {  	v16 =	vsel vm7, $0x1, v2;
	v18 =	vsel vm5, $0xFFFFFFFF, v2;
	v19 =	vsel vm1, $0xFFFFFFFF, v2  }
0x536: {  	v20 =	vsel vm0, $0xFFFFFFFF, v2;
	v50 =	vsel vm7, $0xFFFFFFFF, v2;
	v1 =	vadd.s32 v5, v1  }
0x537: {  	(xrf0) =	vadd.scan.msk.s32 $0xffff, v13;
	v13 =	vsel vm0, $0x1, v2;
	v5 =	vadd.s32 v17, v5;
	vm13 =	vge.f32 v0, $2.250000000e+00  }
0x538: {  	v8 =	vadd.s32 v1, v6;
	v6 =	vmpcnt.ones.xlane vm1;
	vm6 =	vlt.f32 v0, $9.000000000e+00  }
0x539: {  	(xrf0) =	vadd.scan.msk.s32 $0xffff, v14;
	v1 =	vadd.s32 v18, v1;
	v7 =	vadd.s32 v8, v7;
	vm6 =	vmand vm13, vm6  }
0x53a: {  	(xrf0) =	vadd.scan.msk.s32 $0xffff, v11;
	v11 =	vsel vm3, $0xFFFFFFFF, v2;
	v10 =	vadd.s32 v7, v6;
	v6 =	vmpcnt.ones.xlane vm0  }
0x53b: {  	v14 =	vsel vm6, $0x1, v2;
	(xrf0) =	vadd.scan.msk.s32 $0xffff, v15;
	v15 =	vsel vm2, $0xFFFFFFFF, v2;
	v8 =	vadd.s32 v11, v8  }
0x53c: {  	v7 =	vadd.s32 v19, v7;
	v0 =	vadd.s32 v10, v9;
	v9 =	vmpcnt.ones.xlane vm7  }
0x53d: {  	(xrf0) =	vadd.scan.msk.s32 $0xffff, v13;
	v13 =	vsel vm6, $0xFFFFFFFF, v2;
	v12 =	vadd.s32 v0, v6;
	v6 =	vmpcnt.ones.xlane vm6  }
0x53e: {  	v10 =	vadd.s32 v15, v10;
	v0 =	vadd.s32 v20, v0;
	v9 =	vadd.s32 v12, v9;
	v15, _, _ =	vpop (xrf0);
	(xrf0) =	vadd.scan.msk.s32 $0xffff, v16  }
0x53f: {  	v12 =	vadd.s32 v50, v12;
	v6 =	vadd.s32 v9, v6;
	v9 =	vadd.s32 v13, v9;
	v11, _, _ =	vpop (xrf0);
	(xrf0) =	vadd.scan.msk.s32 $0xffff, v14  }
0x540: {  	v5 =	vadd.s32 v15, v5;
	v13 =	vimm.s32 $0x0;
	v1 =	vadd.s32 v11, v1;
	v11, _, _ =	vpop (xrf0)  }
0x541: {  	vm13 =	vlt.s32 v5, $0x20;
	vm8 =	vlt.s32 v1, $0x20;
	v8 =	vadd.s32 v11, v8;
	v11, _, _ =	vpop (xrf0)  }
0x542: {  	vm4 =	vmand vm4, vm13;
	vm14 =	vlt.s32 v8, $0x20;
	v7 =	vadd.s32 v11, v7;
	v11, _, _ =	vpop (xrf0)  }
0x543: {  	v13 =	vsel vm4, $0xFFFFFFFF, v13;
	vm10 =	vmand vm5, vm8;
	v10 =	vadd.s32 v11, v10;
	v11, _, _ =	vpop (xrf0)  }
0x544: {  	vm15 =	vlt.s32 v7, $0x20;
	vm11 =	vmand vm3, vm14;
	v0 =	vadd.s32 v11, v0;
	v11, _, _ =	vpop (xrf0)  }
0x545: {  	vm5 =	vlt.s32 v10, $0x20;
	vm12 =	vmand vm1, vm15;
	v11 =	vadd.s32 v11, v12;
	v12, _, _ =	vpop (xrf0)  }
0x546: {  	s3 =	sadd.s32 $0x80, s4;
	[tilespmem:$0x1FF80] =	vst v13;
	vm2 =	vmand vm2, vm5;
	v9 =	vadd.s32 v12, v9;
	v12 =	vimm.s32 $0x0  }
0x547: {  	v13 =	vld [tilespmem:s3+$0xFFFFFFE0];
	v12 =	vsel vm2, $0xFFFFFFFF, v12  }
0x548: {  	v15 =	vadd.s32 $0x10, v3;
	v14 =	vld [tilespmem:s3+$0xFFFFFFF0];
	[tilespmem:$0x1FF90] =	vst v12  }
0x549: {  	v53 =	vadd.s32 $0x20, v3;
	v12 =	vld [tilespmem:s3+$0xFFFFFFC0];
	[tilespmem:v1+s22+$0x0] =	vst.idx.msk vm10, v15  }
0x54a: {  	v54 =	vadd.s32 $0x30, v3;
	v51 =	vld [tilespmem:s3+$0xFFFFFFD0];
	[tilespmem:v8+s22+$0x0] =	vst.idx.msk vm11, v53  }
0x54b: {  	vm1 =	vlt.s32 v11, $0x20;
	[tilespmem:v7+s22+$0x0] =	vst.idx.msk vm12, v54  }
0x54c: {  	vm3 =	vlt.s32 v0, $0x20;
	vm8 =	vmand vm7, vm1;
	vm1 =	vlt.s32 v9, $0x20;
	v7 =	vld [tilespmem:$0x1FF80]  }
0x54d: {  	vm9 =	vmand vm0, vm3;
	vm7 =	vmand vm6, vm1;
	vm4 =	vge.f32 v13, $2.250000000e+00  }
0x54e: {  	vm1 =	vlt.f32 v13, $9.000000000e+00;
	vm2 =	vge.f32 v12, $2.250000000e+00;
	vm3 =	vlt.f32 v12, $9.000000000e+00  }
0x54f: {  	vm5 =	vmand vm2, vm3;
	vm2 =	vge.f32 v51, $2.250000000e+00;
	vm3 =	vlt.f32 v51, $9.000000000e+00  }
0x550: {  	vm13 =	vge.f32 v14, $2.250000000e+00;
	vm14 =	vlt.f32 v14, $9.000000000e+00;
	vm2 =	vmand vm2, vm3  }
0x551: {  	vm3 =	vmand vm4, vm1;
	vm1 =	vmand vm13, vm14;
	vm13 =	vnez.u8 v7  }
0x552: {  	v13 =	vld [tilespmem:s3+$0x20]  }
0x553: {  	v52 =	vld [tilespmem:s3+$0x0]  }
0x554: {  	v21 =	vld [tilespmem:s3+$0x10];
	v14 =	vadd.s32 $0x60, v3  }
0x555: {  	v56 =	vld [tilespmem:s3+$0x30];
	[tilespmem:v11+s22+$0x0] =	vst.idx.msk vm8, v14;
	v12 =	vadd.s32 $0x70, v3;
	v1 =	vmpcnt.ones.xlane vm5  }
0x556: {  	[tilespmem:v9+s22+$0x0] =	vst.idx.msk vm7, v12;
	v8 =	vmpcnt.ones.xlane vm2  }
0x557: {  	vm10 =	vge.f32 v13, $2.250000000e+00;
	vm11 =	vlt.f32 v13, $9.000000000e+00;
	v13 =	vadd.s32 v6, v1;
	[tilespmem:v5+s22+$0x0] =	vst.idx.msk vm13, v3  }
0x558: {  	v55 =	vadd.s32 $0x40, v3;
	v15 =	vadd.s32 v13, v8;
	v8 =	vld [tilespmem:$0x1FF90]  }
0x559: {  	v22 =	vadd.s32 $0x50, v3;
	vm15 =	vge.f32 v52, $2.250000000e+00;
	vm0 =	vlt.f32 v52, $9.000000000e+00  }
0x55a: {  	vm6 =	vge.f32 v21, $2.250000000e+00;
	vm12 =	vge.f32 v56, $2.250000000e+00;
	vm7 =	vmand vm10, vm11  }
0x55b: {  	vm0 =	vmand vm15, vm0;
	vm4 =	vlt.f32 v21, $9.000000000e+00;
	v58 =	vsel vm7, $0x1, v2  }
0x55c: {  	vm4 =	vmand vm6, vm4;
	v9 =	vsel vm2, $0x1, v2;
	v11 =	vsel vm3, $0x1, v2  }
0x55d: {  	v60 =	vsel vm2, $0xFFFFFFFF, v2;
	v1 =	vmpcnt.ones.xlane vm3;
	vm6 =	vnez.u8 v8  }
0x55e: {  	v61 =	vsel vm3, $0xFFFFFFFF, v2;
	v62 =	vsel vm1, $0xFFFFFFFF, v2;
	v57 =	vsel vm4, $0x1, v2  }
0x55f: {  	v13 =	vadd.s32 v60, v13;
	v14 =	vadd.s32 v15, v1;
	v5 =	vmpcnt.ones.xlane vm1  }
0x560: {  	v1 =	vmpcnt.ones.xlane vm0;
	vm13 =	vlt.f32 v56, $9.000000000e+00;
	[tilespmem:v0+s22+$0x0] =	vst.idx.msk vm9, v22;
	v0 =	vsel vm5, $0x1, v2  }
0x561: {  	v7 =	vadd.s32 v14, v5;
	v5 =	vmpcnt.ones.xlane vm4;
	(xrf0) =	vadd.scan.msk.s32 $0xffff, v0;
	v0 =	vsel vm1, $0x1, v2  }
0x562: {  	v1 =	vadd.s32 v7, v1;
	(xrf0) =	vadd.scan.msk.s32 $0xffff, v9;
	v9 =	vsel vm5, $0xFFFFFFFF, v2;
	v8 =	vmpcnt.ones.xlane vm7  }
0x563: {  	(xrf0) =	vadd.scan.msk.s32 $0xffff, v11;
	v11 =	vsel vm0, $0xFFFFFFFF, v2;
	[tilespmem:v10+s22+$0x0] =	vst.idx.msk vm6, v55;
	v10 =	vadd.s32 v1, v5  }
0x564: {  	(xrf0) =	vadd.scan.msk.s32 $0xffff, v0;
	v0 =	vsel vm4, $0xFFFFFFFF, v2;
	v12 =	vadd.s32 v10, v8;
	v8 =	vsel vm0, $0x1, v2  }
0x565: {  	v0 =	vadd.s32 v0, v1;
	vm6 =	vmand vm12, vm13;
	v1 =	vsel vm7, $0xFFFFFFFF, v2;
	(xrf0) =	vadd.scan.msk.s32 $0xffff, v8  }
0x566: {  	v5 =	vmpcnt.ones.xlane vm6;
	v59 =	vsel vm6, $0x1, v2;
	v63 =	vsel vm6, $0xFFFFFFFF, v2;
	(xrf0) =	vadd.scan.msk.s32 $0xffff, v57  }
0x567: {  	v8 =	vadd.s32 v11, v7;
	v7 =	vadd.s32 v1, v10;
	v1 =	vadd.s32 v63, v12;
	v11, _, _ =	vpop (xrf0);
	(xrf0) =	vadd.scan.msk.s32 $0xffff, v58  }
0x568: {  	s18 =	simm.s32 $0x8;
	v10 =	vadd.s32 v62, v14;
	v5 =	vadd.s32 v12, v5;
	v12 =	vadd.s32 v61, v15;
	v14, _, _ =	vpop (xrf0);
	(xrf0) =	vadd.scan.msk.s32 $0xffff, v59  }
.LBB2_18:
0x569: {  	s18 =	sadd.s32 $0x8, s18;
	v15 =	vadd.s32 v9, v6;
	v9 =	vadd.s32 v14, v13;
	v13, _, _ =	vpop (xrf0);
	v3 =	vadd.s32 $0x80, v3  }
0x56a: {  	p0 =	slt.u32 s18, $0x38;
	v11 =	vadd.s32 v11, v15;
	vm8 =	vlt.s32 v9, $0x20;
	v12 =	vadd.s32 v13, v12;
	v6, _, _ =	vpop (xrf0)  }
0x56b: {  	vm9 =	vlt.s32 v11, $0x20;
	vm10 =	vlt.s32 v12, $0x20;
	v10 =	vadd.s32 v6, v10;
	v6, _, _ =	vpop (xrf0)  }
0x56c: {  	s3 =	sadd.s32 $0x80, s3;
	vm5 =	vmand vm5, vm9;
	vm9 =	vlt.s32 v10, $0x20;
	v8 =	vadd.s32 v6, v8;
	v6, _, _ =	vpop (xrf0)  }
0x56d: {  	vm8 =	vmand vm2, vm8;
	v13 =	vld [tilespmem:s3+$0xFFFFFFE0];
	vm11 =	vlt.s32 v8, $0x20;
	v0 =	vadd.s32 v6, v0;
	v6, _, _ =	vpop (xrf0)  }
0x56e: {  	vm2 =	vmand vm3, vm10;
	v14 =	vld [tilespmem:s3+$0xFFFFFFF0];
	vm10 =	vlt.s32 v0, $0x20;
	v7 =	vadd.s32 v6, v7;
	v6, _, _ =	vpop (xrf0)  }
0x56f: {  	vm3 =	vmand vm1, vm9;
	v15 =	vld [tilespmem:s3+$0x0];
	vm1 =	vlt.s32 v7, $0x20;
	v1 =	vadd.s32 v6, v1;
	v6 =	vmovc v5  }
0x570: {  	vm0 =	vmand vm0, vm11;
	v16 =	vld [tilespmem:s3+$0x10];
	vm9 =	vmand vm7, vm1;
	vm7 =	vlt.s32 v1, $0x20  }
0x571: {  	v18 =	vadd.s32 $0x10, v3;
	vm1 =	vmand vm4, vm10;
	v17 =	vld [tilespmem:s3+$0x20];
	vm12 =	vmand vm6, vm7  }
0x572: {  	v20 =	vadd.s32 $0x30, v3;
	v21 =	vadd.s32 $0x40, v3;
	v19 =	vld [tilespmem:s3+$0xFFFFFFC0];
	[tilespmem:v11+s22+$0x0] =	vst.idx.msk vm5, v3;
	v11 =	vadd.s32 $0x20, v3  }
0x573: {  	v23 =	vadd.s32 $0x70, v3;
	v22 =	vld [tilespmem:s3+$0xFFFFFFD0];
	[tilespmem:v9+s22+$0x0] =	vst.idx.msk vm8, v18;
	v9 =	vadd.s32 $0x50, v3;
	v18 =	vadd.s32 $0x60, v3  }
0x574: {  	vm13 =	vge.f32 v13, $2.250000000e+00;
	vm14 =	vlt.f32 v13, $9.000000000e+00;
	vm4 =	vge.f32 v14, $2.250000000e+00;
	v13 =	vld [tilespmem:s3+$0x30];
	[tilespmem:v12+s22+$0x0] =	vst.idx.msk vm2, v11  }
0x575: {  	vm15 =	vlt.f32 v14, $9.000000000e+00;
	vm7 =	vge.f32 v15, $2.250000000e+00;
	vm10 =	vlt.f32 v15, $9.000000000e+00;
	[tilespmem:v10+s22+$0x0] =	vst.idx.msk vm3, v20  }
0x576: {  	vm8 =	vge.f32 v16, $2.250000000e+00;
	vm11 =	vlt.f32 v16, $9.000000000e+00;
	vm6 =	vge.f32 v17, $2.250000000e+00;
	[tilespmem:v7+s22+$0x0] =	vst.idx.msk vm9, v18  }
0x577: {  	vm9 =	vlt.f32 v17, $9.000000000e+00;
	vm2 =	vge.f32 v19, $2.250000000e+00;
	vm3 =	vlt.f32 v19, $9.000000000e+00;
	[tilespmem:v1+s22+$0x0] =	vst.idx.msk vm12, v23  }
0x578: {  	vm5 =	vmand vm2, vm3;
	vm2 =	vge.f32 v22, $2.250000000e+00;
	vm3 =	vlt.f32 v22, $9.000000000e+00;
	[tilespmem:v8+s22+$0x0] =	vst.idx.msk vm0, v21  }
0x579: {  	v1 =	vmpcnt.ones.xlane vm5;
	vm2 =	vmand vm2, vm3;
	vm12 =	vge.f32 v13, $2.250000000e+00;
	[tilespmem:v0+s22+$0x0] =	vst.idx.msk vm1, v9  }
0x57a: {  	vm3 =	vmand vm13, vm14;
	vm13 =	vlt.f32 v13, $9.000000000e+00;
	v0 =	vmpcnt.ones.xlane vm2  }
0x57b: {  	vm1 =	vmand vm4, vm15;
	v10 =	vadd.s32 v5, v1;
	v1 =	vmpcnt.ones.xlane vm3  }
0x57c: {  	vm0 =	vmand vm7, vm10;
	v12 =	vadd.s32 v10, v0;
	v0 =	vmpcnt.ones.xlane vm1  }
0x57d: {  	vm4 =	vmand vm8, vm11;
	v14 =	vadd.s32 v12, v1;
	v1 =	vmpcnt.ones.xlane vm0  }
0x57e: {  	vm7 =	vmand vm6, vm9;
	v7 =	vadd.s32 v14, v0;
	v0 =	vmpcnt.ones.xlane vm4  }
0x57f: {  	vm6 =	vmand vm12, vm13;
	v5 =	vmpcnt.ones.xlane vm7;
	v1 =	vadd.s32 v7, v1  }
0x580: {  	v8 =	vsel vm5, $0x1, v2;
	v11 =	vadd.s32 v1, v0;
	v0 =	vmpcnt.ones.xlane vm6  }
0x581: {  	v9 =	vsel vm2, $0x1, v2;
	v13 =	vsel vm3, $0x1, v2;
	v15 =	vadd.s32 v11, v5;
	(xrf0) =	vadd.scan.msk.s32 $0xffff, v8  }
0x582: {  	v16 =	vsel vm0, $0x1, v2;
	v8 =	vsel vm1, $0x1, v2;
	v5 =	vadd.s32 v15, v0;
	(xrf0) =	vadd.scan.msk.s32 $0xffff, v9  }
0x583: {  	v18 =	vsel vm7, $0x1, v2;
	v17 =	vsel vm4, $0x1, v2;
	v19 =	vsel vm6, $0x1, v2;
	(xrf0) =	vadd.scan.msk.s32 $0xffff, v13  }
.Ltmp16:
0x584: {  	v20 =	vsel vm3, $0xFFFFFFFF, v2;
	v9 =	vsel vm5, $0xFFFFFFFF, v2;
	v13 =	vsel vm2, $0xFFFFFFFF, v2;
	(xrf0) =	vadd.scan.msk.s32 $0xffff, v8;
	(pc) =	sbr.rel @p0 .LBB2_18-.Ltmp16, $4  }
0x585: {  	v21 =	vsel vm1, $0xFFFFFFFF, v2;
	v0 =	vsel vm4, $0xFFFFFFFF, v2;
	v8 =	vsel vm0, $0xFFFFFFFF, v2;
	(xrf0) =	vadd.scan.msk.s32 $0xffff, v16  }
0x586: {  	v0 =	vadd.s32 v0, v1;
	v1 =	vsel vm7, $0xFFFFFFFF, v2;
	v16 =	vsel vm6, $0xFFFFFFFF, v2;
	(xrf0) =	vadd.scan.msk.s32 $0xffff, v17  }
0x587: {  	v8 =	vadd.s32 v8, v7;
	v7 =	vadd.s32 v1, v11;
	v1 =	vadd.s32 v16, v15;
	v11, _, _ =	vpop (xrf0);
	(xrf0) =	vadd.scan.msk.s32 $0xffff, v18  }
0x588: {  	v12 =	vadd.s32 v20, v12;
	v13 =	vadd.s32 v13, v10;
	v10 =	vadd.s32 v21, v14;
	v14, _, _ =	vpop (xrf0);
	(xrf0) =	vadd.scan.msk.s32 $0xffff, v19  }
0x589: {  	v55, _, _ =	vpop (xrf0)  }
0x58a: {  	v6 =	vadd.s32 v9, v6;
	v13 =	vadd.s32 v14, v13;
	v3 =	vadd.s32 $0x80, v3;
	v56, _, _ =	vpop (xrf0)  }
0x58b: {  	v6 =	vadd.s32 v11, v6;
	v9 =	vadd.s32 v55, v12;
	vm9 =	vlt.s32 v13, $0x20;
	v57, _, _ =	vpop (xrf0)  }
0x58c: {  	v61 =	vadd.s32 $0x10, v3;
	vm8 =	vlt.s32 v6, $0x20;
	vm2 =	vmand vm2, vm9;
	v58, _, _ =	vpop (xrf0)  }
0x58d: {  	v10 =	vadd.s32 v56, v10;
	vm14 =	vlt.s32 v9, $0x20;
	vm5 =	vmand vm5, vm8;
	v59, _, _ =	vpop (xrf0)  }
0x58e: {  	vm3 =	vmand vm3, vm14;
	vm15 =	vlt.s32 v10, $0x20;
	v7 =	vadd.s32 v59, v7;
	v60, _, _ =	vpop (xrf0)  }
0x58f: {  	vm1 =	vmand vm1, vm15;
	vm12 =	vlt.s32 v7, $0x20;
	v1 =	vadd.s32 v60, v1  }
0x590: {  	v8 =	vadd.s32 v57, v8;
	vm7 =	vmand vm7, vm12;
	vm13 =	vlt.s32 v1, $0x20  }
0x591: {  	vm14 =	vlt.s32 v8, $0x20;
	v0 =	vadd.s32 v58, v0;
	vm6 =	vmand vm6, vm13  }
0x592: {  	vm15 =	vlt.s32 v0, $0x20;
	vm0 =	vmand vm0, vm14;
	[tilespmem:v13+s22+$0x0] =	vst.idx.msk vm2, v61  }
0x593: {  	vm4 =	vmand vm4, vm15;
	[tilespmem:v6+s22+$0x0] =	vst.idx.msk vm5, v3;
	v6 =	vadd.s32 $0x20, v3  }
0x594: {  	v62 =	vadd.s32 $0x30, v3;
	[tilespmem:v9+s22+$0x0] =	vst.idx.msk vm3, v6  }
.Ltmp17:
0x595: {  	v6 =	vadd.s32 $0x60, v3;
	[tilespmem:v10+s22+$0x0] =	vst.idx.msk vm1, v62;
	(pc) =	sbr.rel .LBB2_23-.Ltmp17, $4  }
0x596: {  	v63 =	vadd.s32 $0x70, v3;
	[tilespmem:v7+s22+$0x0] =	vst.idx.msk vm7, v6  }
0x597: {  	v6 =	vadd.s32 $0x40, v3;
	[tilespmem:v1+s22+$0x0] =	vst.idx.msk vm6, v63  }
0x598: {  	v1 =	vadd.s32 $0x50, v3;
	[tilespmem:v8+s22+$0x0] =	vst.idx.msk vm0, v6  }
0x599: {  	v3 =	vadd.s32 $0x80, v3;
	[tilespmem:v0+s22+$0x0] =	vst.idx.msk vm4, v1  }
.LBB2_20:
0x59a: {  	v0 =	vld [tilespmem:s2+$0xFFFFFFE0]  }
0x59b: {  	v1 =	vld [tilespmem:s2+$0xFFFFFFF0]  }
0x59c: {  	v6 =	vld [tilespmem:s2+$0x0]  }
0x59d: {  	v7 =	vld [tilespmem:s2+$0x10];
	_ =	sdelay $0x1  }
0x59e: {  	vm0 =	vge.f32 v0, $1.000000000e+00  }
0x59f: {  	vm1 =	vge.f32 v0, $2.250000000e+00;
	vm2 =	vlt.f32 v0, $9.000000000e+00;
	vm3 =	vge.f32 v1, $1.000000000e+00  }
0x5a0: {  	vm4 =	vge.f32 v1, $2.250000000e+00;
	vm8 =	vlt.f32 v1, $9.000000000e+00;
	vm9 =	vge.f32 v6, $1.000000000e+00  }
0x5a1: {  	vm10 =	vge.f32 v6, $2.250000000e+00;
	vm11 =	vlt.f32 v6, $9.000000000e+00;
	vm12 =	vge.f32 v7, $1.000000000e+00  }
0x5a2: {  	vm13 =	vge.f32 v7, $2.250000000e+00;
	vm7 =	vmxor vm1, vm0;
	vm6 =	vmand vm1, vm2  }
0x5a3: {  	vm2 =	vlt.f32 v7, $9.000000000e+00;
	vm1 =	vmxor vm10, vm9;
	vm0 =	vmxor vm13, vm12  }
0x5a4: {  	vm5 =	vmxor vm4, vm3;
	v0 =	vmpcnt.ones.xlane vm1;
	v1 =	vmpcnt.ones.xlane vm0  }
0x5a5: {  	vm3 =	vmand vm4, vm8;
	v6 =	vmpcnt.ones.xlane vm7;
	v7 =	vmpcnt.ones.xlane vm6  }
0x5a6: {  	vm4 =	vmand vm10, vm11;
	v8 =	vmpcnt.ones.xlane vm5;
	v9 =	vmpcnt.ones.xlane vm3  }
0x5a7: {  	vm2 =	vmand vm13, vm2;
	v12 =	vsel vm7, $0x1, v2;
	v15 =	vsel vm6, $0x1, v2  }
0x5a8: {  	v16 =	vsel vm0, $0x1, v2;
	v18 =	vsel vm6, $0xFFFFFFFF, v2;
	v10 =	vadd.s32 v4, v6  }
0x5a9: {  	v7 =	vadd.s32 v5, v7;
	v6 =	vmpcnt.ones.xlane vm4;
	v8 =	vadd.s32 v10, v8  }
0x5aa: {  	v11 =	vmpcnt.ones.xlane vm2;
	(xrf0) =	vadd.scan.msk.s32 $0xffff, v12;
	v9 =	vadd.s32 v7, v9;
	v13 =	vadd.s32 v8, v0  }
0x5ab: {  	(xrf0) =	vadd.scan.msk.s32 $0xffff, v15;
	v14 =	vadd.s32 v9, v6;
	v6 =	vadd.s32 v13, v1;
	v1 =	vsel vm5, $0x1, v2  }
0x5ac: {  	v19 =	vsel vm5, $0xFFFFFFFF, v2;
	v0 =	vadd.s32 v14, v11;
	v11 =	vsel vm3, $0x1, v2;
	(xrf0) =	vadd.scan.msk.s32 $0xffff, v1  }
0x5ad: {  	v20 =	vsel vm1, $0xFFFFFFFF, v2;
	v21 =	vsel vm4, $0xFFFFFFFF, v2;
	v12 =	vsel vm1, $0x1, v2;
	(xrf0) =	vadd.scan.msk.s32 $0xffff, v11  }
0x5ae: {  	v17 =	vsel vm2, $0x1, v2;
	v61 =	vsel vm2, $0xFFFFFFFF, v2;
	v15 =	vsel vm4, $0x1, v2;
	(xrf0) =	vadd.scan.msk.s32 $0xffff, v12  }
0x5af: {  	v1 =	vsel vm7, $0xFFFFFFFF, v2;
	v11 =	vsel vm3, $0xFFFFFFFF, v2;
	v12 =	vsel vm0, $0xFFFFFFFF, v2;
	(xrf0) =	vadd.scan.msk.s32 $0xffff, v15  }
0x5b0: {  	v1 =	vadd.s32 v1, v4;
	v12 =	vadd.s32 v12, v13;
	v13 =	vadd.s32 v61, v14;
	v14, _, _ =	vpop (xrf0);
	(xrf0) =	vadd.scan.msk.s32 $0xffff, v16  }
0x5b1: {  	v5 =	vadd.s32 v18, v5;
	v4 =	vadd.s32 v19, v10;
	v10, _, _ =	vpop (xrf0);
	v1 =	vadd.s32 v14, v1  }
0x5b2: {  	v7 =	vadd.s32 v11, v7;
	(xrf0) =	vadd.scan.msk.s32 $0xffff, v17;
	v5 =	vadd.s32 v10, v5;
	vm8 =	vlt.s32 v1, $0x10;
	v11, _, _ =	vpop (xrf0)  }
0x5b3: {  	vm7 =	vmand vm7, vm8;
	v4 =	vadd.s32 v11, v4;
	v10, _, _ =	vpop (xrf0);
	v11 =	vimm.s32 $0x0  }
0x5b4: {  	v8 =	vadd.s32 v20, v8;
	v7 =	vadd.s32 v10, v7;
	v10, _, _ =	vpop (xrf0);
	v11 =	vsel vm7, $0xFFFFFFFF, v11  }
0x5b5: {  	s3 =	sadd.s32 $0x40, s2;
	v9 =	vadd.s32 v21, v9;
	[tilespmem:$0x1FF50] =	vst v11;
	v8 =	vadd.s32 v10, v8;
	v10, _, _ =	vpop (xrf0)  }
0x5b6: {  	v9 =	vadd.s32 v10, v9;
	v10, _, _ =	vpop (xrf0);
	v11 =	vld [tilespmem:s3+$0xFFFFFFE0]  }
0x5b7: {  	v16 =	vimm.s32 $0x0;
	vm7 =	vlt.s32 v7, $0x20;
	v10 =	vadd.s32 v10, v12  }
0x5b8: {  	vm11 =	vlt.s32 v4, $0x10;
	vm13 =	vmand vm3, vm7;
	v12, _, _ =	vpop (xrf0);
	vm3 =	vlt.s32 v10, $0x10  }
0x5b9: {  	vm8 =	vlt.s32 v8, $0x10;
	v14 =	vld [tilespmem:s3+$0xFFFFFFF0];
	v12 =	vadd.s32 v12, v13;
	vm0 =	vmand vm0, vm3  }
0x5ba: {  	v15 =	vld [tilespmem:s3+$0x10];
	vm14 =	vmand vm1, vm8;
	vm1 =	vlt.s32 v12, $0x20;
	v16 =	vsel vm0, $0xFFFFFFFF, v16  }
0x5bb: {  	v13 =	vld [tilespmem:s3+$0x0];
	vm0 =	vmand vm2, vm1;
	[tilespmem:$0x1FF60] =	vst v16;
	v16 =	vimm.s32 $0x0;
	vm1 =	vge.f32 v11, $2.250000000e+00  }
0x5bc: {  	vm2 =	vlt.f32 v11, $9.000000000e+00;
	v16 =	vsel vm0, $0xFFFFFFFF, v16;
	vm0 =	vge.f32 v11, $1.000000000e+00;
	v11 =	vld [tilespmem:$0x1FF50]  }
0x5bd: {  	vm12 =	vmand vm5, vm11;
	_ =	sdelay $0x1  }
0x5be: {  	vm5 =	vlt.s32 v9, $0x20  }
0x5bf: {  	vm11 =	vmand vm4, vm5  }
0x5c0: {  	vm9 =	vlt.s32 v5, $0x20;
	vm7 =	vmxor vm1, vm0;
	vm0 =	vnez.u8 v11  }
0x5c1: {  	vm9 =	vmand vm6, vm9;
	[tilespmem:$0x1FF70] =	vst v16;
	v16 =	vadd.s32 $0x10, v3  }
0x5c2: {  	v17 =	vadd.s32 $0x20, v3;
	[tilespmem:v4+s23+$0x0] =	vst.idx.msk vm12, v16  }
0x5c3: {  	[tilespmem:v8+s23+$0x0] =	vst.idx.msk vm14, v17  }
0x5c4: {  	[tilespmem:v7+s22+$0x0] =	vst.idx.msk vm13, v16  }
0x5c5: {  	vm5 =	vmand vm1, vm2;
	[tilespmem:v9+s22+$0x0] =	vst.idx.msk vm11, v17  }
0x5c6: {  	v11 =	vmpcnt.ones.xlane vm5;
	[tilespmem:v1+s23+$0x0] =	vst.idx.msk vm0, v3;
	v1 =	vmpcnt.ones.xlane vm7  }
0x5c7: {  	[tilespmem:v5+s22+$0x0] =	vst.idx.msk vm9, v3  }
0x5c8: {  	v7 =	vadd.s32 v6, v1;
	v1 =	vadd.s32 v0, v11;
	v11 =	vld [tilespmem:$0x1FF60];
	_ =	sdelay $0x1  }
0x5c9: {  	vm8 =	vge.f32 v14, $1.000000000e+00  }
0x5ca: {  	vm4 =	vge.f32 v14, $2.250000000e+00;
	vm15 =	vlt.f32 v14, $9.000000000e+00;
	vm3 =	vge.f32 v15, $1.000000000e+00  }
0x5cb: {  	vm2 =	vmand vm4, vm15;
	vm0 =	vmxor vm4, vm8;
	vm4 =	vge.f32 v15, $2.250000000e+00  }
0x5cc: {  	vm15 =	vmxor vm4, vm3;
	vm3 =	vnez.u8 v11;
	_ =	sdelay $0x3  }
0x5cd: {  	v18 =	vadd.s32 $0x30, v3;
	vm10 =	vge.f32 v13, $1.000000000e+00  }
0x5ce: {  	vm6 =	vge.f32 v13, $2.250000000e+00;
	vm9 =	vlt.f32 v13, $9.000000000e+00;
	v13 =	vmpcnt.ones.xlane vm2  }
0x5cf: {  	[tilespmem:v10+s23+$0x0] =	vst.idx.msk vm3, v18  }
0x5d0: {  	v11 =	vadd.s32 v1, v13;
	v13 =	vld [tilespmem:$0x1FF70];
	_ =	sdelay $0x4  }
0x5d1: {  	vm3 =	vnez.u8 v13;
	_ =	sdelay $0x1  }
0x5d2: {  	vm1 =	vmxor vm6, vm10  }
0x5d3: {  	v14 =	vsel vm7, $0xFFFFFFFF, v2;
	v4 =	vmpcnt.ones.xlane vm1;
	v16 =	vsel vm2, $0x1, v2  }
0x5d4: {  	vm8 =	vlt.f32 v15, $9.000000000e+00;
	v8 =	vmpcnt.ones.xlane vm0;
	vm6 =	vmand vm6, vm9  }
0x5d5: {  	vm4 =	vmand vm4, vm8;
	v5 =	vmpcnt.ones.xlane vm15;
	v9 =	vmpcnt.ones.xlane vm6  }
0x5d6: {  	v8 =	vadd.s32 v7, v8;
	v10 =	vmpcnt.ones.xlane vm4;
	[tilespmem:v12+s22+$0x0] =	vst.idx.msk vm3, v18;
	v12 =	vsel vm7, $0x1, v2  }
0x5d7: {  	v17 =	vadd.s32 v8, v4;
	v18 =	vadd.s32 v11, v9;
	v9 =	vsel vm5, $0x1, v2;
	(xrf0) =	vadd.scan.msk.s32 $0xffff, v12  }
0x5d8: {  	v4 =	vadd.s32 v17, v5;
	v5 =	vadd.s32 v18, v10;
	v10 =	vsel vm0, $0x1, v2;
	(xrf0) =	vadd.scan.msk.s32 $0xffff, v9  }
0x5d9: {  	v19 =	vsel vm1, $0x1, v2;
	v15 =	vsel vm0, $0xFFFFFFFF, v2;
	v63 =	vsel vm6, $0xFFFFFFFF, v2;
	(xrf0) =	vadd.scan.msk.s32 $0xffff, v10  }
0x5da: {  	v62 =	vsel vm15, $0x1, v2;
	v13 =	vsel vm5, $0xFFFFFFFF, v2;
	v11 =	vadd.s32 v63, v11;
	(xrf0) =	vadd.scan.msk.s32 $0xffff, v16  }
0x5db: {  	v12 =	vsel vm4, $0x1, v2;
	v9 =	vsel vm6, $0x1, v2;
	v10 =	vsel vm1, $0xFFFFFFFF, v2;
	(xrf0) =	vadd.scan.msk.s32 $0xffff, v19  }
0x5dc: {  	v10 =	vadd.s32 v10, v8;
	v8 =	vsel vm15, $0xFFFFFFFF, v2;
	v19 =	vsel vm4, $0xFFFFFFFF, v2;
	(xrf0) =	vadd.scan.msk.s32 $0xffff, v9  }
0x5dd: {  	s18 =	simm.s32 $0x4;
	v16 =	vsel vm2, $0xFFFFFFFF, v2;
	v9 =	vadd.s32 v8, v17;
	v8 =	vadd.s32 v19, v18;
	v17, _, _ =	vpop (xrf0);
	(xrf0) =	vadd.scan.msk.s32 $0xffff, v62  }
.LBB2_21:
0x5de: {  	s18 =	sadd.s32 $0x4, s18;
	v18 =	vadd.s32 v14, v6;
	v7 =	vadd.s32 v15, v7;
	v1 =	vadd.s32 v16, v1;
	v14, _, _ =	vpop (xrf0);
	(xrf0) =	vadd.scan.msk.s32 $0xffff, v12  }
0x5df: {  	v15 =	vadd.s32 v13, v0;
	v6 =	vmov v4;
	p0 =	slt.u32 s18, $0x3C;
	v12 =	vadd.s32 v17, v18;
	v13, _, _ =	vpop (xrf0)  }
0x5e0: {  	v14 =	vadd.s32 v14, v15;
	vm8 =	vlt.s32 v12, $0x10;
	v7 =	vadd.s32 v13, v7;
	v0, _, _ =	vpop (xrf0)  }
0x5e1: {  	vm9 =	vlt.s32 v14, $0x20;
	v1 =	vadd.s32 v0, v1;
	vm10 =	vlt.s32 v7, $0x10;
	v0, _, _ =	vpop (xrf0)  }
0x5e2: {  	vm7 =	vmand vm7, vm8;
	vm8 =	vlt.s32 v1, $0x20;
	v10 =	vadd.s32 v0, v10;
	v0, _, _ =	vpop (xrf0)  }
0x5e3: {  	s3 =	sadd.s32 $0x40, s3;
	vm5 =	vmand vm5, vm9;
	v11 =	vadd.s32 v0, v11;
	vm9 =	vlt.s32 v10, $0x10;
	v0, _, _ =	vpop (xrf0)  }
0x5e4: {  	vm3 =	vmand vm0, vm10;
	v13 =	vld [tilespmem:s3+$0xFFFFFFE0];
	vm10 =	vlt.s32 v11, $0x20;
	v9 =	vadd.s32 v0, v9;
	v0, _, _ =	vpop (xrf0)  }
0x5e5: {  	vm8 =	vmand vm2, vm8;
	v15 =	vld [tilespmem:s3+$0xFFFFFFF0];
	v8 =	vadd.s32 v0, v8;
	vm2 =	vlt.s32 v9, $0x10;
	v0 =	vmovc v5  }
0x5e6: {  	vm9 =	vmand vm1, vm9;
	vm1 =	vmand vm6, vm10;
	v16 =	vld [tilespmem:s3+$0x0];
	vm6 =	vlt.s32 v8, $0x20  }
0x5e7: {  	v3 =	vadd.s32 $0x40, v3;
	vm2 =	vmand vm15, vm2;
	v17 =	vld [tilespmem:s3+$0x10];
	vm4 =	vmand vm4, vm6  }
0x5e8: {  	v18 =	vadd.s32 $0x20, v3;
	[tilespmem:v12+s23+$0x0] =	vst.idx.msk vm7, v3;
	v12 =	vadd.s32 $0x10, v3  }
0x5e9: {  	vm0 =	vge.f32 v13, $1.000000000e+00;
	vm6 =	vge.f32 v13, $2.250000000e+00;
	[tilespmem:v14+s22+$0x0] =	vst.idx.msk vm5, v3;
	v14 =	vadd.s32 $0x30, v3  }
0x5ea: {  	vm5 =	vlt.f32 v13, $9.000000000e+00;
	vm10 =	vge.f32 v15, $1.000000000e+00;
	vm11 =	vge.f32 v15, $2.250000000e+00;
	[tilespmem:v7+s23+$0x0] =	vst.idx.msk vm3, v12  }
0x5eb: {  	vm12 =	vlt.f32 v15, $9.000000000e+00;
	vm13 =	vge.f32 v16, $1.000000000e+00;
	vm14 =	vge.f32 v16, $2.250000000e+00;
	[tilespmem:v1+s22+$0x0] =	vst.idx.msk vm8, v12  }
0x5ec: {  	vm8 =	vlt.f32 v16, $9.000000000e+00;
	vm15 =	vge.f32 v17, $1.000000000e+00;
	vm3 =	vge.f32 v17, $2.250000000e+00;
	[tilespmem:v10+s23+$0x0] =	vst.idx.msk vm9, v18  }
0x5ed: {  	vm7 =	vmxor vm6, vm0;
	vm5 =	vmand vm6, vm5;
	vm9 =	vlt.f32 v17, $9.000000000e+00;
	[tilespmem:v11+s22+$0x0] =	vst.idx.msk vm1, v18  }
0x5ee: {  	vm0 =	vmxor vm11, vm10;
	vm1 =	vmxor vm14, vm13;
	vm15 =	vmxor vm3, vm15;
	[tilespmem:v9+s23+$0x0] =	vst.idx.msk vm2, v14  }
0x5ef: {  	vm2 =	vmand vm11, vm12;
	v9 =	vmpcnt.ones.xlane vm1;
	v10 =	vmpcnt.ones.xlane vm15;
	[tilespmem:v8+s22+$0x0] =	vst.idx.msk vm4, v14  }
0x5f0: {  	v1 =	vmpcnt.ones.xlane vm7;
	vm6 =	vmand vm14, vm8;
	v8 =	vmpcnt.ones.xlane vm5  }
0x5f1: {  	v11 =	vmpcnt.ones.xlane vm0;
	v12 =	vmpcnt.ones.xlane vm2;
	vm4 =	vmand vm3, vm9  }
0x5f2: {  	v7 =	vadd.s32 v4, v1;
	v4 =	vmpcnt.ones.xlane vm6;
	v1 =	vadd.s32 v5, v8  }
0x5f3: {  	v8 =	vadd.s32 v7, v11;
	v5 =	vmpcnt.ones.xlane vm4;
	v11 =	vadd.s32 v1, v12  }
0x5f4: {  	v12 =	vsel vm7, $0x1, v2;
	v9 =	vadd.s32 v8, v9;
	v17 =	vadd.s32 v11, v4  }
0x5f5: {  	v13 =	vsel vm5, $0x1, v2;
	v4 =	vadd.s32 v9, v10;
	v5 =	vadd.s32 v17, v5;
	(xrf0) =	vadd.scan.msk.s32 $0xffff, v12  }
0x5f6: {  	v18 =	vsel vm1, $0x1, v2;
	v16 =	vsel vm2, $0x1, v2;
	v10 =	vsel vm0, $0x1, v2;
	(xrf0) =	vadd.scan.msk.s32 $0xffff, v13  }
.Ltmp18:
0x5f7: {  	v19 =	vsel vm6, $0x1, v2;
	v20 =	vsel vm15, $0x1, v2;
	v12 =	vsel vm4, $0x1, v2;
	(xrf0) =	vadd.scan.msk.s32 $0xffff, v10;
	(pc) =	sbr.rel @p0 .LBB2_21-.Ltmp18, $4  }
0x5f8: {  	v15 =	vsel vm0, $0xFFFFFFFF, v2;
	v14 =	vsel vm7, $0xFFFFFFFF, v2;
	v13 =	vsel vm5, $0xFFFFFFFF, v2;
	(xrf0) =	vadd.scan.msk.s32 $0xffff, v16  }
0x5f9: {  	v21 =	vsel vm6, $0xFFFFFFFF, v2;
	v10 =	vsel vm1, $0xFFFFFFFF, v2;
	v16 =	vsel vm2, $0xFFFFFFFF, v2;
	(xrf0) =	vadd.scan.msk.s32 $0xffff, v18  }
0x5fa: {  	v10 =	vadd.s32 v10, v8;
	v8 =	vsel vm15, $0xFFFFFFFF, v2;
	v18 =	vsel vm4, $0xFFFFFFFF, v2;
	(xrf0) =	vadd.scan.msk.s32 $0xffff, v19  }
0x5fb: {  	v11 =	vadd.s32 v21, v11;
	v9 =	vadd.s32 v8, v9;
	v8 =	vadd.s32 v18, v17;
	v17, _, _ =	vpop (xrf0);
	(xrf0) =	vadd.scan.msk.s32 $0xffff, v20  }
0x5fc: {  	v6 =	vadd.s32 v14, v6;
	v7 =	vadd.s32 v15, v7  }
0x5fd: {  	v57, _, _ =	vpop (xrf0);
	(xrf0) =	vadd.scan.msk.s32 $0xffff, v12;
	v1 =	vadd.s32 v16, v1;
	v0 =	vadd.s32 v13, v0;
	v6 =	vadd.s32 v17, v6  }
0x5fe: {  	v3 =	vadd.s32 $0x40, v3;
	v58, _, _ =	vpop (xrf0);
	v0 =	vadd.s32 v57, v0;
	vm3 =	vlt.s32 v6, $0x10  }
0x5ff: {  	v7 =	vadd.s32 v58, v7;
	v59, _, _ =	vpop (xrf0);
	vm8 =	vlt.s32 v0, $0x20;
	vm3 =	vmand vm7, vm3  }
0x600: {  	v1 =	vadd.s32 v59, v1;
	v60, _, _ =	vpop (xrf0);
	vm13 =	vlt.s32 v7, $0x10;
	vm5 =	vmand vm5, vm8  }
0x601: {  	vm9 =	vlt.s32 v1, $0x20;
	v61, _, _ =	vpop (xrf0);
	v10 =	vadd.s32 v60, v10;
	vm0 =	vmand vm0, vm13  }
0x602: {  	v11 =	vadd.s32 v61, v11;
	v62, _, _ =	vpop (xrf0);
	vm14 =	vlt.s32 v10, $0x10;
	vm2 =	vmand vm2, vm9  }
0x603: {  	vm12 =	vlt.s32 v11, $0x20;
	v63, _, _ =	vpop (xrf0);
	v9 =	vadd.s32 v62, v9;
	vm1 =	vmand vm1, vm14  }
0x604: {  	v8 =	vadd.s32 v63, v8;
	vm13 =	vlt.s32 v9, $0x10;
	vm6 =	vmand vm6, vm12  }
0x605: {  	vm14 =	vlt.s32 v8, $0x20;
	vm7 =	vmand vm15, vm13;
	[tilespmem:v6+s23+$0x0] =	vst.idx.msk vm3, v3  }
0x606: {  	vm15 =	vmand vm4, vm14;
	v6 =	vadd.s32 $0x10, v3;
	[tilespmem:v0+s22+$0x0] =	vst.idx.msk vm5, v3  }
0x607: {  	[tilespmem:v7+s23+$0x0] =	vst.idx.msk vm0, v6  }
.Ltmp19:
0x608: {  	v0 =	vadd.s32 $0x20, v3;
	[tilespmem:v1+s22+$0x0] =	vst.idx.msk vm2, v6;
	(pc) =	sbr.rel .LBB2_23-.Ltmp19, $4  }
0x609: {  	[tilespmem:v10+s23+$0x0] =	vst.idx.msk vm1, v0  }
0x60a: {  	v1 =	vadd.s32 $0x30, v3;
	[tilespmem:v11+s22+$0x0] =	vst.idx.msk vm6, v0  }
0x60b: {  	[tilespmem:v9+s23+$0x0] =	vst.idx.msk vm7, v1  }
0x60c: {  	v3 =	vadd.s32 $0x40, v3;
	[tilespmem:v8+s22+$0x0] =	vst.idx.msk vm15, v1  }
.LBB2_26:
0x60d: {  	_ =	sfence.sel $0x180000  }
0x60e: {  	[bflag:$0x0] =	sbarrier.arrive $0xFFFF  }
0x60f: {  	_ =	strace $0x90000047  }
0x610: {  	s0 =	stileid.u32;
	[bflag:$0x2] =	sbarrier.arrive $0xFFFF  }
0x611: {  	p0 =	sne.s32 s0, $0x0;
	s0 =	rddreg [dreg:$0x3]  }
0x612: {  	s0 =	sadd.s32 @!p0 $0x100000, s0  }
0x613: {  	[sflag:s0] =	ssyncadd.tile.s32 @!p0 $0x1;
	_ =	shalt  }
.Lfunc_end2:
_tile_overlayer_lowered:
.L_overlay_start_2:
0x614: {  	(tag) =	ssettag $0x2  }
0x615: {  	s0 =	rddreg [dreg:$0x0];
	s2 =	stileid.u32  }
0x616: {  	s1 =	rddreg [dreg:$0x1];
	p0 =	sne.s32 s2, $0x0  }
0x617: {  	s3 =	rddreg [dreg:$0x2];
	[bflag:$0x3] =	sbarrier.arrive $0xFFFF;
	s2 =	simm.s32 @!p0 $0x1C08  }
0x618: {  	[timem:s3], [sflag:s2] =	dma.local @!p0 [hbm:s0], s1  }
0x619: {  	s0 =	simm.s32 @!p0 $0x8  }
0x61a: {  	_ =	swait.ge @!p0 [sflag:s0], s1  }
0x61b: {  	s1 =	ssub.s32 @!p0 $0x0, s1;
	[sflag:s0] =	ssyncset.done @!p0 $0x0  }
0x61c: {  	[sflag:s0] =	ssyncadd.s32 @!p0 s1  }
0x61d: {  	[bflag:$0x3] =	sbarrier.arrive $0xFFFF  }
0x61e: {  	_ =	shalt  }

</sc_bundles>
